<compile_context>
chip_gen: v7x
topology: tpu7x:2x2x1
jax: 0.10.2.dev20260603
libtpu: 0.0.44.dev20260713+nightly
codegen_flags: <defaults>
</compile_context>

<pallas_src>
import jax
import jax.numpy as jnp
from jax import lax
from jax.experimental import pallas as pl
from jax.experimental.pallas import tpu as pltpu
from jax.experimental.pallas import tpu_sc as plsc

N_NODES = 2625
N_NODESP = 2632
USERS = 943
ITEMS = N_NODES - USERS
N_REL = 5
H0 = 500
H0P = 512
H1 = 75
H1P = 128
E = 200000

NC, NS = 2, 16
NW = NC * NS
EPAD = 200192
CHUNK = 128

AROWS = 2816
RPS = AROWS // NW
SENT = 4096

P = USERS * ITEMS
PTAIL = 22
PMAIN = P - PTAIL
PW_C = 49568
S31 = PMAIN - PW_C
CP = 4096
CP_TAIL = PW_C - 12 * CP

_GDN = lax.GatherDimensionNumbers(
    offset_dims=(), collapsed_slice_dims=(0,), start_index_map=(0,))


def _vgather(v, idx16):
    return lax.gather(v, idx16[:, None], _GDN, slice_sizes=(1,),
                      mode=lax.GatherScatterMode.PROMISE_IN_BOUNDS)


def _cumsum_body(x_ref, o_ref):
    w = x_ref[0]
    o_ref[0] = w
    for r in range(1, N_REL):
        w = w + x_ref[r]
        o_ref[r] = w


def _weight_table(ord_pad):
    return pl.pallas_call(
        _cumsum_body,
        grid=(7,),
        in_specs=[pl.BlockSpec((N_REL, 376, H0P), lambda i: (0, i, 0))],
        out_specs=pl.BlockSpec((N_REL, 376, H0P), lambda i: (0, i, 0)),
        out_shape=jax.ShapeDtypeStruct((N_REL, N_NODESP, H0P), jnp.float32),
    )(ord_pad)


_sc_mesh = None


def _get_mesh():
    global _sc_mesh
    if _sc_mesh is None:
        _sc_mesh = plsc.VectorSubcoreMesh(
            core_axis_name="c", subcore_axis_name="s",
            num_cores=NC, num_subcores=NS)
    return _sc_mesh


def _rgc_body(w_hbm, gidx_hbm, dst_hbm, norm_hbm, bnds_hbm, aggr_hbm,
              idx_v, dst_v, norm_v, nmk_v, dl_v, rows_v, acc, bv, sem):
    c = lax.axis_index("c")
    s = lax.axis_index("s")
    wid = c * NS + s
    lo = pl.multiple_of(wid * RPS, RPS)
    zero16 = jnp.zeros((16,), jnp.float32)

    def zrow(i, _):
        for k in range(H0P // 16):
            acc[i, pl.ds(k * 16, 16)] = zero16
        return 0
    lax.fori_loop(0, RPS, zrow, 0)

    pltpu.sync_copy(bnds_hbm.at[pl.ds(pl.multiple_of(wid * 8, 8), 16)], bv)
    bb = bv[pl.ds(0, 16)]
    start = bb[0]
    end = bb[1]
    astart = pl.multiple_of((start >> 7) << 7, CHUNK)
    nchunks = (end - astart + 127) >> 7

    def chunk(g, _):
        off = pl.multiple_of(astart + g * CHUNK, CHUNK)
        pltpu.sync_copy(gidx_hbm.at[pl.ds(off, CHUNK)], idx_v)
        pltpu.sync_copy(dst_hbm.at[pl.ds(off, CHUNK)], dst_v)
        pltpu.sync_copy(norm_hbm.at[pl.ds(off, CHUNK)], norm_v)
        pltpu.async_copy(w_hbm.at[idx_v], rows_v, sem).wait()
        for q in range(CHUNK // 16):
            dvec = dst_v[pl.ds(q * 16, 16)]
            nvec = norm_v[pl.ds(q * 16, 16)]
            inm = (dvec >= lo) & (dvec < lo + RPS)
            nmk_v[pl.ds(q * 16, 16)] = jnp.where(inm, nvec, 0.0)
            dl_v[pl.ds(q * 16, 16)] = jnp.clip(dvec - lo, 0, RPS - 1)

        def egroup(g4, _):
            dvec = dl_v[pl.ds(g4 * 16, 16)]
            nvec = nmk_v[pl.ds(g4 * 16, 16)]
            for l in range(16):
                d = dvec[l]
                nv = _vgather(nvec, jnp.full((16,), l, jnp.int32))
                el = g4 * 16 + l

                @plsc.parallel_loop(0, H0P // 16, unroll=8)
                def _(k):
                    off2 = k * 16
                    v = acc[d, pl.ds(off2, 16)]
                    rv = rows_v[el, pl.ds(off2, 16)]
                    acc[d, pl.ds(off2, 16)] = v + rv * nv
            return 0
        lax.fori_loop(0, CHUNK // 16, egroup, 0)
        return 0
    lax.fori_loop(0, nchunks, chunk, 0)

    pltpu.sync_copy(acc, aggr_hbm.at[pl.ds(lo, RPS)])


def _rgc(wtable, gidx_s, dst_s, norm_s, bnds):
    return pl.kernel(
        _rgc_body,
        out_type=jax.ShapeDtypeStruct((AROWS, H0P), jnp.float32),
        mesh=_get_mesh(),
        scratch_types=[
            pltpu.VMEM((CHUNK,), jnp.int32),
            pltpu.VMEM((CHUNK,), jnp.int32),
            pltpu.VMEM((CHUNK,), jnp.float32),
            pltpu.VMEM((CHUNK,), jnp.float32),
            pltpu.VMEM((CHUNK,), jnp.int32),
            pltpu.VMEM((CHUNK, H0P), jnp.float32),
            pltpu.VMEM((RPS, H0P), jnp.float32),
            pltpu.VMEM((16,), jnp.int32),
            pltpu.SemaphoreType.DMA,
        ],
    )(wtable, gidx_s, dst_s, norm_s, bnds)


def _dec_body(coefs_sm, aggr_ref, w_ref, basis_ref, t_ref, feat_sc):
    r = pl.program_id(0)

    @pl.when(r == 0)
    def _():
        f = jnp.maximum(aggr_ref[0:2632, :], 0.0)
        f75 = jnp.dot(f, w_ref[...], preferred_element_type=jnp.float32,
                      precision=lax.Precision.HIGHEST)
        feat_sc[...] = jnp.maximum(f75, 0.0)

    c0 = coefs_sm[r, 0]
    c1 = coefs_sm[r, 1]
    q = c0 * basis_ref[0] + c1 * basis_ref[1]
    u = feat_sc[0:944, :]
    it = feat_sc[944:2632, :]
    zu = jnp.dot(u, q, preferred_element_type=jnp.float32,
                 precision=lax.Precision.HIGHEST)
    t = lax.dot_general(zu, it, (((1,), (1,)), ((), ())),
                        preferred_element_type=jnp.float32,
                        precision=lax.Precision.HIGHEST)
    t_ref[0] = t[0:USERS, 0:ITEMS]


def _decode(coefs, aggr, w_pad, basis_pad):
    return pl.pallas_call(
        _dec_body,
        grid=(N_REL,),
        in_specs=[
            pl.BlockSpec(memory_space=pltpu.SMEM),
            pl.BlockSpec((AROWS, H0P), lambda r: (0, 0)),
            pl.BlockSpec((H0P, H1P), lambda r: (0, 0)),
            pl.BlockSpec((2, H1P, H1P), lambda r: (0, 0, 0)),
        ],
        out_specs=pl.BlockSpec((1, USERS, ITEMS), lambda r: (r, 0, 0)),
        out_shape=jax.ShapeDtypeStruct((N_REL, USERS, ITEMS), jnp.float32),
        scratch_shapes=[pltpu.VMEM((2632, H1P), jnp.float32)],
    )(coefs, aggr, w_pad, basis_pad)


_SH = [(6 * r) % 8 for r in range(N_REL)]


def _divmod5(x16):
    q = (x16 * 52429) >> 18
    return q, x16 - q * N_REL


def _il_body(t_hbm, o_hbm, pv0, pv1, pv2, pv3, pv4, ov):
    pv = [pv0, pv1, pv2, pv3, pv4]
    c = lax.axis_index("c")
    s = lax.axis_index("s")
    wid = c * NS + s
    sw = jnp.minimum(wid * PW_C, S31)
    ids = lax.iota(jnp.int32, 16)
    pi_c, pr_c = [], []
    for m in range(N_REL):
        q, rr = _divmod5(ids + 16 * m)
        pi_c.append(q)
        pr_c.append(rr)

    def do_chunk(off, cp):
        for r in range(N_REL):
            a0 = r * P + off - _SH[r]
            pltpu.sync_copy(t_hbm.at[pl.ds(a0, cp + 16)],
                            pv[r].at[pl.ds(0, cp + 16)])

        def jloop(j, _):
            vs = [pv[r][pl.ds(j * 16 + _SH[r], 16)] for r in range(N_REL)]
            for m in range(N_REL):
                o = jnp.zeros((16,), jnp.float32)
                for r in range(N_REL):
                    g = _vgather(vs[r], pi_c[m])
                    o = jnp.where(pr_c[m] == r, g, o)
                ov[pl.ds(j * 80 + m * 16, 16)] = o
            return 0
        lax.fori_loop(0, cp // 16, jloop, 0)
        pltpu.sync_copy(ov.at[pl.ds(0, cp * N_REL)],
                        o_hbm.at[pl.ds(off * N_REL, cp * N_REL)])

    def cloop(ci, _):
        do_chunk(sw + ci * CP, CP)
        return 0
    lax.fori_loop(0, 12, cloop, 0)
    do_chunk(sw + 12 * CP, CP_TAIL)

    @pl.when(wid == 0)
    def _():
        for r in range(N_REL):
            a0 = r * P + PMAIN - _SH[r]
            pltpu.sync_copy(t_hbm.at[pl.ds(a0, PTAIL + _SH[r])],
                            pv[r].at[pl.ds(0, PTAIL + _SH[r])])
        for j in range(2):
            vs = [pv[r][pl.ds(j * 16 + _SH[r], 16)] for r in range(N_REL)]
            for m in range(N_REL):
                mm = j * N_REL + m
                if mm > 6:
                    continue
                pi, pr = _divmod5(ids + 16 * mm)
                pi = jnp.maximum(pi - 16 * j, 0)
                o = jnp.zeros((16,), jnp.float32)
                for r in range(N_REL):
                    g = _vgather(vs[r], pi)
                    o = jnp.where(pr == r, g, o)
                ov[pl.ds(mm * 16, 16)] = o
        pltpu.sync_copy(ov.at[pl.ds(0, PTAIL * N_REL)],
                        o_hbm.at[pl.ds(PMAIN * N_REL, PTAIL * N_REL)])


def _interleave(t_flat):
    return pl.kernel(
        _il_body,
        out_type=jax.ShapeDtypeStruct((P * N_REL,), jnp.float32),
        mesh=_get_mesh(),
        scratch_types=[
            pltpu.VMEM((CP + 16,), jnp.float32),
            pltpu.VMEM((CP + 16,), jnp.float32),
            pltpu.VMEM((CP + 16,), jnp.float32),
            pltpu.VMEM((CP + 16,), jnp.float32),
            pltpu.VMEM((CP + 16,), jnp.float32),
            pltpu.VMEM((CP * N_REL,), jnp.float32),
        ],
    )(t_flat)


def kernel(x, edge_index, edge_type, edge_norm, ord_basis, dense_w,
           basis_matrix, coefs):
    src = jnp.take(x, edge_index[0], axis=0)
    gidx = edge_type * N_NODESP + src
    dst = edge_index[1]
    dst2 = dst + (dst >= USERS).astype(jnp.int32)
    gidx_p = jnp.pad(gidx, (0, EPAD - E))
    dst_p = jnp.pad(dst2, (0, EPAD - E), constant_values=SENT)
    norm_p = jnp.pad(edge_norm, (0, EPAD - E))
    packed = jnp.sort(dst_p * 262144 + jnp.arange(EPAD, dtype=jnp.int32))
    order = packed & 262143
    dst_s = packed >> 18
    gidx_s = jnp.take(gidx_p, order)
    norm_s = jnp.take(norm_p, order)
    b33 = jnp.searchsorted(dst_s, jnp.arange(0, (NW + 1) * RPS, RPS,
                                             dtype=jnp.int32)).astype(jnp.int32)
    bnds = jnp.pad(jnp.stack([b33[:NW], b33[1:]], axis=1),
                   ((0, 1), (0, 6))).reshape(-1)

    ord_pad = jnp.pad(ord_basis.reshape(N_REL, N_NODES, H0),
                      ((0, 0), (0, N_NODESP - N_NODES), (0, H0P - H0)))
    w_pad = jnp.pad(dense_w, ((0, H0P - H0), (0, H1P - H1)))
    basis_pad = jnp.pad(basis_matrix.reshape(2, H1, H1),
                        ((0, 0), (0, H1P - H1), (0, H1P - H1)))

    wtable = _weight_table(ord_pad).reshape(N_REL * N_NODESP, H0P)
    aggr = _rgc(wtable, gidx_s, dst_s, norm_s, bnds)
    t = _decode(coefs, aggr, w_pad, basis_pad)
    out = _interleave(t.reshape(N_REL * P))
    return out.reshape(P, N_REL)

# --- scband reference (transcript-rebuilt; emitter-appended) ---
"""Pipeline reference for scband-gae-32435593020077 (READ-ONLY COPY).

The authoritative reference and input builder live on the scoring server;
editing this copy changes nothing except your own understanding.
"""

import jax, jax.numpy as jnp
import numpy as np

NUM_NODES = 2625
NUM_USERS = 943
NUM_ITEMS = NUM_NODES - NUM_USERS
NUM_RELATIONS = 5
NUM_BASIS = 2
HIDDEN0 = 500
HIDDEN1 = 75
NUM_EDGES = 200000


def setup_inputs(seed: int = 0) -> dict:
    key = jax.random.key(seed)
    ks = jax.random.split(key, 8)
    x = jnp.arange(NUM_NODES, dtype=jnp.int32)
    edge_index = jax.random.randint(ks[0], (2, NUM_EDGES), 0, NUM_NODES, dtype=jnp.int32)
    edge_type = jax.random.randint(ks[1], (NUM_EDGES,), 0, NUM_RELATIONS, dtype=jnp.int32)
    edge_norm = jax.random.uniform(ks[2], (NUM_EDGES,), dtype=jnp.float32)
    # learned parameters
    ord_basis = jax.random.normal(ks[3], (NUM_RELATIONS, NUM_NODES * HIDDEN0), dtype=jnp.float32) * 0.01
    dense_w = jax.random.normal(ks[4], (HIDDEN0, HIDDEN1), dtype=jnp.float32) * 0.05
    basis_matrix = jax.random.normal(ks[5], (NUM_BASIS, HIDDEN1 * HIDDEN1), dtype=jnp.float32) * 0.05
    coefs = jax.random.normal(ks[6], (NUM_RELATIONS, NUM_BASIS), dtype=jnp.float32) * 0.1
    return {"x": x, "edge_index": edge_index, "edge_type": edge_type, "edge_norm": edge_norm, "ord_basis": ord_basis, "dense_w": dense_w, "basis_matrix": basis_matrix, "coefs": coefs}


def reference(x, edge_index, edge_type, edge_norm, ord_basis, dense_w, basis_matrix, coefs):
    # ---- RGCLayer (accum='sum'): ordinal basis weight sharing ----
    # weight[r] = sum_{i<=r} ord_basis[i]  (cumulative), reshaped to a big lookup table
    weight = jnp.cumsum(ord_basis, axis=0).reshape(NUM_RELATIONS * NUM_NODES, HIDDEN0)
    x_j = jnp.take(x, edge_index[0], axis=0)          # source node ids per edge
    gather_idx = edge_type * NUM_NODES + x_j           # (relation, node) -> row
    msg = jnp.take(weight, gather_idx, axis=0) * edge_norm[:, None]
    aggr = jnp.zeros((NUM_NODES, HIDDEN0), dtype=msg.dtype).at[edge_index[1]].add(msg)
    features = jax.nn.relu(aggr)
    # ---- DenseLayer (shared user/item fc, relu; dropout off in eval) ----
    u_feat = jax.nn.relu(features[:NUM_USERS] @ dense_w)
    i_feat = jax.nn.relu(features[NUM_USERS:] @ dense_w)
    # ---- BiDecoder (accum='sum') ----
    outs = []
    for r in range(NUM_RELATIONS):
        q = jnp.sum(coefs[r][:, None] * basis_matrix, axis=0).reshape(HIDDEN1, HIDDEN1)
        outs.append((u_feat @ q @ i_feat.T)[:, :, None])
    out = jnp.concatenate(outs, axis=2)
    return out.reshape(NUM_USERS * NUM_ITEMS, NUM_RELATIONS)

if __name__ == "__main__":
    import jax
    _d = setup_inputs()
    print(jax.jit(kernel)(*tuple(_d.values())))

</pallas_src>

<mosaic_0001>
#map = affine_map<(d0, d1) -> (0)>
module attributes {stable_mosaic.version = 14 : i64} {
  func.func @_il_body(%arg0: i32, %arg1: i32, %arg2: memref<7930630xf32, #tpu.memory_space<hbm>>, %arg3: memref<7930630xf32, #tpu.memory_space<hbm>>, %arg4: memref<4112xf32, #tpu.memory_space<vmem>>, %arg5: memref<4112xf32, #tpu.memory_space<vmem>>, %arg6: memref<4112xf32, #tpu.memory_space<vmem>>, %arg7: memref<4112xf32, #tpu.memory_space<vmem>>, %arg8: memref<4112xf32, #tpu.memory_space<vmem>>, %arg9: memref<20480xf32, #tpu.memory_space<vmem>>) attributes {dimension_semantics = [#tpu.dimension_semantics<core_parallel>, #tpu.dimension_semantics<subcore_parallel>], iteration_bounds = array<i64: 2, 16>, scalar_prefetch = 0 : i64, scratch_operands = 6 : i64, tpu.core_type = #tpu.core_type<sc_vector_subcore>, window_params = [{transform_indices = #map}, {transform_indices = #map}]} {
    %mul3A = arith.constant 16 : i32
    %mul3A_0 = arith.muli %arg0, %mul3A : i32
    %add3A = arith.addi %mul3A_0, %arg1 : i32
    %mul3A_1 = arith.constant 49568 : i32
    %mul3A_2 = arith.muli %add3A, %mul3A_1 : i32
    %min3A = arith.constant 1536536 : i32
    %min3A_3 = arith.minsi %mul3A_2, %min3A : i32
    %iota3A = tpu.iota {dimensions = array<i32: 0>} : vector<16xi32>
    %add3A_4 = arith.constant 0 : i32
    %add3A_5 = vector.broadcast %add3A_4 : i32 to vector<16xi32>
    %add3A_6 = arith.addi %iota3A, %add3A_5 : vector<16xi32>
    %mul3A_7 = arith.constant 52429 : i32
    %mul3A_8 = vector.broadcast %mul3A_7 : i32 to vector<16xi32>
    %mul3A_9 = arith.muli %add3A_6, %mul3A_8 : vector<16xi32>
    %shift_right_arithmetic3A = arith.constant 18 : i32
    %shift_right_arithmetic3A_10 = vector.broadcast %shift_right_arithmetic3A : i32 to vector<16xi32>
    %shift_right_arithmetic3A_11 = arith.shrsi %mul3A_9, %shift_right_arithmetic3A_10 : vector<16xi32>
    %mul3A_12 = arith.constant 5 : i32
    %mul3A_13 = vector.broadcast %mul3A_12 : i32 to vector<16xi32>
    %mul3A_14 = arith.muli %shift_right_arithmetic3A_11, %mul3A_13 : vector<16xi32>
    %sub3A = arith.subi %add3A_6, %mul3A_14 : vector<16xi32>
    %add3A_15 = arith.constant 16 : i32
    %add3A_16 = vector.broadcast %add3A_15 : i32 to vector<16xi32>
    %add3A_17 = arith.addi %iota3A, %add3A_16 : vector<16xi32>
    %mul3A_18 = arith.constant 52429 : i32
    %mul3A_19 = vector.broadcast %mul3A_18 : i32 to vector<16xi32>
    %mul3A_20 = arith.muli %add3A_17, %mul3A_19 : vector<16xi32>
    %shift_right_arithmetic3A_21 = arith.constant 18 : i32
    %shift_right_arithmetic3A_22 = vector.broadcast %shift_right_arithmetic3A_21 : i32 to vector<16xi32>
    %shift_right_arithmetic3A_23 = arith.shrsi %mul3A_20, %shift_right_arithmetic3A_22 : vector<16xi32>
    %mul3A_24 = arith.constant 5 : i32
    %mul3A_25 = vector.broadcast %mul3A_24 : i32 to vector<16xi32>
    %mul3A_26 = arith.muli %shift_right_arithmetic3A_23, %mul3A_25 : vector<16xi32>
    %sub3A_27 = arith.subi %add3A_17, %mul3A_26 : vector<16xi32>
    %add3A_28 = arith.constant 32 : i32
    %add3A_29 = vector.broadcast %add3A_28 : i32 to vector<16xi32>
    %add3A_30 = arith.addi %iota3A, %add3A_29 : vector<16xi32>
    %mul3A_31 = arith.constant 52429 : i32
    %mul3A_32 = vector.broadcast %mul3A_31 : i32 to vector<16xi32>
    %mul3A_33 = arith.muli %add3A_30, %mul3A_32 : vector<16xi32>
    %shift_right_arithmetic3A_34 = arith.constant 18 : i32
    %shift_right_arithmetic3A_35 = vector.broadcast %shift_right_arithmetic3A_34 : i32 to vector<16xi32>
    %shift_right_arithmetic3A_36 = arith.shrsi %mul3A_33, %shift_right_arithmetic3A_35 : vector<16xi32>
    %mul3A_37 = arith.constant 5 : i32
    %mul3A_38 = vector.broadcast %mul3A_37 : i32 to vector<16xi32>
    %mul3A_39 = arith.muli %shift_right_arithmetic3A_36, %mul3A_38 : vector<16xi32>
    %sub3A_40 = arith.subi %add3A_30, %mul3A_39 : vector<16xi32>
    %add3A_41 = arith.constant 48 : i32
    %add3A_42 = vector.broadcast %add3A_41 : i32 to vector<16xi32>
    %add3A_43 = arith.addi %iota3A, %add3A_42 : vector<16xi32>
    %mul3A_44 = arith.constant 52429 : i32
    %mul3A_45 = vector.broadcast %mul3A_44 : i32 to vector<16xi32>
    %mul3A_46 = arith.muli %add3A_43, %mul3A_45 : vector<16xi32>
    %shift_right_arithmetic3A_47 = arith.constant 18 : i32
    %shift_right_arithmetic3A_48 = vector.broadcast %shift_right_arithmetic3A_47 : i32 to vector<16xi32>
    %shift_right_arithmetic3A_49 = arith.shrsi %mul3A_46, %shift_right_arithmetic3A_48 : vector<16xi32>
    %mul3A_50 = arith.constant 5 : i32
    %mul3A_51 = vector.broadcast %mul3A_50 : i32 to vector<16xi32>
    %mul3A_52 = arith.muli %shift_right_arithmetic3A_49, %mul3A_51 : vector<16xi32>
    %sub3A_53 = arith.subi %add3A_43, %mul3A_52 : vector<16xi32>
    %add3A_54 = arith.constant 64 : i32
    %add3A_55 = vector.broadcast %add3A_54 : i32 to vector<16xi32>
    %add3A_56 = arith.addi %iota3A, %add3A_55 : vector<16xi32>
    %mul3A_57 = arith.constant 52429 : i32
    %mul3A_58 = vector.broadcast %mul3A_57 : i32 to vector<16xi32>
    %mul3A_59 = arith.muli %add3A_56, %mul3A_58 : vector<16xi32>
    %shift_right_arithmetic3A_60 = arith.constant 18 : i32
    %shift_right_arithmetic3A_61 = vector.broadcast %shift_right_arithmetic3A_60 : i32 to vector<16xi32>
    %shift_right_arithmetic3A_62 = arith.shrsi %mul3A_59, %shift_right_arithmetic3A_61 : vector<16xi32>
    %mul3A_63 = arith.constant 5 : i32
    %mul3A_64 = vector.broadcast %mul3A_63 : i32 to vector<16xi32>
    %mul3A_65 = arith.muli %shift_right_arithmetic3A_62, %mul3A_64 : vector<16xi32>
    %sub3A_66 = arith.subi %add3A_56, %mul3A_65 : vector<16xi32>
    %scan3A = arith.constant 0 : i32
    %scan3A_67 = arith.constant 0 : i32
    %scan3A_68 = arith.constant 12 : i32
    %scan3A_69 = arith.addi %scan3A_67, %scan3A_68 : i32
    %scan3A_70 = arith.constant 1 : i32
    %scan3A_71 = scf.for %scan3A_106 = %scan3A_67 to %scan3A_69 step %scan3A_70 iter_args(%scan3A_107 = %scan3A) -> (i32)  : i32 {
      %mul3A_108 = arith.constant 4096 : i32
      %mul3A_109 = arith.muli %scan3A_106, %mul3A_108 : i32
      %add3A_110 = arith.addi %min3A_3, %mul3A_109 : i32
      %add3A_111 = arith.constant 0 : i32
      %add3A_112 = arith.addi %add3A_111, %add3A_110 : i32
      %sub3A_113 = arith.constant 0 : i32
      %sub3A_114 = arith.subi %add3A_112, %sub3A_113 : i32
      "tpu.region"() ({
        %run_scoped3A = tpu.sem_alloc : memref<!tpu.dma_semaphore, #tpu.memory_space<semaphore_mem>>
        %dma_start3A = arith.constant 0 : i32
        %dma_start3A_141 = tpu.memref_slice %arg4[%dma_start3A] : memref<4112xf32, #tpu.memory_space<vmem>> -> memref<4112xf32, #tpu.memory_space<vmem>>
        %dma_start3A_142 = tpu.memref_slice %arg2[%sub3A_114] : memref<7930630xf32, #tpu.memory_space<hbm>> -> memref<4112xf32, #tpu.memory_space<hbm>>
        %dma_start3A_143 = arith.constant 0 : i32
        %dma_start3A_144 = tpu.memref_slice %arg4[%dma_start3A_143] : memref<4112xf32, #tpu.memory_space<vmem>> -> memref<4112xf32, #tpu.memory_space<vmem>>
        %dma_start3A_145 = tpu.memref_slice %arg2[%sub3A_114] : memref<7930630xf32, #tpu.memory_space<hbm>> -> memref<4112xf32, #tpu.memory_space<hbm>>
        tpu.enqueue_dma source(%dma_start3A_145 : memref<4112xf32, #tpu.memory_space<hbm>>) target(%dma_start3A_144 : memref<4112xf32, #tpu.memory_space<vmem>>) target_semaphore(%run_scoped3A : memref<!tpu.dma_semaphore, #tpu.memory_space<semaphore_mem>>)
        %dma_wait3A = arith.constant 0 : i32
        %dma_wait3A_146 = tpu.memref_slice %arg4[%dma_wait3A] : memref<4112xf32, #tpu.memory_space<vmem>> -> memref<4112xf32, #tpu.memory_space<vmem>>
        %dma_wait3A_147 = tpu.memref_slice %arg2[%sub3A_114] : memref<7930630xf32, #tpu.memory_space<hbm>> -> memref<4112xf32, #tpu.memory_space<hbm>>
        %dma_wait3A_148 = arith.constant 0 : i32
        %dma_wait3A_149 = tpu.memref_slice %arg4[%dma_wait3A_148] : memref<4112xf32, #tpu.memory_space<vmem>> -> memref<4112xf32, #tpu.memory_space<vmem>>
        %dma_wait3A_150 = tpu.memref_slice %arg2[%sub3A_114] : memref<7930630xf32, #tpu.memory_space<hbm>> -> memref<4112xf32, #tpu.memory_space<hbm>>
        tpu.wait_dma2 semaphore(%run_scoped3A : memref<!tpu.dma_semaphore, #tpu.memory_space<semaphore_mem>>) src(%dma_wait3A_150 : memref<4112xf32, #tpu.memory_space<hbm>>) dst(%dma_wait3A_149 : memref<4112xf32, #tpu.memory_space<vmem>>)
        tpu.yield
      }) : () -> ()
      %add3A_115 = arith.constant 1586126 : i32
      %add3A_116 = arith.addi %add3A_115, %add3A_110 : i32
      %sub3A_117 = arith.constant 6 : i32
      %sub3A_118 = arith.subi %add3A_116, %sub3A_117 : i32
      "tpu.region"() ({
        %run_scoped3A = tpu.sem_alloc : memref<!tpu.dma_semaphore, #tpu.memory_space<semaphore_mem>>
        %dma_start3A = arith.constant 0 : i32
        %dma_start3A_141 = tpu.memref_slice %arg5[%dma_start3A] : memref<4112xf32, #tpu.memory_space<vmem>> -> memref<4112xf32, #tpu.memory_space<vmem>>
        %dma_start3A_142 = tpu.memref_slice %arg2[%sub3A_118] : memref<7930630xf32, #tpu.memory_space<hbm>> -> memref<4112xf32, #tpu.memory_space<hbm>>
        %dma_start3A_143 = arith.constant 0 : i32
        %dma_start3A_144 = tpu.memref_slice %arg5[%dma_start3A_143] : memref<4112xf32, #tpu.memory_space<vmem>> -> memref<4112xf32, #tpu.memory_space<vmem>>
        %dma_start3A_145 = tpu.memref_slice %arg2[%sub3A_118] : memref<7930630xf32, #tpu.memory_space<hbm>> -> memref<4112xf32, #tpu.memory_space<hbm>>
        tpu.enqueue_dma source(%dma_start3A_145 : memref<4112xf32, #tpu.memory_space<hbm>>) target(%dma_start3A_144 : memref<4112xf32, #tpu.memory_space<vmem>>) target_semaphore(%run_scoped3A : memref<!tpu.dma_semaphore, #tpu.memory_space<semaphore_mem>>)
        %dma_wait3A = arith.constant 0 : i32
        %dma_wait3A_146 = tpu.memref_slice %arg5[%dma_wait3A] : memref<4112xf32, #tpu.memory_space<vmem>> -> memref<4112xf32, #tpu.memory_space<vmem>>
        %dma_wait3A_147 = tpu.memref_slice %arg2[%sub3A_118] : memref<7930630xf32, #tpu.memory_space<hbm>> -> memref<4112xf32, #tpu.memory_space<hbm>>
        %dma_wait3A_148 = arith.constant 0 : i32
        %dma_wait3A_149 = tpu.memref_slice %arg5[%dma_wait3A_148] : memref<4112xf32, #tpu.memory_space<vmem>> -> memref<4112xf32, #tpu.memory_space<vmem>>
        %dma_wait3A_150 = tpu.memref_slice %arg2[%sub3A_118] : memref<7930630xf32, #tpu.memory_space<hbm>> -> memref<4112xf32, #tpu.memory_space<hbm>>
        tpu.wait_dma2 semaphore(%run_scoped3A : memref<!tpu.dma_semaphore, #tpu.memory_space<semaphore_mem>>) src(%dma_wait3A_150 : memref<4112xf32, #tpu.memory_space<hbm>>) dst(%dma_wait3A_149 : memref<4112xf32, #tpu.memory_space<vmem>>)
        tpu.yield
      }) : () -> ()
      %add3A_119 = arith.constant 3172252 : i32
      %add3A_120 = arith.addi %add3A_119, %add3A_110 : i32
      %sub3A_121 = arith.constant 4 : i32
      %sub3A_122 = arith.subi %add3A_120, %sub3A_121 : i32
      "tpu.region"() ({
        %run_scoped3A = tpu.sem_alloc : memref<!tpu.dma_semaphore, #tpu.memory_space<semaphore_mem>>
        %dma_start3A = arith.constant 0 : i32
        %dma_start3A_141 = tpu.memref_slice %arg6[%dma_start3A] : memref<4112xf32, #tpu.memory_space<vmem>> -> memref<4112xf32, #tpu.memory_space<vmem>>
        %dma_start3A_142 = tpu.memref_slice %arg2[%sub3A_122] : memref<7930630xf32, #tpu.memory_space<hbm>> -> memref<4112xf32, #tpu.memory_space<hbm>>
        %dma_start3A_143 = arith.constant 0 : i32
        %dma_start3A_144 = tpu.memref_slice %arg6[%dma_start3A_143] : memref<4112xf32, #tpu.memory_space<vmem>> -> memref<4112xf32, #tpu.memory_space<vmem>>
        %dma_start3A_145 = tpu.memref_slice %arg2[%sub3A_122] : memref<7930630xf32, #tpu.memory_space<hbm>> -> memref<4112xf32, #tpu.memory_space<hbm>>
        tpu.enqueue_dma source(%dma_start3A_145 : memref<4112xf32, #tpu.memory_space<hbm>>) target(%dma_start3A_144 : memref<4112xf32, #tpu.memory_space<vmem>>) target_semaphore(%run_scoped3A : memref<!tpu.dma_semaphore, #tpu.memory_space<semaphore_mem>>)
        %dma_wait3A = arith.constant 0 : i32
        %dma_wait3A_146 = tpu.memref_slice %arg6[%dma_wait3A] : memref<4112xf32, #tpu.memory_space<vmem>> -> memref<4112xf32, #tpu.memory_space<vmem>>
        %dma_wait3A_147 = tpu.memref_slice %arg2[%sub3A_122] : memref<7930630xf32, #tpu.memory_space<hbm>> -> memref<4112xf32, #tpu.memory_space<hbm>>
        %dma_wait3A_148 = arith.constant 0 : i32
        %dma_wait3A_149 = tpu.memref_slice %arg6[%dma_wait3A_148] : memref<4112xf32, #tpu.memory_space<vmem>> -> memref<4112xf32, #tpu.memory_space<vmem>>
        %dma_wait3A_150 = tpu.memref_slice %arg2[%sub3A_122] : memref<7930630xf32, #tpu.memory_space<hbm>> -> memref<4112xf32, #tpu.memory_space<hbm>>
        tpu.wait_dma2 semaphore(%run_scoped3A : memref<!tpu.dma_semaphore, #tpu.memory_space<semaphore_mem>>) src(%dma_wait3A_150 : memref<4112xf32, #tpu.memory_space<hbm>>) dst(%dma_wait3A_149 : memref<4112xf32, #tpu.memory_space<vmem>>)
        tpu.yield
      }) : () -> ()
      %add3A_123 = arith.constant 4758378 : i32
      %add3A_124 = arith.addi %add3A_123, %add3A_110 : i32
      %sub3A_125 = arith.constant 2 : i32
      %sub3A_126 = arith.subi %add3A_124, %sub3A_125 : i32
      "tpu.region"() ({
        %run_scoped3A = tpu.sem_alloc : memref<!tpu.dma_semaphore, #tpu.memory_space<semaphore_mem>>
        %dma_start3A = arith.constant 0 : i32
        %dma_start3A_141 = tpu.memref_slice %arg7[%dma_start3A] : memref<4112xf32, #tpu.memory_space<vmem>> -> memref<4112xf32, #tpu.memory_space<vmem>>
        %dma_start3A_142 = tpu.memref_slice %arg2[%sub3A_126] : memref<7930630xf32, #tpu.memory_space<hbm>> -> memref<4112xf32, #tpu.memory_space<hbm>>
        %dma_start3A_143 = arith.constant 0 : i32
        %dma_start3A_144 = tpu.memref_slice %arg7[%dma_start3A_143] : memref<4112xf32, #tpu.memory_space<vmem>> -> memref<4112xf32, #tpu.memory_space<vmem>>
        %dma_start3A_145 = tpu.memref_slice %arg2[%sub3A_126] : memref<7930630xf32, #tpu.memory_space<hbm>> -> memref<4112xf32, #tpu.memory_space<hbm>>
        tpu.enqueue_dma source(%dma_start3A_145 : memref<4112xf32, #tpu.memory_space<hbm>>) target(%dma_start3A_144 : memref<4112xf32, #tpu.memory_space<vmem>>) target_semaphore(%run_scoped3A : memref<!tpu.dma_semaphore, #tpu.memory_space<semaphore_mem>>)
        %dma_wait3A = arith.constant 0 : i32
        %dma_wait3A_146 = tpu.memref_slice %arg7[%dma_wait3A] : memref<4112xf32, #tpu.memory_space<vmem>> -> memref<4112xf32, #tpu.memory_space<vmem>>
        %dma_wait3A_147 = tpu.memref_slice %arg2[%sub3A_126] : memref<7930630xf32, #tpu.memory_space<hbm>> -> memref<4112xf32, #tpu.memory_space<hbm>>
        %dma_wait3A_148 = arith.constant 0 : i32
        %dma_wait3A_149 = tpu.memref_slice %arg7[%dma_wait3A_148] : memref<4112xf32, #tpu.memory_space<vmem>> -> memref<4112xf32, #tpu.memory_space<vmem>>
        %dma_wait3A_150 = tpu.memref_slice %arg2[%sub3A_126] : memref<7930630xf32, #tpu.memory_space<hbm>> -> memref<4112xf32, #tpu.memory_space<hbm>>
        tpu.wait_dma2 semaphore(%run_scoped3A : memref<!tpu.dma_semaphore, #tpu.memory_space<semaphore_mem>>) src(%dma_wait3A_150 : memref<4112xf32, #tpu.memory_space<hbm>>) dst(%dma_wait3A_149 : memref<4112xf32, #tpu.memory_space<vmem>>)
        tpu.yield
      }) : () -> ()
      %add3A_127 = arith.constant 6344504 : i32
      %add3A_128 = arith.addi %add3A_127, %add3A_110 : i32
      %sub3A_129 = arith.constant 0 : i32
      %sub3A_130 = arith.subi %add3A_128, %sub3A_129 : i32
      "tpu.region"() ({
        %run_scoped3A = tpu.sem_alloc : memref<!tpu.dma_semaphore, #tpu.memory_space<semaphore_mem>>
        %dma_start3A = arith.constant 0 : i32
        %dma_start3A_141 = tpu.memref_slice %arg8[%dma_start3A] : memref<4112xf32, #tpu.memory_space<vmem>> -> memref<4112xf32, #tpu.memory_space<vmem>>
        %dma_start3A_142 = tpu.memref_slice %arg2[%sub3A_130] : memref<7930630xf32, #tpu.memory_space<hbm>> -> memref<4112xf32, #tpu.memory_space<hbm>>
        %dma_start3A_143 = arith.constant 0 : i32
        %dma_start3A_144 = tpu.memref_slice %arg8[%dma_start3A_143] : memref<4112xf32, #tpu.memory_space<vmem>> -> memref<4112xf32, #tpu.memory_space<vmem>>
        %dma_start3A_145 = tpu.memref_slice %arg2[%sub3A_130] : memref<7930630xf32, #tpu.memory_space<hbm>> -> memref<4112xf32, #tpu.memory_space<hbm>>
        tpu.enqueue_dma source(%dma_start3A_145 : memref<4112xf32, #tpu.memory_space<hbm>>) target(%dma_start3A_144 : memref<4112xf32, #tpu.memory_space<vmem>>) target_semaphore(%run_scoped3A : memref<!tpu.dma_semaphore, #tpu.memory_space<semaphore_mem>>)
        %dma_wait3A = arith.constant 0 : i32
        %dma_wait3A_146 = tpu.memref_slice %arg8[%dma_wait3A] : memref<4112xf32, #tpu.memory_space<vmem>> -> memref<4112xf32, #tpu.memory_space<vmem>>
        %dma_wait3A_147 = tpu.memref_slice %arg2[%sub3A_130] : memref<7930630xf32, #tpu.memory_space<hbm>> -> memref<4112xf32, #tpu.memory_space<hbm>>
        %dma_wait3A_148 = arith.constant 0 : i32
        %dma_wait3A_149 = tpu.memref_slice %arg8[%dma_wait3A_148] : memref<4112xf32, #tpu.memory_space<vmem>> -> memref<4112xf32, #tpu.memory_space<vmem>>
        %dma_wait3A_150 = tpu.memref_slice %arg2[%sub3A_130] : memref<7930630xf32, #tpu.memory_space<hbm>> -> memref<4112xf32, #tpu.memory_space<hbm>>
        tpu.wait_dma2 semaphore(%run_scoped3A : memref<!tpu.dma_semaphore, #tpu.memory_space<semaphore_mem>>) src(%dma_wait3A_150 : memref<4112xf32, #tpu.memory_space<hbm>>) dst(%dma_wait3A_149 : memref<4112xf32, #tpu.memory_space<vmem>>)
        tpu.yield
      }) : () -> ()
      %scan3A_131 = arith.constant 0 : i32
      %scan3A_132 = arith.constant 0 : i32
      %scan3A_133 = arith.constant 256 : i32
      %scan3A_134 = arith.addi %scan3A_132, %scan3A_133 : i32
      %scan3A_135 = arith.constant 1 : i32
      %scan3A_136 = scf.for %scan3A_141 = %scan3A_132 to %scan3A_134 step %scan3A_135 iter_args(%scan3A_142 = %scan3A_131) -> (i32)  : i32 {
        %mul3A_143 = arith.constant 16 : i32
        %mul3A_144 = arith.muli %scan3A_141, %mul3A_143 : i32
        %add3A_145 = arith.constant 0 : i32
        %add3A_146 = arith.addi %mul3A_144, %add3A_145 : i32
        %get3A = arith.index_cast %add3A_146 : i32 to index
        %get3A_147 = tpu.vector_load %arg4[%get3A] {strides = array<i32>} : memref<4112xf32, #tpu.memory_space<vmem>>, vector<16xf32>,
        %get3A_148 = vector.shape_cast %get3A_147 : vector<16xf32> to vector<16xf32>
        %mul3A_149 = arith.constant 16 : i32
        %mul3A_150 = arith.muli %scan3A_141, %mul3A_149 : i32
        %add3A_151 = arith.constant 6 : i32
        %add3A_152 = arith.addi %mul3A_150, %add3A_151 : i32
        %get3A_153 = arith.index_cast %add3A_152 : i32 to index
        %get3A_154 = tpu.vector_load %arg5[%get3A_153] {strides = array<i32>} : memref<4112xf32, #tpu.memory_space<vmem>>, vector<16xf32>,
        %get3A_155 = vector.shape_cast %get3A_154 : vector<16xf32> to vector<16xf32>
        %mul3A_156 = arith.constant 16 : i32
        %mul3A_157 = arith.muli %scan3A_141, %mul3A_156 : i32
        %add3A_158 = arith.constant 4 : i32
        %add3A_159 = arith.addi %mul3A_157, %add3A_158 : i32
        %get3A_160 = arith.index_cast %add3A_159 : i32 to index
        %get3A_161 = tpu.vector_load %arg6[%get3A_160] {strides = array<i32>} : memref<4112xf32, #tpu.memory_space<vmem>>, vector<16xf32>,
        %get3A_162 = vector.shape_cast %get3A_161 : vector<16xf32> to vector<16xf32>
        %mul3A_163 = arith.constant 16 : i32
        %mul3A_164 = arith.muli %scan3A_141, %mul3A_163 : i32
        %add3A_165 = arith.constant 2 : i32
        %add3A_166 = arith.addi %mul3A_164, %add3A_165 : i32
        %get3A_167 = arith.index_cast %add3A_166 : i32 to index
        %get3A_168 = tpu.vector_load %arg7[%get3A_167] {strides = array<i32>} : memref<4112xf32, #tpu.memory_space<vmem>>, vector<16xf32>,
        %get3A_169 = vector.shape_cast %get3A_168 : vector<16xf32> to vector<16xf32>
        %mul3A_170 = arith.constant 16 : i32
        %mul3A_171 = arith.muli %scan3A_141, %mul3A_170 : i32
        %add3A_172 = arith.constant 0 : i32
        %add3A_173 = arith.addi %mul3A_171, %add3A_172 : i32
        %get3A_174 = arith.index_cast %add3A_173 : i32 to index
        %get3A_175 = tpu.vector_load %arg8[%get3A_174] {strides = array<i32>} : memref<4112xf32, #tpu.memory_space<vmem>>, vector<16xf32>,
        %get3A_176 = vector.shape_cast %get3A_175 : vector<16xf32> to vector<16xf32>
        %broadcast_in_dim3A = arith.constant 0.000000e+00 : f32
        %broadcast_in_dim3A_177 = vector.broadcast %broadcast_in_dim3A : f32 to vector<16xf32>
        %broadcast_in_dim3A_178 = vector.shape_cast %shift_right_arithmetic3A_11 : vector<16xi32> to vector<16x1xi32>
        %gather3A = vector.shape_cast %broadcast_in_dim3A_178 : vector<16x1xi32> to vector<16xi32>
        %gather3A_179 = tpu.dynamic_gather %get3A_148[%gather3A] in [0] : vector<16xf32>, vector<16xi32> -> vector<16xf32>
        %eq3A_180 = arith.constant 0 : i32
        %eq3A_181 = vector.broadcast %eq3A_180 : i32 to vector<16xi32>
        %eq3A_182 = arith.cmpi eq, %sub3A, %eq3A_181 : vector<16xi32>
        %select_n3A = arith.select %eq3A_182, %gather3A_179, %broadcast_in_dim3A_177 : vector<16xi1>, vector<16xf32>
        %broadcast_in_dim3A_183 = vector.shape_cast %shift_right_arithmetic3A_11 : vector<16xi32> to vector<16x1xi32>
        %gather3A_184 = vector.shape_cast %broadcast_in_dim3A_183 : vector<16x1xi32> to vector<16xi32>
        %gather3A_185 = tpu.dynamic_gather %get3A_155[%gather3A_184] in [0] : vector<16xf32>, vector<16xi32> -> vector<16xf32>
        %eq3A_186 = arith.constant 1 : i32
        %eq3A_187 = vector.broadcast %eq3A_186 : i32 to vector<16xi32>
        %eq3A_188 = arith.cmpi eq, %sub3A, %eq3A_187 : vector<16xi32>
        %select_n3A_189 = arith.select %eq3A_188, %gather3A_185, %select_n3A : vector<16xi1>, vector<16xf32>
        %broadcast_in_dim3A_190 = vector.shape_cast %shift_right_arithmetic3A_11 : vector<16xi32> to vector<16x1xi32>
        %gather3A_191 = vector.shape_cast %broadcast_in_dim3A_190 : vector<16x1xi32> to vector<16xi32>
        %gather3A_192 = tpu.dynamic_gather %get3A_162[%gather3A_191] in [0] : vector<16xf32>, vector<16xi32> -> vector<16xf32>
        %eq3A_193 = arith.constant 2 : i32
        %eq3A_194 = vector.broadcast %eq3A_193 : i32 to vector<16xi32>
        %eq3A_195 = arith.cmpi eq, %sub3A, %eq3A_194 : vector<16xi32>
        %select_n3A_196 = arith.select %eq3A_195, %gather3A_192, %select_n3A_189 : vector<16xi1>, vector<16xf32>
        %broadcast_in_dim3A_197 = vector.shape_cast %shift_right_arithmetic3A_11 : vector<16xi32> to vector<16x1xi32>
        %gather3A_198 = vector.shape_cast %broadcast_in_dim3A_197 : vector<16x1xi32> to vector<16xi32>
        %gather3A_199 = tpu.dynamic_gather %get3A_169[%gather3A_198] in [0] : vector<16xf32>, vector<16xi32> -> vector<16xf32>
        %eq3A_200 = arith.constant 3 : i32
        %eq3A_201 = vector.broadcast %eq3A_200 : i32 to vector<16xi32>
        %eq3A_202 = arith.cmpi eq, %sub3A, %eq3A_201 : vector<16xi32>
        %select_n3A_203 = arith.select %eq3A_202, %gather3A_199, %select_n3A_196 : vector<16xi1>, vector<16xf32>
        %broadcast_in_dim3A_204 = vector.shape_cast %shift_right_arithmetic3A_11 : vector<16xi32> to vector<16x1xi32>
        %gather3A_205 = vector.shape_cast %broadcast_in_dim3A_204 : vector<16x1xi32> to vector<16xi32>
        %gather3A_206 = tpu.dynamic_gather %get3A_176[%gather3A_205] in [0] : vector<16xf32>, vector<16xi32> -> vector<16xf32>
        %eq3A_207 = arith.constant 4 : i32
        %eq3A_208 = vector.broadcast %eq3A_207 : i32 to vector<16xi32>
        %eq3A_209 = arith.cmpi eq, %sub3A, %eq3A_208 : vector<16xi32>
        %select_n3A_210 = arith.select %eq3A_209, %gather3A_206, %select_n3A_203 : vector<16xi1>, vector<16xf32>
        %mul3A_211 = arith.constant 80 : i32
        %mul3A_212 = arith.muli %scan3A_141, %mul3A_211 : i32
        %add3A_213 = arith.constant 0 : i32
        %add3A_214 = arith.addi %mul3A_212, %add3A_213 : i32
        %swap3A = arith.index_cast %add3A_214 : i32 to index
        %swap3A_215 = tpu.vector_load %arg9[%swap3A] {strides = array<i32>} : memref<20480xf32, #tpu.memory_space<vmem>>, vector<16xf32>,
        %swap3A_216 = vector.shape_cast %swap3A_215 : vector<16xf32> to vector<16xf32>
        %swap3A_217 = vector.shape_cast %select_n3A_210 : vector<16xf32> to vector<16xf32>
        tpu.vector_store %arg9[%swap3A], %swap3A_217 {strides = array<i32>} : memref<20480xf32, #tpu.memory_space<vmem>>, vector<16xf32>,
        %broadcast_in_dim3A_218 = arith.constant 0.000000e+00 : f32
        %broadcast_in_dim3A_219 = vector.broadcast %broadcast_in_dim3A_218 : f32 to vector<16xf32>
        %broadcast_in_dim3A_220 = vector.shape_cast %shift_right_arithmetic3A_23 : vector<16xi32> to vector<16x1xi32>
        %gather3A_221 = vector.shape_cast %broadcast_in_dim3A_220 : vector<16x1xi32> to vector<16xi32>
        %gather3A_222 = tpu.dynamic_gather %get3A_148[%gather3A_221] in [0] : vector<16xf32>, vector<16xi32> -> vector<16xf32>
        %eq3A_223 = arith.constant 0 : i32
        %eq3A_224 = vector.broadcast %eq3A_223 : i32 to vector<16xi32>
        %eq3A_225 = arith.cmpi eq, %sub3A_27, %eq3A_224 : vector<16xi32>
        %select_n3A_226 = arith.select %eq3A_225, %gather3A_222, %broadcast_in_dim3A_219 : vector<16xi1>, vector<16xf32>
        %broadcast_in_dim3A_227 = vector.shape_cast %shift_right_arithmetic3A_23 : vector<16xi32> to vector<16x1xi32>
        %gather3A_228 = vector.shape_cast %broadcast_in_dim3A_227 : vector<16x1xi32> to vector<16xi32>
        %gather3A_229 = tpu.dynamic_gather %get3A_155[%gather3A_228] in [0] : vector<16xf32>, vector<16xi32> -> vector<16xf32>
        %eq3A_230 = arith.constant 1 : i32
        %eq3A_231 = vector.broadcast %eq3A_230 : i32 to vector<16xi32>
        %eq3A_232 = arith.cmpi eq, %sub3A_27, %eq3A_231 : vector<16xi32>
        %select_n3A_233 = arith.select %eq3A_232, %gather3A_229, %select_n3A_226 : vector<16xi1>, vector<16xf32>
        %broadcast_in_dim3A_234 = vector.shape_cast %shift_right_arithmetic3A_23 : vector<16xi32> to vector<16x1xi32>
        %gather3A_235 = vector.shape_cast %broadcast_in_dim3A_234 : vector<16x1xi32> to vector<16xi32>
        %gather3A_236 = tpu.dynamic_gather %get3A_162[%gather3A_235] in [0] : vector<16xf32>, vector<16xi32> -> vector<16xf32>
        %eq3A_237 = arith.constant 2 : i32
        %eq3A_238 = vector.broadcast %eq3A_237 : i32 to vector<16xi32>
        %eq3A_239 = arith.cmpi eq, %sub3A_27, %eq3A_238 : vector<16xi32>
        %select_n3A_240 = arith.select %eq3A_239, %gather3A_236, %select_n3A_233 : vector<16xi1>, vector<16xf32>
        %broadcast_in_dim3A_241 = vector.shape_cast %shift_right_arithmetic3A_23 : vector<16xi32> to vector<16x1xi32>
        %gather3A_242 = vector.shape_cast %broadcast_in_dim3A_241 : vector<16x1xi32> to vector<16xi32>
        %gather3A_243 = tpu.dynamic_gather %get3A_169[%gather3A_242] in [0] : vector<16xf32>, vector<16xi32> -> vector<16xf32>
        %eq3A_244 = arith.constant 3 : i32
        %eq3A_245 = vector.broadcast %eq3A_244 : i32 to vector<16xi32>
        %eq3A_246 = arith.cmpi eq, %sub3A_27, %eq3A_245 : vector<16xi32>
        %select_n3A_247 = arith.select %eq3A_246, %gather3A_243, %select_n3A_240 : vector<16xi1>, vector<16xf32>
        %broadcast_in_dim3A_248 = vector.shape_cast %shift_right_arithmetic3A_23 : vector<16xi32> to vector<16x1xi32>
        %gather3A_249 = vector.shape_cast %broadcast_in_dim3A_248 : vector<16x1xi32> to vector<16xi32>
        %gather3A_250 = tpu.dynamic_gather %get3A_176[%gather3A_249] in [0] : vector<16xf32>, vector<16xi32> -> vector<16xf32>
        %eq3A_251 = arith.constant 4 : i32
        %eq3A_252 = vector.broadcast %eq3A_251 : i32 to vector<16xi32>
        %eq3A_253 = arith.cmpi eq, %sub3A_27, %eq3A_252 : vector<16xi32>
        %select_n3A_254 = arith.select %eq3A_253, %gather3A_250, %select_n3A_247 : vector<16xi1>, vector<16xf32>
        %mul3A_255 = arith.constant 80 : i32
        %mul3A_256 = arith.muli %scan3A_141, %mul3A_255 : i32
        %add3A_257 = arith.constant 16 : i32
        %add3A_258 = arith.addi %mul3A_256, %add3A_257 : i32
        %swap3A_259 = arith.index_cast %add3A_258 : i32 to index
        %swap3A_260 = tpu.vector_load %arg9[%swap3A_259] {strides = array<i32>} : memref<20480xf32, #tpu.memory_space<vmem>>, vector<16xf32>,
        %swap3A_261 = vector.shape_cast %swap3A_260 : vector<16xf32> to vector<16xf32>
        %swap3A_262 = vector.shape_cast %select_n3A_254 : vector<16xf32> to vector<16xf32>
        tpu.vector_store %arg9[%swap3A_259], %swap3A_262 {strides = array<i32>} : memref<20480xf32, #tpu.memory_space<vmem>>, vector<16xf32>,
        %broadcast_in_dim3A_263 = arith.constant 0.000000e+00 : f32
        %broadcast_in_dim3A_264 = vector.broadcast %broadcast_in_dim3A_263 : f32 to vector<16xf32>
        %broadcast_in_dim3A_265 = vector.shape_cast %shift_right_arithmetic3A_36 : vector<16xi32> to vector<16x1xi32>
        %gather3A_266 = vector.shape_cast %broadcast_in_dim3A_265 : vector<16x1xi32> to vector<16xi32>
        %gather3A_267 = tpu.dynamic_gather %get3A_148[%gather3A_266] in [0] : vector<16xf32>, vector<16xi32> -> vector<16xf32>
        %eq3A_268 = arith.constant 0 : i32
        %eq3A_269 = vector.broadcast %eq3A_268 : i32 to vector<16xi32>
        %eq3A_270 = arith.cmpi eq, %sub3A_40, %eq3A_269 : vector<16xi32>
        %select_n3A_271 = arith.select %eq3A_270, %gather3A_267, %broadcast_in_dim3A_264 : vector<16xi1>, vector<16xf32>
        %broadcast_in_dim3A_272 = vector.shape_cast %shift_right_arithmetic3A_36 : vector<16xi32> to vector<16x1xi32>
        %gather3A_273 = vector.shape_cast %broadcast_in_dim3A_272 : vector<16x1xi32> to vector<16xi32>
        %gather3A_274 = tpu.dynamic_gather %get3A_155[%gather3A_273] in [0] : vector<16xf32>, vector<16xi32> -> vector<16xf32>
        %eq3A_275 = arith.constant 1 : i32
        %eq3A_276 = vector.broadcast %eq3A_275 : i32 to vector<16xi32>
        %eq3A_277 = arith.cmpi eq, %sub3A_40, %eq3A_276 : vector<16xi32>
        %select_n3A_278 = arith.select %eq3A_277, %gather3A_274, %select_n3A_271 : vector<16xi1>, vector<16xf32>
        %broadcast_in_dim3A_279 = vector.shape_cast %shift_right_arithmetic3A_36 : vector<16xi32> to vector<16x1xi32>
        %gather3A_280 = vector.shape_cast %broadcast_in_dim3A_279 : vector<16x1xi32> to vector<16xi32>
        %gather3A_281 = tpu.dynamic_gather %get3A_162[%gather3A_280] in [0] : vector<16xf32>, vector<16xi32> -> vector<16xf32>
        %eq3A_282 = arith.constant 2 : i32
        %eq3A_283 = vector.broadcast %eq3A_282 : i32 to vector<16xi32>
        %eq3A_284 = arith.cmpi eq, %sub3A_40, %eq3A_283 : vector<16xi32>
        %select_n3A_285 = arith.select %eq3A_284, %gather3A_281, %select_n3A_278 : vector<16xi1>, vector<16xf32>
        %broadcast_in_dim3A_286 = vector.shape_cast %shift_right_arithmetic3A_36 : vector<16xi32> to vector<16x1xi32>
        %gather3A_287 = vector.shape_cast %broadcast_in_dim3A_286 : vector<16x1xi32> to vector<16xi32>
        %gather3A_288 = tpu.dynamic_gather %get3A_169[%gather3A_287] in [0] : vector<16xf32>, vector<16xi32> -> vector<16xf32>
        %eq3A_289 = arith.constant 3 : i32
        %eq3A_290 = vector.broadcast %eq3A_289 : i32 to vector<16xi32>
        %eq3A_291 = arith.cmpi eq, %sub3A_40, %eq3A_290 : vector<16xi32>
        %select_n3A_292 = arith.select %eq3A_291, %gather3A_288, %select_n3A_285 : vector<16xi1>, vector<16xf32>
        %broadcast_in_dim3A_293 = vector.shape_cast %shift_right_arithmetic3A_36 : vector<16xi32> to vector<16x1xi32>
        %gather3A_294 = vector.shape_cast %broadcast_in_dim3A_293 : vector<16x1xi32> to vector<16xi32>
        %gather3A_295 = tpu.dynamic_gather %get3A_176[%gather3A_294] in [0] : vector<16xf32>, vector<16xi32> -> vector<16xf32>
        %eq3A_296 = arith.constant 4 : i32
        %eq3A_297 = vector.broadcast %eq3A_296 : i32 to vector<16xi32>
        %eq3A_298 = arith.cmpi eq, %sub3A_40, %eq3A_297 : vector<16xi32>
        %select_n3A_299 = arith.select %eq3A_298, %gather3A_295, %select_n3A_292 : vector<16xi1>, vector<16xf32>
        %mul3A_300 = arith.constant 80 : i32
        %mul3A_301 = arith.muli %scan3A_141, %mul3A_300 : i32
        %add3A_302 = arith.constant 32 : i32
        %add3A_303 = arith.addi %mul3A_301, %add3A_302 : i32
        %swap3A_304 = arith.index_cast %add3A_303 : i32 to index
        %swap3A_305 = tpu.vector_load %arg9[%swap3A_304] {strides = array<i32>} : memref<20480xf32, #tpu.memory_space<vmem>>, vector<16xf32>,
        %swap3A_306 = vector.shape_cast %swap3A_305 : vector<16xf32> to vector<16xf32>
        %swap3A_307 = vector.shape_cast %select_n3A_299 : vector<16xf32> to vector<16xf32>
        tpu.vector_store %arg9[%swap3A_304], %swap3A_307 {strides = array<i32>} : memref<20480xf32, #tpu.memory_space<vmem>>, vector<16xf32>,
        %broadcast_in_dim3A_308 = arith.constant 0.000000e+00 : f32
        %broadcast_in_dim3A_309 = vector.broadcast %broadcast_in_dim3A_308 : f32 to vector<16xf32>
        %broadcast_in_dim3A_310 = vector.shape_cast %shift_right_arithmetic3A_49 : vector<16xi32> to vector<16x1xi32>
        %gather3A_311 = vector.shape_cast %broadcast_in_dim3A_310 : vector<16x1xi32> to vector<16xi32>
        %gather3A_312 = tpu.dynamic_gather %get3A_148[%gather3A_311] in [0] : vector<16xf32>, vector<16xi32> -> vector<16xf32>
        %eq3A_313 = arith.constant 0 : i32
        %eq3A_314 = vector.broadcast %eq3A_313 : i32 to vector<16xi32>
        %eq3A_315 = arith.cmpi eq, %sub3A_53, %eq3A_314 : vector<16xi32>
        %select_n3A_316 = arith.select %eq3A_315, %gather3A_312, %broadcast_in_dim3A_309 : vector<16xi1>, vector<16xf32>
        %broadcast_in_dim3A_317 = vector.shape_cast %shift_right_arithmetic3A_49 : vector<16xi32> to vector<16x1xi32>
        %gather3A_318 = vector.shape_cast %broadcast_in_dim3A_317 : vector<16x1xi32> to vector<16xi32>
        %gather3A_319 = tpu.dynamic_gather %get3A_155[%gather3A_318] in [0] : vector<16xf32>, vector<16xi32> -> vector<16xf32>
        %eq3A_320 = arith.constant 1 : i32
        %eq3A_321 = vector.broadcast %eq3A_320 : i32 to vector<16xi32>
        %eq3A_322 = arith.cmpi eq, %sub3A_53, %eq3A_321 : vector<16xi32>
        %select_n3A_323 = arith.select %eq3A_322, %gather3A_319, %select_n3A_316 : vector<16xi1>, vector<16xf32>
        %broadcast_in_dim3A_324 = vector.shape_cast %shift_right_arithmetic3A_49 : vector<16xi32> to vector<16x1xi32>
        %gather3A_325 = vector.shape_cast %broadcast_in_dim3A_324 : vector<16x1xi32> to vector<16xi32>
        %gather3A_326 = tpu.dynamic_gather %get3A_162[%gather3A_325] in [0] : vector<16xf32>, vector<16xi32> -> vector<16xf32>
        %eq3A_327 = arith.constant 2 : i32
        %eq3A_328 = vector.broadcast %eq3A_327 : i32 to vector<16xi32>
        %eq3A_329 = arith.cmpi eq, %sub3A_53, %eq3A_328 : vector<16xi32>
        %select_n3A_330 = arith.select %eq3A_329, %gather3A_326, %select_n3A_323 : vector<16xi1>, vector<16xf32>
        %broadcast_in_dim3A_331 = vector.shape_cast %shift_right_arithmetic3A_49 : vector<16xi32> to vector<16x1xi32>
        %gather3A_332 = vector.shape_cast %broadcast_in_dim3A_331 : vector<16x1xi32> to vector<16xi32>
        %gather3A_333 = tpu.dynamic_gather %get3A_169[%gather3A_332] in [0] : vector<16xf32>, vector<16xi32> -> vector<16xf32>
        %eq3A_334 = arith.constant 3 : i32
        %eq3A_335 = vector.broadcast %eq3A_334 : i32 to vector<16xi32>
        %eq3A_336 = arith.cmpi eq, %sub3A_53, %eq3A_335 : vector<16xi32>
        %select_n3A_337 = arith.select %eq3A_336, %gather3A_333, %select_n3A_330 : vector<16xi1>, vector<16xf32>
        %broadcast_in_dim3A_338 = vector.shape_cast %shift_right_arithmetic3A_49 : vector<16xi32> to vector<16x1xi32>
        %gather3A_339 = vector.shape_cast %broadcast_in_dim3A_338 : vector<16x1xi32> to vector<16xi32>
        %gather3A_340 = tpu.dynamic_gather %get3A_176[%gather3A_339] in [0] : vector<16xf32>, vector<16xi32> -> vector<16xf32>
        %eq3A_341 = arith.constant 4 : i32
        %eq3A_342 = vector.broadcast %eq3A_341 : i32 to vector<16xi32>
        %eq3A_343 = arith.cmpi eq, %sub3A_53, %eq3A_342 : vector<16xi32>
        %select_n3A_344 = arith.select %eq3A_343, %gather3A_340, %select_n3A_337 : vector<16xi1>, vector<16xf32>
        %mul3A_345 = arith.constant 80 : i32
        %mul3A_346 = arith.muli %scan3A_141, %mul3A_345 : i32
        %add3A_347 = arith.constant 48 : i32
        %add3A_348 = arith.addi %mul3A_346, %add3A_347 : i32
        %swap3A_349 = arith.index_cast %add3A_348 : i32 to index
        %swap3A_350 = tpu.vector_load %arg9[%swap3A_349] {strides = array<i32>} : memref<20480xf32, #tpu.memory_space<vmem>>, vector<16xf32>,
        %swap3A_351 = vector.shape_cast %swap3A_350 : vector<16xf32> to vector<16xf32>
        %swap3A_352 = vector.shape_cast %select_n3A_344 : vector<16xf32> to vector<16xf32>
        tpu.vector_store %arg9[%swap3A_349], %swap3A_352 {strides = array<i32>} : memref<20480xf32, #tpu.memory_space<vmem>>, vector<16xf32>,
        %broadcast_in_dim3A_353 = arith.constant 0.000000e+00 : f32
        %broadcast_in_dim3A_354 = vector.broadcast %broadcast_in_dim3A_353 : f32 to vector<16xf32>
        %broadcast_in_dim3A_355 = vector.shape_cast %shift_right_arithmetic3A_62 : vector<16xi32> to vector<16x1xi32>
        %gather3A_356 = vector.shape_cast %broadcast_in_dim3A_355 : vector<16x1xi32> to vector<16xi32>
        %gather3A_357 = tpu.dynamic_gather %get3A_148[%gather3A_356] in [0] : vector<16xf32>, vector<16xi32> -> vector<16xf32>
        %eq3A_358 = arith.constant 0 : i32
        %eq3A_359 = vector.broadcast %eq3A_358 : i32 to vector<16xi32>
        %eq3A_360 = arith.cmpi eq, %sub3A_66, %eq3A_359 : vector<16xi32>
        %select_n3A_361 = arith.select %eq3A_360, %gather3A_357, %broadcast_in_dim3A_354 : vector<16xi1>, vector<16xf32>
        %broadcast_in_dim3A_362 = vector.shape_cast %shift_right_arithmetic3A_62 : vector<16xi32> to vector<16x1xi32>
        %gather3A_363 = vector.shape_cast %broadcast_in_dim3A_362 : vector<16x1xi32> to vector<16xi32>
        %gather3A_364 = tpu.dynamic_gather %get3A_155[%gather3A_363] in [0] : vector<16xf32>, vector<16xi32> -> vector<16xf32>
        %eq3A_365 = arith.constant 1 : i32
        %eq3A_366 = vector.broadcast %eq3A_365 : i32 to vector<16xi32>
        %eq3A_367 = arith.cmpi eq, %sub3A_66, %eq3A_366 : vector<16xi32>
        %select_n3A_368 = arith.select %eq3A_367, %gather3A_364, %select_n3A_361 : vector<16xi1>, vector<16xf32>
        %broadcast_in_dim3A_369 = vector.shape_cast %shift_right_arithmetic3A_62 : vector<16xi32> to vector<16x1xi32>
        %gather3A_370 = vector.shape_cast %broadcast_in_dim3A_369 : vector<16x1xi32> to vector<16xi32>
        %gather3A_371 = tpu.dynamic_gather %get3A_162[%gather3A_370] in [0] : vector<16xf32>, vector<16xi32> -> vector<16xf32>
        %eq3A_372 = arith.constant 2 : i32
        %eq3A_373 = vector.broadcast %eq3A_372 : i32 to vector<16xi32>
        %eq3A_374 = arith.cmpi eq, %sub3A_66, %eq3A_373 : vector<16xi32>
        %select_n3A_375 = arith.select %eq3A_374, %gather3A_371, %select_n3A_368 : vector<16xi1>, vector<16xf32>
        %broadcast_in_dim3A_376 = vector.shape_cast %shift_right_arithmetic3A_62 : vector<16xi32> to vector<16x1xi32>
        %gather3A_377 = vector.shape_cast %broadcast_in_dim3A_376 : vector<16x1xi32> to vector<16xi32>
        %gather3A_378 = tpu.dynamic_gather %get3A_169[%gather3A_377] in [0] : vector<16xf32>, vector<16xi32> -> vector<16xf32>
        %eq3A_379 = arith.constant 3 : i32
        %eq3A_380 = vector.broadcast %eq3A_379 : i32 to vector<16xi32>
        %eq3A_381 = arith.cmpi eq, %sub3A_66, %eq3A_380 : vector<16xi32>
        %select_n3A_382 = arith.select %eq3A_381, %gather3A_378, %select_n3A_375 : vector<16xi1>, vector<16xf32>
        %broadcast_in_dim3A_383 = vector.shape_cast %shift_right_arithmetic3A_62 : vector<16xi32> to vector<16x1xi32>
        %gather3A_384 = vector.shape_cast %broadcast_in_dim3A_383 : vector<16x1xi32> to vector<16xi32>
        %gather3A_385 = tpu.dynamic_gather %get3A_176[%gather3A_384] in [0] : vector<16xf32>, vector<16xi32> -> vector<16xf32>
        %eq3A_386 = arith.constant 4 : i32
        %eq3A_387 = vector.broadcast %eq3A_386 : i32 to vector<16xi32>
        %eq3A_388 = arith.cmpi eq, %sub3A_66, %eq3A_387 : vector<16xi32>
        %select_n3A_389 = arith.select %eq3A_388, %gather3A_385, %select_n3A_382 : vector<16xi1>, vector<16xf32>
        %mul3A_390 = arith.constant 80 : i32
        %mul3A_391 = arith.muli %scan3A_141, %mul3A_390 : i32
        %add3A_392 = arith.constant 64 : i32
        %add3A_393 = arith.addi %mul3A_391, %add3A_392 : i32
        %swap3A_394 = arith.index_cast %add3A_393 : i32 to index
        %swap3A_395 = tpu.vector_load %arg9[%swap3A_394] {strides = array<i32>} : memref<20480xf32, #tpu.memory_space<vmem>>, vector<16xf32>,
        %swap3A_396 = vector.shape_cast %swap3A_395 : vector<16xf32> to vector<16xf32>
        %swap3A_397 = vector.shape_cast %select_n3A_389 : vector<16xf32> to vector<16xf32>
        tpu.vector_store %arg9[%swap3A_394], %swap3A_397 {strides = array<i32>} : memref<20480xf32, #tpu.memory_space<vmem>>, vector<16xf32>,
        %scan3A_398 = arith.constant 0 : i32
        scf.yield %scan3A_398 : i32
      }
      %scan3A_137 = arith.constant 256 : i32
      %mul3A_138 = arith.constant 5 : i32
      %mul3A_139 = arith.muli %add3A_110, %mul3A_138 : i32
      "tpu.region"() ({
        %run_scoped3A = tpu.sem_alloc : memref<!tpu.dma_semaphore, #tpu.memory_space<semaphore_mem>>
        %dma_start3A = arith.constant 0 : i32
        %dma_start3A_141 = tpu.memref_slice %arg9[%dma_start3A] : memref<20480xf32, #tpu.memory_space<vmem>> -> memref<20480xf32, #tpu.memory_space<vmem>>
        %dma_start3A_142 = tpu.memref_slice %arg3[%mul3A_139] : memref<7930630xf32, #tpu.memory_space<hbm>> -> memref<20480xf32, #tpu.memory_space<hbm>>
        %dma_start3A_143 = tpu.memref_slice %arg3[%mul3A_139] : memref<7930630xf32, #tpu.memory_space<hbm>> -> memref<20480xf32, #tpu.memory_space<hbm>>
        %dma_start3A_144 = arith.constant 0 : i32
        %dma_start3A_145 = tpu.memref_slice %arg9[%dma_start3A_144] : memref<20480xf32, #tpu.memory_space<vmem>> -> memref<20480xf32, #tpu.memory_space<vmem>>
        tpu.enqueue_dma source(%dma_start3A_145 : memref<20480xf32, #tpu.memory_space<vmem>>) target(%dma_start3A_143 : memref<20480xf32, #tpu.memory_space<hbm>>) target_semaphore(%run_scoped3A : memref<!tpu.dma_semaphore, #tpu.memory_space<semaphore_mem>>)
        %dma_wait3A = arith.constant 0 : i32
        %dma_wait3A_146 = tpu.memref_slice %arg9[%dma_wait3A] : memref<20480xf32, #tpu.memory_space<vmem>> -> memref<20480xf32, #tpu.memory_space<vmem>>
        %dma_wait3A_147 = tpu.memref_slice %arg3[%mul3A_139] : memref<7930630xf32, #tpu.memory_space<hbm>> -> memref<20480xf32, #tpu.memory_space<hbm>>
        %dma_wait3A_148 = tpu.memref_slice %arg3[%mul3A_139] : memref<7930630xf32, #tpu.memory_space<hbm>> -> memref<20480xf32, #tpu.memory_space<hbm>>
        %dma_wait3A_149 = arith.constant 0 : i32
        %dma_wait3A_150 = tpu.memref_slice %arg9[%dma_wait3A_149] : memref<20480xf32, #tpu.memory_space<vmem>> -> memref<20480xf32, #tpu.memory_space<vmem>>
        tpu.wait_dma2 semaphore(%run_scoped3A : memref<!tpu.dma_semaphore, #tpu.memory_space<semaphore_mem>>) src(%dma_wait3A_150 : memref<20480xf32, #tpu.memory_space<vmem>>) dst(%dma_wait3A_148 : memref<20480xf32, #tpu.memory_space<hbm>>)
        tpu.yield
      }) : () -> ()
      %scan3A_140 = arith.constant 0 : i32
      scf.yield %scan3A_140 : i32
    }
    %scan3A_72 = arith.constant 12 : i32
    %add3A_73 = arith.constant 49152 : i32
    %add3A_74 = arith.addi %min3A_3, %add3A_73 : i32
    %add3A_75 = arith.constant 0 : i32
    %add3A_76 = arith.addi %add3A_75, %add3A_74 : i32
    %sub3A_77 = arith.constant 0 : i32
    %sub3A_78 = arith.subi %add3A_76, %sub3A_77 : i32
    "tpu.region"() ({
      %run_scoped3A = tpu.sem_alloc : memref<!tpu.dma_semaphore, #tpu.memory_space<semaphore_mem>>
      %dma_start3A = arith.constant 0 : i32
      %dma_start3A_106 = tpu.memref_slice %arg4[%dma_start3A] : memref<4112xf32, #tpu.memory_space<vmem>> -> memref<432xf32, #tpu.memory_space<vmem>>
      %dma_start3A_107 = tpu.memref_slice %arg2[%sub3A_78] : memref<7930630xf32, #tpu.memory_space<hbm>> -> memref<432xf32, #tpu.memory_space<hbm>>
      %dma_start3A_108 = arith.constant 0 : i32
      %dma_start3A_109 = tpu.memref_slice %arg4[%dma_start3A_108] : memref<4112xf32, #tpu.memory_space<vmem>> -> memref<432xf32, #tpu.memory_space<vmem>>
      %dma_start3A_110 = tpu.memref_slice %arg2[%sub3A_78] : memref<7930630xf32, #tpu.memory_space<hbm>> -> memref<432xf32, #tpu.memory_space<hbm>>
      tpu.enqueue_dma source(%dma_start3A_110 : memref<432xf32, #tpu.memory_space<hbm>>) target(%dma_start3A_109 : memref<432xf32, #tpu.memory_space<vmem>>) target_semaphore(%run_scoped3A : memref<!tpu.dma_semaphore, #tpu.memory_space<semaphore_mem>>)
      %dma_wait3A = arith.constant 0 : i32
      %dma_wait3A_111 = tpu.memref_slice %arg4[%dma_wait3A] : memref<4112xf32, #tpu.memory_space<vmem>> -> memref<432xf32, #tpu.memory_space<vmem>>
      %dma_wait3A_112 = tpu.memref_slice %arg2[%sub3A_78] : memref<7930630xf32, #tpu.memory_space<hbm>> -> memref<432xf32, #tpu.memory_space<hbm>>
      %dma_wait3A_113 = arith.constant 0 : i32
      %dma_wait3A_114 = tpu.memref_slice %arg4[%dma_wait3A_113] : memref<4112xf32, #tpu.memory_space<vmem>> -> memref<432xf32, #tpu.memory_space<vmem>>
      %dma_wait3A_115 = tpu.memref_slice %arg2[%sub3A_78] : memref<7930630xf32, #tpu.memory_space<hbm>> -> memref<432xf32, #tpu.memory_space<hbm>>
      tpu.wait_dma2 semaphore(%run_scoped3A : memref<!tpu.dma_semaphore, #tpu.memory_space<semaphore_mem>>) src(%dma_wait3A_115 : memref<432xf32, #tpu.memory_space<hbm>>) dst(%dma_wait3A_114 : memref<432xf32, #tpu.memory_space<vmem>>)
      tpu.yield
    }) : () -> ()
    %add3A_79 = arith.constant 1586126 : i32
    %add3A_80 = arith.addi %add3A_79, %add3A_74 : i32
    %sub3A_81 = arith.constant 6 : i32
    %sub3A_82 = arith.subi %add3A_80, %sub3A_81 : i32
    "tpu.region"() ({
      %run_scoped3A = tpu.sem_alloc : memref<!tpu.dma_semaphore, #tpu.memory_space<semaphore_mem>>
      %dma_start3A = arith.constant 0 : i32
      %dma_start3A_106 = tpu.memref_slice %arg5[%dma_start3A] : memref<4112xf32, #tpu.memory_space<vmem>> -> memref<432xf32, #tpu.memory_space<vmem>>
      %dma_start3A_107 = tpu.memref_slice %arg2[%sub3A_82] : memref<7930630xf32, #tpu.memory_space<hbm>> -> memref<432xf32, #tpu.memory_space<hbm>>
      %dma_start3A_108 = arith.constant 0 : i32
      %dma_start3A_109 = tpu.memref_slice %arg5[%dma_start3A_108] : memref<4112xf32, #tpu.memory_space<vmem>> -> memref<432xf32, #tpu.memory_space<vmem>>
      %dma_start3A_110 = tpu.memref_slice %arg2[%sub3A_82] : memref<7930630xf32, #tpu.memory_space<hbm>> -> memref<432xf32, #tpu.memory_space<hbm>>
      tpu.enqueue_dma source(%dma_start3A_110 : memref<432xf32, #tpu.memory_space<hbm>>) target(%dma_start3A_109 : memref<432xf32, #tpu.memory_space<vmem>>) target_semaphore(%run_scoped3A : memref<!tpu.dma_semaphore, #tpu.memory_space<semaphore_mem>>)
      %dma_wait3A = arith.constant 0 : i32
      %dma_wait3A_111 = tpu.memref_slice %arg5[%dma_wait3A] : memref<4112xf32, #tpu.memory_space<vmem>> -> memref<432xf32, #tpu.memory_space<vmem>>
      %dma_wait3A_112 = tpu.memref_slice %arg2[%sub3A_82] : memref<7930630xf32, #tpu.memory_space<hbm>> -> memref<432xf32, #tpu.memory_space<hbm>>
      %dma_wait3A_113 = arith.constant 0 : i32
      %dma_wait3A_114 = tpu.memref_slice %arg5[%dma_wait3A_113] : memref<4112xf32, #tpu.memory_space<vmem>> -> memref<432xf32, #tpu.memory_space<vmem>>
      %dma_wait3A_115 = tpu.memref_slice %arg2[%sub3A_82] : memref<7930630xf32, #tpu.memory_space<hbm>> -> memref<432xf32, #tpu.memory_space<hbm>>
      tpu.wait_dma2 semaphore(%run_scoped3A : memref<!tpu.dma_semaphore, #tpu.memory_space<semaphore_mem>>) src(%dma_wait3A_115 : memref<432xf32, #tpu.memory_space<hbm>>) dst(%dma_wait3A_114 : memref<432xf32, #tpu.memory_space<vmem>>)
      tpu.yield
    }) : () -> ()
    %add3A_83 = arith.constant 3172252 : i32
    %add3A_84 = arith.addi %add3A_83, %add3A_74 : i32
    %sub3A_85 = arith.constant 4 : i32
    %sub3A_86 = arith.subi %add3A_84, %sub3A_85 : i32
    "tpu.region"() ({
      %run_scoped3A = tpu.sem_alloc : memref<!tpu.dma_semaphore, #tpu.memory_space<semaphore_mem>>
      %dma_start3A = arith.constant 0 : i32
      %dma_start3A_106 = tpu.memref_slice %arg6[%dma_start3A] : memref<4112xf32, #tpu.memory_space<vmem>> -> memref<432xf32, #tpu.memory_space<vmem>>
      %dma_start3A_107 = tpu.memref_slice %arg2[%sub3A_86] : memref<7930630xf32, #tpu.memory_space<hbm>> -> memref<432xf32, #tpu.memory_space<hbm>>
      %dma_start3A_108 = arith.constant 0 : i32
      %dma_start3A_109 = tpu.memref_slice %arg6[%dma_start3A_108] : memref<4112xf32, #tpu.memory_space<vmem>> -> memref<432xf32, #tpu.memory_space<vmem>>
      %dma_start3A_110 = tpu.memref_slice %arg2[%sub3A_86] : memref<7930630xf32, #tpu.memory_space<hbm>> -> memref<432xf32, #tpu.memory_space<hbm>>
      tpu.enqueue_dma source(%dma_start3A_110 : memref<432xf32, #tpu.memory_space<hbm>>) target(%dma_start3A_109 : memref<432xf32, #tpu.memory_space<vmem>>) target_semaphore(%run_scoped3A : memref<!tpu.dma_semaphore, #tpu.memory_space<semaphore_mem>>)
      %dma_wait3A = arith.constant 0 : i32
      %dma_wait3A_111 = tpu.memref_slice %arg6[%dma_wait3A] : memref<4112xf32, #tpu.memory_space<vmem>> -> memref<432xf32, #tpu.memory_space<vmem>>
      %dma_wait3A_112 = tpu.memref_slice %arg2[%sub3A_86] : memref<7930630xf32, #tpu.memory_space<hbm>> -> memref<432xf32, #tpu.memory_space<hbm>>
      %dma_wait3A_113 = arith.constant 0 : i32
      %dma_wait3A_114 = tpu.memref_slice %arg6[%dma_wait3A_113] : memref<4112xf32, #tpu.memory_space<vmem>> -> memref<432xf32, #tpu.memory_space<vmem>>
      %dma_wait3A_115 = tpu.memref_slice %arg2[%sub3A_86] : memref<7930630xf32, #tpu.memory_space<hbm>> -> memref<432xf32, #tpu.memory_space<hbm>>
      tpu.wait_dma2 semaphore(%run_scoped3A : memref<!tpu.dma_semaphore, #tpu.memory_space<semaphore_mem>>) src(%dma_wait3A_115 : memref<432xf32, #tpu.memory_space<hbm>>) dst(%dma_wait3A_114 : memref<432xf32, #tpu.memory_space<vmem>>)
      tpu.yield
    }) : () -> ()
    %add3A_87 = arith.constant 4758378 : i32
    %add3A_88 = arith.addi %add3A_87, %add3A_74 : i32
    %sub3A_89 = arith.constant 2 : i32
    %sub3A_90 = arith.subi %add3A_88, %sub3A_89 : i32
    "tpu.region"() ({
      %run_scoped3A = tpu.sem_alloc : memref<!tpu.dma_semaphore, #tpu.memory_space<semaphore_mem>>
      %dma_start3A = arith.constant 0 : i32
      %dma_start3A_106 = tpu.memref_slice %arg7[%dma_start3A] : memref<4112xf32, #tpu.memory_space<vmem>> -> memref<432xf32, #tpu.memory_space<vmem>>
      %dma_start3A_107 = tpu.memref_slice %arg2[%sub3A_90] : memref<7930630xf32, #tpu.memory_space<hbm>> -> memref<432xf32, #tpu.memory_space<hbm>>
      %dma_start3A_108 = arith.constant 0 : i32
      %dma_start3A_109 = tpu.memref_slice %arg7[%dma_start3A_108] : memref<4112xf32, #tpu.memory_space<vmem>> -> memref<432xf32, #tpu.memory_space<vmem>>
      %dma_start3A_110 = tpu.memref_slice %arg2[%sub3A_90] : memref<7930630xf32, #tpu.memory_space<hbm>> -> memref<432xf32, #tpu.memory_space<hbm>>
      tpu.enqueue_dma source(%dma_start3A_110 : memref<432xf32, #tpu.memory_space<hbm>>) target(%dma_start3A_109 : memref<432xf32, #tpu.memory_space<vmem>>) target_semaphore(%run_scoped3A : memref<!tpu.dma_semaphore, #tpu.memory_space<semaphore_mem>>)
      %dma_wait3A = arith.constant 0 : i32
      %dma_wait3A_111 = tpu.memref_slice %arg7[%dma_wait3A] : memref<4112xf32, #tpu.memory_space<vmem>> -> memref<432xf32, #tpu.memory_space<vmem>>
      %dma_wait3A_112 = tpu.memref_slice %arg2[%sub3A_90] : memref<7930630xf32, #tpu.memory_space<hbm>> -> memref<432xf32, #tpu.memory_space<hbm>>
      %dma_wait3A_113 = arith.constant 0 : i32
      %dma_wait3A_114 = tpu.memref_slice %arg7[%dma_wait3A_113] : memref<4112xf32, #tpu.memory_space<vmem>> -> memref<432xf32, #tpu.memory_space<vmem>>
      %dma_wait3A_115 = tpu.memref_slice %arg2[%sub3A_90] : memref<7930630xf32, #tpu.memory_space<hbm>> -> memref<432xf32, #tpu.memory_space<hbm>>
      tpu.wait_dma2 semaphore(%run_scoped3A : memref<!tpu.dma_semaphore, #tpu.memory_space<semaphore_mem>>) src(%dma_wait3A_115 : memref<432xf32, #tpu.memory_space<hbm>>) dst(%dma_wait3A_114 : memref<432xf32, #tpu.memory_space<vmem>>)
      tpu.yield
    }) : () -> ()
    %add3A_91 = arith.constant 6344504 : i32
    %add3A_92 = arith.addi %add3A_91, %add3A_74 : i32
    %sub3A_93 = arith.constant 0 : i32
    %sub3A_94 = arith.subi %add3A_92, %sub3A_93 : i32
    "tpu.region"() ({
      %run_scoped3A = tpu.sem_alloc : memref<!tpu.dma_semaphore, #tpu.memory_space<semaphore_mem>>
      %dma_start3A = arith.constant 0 : i32
      %dma_start3A_106 = tpu.memref_slice %arg8[%dma_start3A] : memref<4112xf32, #tpu.memory_space<vmem>> -> memref<432xf32, #tpu.memory_space<vmem>>
      %dma_start3A_107 = tpu.memref_slice %arg2[%sub3A_94] : memref<7930630xf32, #tpu.memory_space<hbm>> -> memref<432xf32, #tpu.memory_space<hbm>>
      %dma_start3A_108 = arith.constant 0 : i32
      %dma_start3A_109 = tpu.memref_slice %arg8[%dma_start3A_108] : memref<4112xf32, #tpu.memory_space<vmem>> -> memref<432xf32, #tpu.memory_space<vmem>>
      %dma_start3A_110 = tpu.memref_slice %arg2[%sub3A_94] : memref<7930630xf32, #tpu.memory_space<hbm>> -> memref<432xf32, #tpu.memory_space<hbm>>
      tpu.enqueue_dma source(%dma_start3A_110 : memref<432xf32, #tpu.memory_space<hbm>>) target(%dma_start3A_109 : memref<432xf32, #tpu.memory_space<vmem>>) target_semaphore(%run_scoped3A : memref<!tpu.dma_semaphore, #tpu.memory_space<semaphore_mem>>)
      %dma_wait3A = arith.constant 0 : i32
      %dma_wait3A_111 = tpu.memref_slice %arg8[%dma_wait3A] : memref<4112xf32, #tpu.memory_space<vmem>> -> memref<432xf32, #tpu.memory_space<vmem>>
      %dma_wait3A_112 = tpu.memref_slice %arg2[%sub3A_94] : memref<7930630xf32, #tpu.memory_space<hbm>> -> memref<432xf32, #tpu.memory_space<hbm>>
      %dma_wait3A_113 = arith.constant 0 : i32
      %dma_wait3A_114 = tpu.memref_slice %arg8[%dma_wait3A_113] : memref<4112xf32, #tpu.memory_space<vmem>> -> memref<432xf32, #tpu.memory_space<vmem>>
      %dma_wait3A_115 = tpu.memref_slice %arg2[%sub3A_94] : memref<7930630xf32, #tpu.memory_space<hbm>> -> memref<432xf32, #tpu.memory_space<hbm>>
      tpu.wait_dma2 semaphore(%run_scoped3A : memref<!tpu.dma_semaphore, #tpu.memory_space<semaphore_mem>>) src(%dma_wait3A_115 : memref<432xf32, #tpu.memory_space<hbm>>) dst(%dma_wait3A_114 : memref<432xf32, #tpu.memory_space<vmem>>)
      tpu.yield
    }) : () -> ()
    %scan3A_95 = arith.constant 0 : i32
    %scan3A_96 = arith.constant 0 : i32
    %scan3A_97 = arith.constant 26 : i32
    %scan3A_98 = arith.addi %scan3A_96, %scan3A_97 : i32
    %scan3A_99 = arith.constant 1 : i32
    %scan3A_100 = scf.for %scan3A_106 = %scan3A_96 to %scan3A_98 step %scan3A_99 iter_args(%scan3A_107 = %scan3A_95) -> (i32)  : i32 {
      %mul3A_108 = arith.constant 16 : i32
      %mul3A_109 = arith.muli %scan3A_106, %mul3A_108 : i32
      %add3A_110 = arith.constant 0 : i32
      %add3A_111 = arith.addi %mul3A_109, %add3A_110 : i32
      %get3A = arith.index_cast %add3A_111 : i32 to index
      %get3A_112 = tpu.vector_load %arg4[%get3A] {strides = array<i32>} : memref<4112xf32, #tpu.memory_space<vmem>>, vector<16xf32>,
      %get3A_113 = vector.shape_cast %get3A_112 : vector<16xf32> to vector<16xf32>
      %mul3A_114 = arith.constant 16 : i32
      %mul3A_115 = arith.muli %scan3A_106, %mul3A_114 : i32
      %add3A_116 = arith.constant 6 : i32
      %add3A_117 = arith.addi %mul3A_115, %add3A_116 : i32
      %get3A_118 = arith.index_cast %add3A_117 : i32 to index
      %get3A_119 = tpu.vector_load %arg5[%get3A_118] {strides = array<i32>} : memref<4112xf32, #tpu.memory_space<vmem>>, vector<16xf32>,
      %get3A_120 = vector.shape_cast %get3A_119 : vector<16xf32> to vector<16xf32>
      %mul3A_121 = arith.constant 16 : i32
      %mul3A_122 = arith.muli %scan3A_106, %mul3A_121 : i32
      %add3A_123 = arith.constant 4 : i32
      %add3A_124 = arith.addi %mul3A_122, %add3A_123 : i32
      %get3A_125 = arith.index_cast %add3A_124 : i32 to index
      %get3A_126 = tpu.vector_load %arg6[%get3A_125] {strides = array<i32>} : memref<4112xf32, #tpu.memory_space<vmem>>, vector<16xf32>,
      %get3A_127 = vector.shape_cast %get3A_126 : vector<16xf32> to vector<16xf32>
      %mul3A_128 = arith.constant 16 : i32
      %mul3A_129 = arith.muli %scan3A_106, %mul3A_128 : i32
      %add3A_130 = arith.constant 2 : i32
      %add3A_131 = arith.addi %mul3A_129, %add3A_130 : i32
      %get3A_132 = arith.index_cast %add3A_131 : i32 to index
      %get3A_133 = tpu.vector_load %arg7[%get3A_132] {strides = array<i32>} : memref<4112xf32, #tpu.memory_space<vmem>>, vector<16xf32>,
      %get3A_134 = vector.shape_cast %get3A_133 : vector<16xf32> to vector<16xf32>
      %mul3A_135 = arith.constant 16 : i32
      %mul3A_136 = arith.muli %scan3A_106, %mul3A_135 : i32
      %add3A_137 = arith.constant 0 : i32
      %add3A_138 = arith.addi %mul3A_136, %add3A_137 : i32
      %get3A_139 = arith.index_cast %add3A_138 : i32 to index
      %get3A_140 = tpu.vector_load %arg8[%get3A_139] {strides = array<i32>} : memref<4112xf32, #tpu.memory_space<vmem>>, vector<16xf32>,
      %get3A_141 = vector.shape_cast %get3A_140 : vector<16xf32> to vector<16xf32>
      %broadcast_in_dim3A = arith.constant 0.000000e+00 : f32
      %broadcast_in_dim3A_142 = vector.broadcast %broadcast_in_dim3A : f32 to vector<16xf32>
      %broadcast_in_dim3A_143 = vector.shape_cast %shift_right_arithmetic3A_11 : vector<16xi32> to vector<16x1xi32>
      %gather3A = vector.shape_cast %broadcast_in_dim3A_143 : vector<16x1xi32> to vector<16xi32>
      %gather3A_144 = tpu.dynamic_gather %get3A_113[%gather3A] in [0] : vector<16xf32>, vector<16xi32> -> vector<16xf32>
      %eq3A_145 = arith.constant 0 : i32
      %eq3A_146 = vector.broadcast %eq3A_145 : i32 to vector<16xi32>
      %eq3A_147 = arith.cmpi eq, %sub3A, %eq3A_146 : vector<16xi32>
      %select_n3A = arith.select %eq3A_147, %gather3A_144, %broadcast_in_dim3A_142 : vector<16xi1>, vector<16xf32>
      %broadcast_in_dim3A_148 = vector.shape_cast %shift_right_arithmetic3A_11 : vector<16xi32> to vector<16x1xi32>
      %gather3A_149 = vector.shape_cast %broadcast_in_dim3A_148 : vector<16x1xi32> to vector<16xi32>
      %gather3A_150 = tpu.dynamic_gather %get3A_120[%gather3A_149] in [0] : vector<16xf32>, vector<16xi32> -> vector<16xf32>
      %eq3A_151 = arith.constant 1 : i32
      %eq3A_152 = vector.broadcast %eq3A_151 : i32 to vector<16xi32>
      %eq3A_153 = arith.cmpi eq, %sub3A, %eq3A_152 : vector<16xi32>
      %select_n3A_154 = arith.select %eq3A_153, %gather3A_150, %select_n3A : vector<16xi1>, vector<16xf32>
      %broadcast_in_dim3A_155 = vector.shape_cast %shift_right_arithmetic3A_11 : vector<16xi32> to vector<16x1xi32>
      %gather3A_156 = vector.shape_cast %broadcast_in_dim3A_155 : vector<16x1xi32> to vector<16xi32>
      %gather3A_157 = tpu.dynamic_gather %get3A_127[%gather3A_156] in [0] : vector<16xf32>, vector<16xi32> -> vector<16xf32>
      %eq3A_158 = arith.constant 2 : i32
      %eq3A_159 = vector.broadcast %eq3A_158 : i32 to vector<16xi32>
      %eq3A_160 = arith.cmpi eq, %sub3A, %eq3A_159 : vector<16xi32>
      %select_n3A_161 = arith.select %eq3A_160, %gather3A_157, %select_n3A_154 : vector<16xi1>, vector<16xf32>
      %broadcast_in_dim3A_162 = vector.shape_cast %shift_right_arithmetic3A_11 : vector<16xi32> to vector<16x1xi32>
      %gather3A_163 = vector.shape_cast %broadcast_in_dim3A_162 : vector<16x1xi32> to vector<16xi32>
      %gather3A_164 = tpu.dynamic_gather %get3A_134[%gather3A_163] in [0] : vector<16xf32>, vector<16xi32> -> vector<16xf32>
      %eq3A_165 = arith.constant 3 : i32
      %eq3A_166 = vector.broadcast %eq3A_165 : i32 to vector<16xi32>
      %eq3A_167 = arith.cmpi eq, %sub3A, %eq3A_166 : vector<16xi32>
      %select_n3A_168 = arith.select %eq3A_167, %gather3A_164, %select_n3A_161 : vector<16xi1>, vector<16xf32>
      %broadcast_in_dim3A_169 = vector.shape_cast %shift_right_arithmetic3A_11 : vector<16xi32> to vector<16x1xi32>
      %gather3A_170 = vector.shape_cast %broadcast_in_dim3A_169 : vector<16x1xi32> to vector<16xi32>
      %gather3A_171 = tpu.dynamic_gather %get3A_141[%gather3A_170] in [0] : vector<16xf32>, vector<16xi32> -> vector<16xf32>
      %eq3A_172 = arith.constant 4 : i32
      %eq3A_173 = vector.broadcast %eq3A_172 : i32 to vector<16xi32>
      %eq3A_174 = arith.cmpi eq, %sub3A, %eq3A_173 : vector<16xi32>
      %select_n3A_175 = arith.select %eq3A_174, %gather3A_171, %select_n3A_168 : vector<16xi1>, vector<16xf32>
      %mul3A_176 = arith.constant 80 : i32
      %mul3A_177 = arith.muli %scan3A_106, %mul3A_176 : i32
      %add3A_178 = arith.constant 0 : i32
      %add3A_179 = arith.addi %mul3A_177, %add3A_178 : i32
      %swap3A = arith.index_cast %add3A_179 : i32 to index
      %swap3A_180 = tpu.vector_load %arg9[%swap3A] {strides = array<i32>} : memref<20480xf32, #tpu.memory_space<vmem>>, vector<16xf32>,
      %swap3A_181 = vector.shape_cast %swap3A_180 : vector<16xf32> to vector<16xf32>
      %swap3A_182 = vector.shape_cast %select_n3A_175 : vector<16xf32> to vector<16xf32>
      tpu.vector_store %arg9[%swap3A], %swap3A_182 {strides = array<i32>} : memref<20480xf32, #tpu.memory_space<vmem>>, vector<16xf32>,
      %broadcast_in_dim3A_183 = arith.constant 0.000000e+00 : f32
      %broadcast_in_dim3A_184 = vector.broadcast %broadcast_in_dim3A_183 : f32 to vector<16xf32>
      %broadcast_in_dim3A_185 = vector.shape_cast %shift_right_arithmetic3A_23 : vector<16xi32> to vector<16x1xi32>
      %gather3A_186 = vector.shape_cast %broadcast_in_dim3A_185 : vector<16x1xi32> to vector<16xi32>
      %gather3A_187 = tpu.dynamic_gather %get3A_113[%gather3A_186] in [0] : vector<16xf32>, vector<16xi32> -> vector<16xf32>
      %eq3A_188 = arith.constant 0 : i32
      %eq3A_189 = vector.broadcast %eq3A_188 : i32 to vector<16xi32>
      %eq3A_190 = arith.cmpi eq, %sub3A_27, %eq3A_189 : vector<16xi32>
      %select_n3A_191 = arith.select %eq3A_190, %gather3A_187, %broadcast_in_dim3A_184 : vector<16xi1>, vector<16xf32>
      %broadcast_in_dim3A_192 = vector.shape_cast %shift_right_arithmetic3A_23 : vector<16xi32> to vector<16x1xi32>
      %gather3A_193 = vector.shape_cast %broadcast_in_dim3A_192 : vector<16x1xi32> to vector<16xi32>
      %gather3A_194 = tpu.dynamic_gather %get3A_120[%gather3A_193] in [0] : vector<16xf32>, vector<16xi32> -> vector<16xf32>
      %eq3A_195 = arith.constant 1 : i32
      %eq3A_196 = vector.broadcast %eq3A_195 : i32 to vector<16xi32>
      %eq3A_197 = arith.cmpi eq, %sub3A_27, %eq3A_196 : vector<16xi32>
      %select_n3A_198 = arith.select %eq3A_197, %gather3A_194, %select_n3A_191 : vector<16xi1>, vector<16xf32>
      %broadcast_in_dim3A_199 = vector.shape_cast %shift_right_arithmetic3A_23 : vector<16xi32> to vector<16x1xi32>
      %gather3A_200 = vector.shape_cast %broadcast_in_dim3A_199 : vector<16x1xi32> to vector<16xi32>
      %gather3A_201 = tpu.dynamic_gather %get3A_127[%gather3A_200] in [0] : vector<16xf32>, vector<16xi32> -> vector<16xf32>
      %eq3A_202 = arith.constant 2 : i32
      %eq3A_203 = vector.broadcast %eq3A_202 : i32 to vector<16xi32>
      %eq3A_204 = arith.cmpi eq, %sub3A_27, %eq3A_203 : vector<16xi32>
      %select_n3A_205 = arith.select %eq3A_204, %gather3A_201, %select_n3A_198 : vector<16xi1>, vector<16xf32>
      %broadcast_in_dim3A_206 = vector.shape_cast %shift_right_arithmetic3A_23 : vector<16xi32> to vector<16x1xi32>
      %gather3A_207 = vector.shape_cast %broadcast_in_dim3A_206 : vector<16x1xi32> to vector<16xi32>
      %gather3A_208 = tpu.dynamic_gather %get3A_134[%gather3A_207] in [0] : vector<16xf32>, vector<16xi32> -> vector<16xf32>
      %eq3A_209 = arith.constant 3 : i32
      %eq3A_210 = vector.broadcast %eq3A_209 : i32 to vector<16xi32>
      %eq3A_211 = arith.cmpi eq, %sub3A_27, %eq3A_210 : vector<16xi32>
      %select_n3A_212 = arith.select %eq3A_211, %gather3A_208, %select_n3A_205 : vector<16xi1>, vector<16xf32>
      %broadcast_in_dim3A_213 = vector.shape_cast %shift_right_arithmetic3A_23 : vector<16xi32> to vector<16x1xi32>
      %gather3A_214 = vector.shape_cast %broadcast_in_dim3A_213 : vector<16x1xi32> to vector<16xi32>
      %gather3A_215 = tpu.dynamic_gather %get3A_141[%gather3A_214] in [0] : vector<16xf32>, vector<16xi32> -> vector<16xf32>
      %eq3A_216 = arith.constant 4 : i32
      %eq3A_217 = vector.broadcast %eq3A_216 : i32 to vector<16xi32>
      %eq3A_218 = arith.cmpi eq, %sub3A_27, %eq3A_217 : vector<16xi32>
      %select_n3A_219 = arith.select %eq3A_218, %gather3A_215, %select_n3A_212 : vector<16xi1>, vector<16xf32>
      %mul3A_220 = arith.constant 80 : i32
      %mul3A_221 = arith.muli %scan3A_106, %mul3A_220 : i32
      %add3A_222 = arith.constant 16 : i32
      %add3A_223 = arith.addi %mul3A_221, %add3A_222 : i32
      %swap3A_224 = arith.index_cast %add3A_223 : i32 to index
      %swap3A_225 = tpu.vector_load %arg9[%swap3A_224] {strides = array<i32>} : memref<20480xf32, #tpu.memory_space<vmem>>, vector<16xf32>,
      %swap3A_226 = vector.shape_cast %swap3A_225 : vector<16xf32> to vector<16xf32>
      %swap3A_227 = vector.shape_cast %select_n3A_219 : vector<16xf32> to vector<16xf32>
      tpu.vector_store %arg9[%swap3A_224], %swap3A_227 {strides = array<i32>} : memref<20480xf32, #tpu.memory_space<vmem>>, vector<16xf32>,
      %broadcast_in_dim3A_228 = arith.constant 0.000000e+00 : f32
      %broadcast_in_dim3A_229 = vector.broadcast %broadcast_in_dim3A_228 : f32 to vector<16xf32>
      %broadcast_in_dim3A_230 = vector.shape_cast %shift_right_arithmetic3A_36 : vector<16xi32> to vector<16x1xi32>
      %gather3A_231 = vector.shape_cast %broadcast_in_dim3A_230 : vector<16x1xi32> to vector<16xi32>
      %gather3A_232 = tpu.dynamic_gather %get3A_113[%gather3A_231] in [0] : vector<16xf32>, vector<16xi32> -> vector<16xf32>
      %eq3A_233 = arith.constant 0 : i32
      %eq3A_234 = vector.broadcast %eq3A_233 : i32 to vector<16xi32>
      %eq3A_235 = arith.cmpi eq, %sub3A_40, %eq3A_234 : vector<16xi32>
      %select_n3A_236 = arith.select %eq3A_235, %gather3A_232, %broadcast_in_dim3A_229 : vector<16xi1>, vector<16xf32>
      %broadcast_in_dim3A_237 = vector.shape_cast %shift_right_arithmetic3A_36 : vector<16xi32> to vector<16x1xi32>
      %gather3A_238 = vector.shape_cast %broadcast_in_dim3A_237 : vector<16x1xi32> to vector<16xi32>
      %gather3A_239 = tpu.dynamic_gather %get3A_120[%gather3A_238] in [0] : vector<16xf32>, vector<16xi32> -> vector<16xf32>
      %eq3A_240 = arith.constant 1 : i32
      %eq3A_241 = vector.broadcast %eq3A_240 : i32 to vector<16xi32>
      %eq3A_242 = arith.cmpi eq, %sub3A_40, %eq3A_241 : vector<16xi32>
      %select_n3A_243 = arith.select %eq3A_242, %gather3A_239, %select_n3A_236 : vector<16xi1>, vector<16xf32>
      %broadcast_in_dim3A_244 = vector.shape_cast %shift_right_arithmetic3A_36 : vector<16xi32> to vector<16x1xi32>
      %gather3A_245 = vector.shape_cast %broadcast_in_dim3A_244 : vector<16x1xi32> to vector<16xi32>
      %gather3A_246 = tpu.dynamic_gather %get3A_127[%gather3A_245] in [0] : vector<16xf32>, vector<16xi32> -> vector<16xf32>
      %eq3A_247 = arith.constant 2 : i32
      %eq3A_248 = vector.broadcast %eq3A_247 : i32 to vector<16xi32>
      %eq3A_249 = arith.cmpi eq, %sub3A_40, %eq3A_248 : vector<16xi32>
      %select_n3A_250 = arith.select %eq3A_249, %gather3A_246, %select_n3A_243 : vector<16xi1>, vector<16xf32>
      %broadcast_in_dim3A_251 = vector.shape_cast %shift_right_arithmetic3A_36 : vector<16xi32> to vector<16x1xi32>
      %gather3A_252 = vector.shape_cast %broadcast_in_dim3A_251 : vector<16x1xi32> to vector<16xi32>
      %gather3A_253 = tpu.dynamic_gather %get3A_134[%gather3A_252] in [0] : vector<16xf32>, vector<16xi32> -> vector<16xf32>
      %eq3A_254 = arith.constant 3 : i32
      %eq3A_255 = vector.broadcast %eq3A_254 : i32 to vector<16xi32>
      %eq3A_256 = arith.cmpi eq, %sub3A_40, %eq3A_255 : vector<16xi32>
      %select_n3A_257 = arith.select %eq3A_256, %gather3A_253, %select_n3A_250 : vector<16xi1>, vector<16xf32>
      %broadcast_in_dim3A_258 = vector.shape_cast %shift_right_arithmetic3A_36 : vector<16xi32> to vector<16x1xi32>
      %gather3A_259 = vector.shape_cast %broadcast_in_dim3A_258 : vector<16x1xi32> to vector<16xi32>
      %gather3A_260 = tpu.dynamic_gather %get3A_141[%gather3A_259] in [0] : vector<16xf32>, vector<16xi32> -> vector<16xf32>
      %eq3A_261 = arith.constant 4 : i32
      %eq3A_262 = vector.broadcast %eq3A_261 : i32 to vector<16xi32>
      %eq3A_263 = arith.cmpi eq, %sub3A_40, %eq3A_262 : vector<16xi32>
      %select_n3A_264 = arith.select %eq3A_263, %gather3A_260, %select_n3A_257 : vector<16xi1>, vector<16xf32>
      %mul3A_265 = arith.constant 80 : i32
      %mul3A_266 = arith.muli %scan3A_106, %mul3A_265 : i32
      %add3A_267 = arith.constant 32 : i32
      %add3A_268 = arith.addi %mul3A_266, %add3A_267 : i32
      %swap3A_269 = arith.index_cast %add3A_268 : i32 to index
      %swap3A_270 = tpu.vector_load %arg9[%swap3A_269] {strides = array<i32>} : memref<20480xf32, #tpu.memory_space<vmem>>, vector<16xf32>,
      %swap3A_271 = vector.shape_cast %swap3A_270 : vector<16xf32> to vector<16xf32>
      %swap3A_272 = vector.shape_cast %select_n3A_264 : vector<16xf32> to vector<16xf32>
      tpu.vector_store %arg9[%swap3A_269], %swap3A_272 {strides = array<i32>} : memref<20480xf32, #tpu.memory_space<vmem>>, vector<16xf32>,
      %broadcast_in_dim3A_273 = arith.constant 0.000000e+00 : f32
      %broadcast_in_dim3A_274 = vector.broadcast %broadcast_in_dim3A_273 : f32 to vector<16xf32>
      %broadcast_in_dim3A_275 = vector.shape_cast %shift_right_arithmetic3A_49 : vector<16xi32> to vector<16x1xi32>
      %gather3A_276 = vector.shape_cast %broadcast_in_dim3A_275 : vector<16x1xi32> to vector<16xi32>
      %gather3A_277 = tpu.dynamic_gather %get3A_113[%gather3A_276] in [0] : vector<16xf32>, vector<16xi32> -> vector<16xf32>
      %eq3A_278 = arith.constant 0 : i32
      %eq3A_279 = vector.broadcast %eq3A_278 : i32 to vector<16xi32>
      %eq3A_280 = arith.cmpi eq, %sub3A_53, %eq3A_279 : vector<16xi32>
      %select_n3A_281 = arith.select %eq3A_280, %gather3A_277, %broadcast_in_dim3A_274 : vector<16xi1>, vector<16xf32>
      %broadcast_in_dim3A_282 = vector.shape_cast %shift_right_arithmetic3A_49 : vector<16xi32> to vector<16x1xi32>
      %gather3A_283 = vector.shape_cast %broadcast_in_dim3A_282 : vector<16x1xi32> to vector<16xi32>
      %gather3A_284 = tpu.dynamic_gather %get3A_120[%gather3A_283] in [0] : vector<16xf32>, vector<16xi32> -> vector<16xf32>
      %eq3A_285 = arith.constant 1 : i32
      %eq3A_286 = vector.broadcast %eq3A_285 : i32 to vector<16xi32>
      %eq3A_287 = arith.cmpi eq, %sub3A_53, %eq3A_286 : vector<16xi32>
      %select_n3A_288 = arith.select %eq3A_287, %gather3A_284, %select_n3A_281 : vector<16xi1>, vector<16xf32>
      %broadcast_in_dim3A_289 = vector.shape_cast %shift_right_arithmetic3A_49 : vector<16xi32> to vector<16x1xi32>
      %gather3A_290 = vector.shape_cast %broadcast_in_dim3A_289 : vector<16x1xi32> to vector<16xi32>
      %gather3A_291 = tpu.dynamic_gather %get3A_127[%gather3A_290] in [0] : vector<16xf32>, vector<16xi32> -> vector<16xf32>
      %eq3A_292 = arith.constant 2 : i32
      %eq3A_293 = vector.broadcast %eq3A_292 : i32 to vector<16xi32>
      %eq3A_294 = arith.cmpi eq, %sub3A_53, %eq3A_293 : vector<16xi32>
      %select_n3A_295 = arith.select %eq3A_294, %gather3A_291, %select_n3A_288 : vector<16xi1>, vector<16xf32>
      %broadcast_in_dim3A_296 = vector.shape_cast %shift_right_arithmetic3A_49 : vector<16xi32> to vector<16x1xi32>
      %gather3A_297 = vector.shape_cast %broadcast_in_dim3A_296 : vector<16x1xi32> to vector<16xi32>
      %gather3A_298 = tpu.dynamic_gather %get3A_134[%gather3A_297] in [0] : vector<16xf32>, vector<16xi32> -> vector<16xf32>
      %eq3A_299 = arith.constant 3 : i32
      %eq3A_300 = vector.broadcast %eq3A_299 : i32 to vector<16xi32>
      %eq3A_301 = arith.cmpi eq, %sub3A_53, %eq3A_300 : vector<16xi32>
      %select_n3A_302 = arith.select %eq3A_301, %gather3A_298, %select_n3A_295 : vector<16xi1>, vector<16xf32>
      %broadcast_in_dim3A_303 = vector.shape_cast %shift_right_arithmetic3A_49 : vector<16xi32> to vector<16x1xi32>
      %gather3A_304 = vector.shape_cast %broadcast_in_dim3A_303 : vector<16x1xi32> to vector<16xi32>
      %gather3A_305 = tpu.dynamic_gather %get3A_141[%gather3A_304] in [0] : vector<16xf32>, vector<16xi32> -> vector<16xf32>
      %eq3A_306 = arith.constant 4 : i32
      %eq3A_307 = vector.broadcast %eq3A_306 : i32 to vector<16xi32>
      %eq3A_308 = arith.cmpi eq, %sub3A_53, %eq3A_307 : vector<16xi32>
      %select_n3A_309 = arith.select %eq3A_308, %gather3A_305, %select_n3A_302 : vector<16xi1>, vector<16xf32>
      %mul3A_310 = arith.constant 80 : i32
      %mul3A_311 = arith.muli %scan3A_106, %mul3A_310 : i32
      %add3A_312 = arith.constant 48 : i32
      %add3A_313 = arith.addi %mul3A_311, %add3A_312 : i32
      %swap3A_314 = arith.index_cast %add3A_313 : i32 to index
      %swap3A_315 = tpu.vector_load %arg9[%swap3A_314] {strides = array<i32>} : memref<20480xf32, #tpu.memory_space<vmem>>, vector<16xf32>,
      %swap3A_316 = vector.shape_cast %swap3A_315 : vector<16xf32> to vector<16xf32>
      %swap3A_317 = vector.shape_cast %select_n3A_309 : vector<16xf32> to vector<16xf32>
      tpu.vector_store %arg9[%swap3A_314], %swap3A_317 {strides = array<i32>} : memref<20480xf32, #tpu.memory_space<vmem>>, vector<16xf32>,
      %broadcast_in_dim3A_318 = arith.constant 0.000000e+00 : f32
      %broadcast_in_dim3A_319 = vector.broadcast %broadcast_in_dim3A_318 : f32 to vector<16xf32>
      %broadcast_in_dim3A_320 = vector.shape_cast %shift_right_arithmetic3A_62 : vector<16xi32> to vector<16x1xi32>
      %gather3A_321 = vector.shape_cast %broadcast_in_dim3A_320 : vector<16x1xi32> to vector<16xi32>
      %gather3A_322 = tpu.dynamic_gather %get3A_113[%gather3A_321] in [0] : vector<16xf32>, vector<16xi32> -> vector<16xf32>
      %eq3A_323 = arith.constant 0 : i32
      %eq3A_324 = vector.broadcast %eq3A_323 : i32 to vector<16xi32>
      %eq3A_325 = arith.cmpi eq, %sub3A_66, %eq3A_324 : vector<16xi32>
      %select_n3A_326 = arith.select %eq3A_325, %gather3A_322, %broadcast_in_dim3A_319 : vector<16xi1>, vector<16xf32>
      %broadcast_in_dim3A_327 = vector.shape_cast %shift_right_arithmetic3A_62 : vector<16xi32> to vector<16x1xi32>
      %gather3A_328 = vector.shape_cast %broadcast_in_dim3A_327 : vector<16x1xi32> to vector<16xi32>
      %gather3A_329 = tpu.dynamic_gather %get3A_120[%gather3A_328] in [0] : vector<16xf32>, vector<16xi32> -> vector<16xf32>
      %eq3A_330 = arith.constant 1 : i32
      %eq3A_331 = vector.broadcast %eq3A_330 : i32 to vector<16xi32>
      %eq3A_332 = arith.cmpi eq, %sub3A_66, %eq3A_331 : vector<16xi32>
      %select_n3A_333 = arith.select %eq3A_332, %gather3A_329, %select_n3A_326 : vector<16xi1>, vector<16xf32>
      %broadcast_in_dim3A_334 = vector.shape_cast %shift_right_arithmetic3A_62 : vector<16xi32> to vector<16x1xi32>
      %gather3A_335 = vector.shape_cast %broadcast_in_dim3A_334 : vector<16x1xi32> to vector<16xi32>
      %gather3A_336 = tpu.dynamic_gather %get3A_127[%gather3A_335] in [0] : vector<16xf32>, vector<16xi32> -> vector<16xf32>
      %eq3A_337 = arith.constant 2 : i32
      %eq3A_338 = vector.broadcast %eq3A_337 : i32 to vector<16xi32>
      %eq3A_339 = arith.cmpi eq, %sub3A_66, %eq3A_338 : vector<16xi32>
      %select_n3A_340 = arith.select %eq3A_339, %gather3A_336, %select_n3A_333 : vector<16xi1>, vector<16xf32>
      %broadcast_in_dim3A_341 = vector.shape_cast %shift_right_arithmetic3A_62 : vector<16xi32> to vector<16x1xi32>
      %gather3A_342 = vector.shape_cast %broadcast_in_dim3A_341 : vector<16x1xi32> to vector<16xi32>
      %gather3A_343 = tpu.dynamic_gather %get3A_134[%gather3A_342] in [0] : vector<16xf32>, vector<16xi32> -> vector<16xf32>
      %eq3A_344 = arith.constant 3 : i32
      %eq3A_345 = vector.broadcast %eq3A_344 : i32 to vector<16xi32>
      %eq3A_346 = arith.cmpi eq, %sub3A_66, %eq3A_345 : vector<16xi32>
      %select_n3A_347 = arith.select %eq3A_346, %gather3A_343, %select_n3A_340 : vector<16xi1>, vector<16xf32>
      %broadcast_in_dim3A_348 = vector.shape_cast %shift_right_arithmetic3A_62 : vector<16xi32> to vector<16x1xi32>
      %gather3A_349 = vector.shape_cast %broadcast_in_dim3A_348 : vector<16x1xi32> to vector<16xi32>
      %gather3A_350 = tpu.dynamic_gather %get3A_141[%gather3A_349] in [0] : vector<16xf32>, vector<16xi32> -> vector<16xf32>
      %eq3A_351 = arith.constant 4 : i32
      %eq3A_352 = vector.broadcast %eq3A_351 : i32 to vector<16xi32>
      %eq3A_353 = arith.cmpi eq, %sub3A_66, %eq3A_352 : vector<16xi32>
      %select_n3A_354 = arith.select %eq3A_353, %gather3A_350, %select_n3A_347 : vector<16xi1>, vector<16xf32>
      %mul3A_355 = arith.constant 80 : i32
      %mul3A_356 = arith.muli %scan3A_106, %mul3A_355 : i32
      %add3A_357 = arith.constant 64 : i32
      %add3A_358 = arith.addi %mul3A_356, %add3A_357 : i32
      %swap3A_359 = arith.index_cast %add3A_358 : i32 to index
      %swap3A_360 = tpu.vector_load %arg9[%swap3A_359] {strides = array<i32>} : memref<20480xf32, #tpu.memory_space<vmem>>, vector<16xf32>,
      %swap3A_361 = vector.shape_cast %swap3A_360 : vector<16xf32> to vector<16xf32>
      %swap3A_362 = vector.shape_cast %select_n3A_354 : vector<16xf32> to vector<16xf32>
      tpu.vector_store %arg9[%swap3A_359], %swap3A_362 {strides = array<i32>} : memref<20480xf32, #tpu.memory_space<vmem>>, vector<16xf32>,
      %scan3A_363 = arith.constant 0 : i32
      scf.yield %scan3A_363 : i32
    }
    %scan3A_101 = arith.constant 26 : i32
    %mul3A_102 = arith.constant 5 : i32
    %mul3A_103 = arith.muli %add3A_74, %mul3A_102 : i32
    "tpu.region"() ({
      %run_scoped3A = tpu.sem_alloc : memref<!tpu.dma_semaphore, #tpu.memory_space<semaphore_mem>>
      %dma_start3A = arith.constant 0 : i32
      %dma_start3A_106 = tpu.memref_slice %arg9[%dma_start3A] : memref<20480xf32, #tpu.memory_space<vmem>> -> memref<2080xf32, #tpu.memory_space<vmem>>
      %dma_start3A_107 = tpu.memref_slice %arg3[%mul3A_103] : memref<7930630xf32, #tpu.memory_space<hbm>> -> memref<2080xf32, #tpu.memory_space<hbm>>
      %dma_start3A_108 = tpu.memref_slice %arg3[%mul3A_103] : memref<7930630xf32, #tpu.memory_space<hbm>> -> memref<2080xf32, #tpu.memory_space<hbm>>
      %dma_start3A_109 = arith.constant 0 : i32
      %dma_start3A_110 = tpu.memref_slice %arg9[%dma_start3A_109] : memref<20480xf32, #tpu.memory_space<vmem>> -> memref<2080xf32, #tpu.memory_space<vmem>>
      tpu.enqueue_dma source(%dma_start3A_110 : memref<2080xf32, #tpu.memory_space<vmem>>) target(%dma_start3A_108 : memref<2080xf32, #tpu.memory_space<hbm>>) target_semaphore(%run_scoped3A : memref<!tpu.dma_semaphore, #tpu.memory_space<semaphore_mem>>)
      %dma_wait3A = arith.constant 0 : i32
      %dma_wait3A_111 = tpu.memref_slice %arg9[%dma_wait3A] : memref<20480xf32, #tpu.memory_space<vmem>> -> memref<2080xf32, #tpu.memory_space<vmem>>
      %dma_wait3A_112 = tpu.memref_slice %arg3[%mul3A_103] : memref<7930630xf32, #tpu.memory_space<hbm>> -> memref<2080xf32, #tpu.memory_space<hbm>>
      %dma_wait3A_113 = tpu.memref_slice %arg3[%mul3A_103] : memref<7930630xf32, #tpu.memory_space<hbm>> -> memref<2080xf32, #tpu.memory_space<hbm>>
      %dma_wait3A_114 = arith.constant 0 : i32
      %dma_wait3A_115 = tpu.memref_slice %arg9[%dma_wait3A_114] : memref<20480xf32, #tpu.memory_space<vmem>> -> memref<2080xf32, #tpu.memory_space<vmem>>
      tpu.wait_dma2 semaphore(%run_scoped3A : memref<!tpu.dma_semaphore, #tpu.memory_space<semaphore_mem>>) src(%dma_wait3A_115 : memref<2080xf32, #tpu.memory_space<vmem>>) dst(%dma_wait3A_113 : memref<2080xf32, #tpu.memory_space<hbm>>)
      tpu.yield
    }) : () -> ()
    %eq3A = arith.constant 0 : i32
    %eq3A_104 = arith.cmpi eq, %add3A, %eq3A : i32
    %convert_element_type3A = arith.extui %eq3A_104 : i1 to i32
    %cond3A = arith.constant 0 : i32
    %cond3A_105 = arith.cmpi ne, %convert_element_type3A, %cond3A : i32
    scf.if %cond3A_105 {
      "tpu.region"() ({
        %run_scoped3A = tpu.sem_alloc : memref<!tpu.dma_semaphore, #tpu.memory_space<semaphore_mem>>
        %dma_start3A = arith.constant 0 : i32
        %dma_start3A_550 = tpu.memref_slice %arg4[%dma_start3A] : memref<4112xf32, #tpu.memory_space<vmem>> -> memref<22xf32, #tpu.memory_space<vmem>>
        %dma_start3A_551 = arith.constant 1586104 : i32
        %dma_start3A_552 = tpu.memref_slice %arg2[%dma_start3A_551] : memref<7930630xf32, #tpu.memory_space<hbm>> -> memref<22xf32, #tpu.memory_space<hbm>>
        %dma_start3A_553 = arith.constant 0 : i32
        %dma_start3A_554 = tpu.memref_slice %arg4[%dma_start3A_553] : memref<4112xf32, #tpu.memory_space<vmem>> -> memref<22xf32, #tpu.memory_space<vmem>>
        %dma_start3A_555 = arith.constant 1586104 : i32
        %dma_start3A_556 = tpu.memref_slice %arg2[%dma_start3A_555] : memref<7930630xf32, #tpu.memory_space<hbm>> -> memref<22xf32, #tpu.memory_space<hbm>>
        tpu.enqueue_dma source(%dma_start3A_556 : memref<22xf32, #tpu.memory_space<hbm>>) target(%dma_start3A_554 : memref<22xf32, #tpu.memory_space<vmem>>) target_semaphore(%run_scoped3A : memref<!tpu.dma_semaphore, #tpu.memory_space<semaphore_mem>>)
        %dma_wait3A = arith.constant 0 : i32
        %dma_wait3A_557 = tpu.memref_slice %arg4[%dma_wait3A] : memref<4112xf32, #tpu.memory_space<vmem>> -> memref<22xf32, #tpu.memory_space<vmem>>
        %dma_wait3A_558 = arith.constant 1586104 : i32
        %dma_wait3A_559 = tpu.memref_slice %arg2[%dma_wait3A_558] : memref<7930630xf32, #tpu.memory_space<hbm>> -> memref<22xf32, #tpu.memory_space<hbm>>
        %dma_wait3A_560 = arith.constant 0 : i32
        %dma_wait3A_561 = tpu.memref_slice %arg4[%dma_wait3A_560] : memref<4112xf32, #tpu.memory_space<vmem>> -> memref<22xf32, #tpu.memory_space<vmem>>
        %dma_wait3A_562 = arith.constant 1586104 : i32
        %dma_wait3A_563 = tpu.memref_slice %arg2[%dma_wait3A_562] : memref<7930630xf32, #tpu.memory_space<hbm>> -> memref<22xf32, #tpu.memory_space<hbm>>
        tpu.wait_dma2 semaphore(%run_scoped3A : memref<!tpu.dma_semaphore, #tpu.memory_space<semaphore_mem>>) src(%dma_wait3A_563 : memref<22xf32, #tpu.memory_space<hbm>>) dst(%dma_wait3A_561 : memref<22xf32, #tpu.memory_space<vmem>>)
        tpu.yield
      }) : () -> ()
      "tpu.region"() ({
        %run_scoped3A = tpu.sem_alloc : memref<!tpu.dma_semaphore, #tpu.memory_space<semaphore_mem>>
        %dma_start3A = arith.constant 0 : i32
        %dma_start3A_550 = tpu.memref_slice %arg5[%dma_start3A] : memref<4112xf32, #tpu.memory_space<vmem>> -> memref<28xf32, #tpu.memory_space<vmem>>
        %dma_start3A_551 = arith.constant 3172224 : i32
        %dma_start3A_552 = tpu.memref_slice %arg2[%dma_start3A_551] : memref<7930630xf32, #tpu.memory_space<hbm>> -> memref<28xf32, #tpu.memory_space<hbm>>
        %dma_start3A_553 = arith.constant 0 : i32
        %dma_start3A_554 = tpu.memref_slice %arg5[%dma_start3A_553] : memref<4112xf32, #tpu.memory_space<vmem>> -> memref<28xf32, #tpu.memory_space<vmem>>
        %dma_start3A_555 = arith.constant 3172224 : i32
        %dma_start3A_556 = tpu.memref_slice %arg2[%dma_start3A_555] : memref<7930630xf32, #tpu.memory_space<hbm>> -> memref<28xf32, #tpu.memory_space<hbm>>
        tpu.enqueue_dma source(%dma_start3A_556 : memref<28xf32, #tpu.memory_space<hbm>>) target(%dma_start3A_554 : memref<28xf32, #tpu.memory_space<vmem>>) target_semaphore(%run_scoped3A : memref<!tpu.dma_semaphore, #tpu.memory_space<semaphore_mem>>)
        %dma_wait3A = arith.constant 0 : i32
        %dma_wait3A_557 = tpu.memref_slice %arg5[%dma_wait3A] : memref<4112xf32, #tpu.memory_space<vmem>> -> memref<28xf32, #tpu.memory_space<vmem>>
        %dma_wait3A_558 = arith.constant 3172224 : i32
        %dma_wait3A_559 = tpu.memref_slice %arg2[%dma_wait3A_558] : memref<7930630xf32, #tpu.memory_space<hbm>> -> memref<28xf32, #tpu.memory_space<hbm>>
        %dma_wait3A_560 = arith.constant 0 : i32
        %dma_wait3A_561 = tpu.memref_slice %arg5[%dma_wait3A_560] : memref<4112xf32, #tpu.memory_space<vmem>> -> memref<28xf32, #tpu.memory_space<vmem>>
        %dma_wait3A_562 = arith.constant 3172224 : i32
        %dma_wait3A_563 = tpu.memref_slice %arg2[%dma_wait3A_562] : memref<7930630xf32, #tpu.memory_space<hbm>> -> memref<28xf32, #tpu.memory_space<hbm>>
        tpu.wait_dma2 semaphore(%run_scoped3A : memref<!tpu.dma_semaphore, #tpu.memory_space<semaphore_mem>>) src(%dma_wait3A_563 : memref<28xf32, #tpu.memory_space<hbm>>) dst(%dma_wait3A_561 : memref<28xf32, #tpu.memory_space<vmem>>)
        tpu.yield
      }) : () -> ()
      "tpu.region"() ({
        %run_scoped3A = tpu.sem_alloc : memref<!tpu.dma_semaphore, #tpu.memory_space<semaphore_mem>>
        %dma_start3A = arith.constant 0 : i32
        %dma_start3A_550 = tpu.memref_slice %arg6[%dma_start3A] : memref<4112xf32, #tpu.memory_space<vmem>> -> memref<26xf32, #tpu.memory_space<vmem>>
        %dma_start3A_551 = arith.constant 4758352 : i32
        %dma_start3A_552 = tpu.memref_slice %arg2[%dma_start3A_551] : memref<7930630xf32, #tpu.memory_space<hbm>> -> memref<26xf32, #tpu.memory_space<hbm>>
        %dma_start3A_553 = arith.constant 0 : i32
        %dma_start3A_554 = tpu.memref_slice %arg6[%dma_start3A_553] : memref<4112xf32, #tpu.memory_space<vmem>> -> memref<26xf32, #tpu.memory_space<vmem>>
        %dma_start3A_555 = arith.constant 4758352 : i32
        %dma_start3A_556 = tpu.memref_slice %arg2[%dma_start3A_555] : memref<7930630xf32, #tpu.memory_space<hbm>> -> memref<26xf32, #tpu.memory_space<hbm>>
        tpu.enqueue_dma source(%dma_start3A_556 : memref<26xf32, #tpu.memory_space<hbm>>) target(%dma_start3A_554 : memref<26xf32, #tpu.memory_space<vmem>>) target_semaphore(%run_scoped3A : memref<!tpu.dma_semaphore, #tpu.memory_space<semaphore_mem>>)
        %dma_wait3A = arith.constant 0 : i32
        %dma_wait3A_557 = tpu.memref_slice %arg6[%dma_wait3A] : memref<4112xf32, #tpu.memory_space<vmem>> -> memref<26xf32, #tpu.memory_space<vmem>>
        %dma_wait3A_558 = arith.constant 4758352 : i32
        %dma_wait3A_559 = tpu.memref_slice %arg2[%dma_wait3A_558] : memref<7930630xf32, #tpu.memory_space<hbm>> -> memref<26xf32, #tpu.memory_space<hbm>>
        %dma_wait3A_560 = arith.constant 0 : i32
        %dma_wait3A_561 = tpu.memref_slice %arg6[%dma_wait3A_560] : memref<4112xf32, #tpu.memory_space<vmem>> -> memref<26xf32, #tpu.memory_space<vmem>>
        %dma_wait3A_562 = arith.constant 4758352 : i32
        %dma_wait3A_563 = tpu.memref_slice %arg2[%dma_wait3A_562] : memref<7930630xf32, #tpu.memory_space<hbm>> -> memref<26xf32, #tpu.memory_space<hbm>>
        tpu.wait_dma2 semaphore(%run_scoped3A : memref<!tpu.dma_semaphore, #tpu.memory_space<semaphore_mem>>) src(%dma_wait3A_563 : memref<26xf32, #tpu.memory_space<hbm>>) dst(%dma_wait3A_561 : memref<26xf32, #tpu.memory_space<vmem>>)
        tpu.yield
      }) : () -> ()
      "tpu.region"() ({
        %run_scoped3A = tpu.sem_alloc : memref<!tpu.dma_semaphore, #tpu.memory_space<semaphore_mem>>
        %dma_start3A = arith.constant 0 : i32
        %dma_start3A_550 = tpu.memref_slice %arg7[%dma_start3A] : memref<4112xf32, #tpu.memory_space<vmem>> -> memref<24xf32, #tpu.memory_space<vmem>>
        %dma_start3A_551 = arith.constant 6344480 : i32
        %dma_start3A_552 = tpu.memref_slice %arg2[%dma_start3A_551] : memref<7930630xf32, #tpu.memory_space<hbm>> -> memref<24xf32, #tpu.memory_space<hbm>>
        %dma_start3A_553 = arith.constant 0 : i32
        %dma_start3A_554 = tpu.memref_slice %arg7[%dma_start3A_553] : memref<4112xf32, #tpu.memory_space<vmem>> -> memref<24xf32, #tpu.memory_space<vmem>>
        %dma_start3A_555 = arith.constant 6344480 : i32
        %dma_start3A_556 = tpu.memref_slice %arg2[%dma_start3A_555] : memref<7930630xf32, #tpu.memory_space<hbm>> -> memref<24xf32, #tpu.memory_space<hbm>>
        tpu.enqueue_dma source(%dma_start3A_556 : memref<24xf32, #tpu.memory_space<hbm>>) target(%dma_start3A_554 : memref<24xf32, #tpu.memory_space<vmem>>) target_semaphore(%run_scoped3A : memref<!tpu.dma_semaphore, #tpu.memory_space<semaphore_mem>>)
        %dma_wait3A = arith.constant 0 : i32
        %dma_wait3A_557 = tpu.memref_slice %arg7[%dma_wait3A] : memref<4112xf32, #tpu.memory_space<vmem>> -> memref<24xf32, #tpu.memory_space<vmem>>
        %dma_wait3A_558 = arith.constant 6344480 : i32
        %dma_wait3A_559 = tpu.memref_slice %arg2[%dma_wait3A_558] : memref<7930630xf32, #tpu.memory_space<hbm>> -> memref<24xf32, #tpu.memory_space<hbm>>
        %dma_wait3A_560 = arith.constant 0 : i32
        %dma_wait3A_561 = tpu.memref_slice %arg7[%dma_wait3A_560] : memref<4112xf32, #tpu.memory_space<vmem>> -> memref<24xf32, #tpu.memory_space<vmem>>
        %dma_wait3A_562 = arith.constant 6344480 : i32
        %dma_wait3A_563 = tpu.memref_slice %arg2[%dma_wait3A_562] : memref<7930630xf32, #tpu.memory_space<hbm>> -> memref<24xf32, #tpu.memory_space<hbm>>
        tpu.wait_dma2 semaphore(%run_scoped3A : memref<!tpu.dma_semaphore, #tpu.memory_space<semaphore_mem>>) src(%dma_wait3A_563 : memref<24xf32, #tpu.memory_space<hbm>>) dst(%dma_wait3A_561 : memref<24xf32, #tpu.memory_space<vmem>>)
        tpu.yield
      }) : () -> ()
      "tpu.region"() ({
        %run_scoped3A = tpu.sem_alloc : memref<!tpu.dma_semaphore, #tpu.memory_space<semaphore_mem>>
        %dma_start3A = arith.constant 0 : i32
        %dma_start3A_550 = tpu.memref_slice %arg8[%dma_start3A] : memref<4112xf32, #tpu.memory_space<vmem>> -> memref<22xf32, #tpu.memory_space<vmem>>
        %dma_start3A_551 = arith.constant 7930608 : i32
        %dma_start3A_552 = tpu.memref_slice %arg2[%dma_start3A_551] : memref<7930630xf32, #tpu.memory_space<hbm>> -> memref<22xf32, #tpu.memory_space<hbm>>
        %dma_start3A_553 = arith.constant 0 : i32
        %dma_start3A_554 = tpu.memref_slice %arg8[%dma_start3A_553] : memref<4112xf32, #tpu.memory_space<vmem>> -> memref<22xf32, #tpu.memory_space<vmem>>
        %dma_start3A_555 = arith.constant 7930608 : i32
        %dma_start3A_556 = tpu.memref_slice %arg2[%dma_start3A_555] : memref<7930630xf32, #tpu.memory_space<hbm>> -> memref<22xf32, #tpu.memory_space<hbm>>
        tpu.enqueue_dma source(%dma_start3A_556 : memref<22xf32, #tpu.memory_space<hbm>>) target(%dma_start3A_554 : memref<22xf32, #tpu.memory_space<vmem>>) target_semaphore(%run_scoped3A : memref<!tpu.dma_semaphore, #tpu.memory_space<semaphore_mem>>)
        %dma_wait3A = arith.constant 0 : i32
        %dma_wait3A_557 = tpu.memref_slice %arg8[%dma_wait3A] : memref<4112xf32, #tpu.memory_space<vmem>> -> memref<22xf32, #tpu.memory_space<vmem>>
        %dma_wait3A_558 = arith.constant 7930608 : i32
        %dma_wait3A_559 = tpu.memref_slice %arg2[%dma_wait3A_558] : memref<7930630xf32, #tpu.memory_space<hbm>> -> memref<22xf32, #tpu.memory_space<hbm>>
        %dma_wait3A_560 = arith.constant 0 : i32
        %dma_wait3A_561 = tpu.memref_slice %arg8[%dma_wait3A_560] : memref<4112xf32, #tpu.memory_space<vmem>> -> memref<22xf32, #tpu.memory_space<vmem>>
        %dma_wait3A_562 = arith.constant 7930608 : i32
        %dma_wait3A_563 = tpu.memref_slice %arg2[%dma_wait3A_562] : memref<7930630xf32, #tpu.memory_space<hbm>> -> memref<22xf32, #tpu.memory_space<hbm>>
        tpu.wait_dma2 semaphore(%run_scoped3A : memref<!tpu.dma_semaphore, #tpu.memory_space<semaphore_mem>>) src(%dma_wait3A_563 : memref<22xf32, #tpu.memory_space<hbm>>) dst(%dma_wait3A_561 : memref<22xf32, #tpu.memory_space<vmem>>)
        tpu.yield
      }) : () -> ()
      %get3A = arith.constant 0 : index
      %get3A_106 = tpu.vector_load %arg4[%get3A] {strides = array<i32>} : memref<4112xf32, #tpu.memory_space<vmem>>, vector<16xf32>,
      %get3A_107 = vector.shape_cast %get3A_106 : vector<16xf32> to vector<16xf32>
      %get3A_108 = arith.constant 6 : index
      %get3A_109 = tpu.vector_load %arg5[%get3A_108] {strides = array<i32>} : memref<4112xf32, #tpu.memory_space<vmem>>, vector<16xf32>,
      %get3A_110 = vector.shape_cast %get3A_109 : vector<16xf32> to vector<16xf32>
      %get3A_111 = arith.constant 4 : index
      %get3A_112 = tpu.vector_load %arg6[%get3A_111] {strides = array<i32>} : memref<4112xf32, #tpu.memory_space<vmem>>, vector<16xf32>,
      %get3A_113 = vector.shape_cast %get3A_112 : vector<16xf32> to vector<16xf32>
      %get3A_114 = arith.constant 2 : index
      %get3A_115 = tpu.vector_load %arg7[%get3A_114] {strides = array<i32>} : memref<4112xf32, #tpu.memory_space<vmem>>, vector<16xf32>,
      %get3A_116 = vector.shape_cast %get3A_115 : vector<16xf32> to vector<16xf32>
      %get3A_117 = arith.constant 0 : index
      %get3A_118 = tpu.vector_load %arg8[%get3A_117] {strides = array<i32>} : memref<4112xf32, #tpu.memory_space<vmem>>, vector<16xf32>,
      %get3A_119 = vector.shape_cast %get3A_118 : vector<16xf32> to vector<16xf32>
      %add3A_120 = arith.constant 0 : i32
      %add3A_121 = vector.broadcast %add3A_120 : i32 to vector<16xi32>
      %add3A_122 = arith.addi %iota3A, %add3A_121 : vector<16xi32>
      %mul3A_123 = arith.constant 52429 : i32
      %mul3A_124 = vector.broadcast %mul3A_123 : i32 to vector<16xi32>
      %mul3A_125 = arith.muli %add3A_122, %mul3A_124 : vector<16xi32>
      %shift_right_arithmetic3A_126 = arith.constant 18 : i32
      %shift_right_arithmetic3A_127 = vector.broadcast %shift_right_arithmetic3A_126 : i32 to vector<16xi32>
      %shift_right_arithmetic3A_128 = arith.shrsi %mul3A_125, %shift_right_arithmetic3A_127 : vector<16xi32>
      %mul3A_129 = arith.constant 5 : i32
      %mul3A_130 = vector.broadcast %mul3A_129 : i32 to vector<16xi32>
      %mul3A_131 = arith.muli %shift_right_arithmetic3A_128, %mul3A_130 : vector<16xi32>
      %sub3A_132 = arith.subi %add3A_122, %mul3A_131 : vector<16xi32>
      %sub3A_133 = arith.constant 0 : i32
      %sub3A_134 = vector.broadcast %sub3A_133 : i32 to vector<16xi32>
      %sub3A_135 = arith.subi %shift_right_arithmetic3A_128, %sub3A_134 : vector<16xi32>
      %max3A = arith.constant 0 : i32
      %max3A_136 = vector.broadcast %max3A : i32 to vector<16xi32>
      %max3A_137 = arith.maxsi %sub3A_135, %max3A_136 : vector<16xi32>
      %broadcast_in_dim3A = arith.constant 0.000000e+00 : f32
      %broadcast_in_dim3A_138 = vector.broadcast %broadcast_in_dim3A : f32 to vector<16xf32>
      %broadcast_in_dim3A_139 = vector.shape_cast %max3A_137 : vector<16xi32> to vector<16x1xi32>
      %gather3A = vector.shape_cast %broadcast_in_dim3A_139 : vector<16x1xi32> to vector<16xi32>
      %gather3A_140 = tpu.dynamic_gather %get3A_107[%gather3A] in [0] : vector<16xf32>, vector<16xi32> -> vector<16xf32>
      %eq3A_141 = arith.constant 0 : i32
      %eq3A_142 = vector.broadcast %eq3A_141 : i32 to vector<16xi32>
      %eq3A_143 = arith.cmpi eq, %sub3A_132, %eq3A_142 : vector<16xi32>
      %select_n3A = arith.select %eq3A_143, %gather3A_140, %broadcast_in_dim3A_138 : vector<16xi1>, vector<16xf32>
      %broadcast_in_dim3A_144 = vector.shape_cast %max3A_137 : vector<16xi32> to vector<16x1xi32>
      %gather3A_145 = vector.shape_cast %broadcast_in_dim3A_144 : vector<16x1xi32> to vector<16xi32>
      %gather3A_146 = tpu.dynamic_gather %get3A_110[%gather3A_145] in [0] : vector<16xf32>, vector<16xi32> -> vector<16xf32>
      %eq3A_147 = arith.constant 1 : i32
      %eq3A_148 = vector.broadcast %eq3A_147 : i32 to vector<16xi32>
      %eq3A_149 = arith.cmpi eq, %sub3A_132, %eq3A_148 : vector<16xi32>
      %select_n3A_150 = arith.select %eq3A_149, %gather3A_146, %select_n3A : vector<16xi1>, vector<16xf32>
      %broadcast_in_dim3A_151 = vector.shape_cast %max3A_137 : vector<16xi32> to vector<16x1xi32>
      %gather3A_152 = vector.shape_cast %broadcast_in_dim3A_151 : vector<16x1xi32> to vector<16xi32>
      %gather3A_153 = tpu.dynamic_gather %get3A_113[%gather3A_152] in [0] : vector<16xf32>, vector<16xi32> -> vector<16xf32>
      %eq3A_154 = arith.constant 2 : i32
      %eq3A_155 = vector.broadcast %eq3A_154 : i32 to vector<16xi32>
      %eq3A_156 = arith.cmpi eq, %sub3A_132, %eq3A_155 : vector<16xi32>
      %select_n3A_157 = arith.select %eq3A_156, %gather3A_153, %select_n3A_150 : vector<16xi1>, vector<16xf32>
      %broadcast_in_dim3A_158 = vector.shape_cast %max3A_137 : vector<16xi32> to vector<16x1xi32>
      %gather3A_159 = vector.shape_cast %broadcast_in_dim3A_158 : vector<16x1xi32> to vector<16xi32>
      %gather3A_160 = tpu.dynamic_gather %get3A_116[%gather3A_159] in [0] : vector<16xf32>, vector<16xi32> -> vector<16xf32>
      %eq3A_161 = arith.constant 3 : i32
      %eq3A_162 = vector.broadcast %eq3A_161 : i32 to vector<16xi32>
      %eq3A_163 = arith.cmpi eq, %sub3A_132, %eq3A_162 : vector<16xi32>
      %select_n3A_164 = arith.select %eq3A_163, %gather3A_160, %select_n3A_157 : vector<16xi1>, vector<16xf32>
      %broadcast_in_dim3A_165 = vector.shape_cast %max3A_137 : vector<16xi32> to vector<16x1xi32>
      %gather3A_166 = vector.shape_cast %broadcast_in_dim3A_165 : vector<16x1xi32> to vector<16xi32>
      %gather3A_167 = tpu.dynamic_gather %get3A_119[%gather3A_166] in [0] : vector<16xf32>, vector<16xi32> -> vector<16xf32>
      %eq3A_168 = arith.constant 4 : i32
      %eq3A_169 = vector.broadcast %eq3A_168 : i32 to vector<16xi32>
      %eq3A_170 = arith.cmpi eq, %sub3A_132, %eq3A_169 : vector<16xi32>
      %select_n3A_171 = arith.select %eq3A_170, %gather3A_167, %select_n3A_164 : vector<16xi1>, vector<16xf32>
      %swap3A = arith.constant 0 : index
      %swap3A_172 = tpu.vector_load %arg9[%swap3A] {strides = array<i32>} : memref<20480xf32, #tpu.memory_space<vmem>>, vector<16xf32>,
      %swap3A_173 = vector.shape_cast %swap3A_172 : vector<16xf32> to vector<16xf32>
      %swap3A_174 = vector.shape_cast %select_n3A_171 : vector<16xf32> to vector<16xf32>
      tpu.vector_store %arg9[%swap3A], %swap3A_174 {strides = array<i32>} : memref<20480xf32, #tpu.memory_space<vmem>>, vector<16xf32>,
      %add3A_175 = arith.constant 16 : i32
      %add3A_176 = vector.broadcast %add3A_175 : i32 to vector<16xi32>
      %add3A_177 = arith.addi %iota3A, %add3A_176 : vector<16xi32>
      %mul3A_178 = arith.constant 52429 : i32
      %mul3A_179 = vector.broadcast %mul3A_178 : i32 to vector<16xi32>
      %mul3A_180 = arith.muli %add3A_177, %mul3A_179 : vector<16xi32>
      %shift_right_arithmetic3A_181 = arith.constant 18 : i32
      %shift_right_arithmetic3A_182 = vector.broadcast %shift_right_arithmetic3A_181 : i32 to vector<16xi32>
      %shift_right_arithmetic3A_183 = arith.shrsi %mul3A_180, %shift_right_arithmetic3A_182 : vector<16xi32>
      %mul3A_184 = arith.constant 5 : i32
      %mul3A_185 = vector.broadcast %mul3A_184 : i32 to vector<16xi32>
      %mul3A_186 = arith.muli %shift_right_arithmetic3A_183, %mul3A_185 : vector<16xi32>
      %sub3A_187 = arith.subi %add3A_177, %mul3A_186 : vector<16xi32>
      %sub3A_188 = arith.constant 0 : i32
      %sub3A_189 = vector.broadcast %sub3A_188 : i32 to vector<16xi32>
      %sub3A_190 = arith.subi %shift_right_arithmetic3A_183, %sub3A_189 : vector<16xi32>
      %max3A_191 = arith.constant 0 : i32
      %max3A_192 = vector.broadcast %max3A_191 : i32 to vector<16xi32>
      %max3A_193 = arith.maxsi %sub3A_190, %max3A_192 : vector<16xi32>
      %broadcast_in_dim3A_194 = arith.constant 0.000000e+00 : f32
      %broadcast_in_dim3A_195 = vector.broadcast %broadcast_in_dim3A_194 : f32 to vector<16xf32>
      %broadcast_in_dim3A_196 = vector.shape_cast %max3A_193 : vector<16xi32> to vector<16x1xi32>
      %gather3A_197 = vector.shape_cast %broadcast_in_dim3A_196 : vector<16x1xi32> to vector<16xi32>
      %gather3A_198 = tpu.dynamic_gather %get3A_107[%gather3A_197] in [0] : vector<16xf32>, vector<16xi32> -> vector<16xf32>
      %eq3A_199 = arith.constant 0 : i32
      %eq3A_200 = vector.broadcast %eq3A_199 : i32 to vector<16xi32>
      %eq3A_201 = arith.cmpi eq, %sub3A_187, %eq3A_200 : vector<16xi32>
      %select_n3A_202 = arith.select %eq3A_201, %gather3A_198, %broadcast_in_dim3A_195 : vector<16xi1>, vector<16xf32>
      %broadcast_in_dim3A_203 = vector.shape_cast %max3A_193 : vector<16xi32> to vector<16x1xi32>
      %gather3A_204 = vector.shape_cast %broadcast_in_dim3A_203 : vector<16x1xi32> to vector<16xi32>
      %gather3A_205 = tpu.dynamic_gather %get3A_110[%gather3A_204] in [0] : vector<16xf32>, vector<16xi32> -> vector<16xf32>
      %eq3A_206 = arith.constant 1 : i32
      %eq3A_207 = vector.broadcast %eq3A_206 : i32 to vector<16xi32>
      %eq3A_208 = arith.cmpi eq, %sub3A_187, %eq3A_207 : vector<16xi32>
      %select_n3A_209 = arith.select %eq3A_208, %gather3A_205, %select_n3A_202 : vector<16xi1>, vector<16xf32>
      %broadcast_in_dim3A_210 = vector.shape_cast %max3A_193 : vector<16xi32> to vector<16x1xi32>
      %gather3A_211 = vector.shape_cast %broadcast_in_dim3A_210 : vector<16x1xi32> to vector<16xi32>
      %gather3A_212 = tpu.dynamic_gather %get3A_113[%gather3A_211] in [0] : vector<16xf32>, vector<16xi32> -> vector<16xf32>
      %eq3A_213 = arith.constant 2 : i32
      %eq3A_214 = vector.broadcast %eq3A_213 : i32 to vector<16xi32>
      %eq3A_215 = arith.cmpi eq, %sub3A_187, %eq3A_214 : vector<16xi32>
      %select_n3A_216 = arith.select %eq3A_215, %gather3A_212, %select_n3A_209 : vector<16xi1>, vector<16xf32>
      %broadcast_in_dim3A_217 = vector.shape_cast %max3A_193 : vector<16xi32> to vector<16x1xi32>
      %gather3A_218 = vector.shape_cast %broadcast_in_dim3A_217 : vector<16x1xi32> to vector<16xi32>
      %gather3A_219 = tpu.dynamic_gather %get3A_116[%gather3A_218] in [0] : vector<16xf32>, vector<16xi32> -> vector<16xf32>
      %eq3A_220 = arith.constant 3 : i32
      %eq3A_221 = vector.broadcast %eq3A_220 : i32 to vector<16xi32>
      %eq3A_222 = arith.cmpi eq, %sub3A_187, %eq3A_221 : vector<16xi32>
      %select_n3A_223 = arith.select %eq3A_222, %gather3A_219, %select_n3A_216 : vector<16xi1>, vector<16xf32>
      %broadcast_in_dim3A_224 = vector.shape_cast %max3A_193 : vector<16xi32> to vector<16x1xi32>
      %gather3A_225 = vector.shape_cast %broadcast_in_dim3A_224 : vector<16x1xi32> to vector<16xi32>
      %gather3A_226 = tpu.dynamic_gather %get3A_119[%gather3A_225] in [0] : vector<16xf32>, vector<16xi32> -> vector<16xf32>
      %eq3A_227 = arith.constant 4 : i32
      %eq3A_228 = vector.broadcast %eq3A_227 : i32 to vector<16xi32>
      %eq3A_229 = arith.cmpi eq, %sub3A_187, %eq3A_228 : vector<16xi32>
      %select_n3A_230 = arith.select %eq3A_229, %gather3A_226, %select_n3A_223 : vector<16xi1>, vector<16xf32>
      %swap3A_231 = arith.constant 16 : index
      %swap3A_232 = tpu.vector_load %arg9[%swap3A_231] {strides = array<i32>} : memref<20480xf32, #tpu.memory_space<vmem>>, vector<16xf32>,
      %swap3A_233 = vector.shape_cast %swap3A_232 : vector<16xf32> to vector<16xf32>
      %swap3A_234 = vector.shape_cast %select_n3A_230 : vector<16xf32> to vector<16xf32>
      tpu.vector_store %arg9[%swap3A_231], %swap3A_234 {strides = array<i32>} : memref<20480xf32, #tpu.memory_space<vmem>>, vector<16xf32>,
      %add3A_235 = arith.constant 32 : i32
      %add3A_236 = vector.broadcast %add3A_235 : i32 to vector<16xi32>
      %add3A_237 = arith.addi %iota3A, %add3A_236 : vector<16xi32>
      %mul3A_238 = arith.constant 52429 : i32
      %mul3A_239 = vector.broadcast %mul3A_238 : i32 to vector<16xi32>
      %mul3A_240 = arith.muli %add3A_237, %mul3A_239 : vector<16xi32>
      %shift_right_arithmetic3A_241 = arith.constant 18 : i32
      %shift_right_arithmetic3A_242 = vector.broadcast %shift_right_arithmetic3A_241 : i32 to vector<16xi32>
      %shift_right_arithmetic3A_243 = arith.shrsi %mul3A_240, %shift_right_arithmetic3A_242 : vector<16xi32>
      %mul3A_244 = arith.constant 5 : i32
      %mul3A_245 = vector.broadcast %mul3A_244 : i32 to vector<16xi32>
      %mul3A_246 = arith.muli %shift_right_arithmetic3A_243, %mul3A_245 : vector<16xi32>
      %sub3A_247 = arith.subi %add3A_237, %mul3A_246 : vector<16xi32>
      %sub3A_248 = arith.constant 0 : i32
      %sub3A_249 = vector.broadcast %sub3A_248 : i32 to vector<16xi32>
      %sub3A_250 = arith.subi %shift_right_arithmetic3A_243, %sub3A_249 : vector<16xi32>
      %max3A_251 = arith.constant 0 : i32
      %max3A_252 = vector.broadcast %max3A_251 : i32 to vector<16xi32>
      %max3A_253 = arith.maxsi %sub3A_250, %max3A_252 : vector<16xi32>
      %broadcast_in_dim3A_254 = arith.constant 0.000000e+00 : f32
      %broadcast_in_dim3A_255 = vector.broadcast %broadcast_in_dim3A_254 : f32 to vector<16xf32>
      %broadcast_in_dim3A_256 = vector.shape_cast %max3A_253 : vector<16xi32> to vector<16x1xi32>
      %gather3A_257 = vector.shape_cast %broadcast_in_dim3A_256 : vector<16x1xi32> to vector<16xi32>
      %gather3A_258 = tpu.dynamic_gather %get3A_107[%gather3A_257] in [0] : vector<16xf32>, vector<16xi32> -> vector<16xf32>
      %eq3A_259 = arith.constant 0 : i32
      %eq3A_260 = vector.broadcast %eq3A_259 : i32 to vector<16xi32>
      %eq3A_261 = arith.cmpi eq, %sub3A_247, %eq3A_260 : vector<16xi32>
      %select_n3A_262 = arith.select %eq3A_261, %gather3A_258, %broadcast_in_dim3A_255 : vector<16xi1>, vector<16xf32>
      %broadcast_in_dim3A_263 = vector.shape_cast %max3A_253 : vector<16xi32> to vector<16x1xi32>
      %gather3A_264 = vector.shape_cast %broadcast_in_dim3A_263 : vector<16x1xi32> to vector<16xi32>
      %gather3A_265 = tpu.dynamic_gather %get3A_110[%gather3A_264] in [0] : vector<16xf32>, vector<16xi32> -> vector<16xf32>
      %eq3A_266 = arith.constant 1 : i32
      %eq3A_267 = vector.broadcast %eq3A_266 : i32 to vector<16xi32>
      %eq3A_268 = arith.cmpi eq, %sub3A_247, %eq3A_267 : vector<16xi32>
      %select_n3A_269 = arith.select %eq3A_268, %gather3A_265, %select_n3A_262 : vector<16xi1>, vector<16xf32>
      %broadcast_in_dim3A_270 = vector.shape_cast %max3A_253 : vector<16xi32> to vector<16x1xi32>
      %gather3A_271 = vector.shape_cast %broadcast_in_dim3A_270 : vector<16x1xi32> to vector<16xi32>
      %gather3A_272 = tpu.dynamic_gather %get3A_113[%gather3A_271] in [0] : vector<16xf32>, vector<16xi32> -> vector<16xf32>
      %eq3A_273 = arith.constant 2 : i32
      %eq3A_274 = vector.broadcast %eq3A_273 : i32 to vector<16xi32>
      %eq3A_275 = arith.cmpi eq, %sub3A_247, %eq3A_274 : vector<16xi32>
      %select_n3A_276 = arith.select %eq3A_275, %gather3A_272, %select_n3A_269 : vector<16xi1>, vector<16xf32>
      %broadcast_in_dim3A_277 = vector.shape_cast %max3A_253 : vector<16xi32> to vector<16x1xi32>
      %gather3A_278 = vector.shape_cast %broadcast_in_dim3A_277 : vector<16x1xi32> to vector<16xi32>
      %gather3A_279 = tpu.dynamic_gather %get3A_116[%gather3A_278] in [0] : vector<16xf32>, vector<16xi32> -> vector<16xf32>
      %eq3A_280 = arith.constant 3 : i32
      %eq3A_281 = vector.broadcast %eq3A_280 : i32 to vector<16xi32>
      %eq3A_282 = arith.cmpi eq, %sub3A_247, %eq3A_281 : vector<16xi32>
      %select_n3A_283 = arith.select %eq3A_282, %gather3A_279, %select_n3A_276 : vector<16xi1>, vector<16xf32>
      %broadcast_in_dim3A_284 = vector.shape_cast %max3A_253 : vector<16xi32> to vector<16x1xi32>
      %gather3A_285 = vector.shape_cast %broadcast_in_dim3A_284 : vector<16x1xi32> to vector<16xi32>
      %gather3A_286 = tpu.dynamic_gather %get3A_119[%gather3A_285] in [0] : vector<16xf32>, vector<16xi32> -> vector<16xf32>
      %eq3A_287 = arith.constant 4 : i32
      %eq3A_288 = vector.broadcast %eq3A_287 : i32 to vector<16xi32>
      %eq3A_289 = arith.cmpi eq, %sub3A_247, %eq3A_288 : vector<16xi32>
      %select_n3A_290 = arith.select %eq3A_289, %gather3A_286, %select_n3A_283 : vector<16xi1>, vector<16xf32>
      %swap3A_291 = arith.constant 32 : index
      %swap3A_292 = tpu.vector_load %arg9[%swap3A_291] {strides = array<i32>} : memref<20480xf32, #tpu.memory_space<vmem>>, vector<16xf32>,
      %swap3A_293 = vector.shape_cast %swap3A_292 : vector<16xf32> to vector<16xf32>
      %swap3A_294 = vector.shape_cast %select_n3A_290 : vector<16xf32> to vector<16xf32>
      tpu.vector_store %arg9[%swap3A_291], %swap3A_294 {strides = array<i32>} : memref<20480xf32, #tpu.memory_space<vmem>>, vector<16xf32>,
      %add3A_295 = arith.constant 48 : i32
      %add3A_296 = vector.broadcast %add3A_295 : i32 to vector<16xi32>
      %add3A_297 = arith.addi %iota3A, %add3A_296 : vector<16xi32>
      %mul3A_298 = arith.constant 52429 : i32
      %mul3A_299 = vector.broadcast %mul3A_298 : i32 to vector<16xi32>
      %mul3A_300 = arith.muli %add3A_297, %mul3A_299 : vector<16xi32>
      %shift_right_arithmetic3A_301 = arith.constant 18 : i32
      %shift_right_arithmetic3A_302 = vector.broadcast %shift_right_arithmetic3A_301 : i32 to vector<16xi32>
      %shift_right_arithmetic3A_303 = arith.shrsi %mul3A_300, %shift_right_arithmetic3A_302 : vector<16xi32>
      %mul3A_304 = arith.constant 5 : i32
      %mul3A_305 = vector.broadcast %mul3A_304 : i32 to vector<16xi32>
      %mul3A_306 = arith.muli %shift_right_arithmetic3A_303, %mul3A_305 : vector<16xi32>
      %sub3A_307 = arith.subi %add3A_297, %mul3A_306 : vector<16xi32>
      %sub3A_308 = arith.constant 0 : i32
      %sub3A_309 = vector.broadcast %sub3A_308 : i32 to vector<16xi32>
      %sub3A_310 = arith.subi %shift_right_arithmetic3A_303, %sub3A_309 : vector<16xi32>
      %max3A_311 = arith.constant 0 : i32
      %max3A_312 = vector.broadcast %max3A_311 : i32 to vector<16xi32>
      %max3A_313 = arith.maxsi %sub3A_310, %max3A_312 : vector<16xi32>
      %broadcast_in_dim3A_314 = arith.constant 0.000000e+00 : f32
      %broadcast_in_dim3A_315 = vector.broadcast %broadcast_in_dim3A_314 : f32 to vector<16xf32>
      %broadcast_in_dim3A_316 = vector.shape_cast %max3A_313 : vector<16xi32> to vector<16x1xi32>
      %gather3A_317 = vector.shape_cast %broadcast_in_dim3A_316 : vector<16x1xi32> to vector<16xi32>
      %gather3A_318 = tpu.dynamic_gather %get3A_107[%gather3A_317] in [0] : vector<16xf32>, vector<16xi32> -> vector<16xf32>
      %eq3A_319 = arith.constant 0 : i32
      %eq3A_320 = vector.broadcast %eq3A_319 : i32 to vector<16xi32>
      %eq3A_321 = arith.cmpi eq, %sub3A_307, %eq3A_320 : vector<16xi32>
      %select_n3A_322 = arith.select %eq3A_321, %gather3A_318, %broadcast_in_dim3A_315 : vector<16xi1>, vector<16xf32>
      %broadcast_in_dim3A_323 = vector.shape_cast %max3A_313 : vector<16xi32> to vector<16x1xi32>
      %gather3A_324 = vector.shape_cast %broadcast_in_dim3A_323 : vector<16x1xi32> to vector<16xi32>
      %gather3A_325 = tpu.dynamic_gather %get3A_110[%gather3A_324] in [0] : vector<16xf32>, vector<16xi32> -> vector<16xf32>
      %eq3A_326 = arith.constant 1 : i32
      %eq3A_327 = vector.broadcast %eq3A_326 : i32 to vector<16xi32>
      %eq3A_328 = arith.cmpi eq, %sub3A_307, %eq3A_327 : vector<16xi32>
      %select_n3A_329 = arith.select %eq3A_328, %gather3A_325, %select_n3A_322 : vector<16xi1>, vector<16xf32>
      %broadcast_in_dim3A_330 = vector.shape_cast %max3A_313 : vector<16xi32> to vector<16x1xi32>
      %gather3A_331 = vector.shape_cast %broadcast_in_dim3A_330 : vector<16x1xi32> to vector<16xi32>
      %gather3A_332 = tpu.dynamic_gather %get3A_113[%gather3A_331] in [0] : vector<16xf32>, vector<16xi32> -> vector<16xf32>
      %eq3A_333 = arith.constant 2 : i32
      %eq3A_334 = vector.broadcast %eq3A_333 : i32 to vector<16xi32>
      %eq3A_335 = arith.cmpi eq, %sub3A_307, %eq3A_334 : vector<16xi32>
      %select_n3A_336 = arith.select %eq3A_335, %gather3A_332, %select_n3A_329 : vector<16xi1>, vector<16xf32>
      %broadcast_in_dim3A_337 = vector.shape_cast %max3A_313 : vector<16xi32> to vector<16x1xi32>
      %gather3A_338 = vector.shape_cast %broadcast_in_dim3A_337 : vector<16x1xi32> to vector<16xi32>
      %gather3A_339 = tpu.dynamic_gather %get3A_116[%gather3A_338] in [0] : vector<16xf32>, vector<16xi32> -> vector<16xf32>
      %eq3A_340 = arith.constant 3 : i32
      %eq3A_341 = vector.broadcast %eq3A_340 : i32 to vector<16xi32>
      %eq3A_342 = arith.cmpi eq, %sub3A_307, %eq3A_341 : vector<16xi32>
      %select_n3A_343 = arith.select %eq3A_342, %gather3A_339, %select_n3A_336 : vector<16xi1>, vector<16xf32>
      %broadcast_in_dim3A_344 = vector.shape_cast %max3A_313 : vector<16xi32> to vector<16x1xi32>
      %gather3A_345 = vector.shape_cast %broadcast_in_dim3A_344 : vector<16x1xi32> to vector<16xi32>
      %gather3A_346 = tpu.dynamic_gather %get3A_119[%gather3A_345] in [0] : vector<16xf32>, vector<16xi32> -> vector<16xf32>
      %eq3A_347 = arith.constant 4 : i32
      %eq3A_348 = vector.broadcast %eq3A_347 : i32 to vector<16xi32>
      %eq3A_349 = arith.cmpi eq, %sub3A_307, %eq3A_348 : vector<16xi32>
      %select_n3A_350 = arith.select %eq3A_349, %gather3A_346, %select_n3A_343 : vector<16xi1>, vector<16xf32>
      %swap3A_351 = arith.constant 48 : index
      %swap3A_352 = tpu.vector_load %arg9[%swap3A_351] {strides = array<i32>} : memref<20480xf32, #tpu.memory_space<vmem>>, vector<16xf32>,
      %swap3A_353 = vector.shape_cast %swap3A_352 : vector<16xf32> to vector<16xf32>
      %swap3A_354 = vector.shape_cast %select_n3A_350 : vector<16xf32> to vector<16xf32>
      tpu.vector_store %arg9[%swap3A_351], %swap3A_354 {strides = array<i32>} : memref<20480xf32, #tpu.memory_space<vmem>>, vector<16xf32>,
      %add3A_355 = arith.constant 64 : i32
      %add3A_356 = vector.broadcast %add3A_355 : i32 to vector<16xi32>
      %add3A_357 = arith.addi %iota3A, %add3A_356 : vector<16xi32>
      %mul3A_358 = arith.constant 52429 : i32
      %mul3A_359 = vector.broadcast %mul3A_358 : i32 to vector<16xi32>
      %mul3A_360 = arith.muli %add3A_357, %mul3A_359 : vector<16xi32>
      %shift_right_arithmetic3A_361 = arith.constant 18 : i32
      %shift_right_arithmetic3A_362 = vector.broadcast %shift_right_arithmetic3A_361 : i32 to vector<16xi32>
      %shift_right_arithmetic3A_363 = arith.shrsi %mul3A_360, %shift_right_arithmetic3A_362 : vector<16xi32>
      %mul3A_364 = arith.constant 5 : i32
      %mul3A_365 = vector.broadcast %mul3A_364 : i32 to vector<16xi32>
      %mul3A_366 = arith.muli %shift_right_arithmetic3A_363, %mul3A_365 : vector<16xi32>
      %sub3A_367 = arith.subi %add3A_357, %mul3A_366 : vector<16xi32>
      %sub3A_368 = arith.constant 0 : i32
      %sub3A_369 = vector.broadcast %sub3A_368 : i32 to vector<16xi32>
      %sub3A_370 = arith.subi %shift_right_arithmetic3A_363, %sub3A_369 : vector<16xi32>
      %max3A_371 = arith.constant 0 : i32
      %max3A_372 = vector.broadcast %max3A_371 : i32 to vector<16xi32>
      %max3A_373 = arith.maxsi %sub3A_370, %max3A_372 : vector<16xi32>
      %broadcast_in_dim3A_374 = arith.constant 0.000000e+00 : f32
      %broadcast_in_dim3A_375 = vector.broadcast %broadcast_in_dim3A_374 : f32 to vector<16xf32>
      %broadcast_in_dim3A_376 = vector.shape_cast %max3A_373 : vector<16xi32> to vector<16x1xi32>
      %gather3A_377 = vector.shape_cast %broadcast_in_dim3A_376 : vector<16x1xi32> to vector<16xi32>
      %gather3A_378 = tpu.dynamic_gather %get3A_107[%gather3A_377] in [0] : vector<16xf32>, vector<16xi32> -> vector<16xf32>
      %eq3A_379 = arith.constant 0 : i32
      %eq3A_380 = vector.broadcast %eq3A_379 : i32 to vector<16xi32>
      %eq3A_381 = arith.cmpi eq, %sub3A_367, %eq3A_380 : vector<16xi32>
      %select_n3A_382 = arith.select %eq3A_381, %gather3A_378, %broadcast_in_dim3A_375 : vector<16xi1>, vector<16xf32>
      %broadcast_in_dim3A_383 = vector.shape_cast %max3A_373 : vector<16xi32> to vector<16x1xi32>
      %gather3A_384 = vector.shape_cast %broadcast_in_dim3A_383 : vector<16x1xi32> to vector<16xi32>
      %gather3A_385 = tpu.dynamic_gather %get3A_110[%gather3A_384] in [0] : vector<16xf32>, vector<16xi32> -> vector<16xf32>
      %eq3A_386 = arith.constant 1 : i32
      %eq3A_387 = vector.broadcast %eq3A_386 : i32 to vector<16xi32>
      %eq3A_388 = arith.cmpi eq, %sub3A_367, %eq3A_387 : vector<16xi32>
      %select_n3A_389 = arith.select %eq3A_388, %gather3A_385, %select_n3A_382 : vector<16xi1>, vector<16xf32>
      %broadcast_in_dim3A_390 = vector.shape_cast %max3A_373 : vector<16xi32> to vector<16x1xi32>
      %gather3A_391 = vector.shape_cast %broadcast_in_dim3A_390 : vector<16x1xi32> to vector<16xi32>
      %gather3A_392 = tpu.dynamic_gather %get3A_113[%gather3A_391] in [0] : vector<16xf32>, vector<16xi32> -> vector<16xf32>
      %eq3A_393 = arith.constant 2 : i32
      %eq3A_394 = vector.broadcast %eq3A_393 : i32 to vector<16xi32>
      %eq3A_395 = arith.cmpi eq, %sub3A_367, %eq3A_394 : vector<16xi32>
      %select_n3A_396 = arith.select %eq3A_395, %gather3A_392, %select_n3A_389 : vector<16xi1>, vector<16xf32>
      %broadcast_in_dim3A_397 = vector.shape_cast %max3A_373 : vector<16xi32> to vector<16x1xi32>
      %gather3A_398 = vector.shape_cast %broadcast_in_dim3A_397 : vector<16x1xi32> to vector<16xi32>
      %gather3A_399 = tpu.dynamic_gather %get3A_116[%gather3A_398] in [0] : vector<16xf32>, vector<16xi32> -> vector<16xf32>
      %eq3A_400 = arith.constant 3 : i32
      %eq3A_401 = vector.broadcast %eq3A_400 : i32 to vector<16xi32>
      %eq3A_402 = arith.cmpi eq, %sub3A_367, %eq3A_401 : vector<16xi32>
      %select_n3A_403 = arith.select %eq3A_402, %gather3A_399, %select_n3A_396 : vector<16xi1>, vector<16xf32>
      %broadcast_in_dim3A_404 = vector.shape_cast %max3A_373 : vector<16xi32> to vector<16x1xi32>
      %gather3A_405 = vector.shape_cast %broadcast_in_dim3A_404 : vector<16x1xi32> to vector<16xi32>
      %gather3A_406 = tpu.dynamic_gather %get3A_119[%gather3A_405] in [0] : vector<16xf32>, vector<16xi32> -> vector<16xf32>
      %eq3A_407 = arith.constant 4 : i32
      %eq3A_408 = vector.broadcast %eq3A_407 : i32 to vector<16xi32>
      %eq3A_409 = arith.cmpi eq, %sub3A_367, %eq3A_408 : vector<16xi32>
      %select_n3A_410 = arith.select %eq3A_409, %gather3A_406, %select_n3A_403 : vector<16xi1>, vector<16xf32>
      %swap3A_411 = arith.constant 64 : index
      %swap3A_412 = tpu.vector_load %arg9[%swap3A_411] {strides = array<i32>} : memref<20480xf32, #tpu.memory_space<vmem>>, vector<16xf32>,
      %swap3A_413 = vector.shape_cast %swap3A_412 : vector<16xf32> to vector<16xf32>
      %swap3A_414 = vector.shape_cast %select_n3A_410 : vector<16xf32> to vector<16xf32>
      tpu.vector_store %arg9[%swap3A_411], %swap3A_414 {strides = array<i32>} : memref<20480xf32, #tpu.memory_space<vmem>>, vector<16xf32>,
      %get3A_415 = arith.constant 16 : index
      %get3A_416 = tpu.vector_load %arg4[%get3A_415] {strides = array<i32>} : memref<4112xf32, #tpu.memory_space<vmem>>, vector<16xf32>,
      %get3A_417 = vector.shape_cast %get3A_416 : vector<16xf32> to vector<16xf32>
      %get3A_418 = arith.constant 22 : index
      %get3A_419 = tpu.vector_load %arg5[%get3A_418] {strides = array<i32>} : memref<4112xf32, #tpu.memory_space<vmem>>, vector<16xf32>,
      %get3A_420 = vector.shape_cast %get3A_419 : vector<16xf32> to vector<16xf32>
      %get3A_421 = arith.constant 20 : index
      %get3A_422 = tpu.vector_load %arg6[%get3A_421] {strides = array<i32>} : memref<4112xf32, #tpu.memory_space<vmem>>, vector<16xf32>,
      %get3A_423 = vector.shape_cast %get3A_422 : vector<16xf32> to vector<16xf32>
      %get3A_424 = arith.constant 18 : index
      %get3A_425 = tpu.vector_load %arg7[%get3A_424] {strides = array<i32>} : memref<4112xf32, #tpu.memory_space<vmem>>, vector<16xf32>,
      %get3A_426 = vector.shape_cast %get3A_425 : vector<16xf32> to vector<16xf32>
      %get3A_427 = arith.constant 16 : index
      %get3A_428 = tpu.vector_load %arg8[%get3A_427] {strides = array<i32>} : memref<4112xf32, #tpu.memory_space<vmem>>, vector<16xf32>,
      %get3A_429 = vector.shape_cast %get3A_428 : vector<16xf32> to vector<16xf32>
      %add3A_430 = arith.constant 80 : i32
      %add3A_431 = vector.broadcast %add3A_430 : i32 to vector<16xi32>
      %add3A_432 = arith.addi %iota3A, %add3A_431 : vector<16xi32>
      %mul3A_433 = arith.constant 52429 : i32
      %mul3A_434 = vector.broadcast %mul3A_433 : i32 to vector<16xi32>
      %mul3A_435 = arith.muli %add3A_432, %mul3A_434 : vector<16xi32>
      %shift_right_arithmetic3A_436 = arith.constant 18 : i32
      %shift_right_arithmetic3A_437 = vector.broadcast %shift_right_arithmetic3A_436 : i32 to vector<16xi32>
      %shift_right_arithmetic3A_438 = arith.shrsi %mul3A_435, %shift_right_arithmetic3A_437 : vector<16xi32>
      %mul3A_439 = arith.constant 5 : i32
      %mul3A_440 = vector.broadcast %mul3A_439 : i32 to vector<16xi32>
      %mul3A_441 = arith.muli %shift_right_arithmetic3A_438, %mul3A_440 : vector<16xi32>
      %sub3A_442 = arith.subi %add3A_432, %mul3A_441 : vector<16xi32>
      %sub3A_443 = arith.constant 16 : i32
      %sub3A_444 = vector.broadcast %sub3A_443 : i32 to vector<16xi32>
      %sub3A_445 = arith.subi %shift_right_arithmetic3A_438, %sub3A_444 : vector<16xi32>
      %max3A_446 = arith.constant 0 : i32
      %max3A_447 = vector.broadcast %max3A_446 : i32 to vector<16xi32>
      %max3A_448 = arith.maxsi %sub3A_445, %max3A_447 : vector<16xi32>
      %broadcast_in_dim3A_449 = arith.constant 0.000000e+00 : f32
      %broadcast_in_dim3A_450 = vector.broadcast %broadcast_in_dim3A_449 : f32 to vector<16xf32>
      %broadcast_in_dim3A_451 = vector.shape_cast %max3A_448 : vector<16xi32> to vector<16x1xi32>
      %gather3A_452 = vector.shape_cast %broadcast_in_dim3A_451 : vector<16x1xi32> to vector<16xi32>
      %gather3A_453 = tpu.dynamic_gather %get3A_417[%gather3A_452] in [0] : vector<16xf32>, vector<16xi32> -> vector<16xf32>
      %eq3A_454 = arith.constant 0 : i32
      %eq3A_455 = vector.broadcast %eq3A_454 : i32 to vector<16xi32>
      %eq3A_456 = arith.cmpi eq, %sub3A_442, %eq3A_455 : vector<16xi32>
      %select_n3A_457 = arith.select %eq3A_456, %gather3A_453, %broadcast_in_dim3A_450 : vector<16xi1>, vector<16xf32>
      %broadcast_in_dim3A_458 = vector.shape_cast %max3A_448 : vector<16xi32> to vector<16x1xi32>
      %gather3A_459 = vector.shape_cast %broadcast_in_dim3A_458 : vector<16x1xi32> to vector<16xi32>
      %gather3A_460 = tpu.dynamic_gather %get3A_420[%gather3A_459] in [0] : vector<16xf32>, vector<16xi32> -> vector<16xf32>
      %eq3A_461 = arith.constant 1 : i32
      %eq3A_462 = vector.broadcast %eq3A_461 : i32 to vector<16xi32>
      %eq3A_463 = arith.cmpi eq, %sub3A_442, %eq3A_462 : vector<16xi32>
      %select_n3A_464 = arith.select %eq3A_463, %gather3A_460, %select_n3A_457 : vector<16xi1>, vector<16xf32>
      %broadcast_in_dim3A_465 = vector.shape_cast %max3A_448 : vector<16xi32> to vector<16x1xi32>
      %gather3A_466 = vector.shape_cast %broadcast_in_dim3A_465 : vector<16x1xi32> to vector<16xi32>
      %gather3A_467 = tpu.dynamic_gather %get3A_423[%gather3A_466] in [0] : vector<16xf32>, vector<16xi32> -> vector<16xf32>
      %eq3A_468 = arith.constant 2 : i32
      %eq3A_469 = vector.broadcast %eq3A_468 : i32 to vector<16xi32>
      %eq3A_470 = arith.cmpi eq, %sub3A_442, %eq3A_469 : vector<16xi32>
      %select_n3A_471 = arith.select %eq3A_470, %gather3A_467, %select_n3A_464 : vector<16xi1>, vector<16xf32>
      %broadcast_in_dim3A_472 = vector.shape_cast %max3A_448 : vector<16xi32> to vector<16x1xi32>
      %gather3A_473 = vector.shape_cast %broadcast_in_dim3A_472 : vector<16x1xi32> to vector<16xi32>
      %gather3A_474 = tpu.dynamic_gather %get3A_426[%gather3A_473] in [0] : vector<16xf32>, vector<16xi32> -> vector<16xf32>
      %eq3A_475 = arith.constant 3 : i32
      %eq3A_476 = vector.broadcast %eq3A_475 : i32 to vector<16xi32>
      %eq3A_477 = arith.cmpi eq, %sub3A_442, %eq3A_476 : vector<16xi32>
      %select_n3A_478 = arith.select %eq3A_477, %gather3A_474, %select_n3A_471 : vector<16xi1>, vector<16xf32>
      %broadcast_in_dim3A_479 = vector.shape_cast %max3A_448 : vector<16xi32> to vector<16x1xi32>
      %gather3A_480 = vector.shape_cast %broadcast_in_dim3A_479 : vector<16x1xi32> to vector<16xi32>
      %gather3A_481 = tpu.dynamic_gather %get3A_429[%gather3A_480] in [0] : vector<16xf32>, vector<16xi32> -> vector<16xf32>
      %eq3A_482 = arith.constant 4 : i32
      %eq3A_483 = vector.broadcast %eq3A_482 : i32 to vector<16xi32>
      %eq3A_484 = arith.cmpi eq, %sub3A_442, %eq3A_483 : vector<16xi32>
      %select_n3A_485 = arith.select %eq3A_484, %gather3A_481, %select_n3A_478 : vector<16xi1>, vector<16xf32>
      %swap3A_486 = arith.constant 80 : index
      %swap3A_487 = tpu.vector_load %arg9[%swap3A_486] {strides = array<i32>} : memref<20480xf32, #tpu.memory_space<vmem>>, vector<16xf32>,
      %swap3A_488 = vector.shape_cast %swap3A_487 : vector<16xf32> to vector<16xf32>
      %swap3A_489 = vector.shape_cast %select_n3A_485 : vector<16xf32> to vector<16xf32>
      tpu.vector_store %arg9[%swap3A_486], %swap3A_489 {strides = array<i32>} : memref<20480xf32, #tpu.memory_space<vmem>>, vector<16xf32>,
      %add3A_490 = arith.constant 96 : i32
      %add3A_491 = vector.broadcast %add3A_490 : i32 to vector<16xi32>
      %add3A_492 = arith.addi %iota3A, %add3A_491 : vector<16xi32>
      %mul3A_493 = arith.constant 52429 : i32
      %mul3A_494 = vector.broadcast %mul3A_493 : i32 to vector<16xi32>
      %mul3A_495 = arith.muli %add3A_492, %mul3A_494 : vector<16xi32>
      %shift_right_arithmetic3A_496 = arith.constant 18 : i32
      %shift_right_arithmetic3A_497 = vector.broadcast %shift_right_arithmetic3A_496 : i32 to vector<16xi32>
      %shift_right_arithmetic3A_498 = arith.shrsi %mul3A_495, %shift_right_arithmetic3A_497 : vector<16xi32>
      %mul3A_499 = arith.constant 5 : i32
      %mul3A_500 = vector.broadcast %mul3A_499 : i32 to vector<16xi32>
      %mul3A_501 = arith.muli %shift_right_arithmetic3A_498, %mul3A_500 : vector<16xi32>
      %sub3A_502 = arith.subi %add3A_492, %mul3A_501 : vector<16xi32>
      %sub3A_503 = arith.constant 16 : i32
      %sub3A_504 = vector.broadcast %sub3A_503 : i32 to vector<16xi32>
      %sub3A_505 = arith.subi %shift_right_arithmetic3A_498, %sub3A_504 : vector<16xi32>
      %max3A_506 = arith.constant 0 : i32
      %max3A_507 = vector.broadcast %max3A_506 : i32 to vector<16xi32>
      %max3A_508 = arith.maxsi %sub3A_505, %max3A_507 : vector<16xi32>
      %broadcast_in_dim3A_509 = arith.constant 0.000000e+00 : f32
      %broadcast_in_dim3A_510 = vector.broadcast %broadcast_in_dim3A_509 : f32 to vector<16xf32>
      %broadcast_in_dim3A_511 = vector.shape_cast %max3A_508 : vector<16xi32> to vector<16x1xi32>
      %gather3A_512 = vector.shape_cast %broadcast_in_dim3A_511 : vector<16x1xi32> to vector<16xi32>
      %gather3A_513 = tpu.dynamic_gather %get3A_417[%gather3A_512] in [0] : vector<16xf32>, vector<16xi32> -> vector<16xf32>
      %eq3A_514 = arith.constant 0 : i32
      %eq3A_515 = vector.broadcast %eq3A_514 : i32 to vector<16xi32>
      %eq3A_516 = arith.cmpi eq, %sub3A_502, %eq3A_515 : vector<16xi32>
      %select_n3A_517 = arith.select %eq3A_516, %gather3A_513, %broadcast_in_dim3A_510 : vector<16xi1>, vector<16xf32>
      %broadcast_in_dim3A_518 = vector.shape_cast %max3A_508 : vector<16xi32> to vector<16x1xi32>
      %gather3A_519 = vector.shape_cast %broadcast_in_dim3A_518 : vector<16x1xi32> to vector<16xi32>
      %gather3A_520 = tpu.dynamic_gather %get3A_420[%gather3A_519] in [0] : vector<16xf32>, vector<16xi32> -> vector<16xf32>
      %eq3A_521 = arith.constant 1 : i32
      %eq3A_522 = vector.broadcast %eq3A_521 : i32 to vector<16xi32>
      %eq3A_523 = arith.cmpi eq, %sub3A_502, %eq3A_522 : vector<16xi32>
      %select_n3A_524 = arith.select %eq3A_523, %gather3A_520, %select_n3A_517 : vector<16xi1>, vector<16xf32>
      %broadcast_in_dim3A_525 = vector.shape_cast %max3A_508 : vector<16xi32> to vector<16x1xi32>
      %gather3A_526 = vector.shape_cast %broadcast_in_dim3A_525 : vector<16x1xi32> to vector<16xi32>
      %gather3A_527 = tpu.dynamic_gather %get3A_423[%gather3A_526] in [0] : vector<16xf32>, vector<16xi32> -> vector<16xf32>
      %eq3A_528 = arith.constant 2 : i32
      %eq3A_529 = vector.broadcast %eq3A_528 : i32 to vector<16xi32>
      %eq3A_530 = arith.cmpi eq, %sub3A_502, %eq3A_529 : vector<16xi32>
      %select_n3A_531 = arith.select %eq3A_530, %gather3A_527, %select_n3A_524 : vector<16xi1>, vector<16xf32>
      %broadcast_in_dim3A_532 = vector.shape_cast %max3A_508 : vector<16xi32> to vector<16x1xi32>
      %gather3A_533 = vector.shape_cast %broadcast_in_dim3A_532 : vector<16x1xi32> to vector<16xi32>
      %gather3A_534 = tpu.dynamic_gather %get3A_426[%gather3A_533] in [0] : vector<16xf32>, vector<16xi32> -> vector<16xf32>
      %eq3A_535 = arith.constant 3 : i32
      %eq3A_536 = vector.broadcast %eq3A_535 : i32 to vector<16xi32>
      %eq3A_537 = arith.cmpi eq, %sub3A_502, %eq3A_536 : vector<16xi32>
      %select_n3A_538 = arith.select %eq3A_537, %gather3A_534, %select_n3A_531 : vector<16xi1>, vector<16xf32>
      %broadcast_in_dim3A_539 = vector.shape_cast %max3A_508 : vector<16xi32> to vector<16x1xi32>
      %gather3A_540 = vector.shape_cast %broadcast_in_dim3A_539 : vector<16x1xi32> to vector<16xi32>
      %gather3A_541 = tpu.dynamic_gather %get3A_429[%gather3A_540] in [0] : vector<16xf32>, vector<16xi32> -> vector<16xf32>
      %eq3A_542 = arith.constant 4 : i32
      %eq3A_543 = vector.broadcast %eq3A_542 : i32 to vector<16xi32>
      %eq3A_544 = arith.cmpi eq, %sub3A_502, %eq3A_543 : vector<16xi32>
      %select_n3A_545 = arith.select %eq3A_544, %gather3A_541, %select_n3A_538 : vector<16xi1>, vector<16xf32>
      %swap3A_546 = arith.constant 96 : index
      %swap3A_547 = tpu.vector_load %arg9[%swap3A_546] {strides = array<i32>} : memref<20480xf32, #tpu.memory_space<vmem>>, vector<16xf32>,
      %swap3A_548 = vector.shape_cast %swap3A_547 : vector<16xf32> to vector<16xf32>
      %swap3A_549 = vector.shape_cast %select_n3A_545 : vector<16xf32> to vector<16xf32>
      tpu.vector_store %arg9[%swap3A_546], %swap3A_549 {strides = array<i32>} : memref<20480xf32, #tpu.memory_space<vmem>>, vector<16xf32>,
      "tpu.region"() ({
        %run_scoped3A = tpu.sem_alloc : memref<!tpu.dma_semaphore, #tpu.memory_space<semaphore_mem>>
        %dma_start3A = arith.constant 0 : i32
        %dma_start3A_550 = tpu.memref_slice %arg9[%dma_start3A] : memref<20480xf32, #tpu.memory_space<vmem>> -> memref<110xf32, #tpu.memory_space<vmem>>
        %dma_start3A_551 = arith.constant 7930520 : i32
        %dma_start3A_552 = tpu.memref_slice %arg3[%dma_start3A_551] : memref<7930630xf32, #tpu.memory_space<hbm>> -> memref<110xf32, #tpu.memory_space<hbm>>
        %dma_start3A_553 = arith.constant 7930520 : i32
        %dma_start3A_554 = tpu.memref_slice %arg3[%dma_start3A_553] : memref<7930630xf32, #tpu.memory_space<hbm>> -> memref<110xf32, #tpu.memory_space<hbm>>
        %dma_start3A_555 = arith.constant 0 : i32
        %dma_start3A_556 = tpu.memref_slice %arg9[%dma_start3A_555] : memref<20480xf32, #tpu.memory_space<vmem>> -> memref<110xf32, #tpu.memory_space<vmem>>
        tpu.enqueue_dma source(%dma_start3A_556 : memref<110xf32, #tpu.memory_space<vmem>>) target(%dma_start3A_554 : memref<110xf32, #tpu.memory_space<hbm>>) target_semaphore(%run_scoped3A : memref<!tpu.dma_semaphore, #tpu.memory_space<semaphore_mem>>)
        %dma_wait3A = arith.constant 0 : i32
        %dma_wait3A_557 = tpu.memref_slice %arg9[%dma_wait3A] : memref<20480xf32, #tpu.memory_space<vmem>> -> memref<110xf32, #tpu.memory_space<vmem>>
        %dma_wait3A_558 = arith.constant 7930520 : i32
        %dma_wait3A_559 = tpu.memref_slice %arg3[%dma_wait3A_558] : memref<7930630xf32, #tpu.memory_space<hbm>> -> memref<110xf32, #tpu.memory_space<hbm>>
        %dma_wait3A_560 = arith.constant 7930520 : i32
        %dma_wait3A_561 = tpu.memref_slice %arg3[%dma_wait3A_560] : memref<7930630xf32, #tpu.memory_space<hbm>> -> memref<110xf32, #tpu.memory_space<hbm>>
        %dma_wait3A_562 = arith.constant 0 : i32
        %dma_wait3A_563 = tpu.memref_slice %arg9[%dma_wait3A_562] : memref<20480xf32, #tpu.memory_space<vmem>> -> memref<110xf32, #tpu.memory_space<vmem>>
        tpu.wait_dma2 semaphore(%run_scoped3A : memref<!tpu.dma_semaphore, #tpu.memory_space<semaphore_mem>>) src(%dma_wait3A_563 : memref<110xf32, #tpu.memory_space<vmem>>) dst(%dma_wait3A_561 : memref<110xf32, #tpu.memory_space<hbm>>)
        tpu.yield
      }) : () -> ()
    } else {
    }
    return
  }
}

#map = affine_map<(d0, d1) -> (0, 0)>
#map1 = affine_map<(d0, d1) -> (0)>
module attributes {stable_mosaic.version = 14 : i64} {
  func.func @_rgc_body(%arg0: i32, %arg1: i32, %arg2: memref<13160x512xf32, #tpu.memory_space<hbm>>, %arg3: memref<200192xi32, #tpu.memory_space<hbm>>, %arg4: memref<200192xi32, #tpu.memory_space<hbm>>, %arg5: memref<200192xf32, #tpu.memory_space<hbm>>, %arg6: memref<264xi32, #tpu.memory_space<hbm>>, %arg7: memref<2816x512xf32, #tpu.memory_space<hbm>>, %arg8: memref<128xi32, #tpu.memory_space<vmem>>, %arg9: memref<128xi32, #tpu.memory_space<vmem>>, %arg10: memref<128xf32, #tpu.memory_space<vmem>>, %arg11: memref<128xf32, #tpu.memory_space<vmem>>, %arg12: memref<128xi32, #tpu.memory_space<vmem>>, %arg13: memref<128x512xf32, #tpu.memory_space<vmem>>, %arg14: memref<88x512xf32, #tpu.memory_space<vmem>>, %arg15: memref<16xi32, #tpu.memory_space<vmem>>, %arg16: memref<!tpu.dma_semaphore, #tpu.memory_space<semaphore_mem>>) attributes {dimension_semantics = [#tpu.dimension_semantics<core_parallel>, #tpu.dimension_semantics<subcore_parallel>], iteration_bounds = array<i64: 2, 16>, scalar_prefetch = 0 : i64, scratch_operands = 9 : i64, tpu.core_type = #tpu.core_type<sc_vector_subcore>, window_params = [{transform_indices = #map}, {transform_indices = #map1}, {transform_indices = #map1}, {transform_indices = #map1}, {transform_indices = #map1}, {transform_indices = #map}]} {
    %mul3A = arith.constant 16 : i32
    %mul3A_0 = arith.muli %arg0, %mul3A : i32
    %add3A = arith.addi %mul3A_0, %arg1 : i32
    %mul3A_1 = arith.constant 88 : i32
    %mul3A_2 = arith.muli %add3A, %mul3A_1 : i32
    %multiple_of3A = tpu.assume_multiple %mul3A_2, 88 : i32
    %broadcast_in_dim3A = arith.constant 0.000000e+00 : f32
    %broadcast_in_dim3A_3 = vector.broadcast %broadcast_in_dim3A : f32 to vector<16xf32>
    %scan3A = arith.constant 0 : i32
    %scan3A_4 = arith.constant 0 : i32
    %scan3A_5 = arith.constant 88 : i32
    %scan3A_6 = arith.addi %scan3A_4, %scan3A_5 : i32
    %scan3A_7 = arith.constant 1 : i32
    %scan3A_8 = scf.for %scan3A_35 = %scan3A_4 to %scan3A_6 step %scan3A_7 iter_args(%scan3A_36 = %scan3A) -> (i32)  : i32 {
      %swap3A = arith.index_cast %scan3A_35 : i32 to index
      %swap3A_37 = arith.constant 0 : index
      %swap3A_38 = tpu.vector_load %arg14[%swap3A, %swap3A_37] {strides = array<i32>} : memref<88x512xf32, #tpu.memory_space<vmem>>, vector<1x16xf32>,
      %swap3A_39 = vector.shape_cast %swap3A_38 : vector<1x16xf32> to vector<16xf32>
      %swap3A_40 = vector.shape_cast %broadcast_in_dim3A_3 : vector<16xf32> to vector<1x16xf32>
      tpu.vector_store %arg14[%swap3A, %swap3A_37], %swap3A_40 {strides = array<i32>} : memref<88x512xf32, #tpu.memory_space<vmem>>, vector<1x16xf32>,
      %swap3A_41 = arith.index_cast %scan3A_35 : i32 to index
      %swap3A_42 = arith.constant 16 : index
      %swap3A_43 = tpu.vector_load %arg14[%swap3A_41, %swap3A_42] {strides = array<i32>} : memref<88x512xf32, #tpu.memory_space<vmem>>, vector<1x16xf32>,
      %swap3A_44 = vector.shape_cast %swap3A_43 : vector<1x16xf32> to vector<16xf32>
      %swap3A_45 = vector.shape_cast %broadcast_in_dim3A_3 : vector<16xf32> to vector<1x16xf32>
      tpu.vector_store %arg14[%swap3A_41, %swap3A_42], %swap3A_45 {strides = array<i32>} : memref<88x512xf32, #tpu.memory_space<vmem>>, vector<1x16xf32>,
      %swap3A_46 = arith.index_cast %scan3A_35 : i32 to index
      %swap3A_47 = arith.constant 32 : index
      %swap3A_48 = tpu.vector_load %arg14[%swap3A_46, %swap3A_47] {strides = array<i32>} : memref<88x512xf32, #tpu.memory_space<vmem>>, vector<1x16xf32>,
      %swap3A_49 = vector.shape_cast %swap3A_48 : vector<1x16xf32> to vector<16xf32>
      %swap3A_50 = vector.shape_cast %broadcast_in_dim3A_3 : vector<16xf32> to vector<1x16xf32>
      tpu.vector_store %arg14[%swap3A_46, %swap3A_47], %swap3A_50 {strides = array<i32>} : memref<88x512xf32, #tpu.memory_space<vmem>>, vector<1x16xf32>,
      %swap3A_51 = arith.index_cast %scan3A_35 : i32 to index
      %swap3A_52 = arith.constant 48 : index
      %swap3A_53 = tpu.vector_load %arg14[%swap3A_51, %swap3A_52] {strides = array<i32>} : memref<88x512xf32, #tpu.memory_space<vmem>>, vector<1x16xf32>,
      %swap3A_54 = vector.shape_cast %swap3A_53 : vector<1x16xf32> to vector<16xf32>
      %swap3A_55 = vector.shape_cast %broadcast_in_dim3A_3 : vector<16xf32> to vector<1x16xf32>
      tpu.vector_store %arg14[%swap3A_51, %swap3A_52], %swap3A_55 {strides = array<i32>} : memref<88x512xf32, #tpu.memory_space<vmem>>, vector<1x16xf32>,
      %swap3A_56 = arith.index_cast %scan3A_35 : i32 to index
      %swap3A_57 = arith.constant 64 : index
      %swap3A_58 = tpu.vector_load %arg14[%swap3A_56, %swap3A_57] {strides = array<i32>} : memref<88x512xf32, #tpu.memory_space<vmem>>, vector<1x16xf32>,
      %swap3A_59 = vector.shape_cast %swap3A_58 : vector<1x16xf32> to vector<16xf32>
      %swap3A_60 = vector.shape_cast %broadcast_in_dim3A_3 : vector<16xf32> to vector<1x16xf32>
      tpu.vector_store %arg14[%swap3A_56, %swap3A_57], %swap3A_60 {strides = array<i32>} : memref<88x512xf32, #tpu.memory_space<vmem>>, vector<1x16xf32>,
      %swap3A_61 = arith.index_cast %scan3A_35 : i32 to index
      %swap3A_62 = arith.constant 80 : index
      %swap3A_63 = tpu.vector_load %arg14[%swap3A_61, %swap3A_62] {strides = array<i32>} : memref<88x512xf32, #tpu.memory_space<vmem>>, vector<1x16xf32>,
      %swap3A_64 = vector.shape_cast %swap3A_63 : vector<1x16xf32> to vector<16xf32>
      %swap3A_65 = vector.shape_cast %broadcast_in_dim3A_3 : vector<16xf32> to vector<1x16xf32>
      tpu.vector_store %arg14[%swap3A_61, %swap3A_62], %swap3A_65 {strides = array<i32>} : memref<88x512xf32, #tpu.memory_space<vmem>>, vector<1x16xf32>,
      %swap3A_66 = arith.index_cast %scan3A_35 : i32 to index
      %swap3A_67 = arith.constant 96 : index
      %swap3A_68 = tpu.vector_load %arg14[%swap3A_66, %swap3A_67] {strides = array<i32>} : memref<88x512xf32, #tpu.memory_space<vmem>>, vector<1x16xf32>,
      %swap3A_69 = vector.shape_cast %swap3A_68 : vector<1x16xf32> to vector<16xf32>
      %swap3A_70 = vector.shape_cast %broadcast_in_dim3A_3 : vector<16xf32> to vector<1x16xf32>
      tpu.vector_store %arg14[%swap3A_66, %swap3A_67], %swap3A_70 {strides = array<i32>} : memref<88x512xf32, #tpu.memory_space<vmem>>, vector<1x16xf32>,
      %swap3A_71 = arith.index_cast %scan3A_35 : i32 to index
      %swap3A_72 = arith.constant 112 : index
      %swap3A_73 = tpu.vector_load %arg14[%swap3A_71, %swap3A_72] {strides = array<i32>} : memref<88x512xf32, #tpu.memory_space<vmem>>, vector<1x16xf32>,
      %swap3A_74 = vector.shape_cast %swap3A_73 : vector<1x16xf32> to vector<16xf32>
      %swap3A_75 = vector.shape_cast %broadcast_in_dim3A_3 : vector<16xf32> to vector<1x16xf32>
      tpu.vector_store %arg14[%swap3A_71, %swap3A_72], %swap3A_75 {strides = array<i32>} : memref<88x512xf32, #tpu.memory_space<vmem>>, vector<1x16xf32>,
      %swap3A_76 = arith.index_cast %scan3A_35 : i32 to index
      %swap3A_77 = arith.constant 128 : index
      %swap3A_78 = tpu.vector_load %arg14[%swap3A_76, %swap3A_77] {strides = array<i32>} : memref<88x512xf32, #tpu.memory_space<vmem>>, vector<1x16xf32>,
      %swap3A_79 = vector.shape_cast %swap3A_78 : vector<1x16xf32> to vector<16xf32>
      %swap3A_80 = vector.shape_cast %broadcast_in_dim3A_3 : vector<16xf32> to vector<1x16xf32>
      tpu.vector_store %arg14[%swap3A_76, %swap3A_77], %swap3A_80 {strides = array<i32>} : memref<88x512xf32, #tpu.memory_space<vmem>>, vector<1x16xf32>,
      %swap3A_81 = arith.index_cast %scan3A_35 : i32 to index
      %swap3A_82 = arith.constant 144 : index
      %swap3A_83 = tpu.vector_load %arg14[%swap3A_81, %swap3A_82] {strides = array<i32>} : memref<88x512xf32, #tpu.memory_space<vmem>>, vector<1x16xf32>,
      %swap3A_84 = vector.shape_cast %swap3A_83 : vector<1x16xf32> to vector<16xf32>
      %swap3A_85 = vector.shape_cast %broadcast_in_dim3A_3 : vector<16xf32> to vector<1x16xf32>
      tpu.vector_store %arg14[%swap3A_81, %swap3A_82], %swap3A_85 {strides = array<i32>} : memref<88x512xf32, #tpu.memory_space<vmem>>, vector<1x16xf32>,
      %swap3A_86 = arith.index_cast %scan3A_35 : i32 to index
      %swap3A_87 = arith.constant 160 : index
      %swap3A_88 = tpu.vector_load %arg14[%swap3A_86, %swap3A_87] {strides = array<i32>} : memref<88x512xf32, #tpu.memory_space<vmem>>, vector<1x16xf32>,
      %swap3A_89 = vector.shape_cast %swap3A_88 : vector<1x16xf32> to vector<16xf32>
      %swap3A_90 = vector.shape_cast %broadcast_in_dim3A_3 : vector<16xf32> to vector<1x16xf32>
      tpu.vector_store %arg14[%swap3A_86, %swap3A_87], %swap3A_90 {strides = array<i32>} : memref<88x512xf32, #tpu.memory_space<vmem>>, vector<1x16xf32>,
      %swap3A_91 = arith.index_cast %scan3A_35 : i32 to index
      %swap3A_92 = arith.constant 176 : index
      %swap3A_93 = tpu.vector_load %arg14[%swap3A_91, %swap3A_92] {strides = array<i32>} : memref<88x512xf32, #tpu.memory_space<vmem>>, vector<1x16xf32>,
      %swap3A_94 = vector.shape_cast %swap3A_93 : vector<1x16xf32> to vector<16xf32>
      %swap3A_95 = vector.shape_cast %broadcast_in_dim3A_3 : vector<16xf32> to vector<1x16xf32>
      tpu.vector_store %arg14[%swap3A_91, %swap3A_92], %swap3A_95 {strides = array<i32>} : memref<88x512xf32, #tpu.memory_space<vmem>>, vector<1x16xf32>,
      %swap3A_96 = arith.index_cast %scan3A_35 : i32 to index
      %swap3A_97 = arith.constant 192 : index
      %swap3A_98 = tpu.vector_load %arg14[%swap3A_96, %swap3A_97] {strides = array<i32>} : memref<88x512xf32, #tpu.memory_space<vmem>>, vector<1x16xf32>,
      %swap3A_99 = vector.shape_cast %swap3A_98 : vector<1x16xf32> to vector<16xf32>
      %swap3A_100 = vector.shape_cast %broadcast_in_dim3A_3 : vector<16xf32> to vector<1x16xf32>
      tpu.vector_store %arg14[%swap3A_96, %swap3A_97], %swap3A_100 {strides = array<i32>} : memref<88x512xf32, #tpu.memory_space<vmem>>, vector<1x16xf32>,
      %swap3A_101 = arith.index_cast %scan3A_35 : i32 to index
      %swap3A_102 = arith.constant 208 : index
      %swap3A_103 = tpu.vector_load %arg14[%swap3A_101, %swap3A_102] {strides = array<i32>} : memref<88x512xf32, #tpu.memory_space<vmem>>, vector<1x16xf32>,
      %swap3A_104 = vector.shape_cast %swap3A_103 : vector<1x16xf32> to vector<16xf32>
      %swap3A_105 = vector.shape_cast %broadcast_in_dim3A_3 : vector<16xf32> to vector<1x16xf32>
      tpu.vector_store %arg14[%swap3A_101, %swap3A_102], %swap3A_105 {strides = array<i32>} : memref<88x512xf32, #tpu.memory_space<vmem>>, vector<1x16xf32>,
      %swap3A_106 = arith.index_cast %scan3A_35 : i32 to index
      %swap3A_107 = arith.constant 224 : index
      %swap3A_108 = tpu.vector_load %arg14[%swap3A_106, %swap3A_107] {strides = array<i32>} : memref<88x512xf32, #tpu.memory_space<vmem>>, vector<1x16xf32>,
      %swap3A_109 = vector.shape_cast %swap3A_108 : vector<1x16xf32> to vector<16xf32>
      %swap3A_110 = vector.shape_cast %broadcast_in_dim3A_3 : vector<16xf32> to vector<1x16xf32>
      tpu.vector_store %arg14[%swap3A_106, %swap3A_107], %swap3A_110 {strides = array<i32>} : memref<88x512xf32, #tpu.memory_space<vmem>>, vector<1x16xf32>,
      %swap3A_111 = arith.index_cast %scan3A_35 : i32 to index
      %swap3A_112 = arith.constant 240 : index
      %swap3A_113 = tpu.vector_load %arg14[%swap3A_111, %swap3A_112] {strides = array<i32>} : memref<88x512xf32, #tpu.memory_space<vmem>>, vector<1x16xf32>,
      %swap3A_114 = vector.shape_cast %swap3A_113 : vector<1x16xf32> to vector<16xf32>
      %swap3A_115 = vector.shape_cast %broadcast_in_dim3A_3 : vector<16xf32> to vector<1x16xf32>
      tpu.vector_store %arg14[%swap3A_111, %swap3A_112], %swap3A_115 {strides = array<i32>} : memref<88x512xf32, #tpu.memory_space<vmem>>, vector<1x16xf32>,
      %swap3A_116 = arith.index_cast %scan3A_35 : i32 to index
      %swap3A_117 = arith.constant 256 : index
      %swap3A_118 = tpu.vector_load %arg14[%swap3A_116, %swap3A_117] {strides = array<i32>} : memref<88x512xf32, #tpu.memory_space<vmem>>, vector<1x16xf32>,
      %swap3A_119 = vector.shape_cast %swap3A_118 : vector<1x16xf32> to vector<16xf32>
      %swap3A_120 = vector.shape_cast %broadcast_in_dim3A_3 : vector<16xf32> to vector<1x16xf32>
      tpu.vector_store %arg14[%swap3A_116, %swap3A_117], %swap3A_120 {strides = array<i32>} : memref<88x512xf32, #tpu.memory_space<vmem>>, vector<1x16xf32>,
      %swap3A_121 = arith.index_cast %scan3A_35 : i32 to index
      %swap3A_122 = arith.constant 272 : index
      %swap3A_123 = tpu.vector_load %arg14[%swap3A_121, %swap3A_122] {strides = array<i32>} : memref<88x512xf32, #tpu.memory_space<vmem>>, vector<1x16xf32>,
      %swap3A_124 = vector.shape_cast %swap3A_123 : vector<1x16xf32> to vector<16xf32>
      %swap3A_125 = vector.shape_cast %broadcast_in_dim3A_3 : vector<16xf32> to vector<1x16xf32>
      tpu.vector_store %arg14[%swap3A_121, %swap3A_122], %swap3A_125 {strides = array<i32>} : memref<88x512xf32, #tpu.memory_space<vmem>>, vector<1x16xf32>,
      %swap3A_126 = arith.index_cast %scan3A_35 : i32 to index
      %swap3A_127 = arith.constant 288 : index
      %swap3A_128 = tpu.vector_load %arg14[%swap3A_126, %swap3A_127] {strides = array<i32>} : memref<88x512xf32, #tpu.memory_space<vmem>>, vector<1x16xf32>,
      %swap3A_129 = vector.shape_cast %swap3A_128 : vector<1x16xf32> to vector<16xf32>
      %swap3A_130 = vector.shape_cast %broadcast_in_dim3A_3 : vector<16xf32> to vector<1x16xf32>
      tpu.vector_store %arg14[%swap3A_126, %swap3A_127], %swap3A_130 {strides = array<i32>} : memref<88x512xf32, #tpu.memory_space<vmem>>, vector<1x16xf32>,
      %swap3A_131 = arith.index_cast %scan3A_35 : i32 to index
      %swap3A_132 = arith.constant 304 : index
      %swap3A_133 = tpu.vector_load %arg14[%swap3A_131, %swap3A_132] {strides = array<i32>} : memref<88x512xf32, #tpu.memory_space<vmem>>, vector<1x16xf32>,
      %swap3A_134 = vector.shape_cast %swap3A_133 : vector<1x16xf32> to vector<16xf32>
      %swap3A_135 = vector.shape_cast %broadcast_in_dim3A_3 : vector<16xf32> to vector<1x16xf32>
      tpu.vector_store %arg14[%swap3A_131, %swap3A_132], %swap3A_135 {strides = array<i32>} : memref<88x512xf32, #tpu.memory_space<vmem>>, vector<1x16xf32>,
      %swap3A_136 = arith.index_cast %scan3A_35 : i32 to index
      %swap3A_137 = arith.constant 320 : index
      %swap3A_138 = tpu.vector_load %arg14[%swap3A_136, %swap3A_137] {strides = array<i32>} : memref<88x512xf32, #tpu.memory_space<vmem>>, vector<1x16xf32>,
      %swap3A_139 = vector.shape_cast %swap3A_138 : vector<1x16xf32> to vector<16xf32>
      %swap3A_140 = vector.shape_cast %broadcast_in_dim3A_3 : vector<16xf32> to vector<1x16xf32>
      tpu.vector_store %arg14[%swap3A_136, %swap3A_137], %swap3A_140 {strides = array<i32>} : memref<88x512xf32, #tpu.memory_space<vmem>>, vector<1x16xf32>,
      %swap3A_141 = arith.index_cast %scan3A_35 : i32 to index
      %swap3A_142 = arith.constant 336 : index
      %swap3A_143 = tpu.vector_load %arg14[%swap3A_141, %swap3A_142] {strides = array<i32>} : memref<88x512xf32, #tpu.memory_space<vmem>>, vector<1x16xf32>,
      %swap3A_144 = vector.shape_cast %swap3A_143 : vector<1x16xf32> to vector<16xf32>
      %swap3A_145 = vector.shape_cast %broadcast_in_dim3A_3 : vector<16xf32> to vector<1x16xf32>
      tpu.vector_store %arg14[%swap3A_141, %swap3A_142], %swap3A_145 {strides = array<i32>} : memref<88x512xf32, #tpu.memory_space<vmem>>, vector<1x16xf32>,
      %swap3A_146 = arith.index_cast %scan3A_35 : i32 to index
      %swap3A_147 = arith.constant 352 : index
      %swap3A_148 = tpu.vector_load %arg14[%swap3A_146, %swap3A_147] {strides = array<i32>} : memref<88x512xf32, #tpu.memory_space<vmem>>, vector<1x16xf32>,
      %swap3A_149 = vector.shape_cast %swap3A_148 : vector<1x16xf32> to vector<16xf32>
      %swap3A_150 = vector.shape_cast %broadcast_in_dim3A_3 : vector<16xf32> to vector<1x16xf32>
      tpu.vector_store %arg14[%swap3A_146, %swap3A_147], %swap3A_150 {strides = array<i32>} : memref<88x512xf32, #tpu.memory_space<vmem>>, vector<1x16xf32>,
      %swap3A_151 = arith.index_cast %scan3A_35 : i32 to index
      %swap3A_152 = arith.constant 368 : index
      %swap3A_153 = tpu.vector_load %arg14[%swap3A_151, %swap3A_152] {strides = array<i32>} : memref<88x512xf32, #tpu.memory_space<vmem>>, vector<1x16xf32>,
      %swap3A_154 = vector.shape_cast %swap3A_153 : vector<1x16xf32> to vector<16xf32>
      %swap3A_155 = vector.shape_cast %broadcast_in_dim3A_3 : vector<16xf32> to vector<1x16xf32>
      tpu.vector_store %arg14[%swap3A_151, %swap3A_152], %swap3A_155 {strides = array<i32>} : memref<88x512xf32, #tpu.memory_space<vmem>>, vector<1x16xf32>,
      %swap3A_156 = arith.index_cast %scan3A_35 : i32 to index
      %swap3A_157 = arith.constant 384 : index
      %swap3A_158 = tpu.vector_load %arg14[%swap3A_156, %swap3A_157] {strides = array<i32>} : memref<88x512xf32, #tpu.memory_space<vmem>>, vector<1x16xf32>,
      %swap3A_159 = vector.shape_cast %swap3A_158 : vector<1x16xf32> to vector<16xf32>
      %swap3A_160 = vector.shape_cast %broadcast_in_dim3A_3 : vector<16xf32> to vector<1x16xf32>
      tpu.vector_store %arg14[%swap3A_156, %swap3A_157], %swap3A_160 {strides = array<i32>} : memref<88x512xf32, #tpu.memory_space<vmem>>, vector<1x16xf32>,
      %swap3A_161 = arith.index_cast %scan3A_35 : i32 to index
      %swap3A_162 = arith.constant 400 : index
      %swap3A_163 = tpu.vector_load %arg14[%swap3A_161, %swap3A_162] {strides = array<i32>} : memref<88x512xf32, #tpu.memory_space<vmem>>, vector<1x16xf32>,
      %swap3A_164 = vector.shape_cast %swap3A_163 : vector<1x16xf32> to vector<16xf32>
      %swap3A_165 = vector.shape_cast %broadcast_in_dim3A_3 : vector<16xf32> to vector<1x16xf32>
      tpu.vector_store %arg14[%swap3A_161, %swap3A_162], %swap3A_165 {strides = array<i32>} : memref<88x512xf32, #tpu.memory_space<vmem>>, vector<1x16xf32>,
      %swap3A_166 = arith.index_cast %scan3A_35 : i32 to index
      %swap3A_167 = arith.constant 416 : index
      %swap3A_168 = tpu.vector_load %arg14[%swap3A_166, %swap3A_167] {strides = array<i32>} : memref<88x512xf32, #tpu.memory_space<vmem>>, vector<1x16xf32>,
      %swap3A_169 = vector.shape_cast %swap3A_168 : vector<1x16xf32> to vector<16xf32>
      %swap3A_170 = vector.shape_cast %broadcast_in_dim3A_3 : vector<16xf32> to vector<1x16xf32>
      tpu.vector_store %arg14[%swap3A_166, %swap3A_167], %swap3A_170 {strides = array<i32>} : memref<88x512xf32, #tpu.memory_space<vmem>>, vector<1x16xf32>,
      %swap3A_171 = arith.index_cast %scan3A_35 : i32 to index
      %swap3A_172 = arith.constant 432 : index
      %swap3A_173 = tpu.vector_load %arg14[%swap3A_171, %swap3A_172] {strides = array<i32>} : memref<88x512xf32, #tpu.memory_space<vmem>>, vector<1x16xf32>,
      %swap3A_174 = vector.shape_cast %swap3A_173 : vector<1x16xf32> to vector<16xf32>
      %swap3A_175 = vector.shape_cast %broadcast_in_dim3A_3 : vector<16xf32> to vector<1x16xf32>
      tpu.vector_store %arg14[%swap3A_171, %swap3A_172], %swap3A_175 {strides = array<i32>} : memref<88x512xf32, #tpu.memory_space<vmem>>, vector<1x16xf32>,
      %swap3A_176 = arith.index_cast %scan3A_35 : i32 to index
      %swap3A_177 = arith.constant 448 : index
      %swap3A_178 = tpu.vector_load %arg14[%swap3A_176, %swap3A_177] {strides = array<i32>} : memref<88x512xf32, #tpu.memory_space<vmem>>, vector<1x16xf32>,
      %swap3A_179 = vector.shape_cast %swap3A_178 : vector<1x16xf32> to vector<16xf32>
      %swap3A_180 = vector.shape_cast %broadcast_in_dim3A_3 : vector<16xf32> to vector<1x16xf32>
      tpu.vector_store %arg14[%swap3A_176, %swap3A_177], %swap3A_180 {strides = array<i32>} : memref<88x512xf32, #tpu.memory_space<vmem>>, vector<1x16xf32>,
      %swap3A_181 = arith.index_cast %scan3A_35 : i32 to index
      %swap3A_182 = arith.constant 464 : index
      %swap3A_183 = tpu.vector_load %arg14[%swap3A_181, %swap3A_182] {strides = array<i32>} : memref<88x512xf32, #tpu.memory_space<vmem>>, vector<1x16xf32>,
      %swap3A_184 = vector.shape_cast %swap3A_183 : vector<1x16xf32> to vector<16xf32>
      %swap3A_185 = vector.shape_cast %broadcast_in_dim3A_3 : vector<16xf32> to vector<1x16xf32>
      tpu.vector_store %arg14[%swap3A_181, %swap3A_182], %swap3A_185 {strides = array<i32>} : memref<88x512xf32, #tpu.memory_space<vmem>>, vector<1x16xf32>,
      %swap3A_186 = arith.index_cast %scan3A_35 : i32 to index
      %swap3A_187 = arith.constant 480 : index
      %swap3A_188 = tpu.vector_load %arg14[%swap3A_186, %swap3A_187] {strides = array<i32>} : memref<88x512xf32, #tpu.memory_space<vmem>>, vector<1x16xf32>,
      %swap3A_189 = vector.shape_cast %swap3A_188 : vector<1x16xf32> to vector<16xf32>
      %swap3A_190 = vector.shape_cast %broadcast_in_dim3A_3 : vector<16xf32> to vector<1x16xf32>
      tpu.vector_store %arg14[%swap3A_186, %swap3A_187], %swap3A_190 {strides = array<i32>} : memref<88x512xf32, #tpu.memory_space<vmem>>, vector<1x16xf32>,
      %swap3A_191 = arith.index_cast %scan3A_35 : i32 to index
      %swap3A_192 = arith.constant 496 : index
      %swap3A_193 = tpu.vector_load %arg14[%swap3A_191, %swap3A_192] {strides = array<i32>} : memref<88x512xf32, #tpu.memory_space<vmem>>, vector<1x16xf32>,
      %swap3A_194 = vector.shape_cast %swap3A_193 : vector<1x16xf32> to vector<16xf32>
      %swap3A_195 = vector.shape_cast %broadcast_in_dim3A_3 : vector<16xf32> to vector<1x16xf32>
      tpu.vector_store %arg14[%swap3A_191, %swap3A_192], %swap3A_195 {strides = array<i32>} : memref<88x512xf32, #tpu.memory_space<vmem>>, vector<1x16xf32>,
      %scan3A_196 = arith.constant 0 : i32
      scf.yield %scan3A_196 : i32
    }
    %scan3A_9 = arith.constant 88 : i32
    %mul3A_10 = arith.constant 8 : i32
    %mul3A_11 = arith.muli %add3A, %mul3A_10 : i32
    %multiple_of3A_12 = tpu.assume_multiple %mul3A_11, 8 : i32
    "tpu.region"() ({
      %run_scoped3A = tpu.sem_alloc : memref<!tpu.dma_semaphore, #tpu.memory_space<semaphore_mem>>
      %dma_start3A = tpu.memref_slice %arg6[%multiple_of3A_12] : memref<264xi32, #tpu.memory_space<hbm>> -> memref<16xi32, #tpu.memory_space<hbm>>
      %dma_start3A_35 = tpu.memref_slice %arg6[%multiple_of3A_12] : memref<264xi32, #tpu.memory_space<hbm>> -> memref<16xi32, #tpu.memory_space<hbm>>
      tpu.enqueue_dma source(%dma_start3A_35 : memref<16xi32, #tpu.memory_space<hbm>>) target(%arg15 : memref<16xi32, #tpu.memory_space<vmem>>) target_semaphore(%run_scoped3A : memref<!tpu.dma_semaphore, #tpu.memory_space<semaphore_mem>>)
      %dma_wait3A = tpu.memref_slice %arg6[%multiple_of3A_12] : memref<264xi32, #tpu.memory_space<hbm>> -> memref<16xi32, #tpu.memory_space<hbm>>
      %dma_wait3A_36 = tpu.memref_slice %arg6[%multiple_of3A_12] : memref<264xi32, #tpu.memory_space<hbm>> -> memref<16xi32, #tpu.memory_space<hbm>>
      tpu.wait_dma2 semaphore(%run_scoped3A : memref<!tpu.dma_semaphore, #tpu.memory_space<semaphore_mem>>) src(%dma_wait3A_36 : memref<16xi32, #tpu.memory_space<hbm>>) dst(%arg15 : memref<16xi32, #tpu.memory_space<vmem>>)
      tpu.yield
    }) : () -> ()
    %get3A = arith.constant 0 : index
    %get3A_13 = tpu.vector_load %arg15[%get3A] {strides = array<i32>} : memref<16xi32, #tpu.memory_space<vmem>>, vector<16xi32>,
    %get3A_14 = vector.shape_cast %get3A_13 : vector<16xi32> to vector<16xi32>
    %slice3A = vector.extract_strided_slice %get3A_14 {offsets = [0], sizes = [1], strides = [1]} : vector<16xi32> to vector<1xi32>
    %squeeze3A = vector.extract %slice3A[0] : i32 from vector<1xi32>
    %slice3A_15 = vector.extract_strided_slice %get3A_14 {offsets = [1], sizes = [1], strides = [1]} : vector<16xi32> to vector<1xi32>
    %squeeze3A_16 = vector.extract %slice3A_15[0] : i32 from vector<1xi32>
    %shift_right_arithmetic3A = arith.constant 7 : i32
    %shift_right_arithmetic3A_17 = arith.shrsi %squeeze3A, %shift_right_arithmetic3A : i32
    %shift_left3A = arith.constant 7 : i32
    %shift_left3A_18 = arith.shli %shift_right_arithmetic3A_17, %shift_left3A : i32
    %multiple_of3A_19 = tpu.assume_multiple %shift_left3A_18, 128 : i32
    %sub3A = arith.subi %squeeze3A_16, %multiple_of3A_19 : i32
    %add3A_20 = arith.constant 127 : i32
    %add3A_21 = arith.addi %sub3A, %add3A_20 : i32
    %shift_right_arithmetic3A_22 = arith.constant 7 : i32
    %shift_right_arithmetic3A_23 = arith.shrsi %add3A_21, %shift_right_arithmetic3A_22 : i32
    %while3A = arith.constant 0 : i32
    %while3A_24 = arith.constant 0 : i32
    %while3A_25 = arith.subi %shift_right_arithmetic3A_23, %while3A : i32
    %while3A_26 = arith.addi %while3A, %while3A_25 : i32
    %while3A_27 = arith.constant 1 : i32
    %while3A_28 = arith.divsi %while3A_25, %while3A_27 : i32
    %while3A_29 = arith.muli %while3A_28, %while3A_27 : i32
    %while3A_30 = arith.addi %while3A, %while3A_29 : i32
    %while3A_31 = arith.constant 1 : i32
    %while3A_32 = scf.for %while3A_35 = %while3A to %while3A_30 step %while3A_31 iter_args(%while3A_36 = %while3A_24) -> (i32)  : i32 {
      %mul3A_37 = arith.constant 128 : i32
      %mul3A_38 = arith.muli %while3A_35, %mul3A_37 : i32
      %add3A_39 = arith.addi %multiple_of3A_19, %mul3A_38 : i32
      %multiple_of3A_40 = tpu.assume_multiple %add3A_39, 128 : i32
      "tpu.region"() ({
        %run_scoped3A = tpu.sem_alloc : memref<!tpu.dma_semaphore, #tpu.memory_space<semaphore_mem>>
        %dma_start3A_301 = tpu.memref_slice %arg3[%multiple_of3A_40] : memref<200192xi32, #tpu.memory_space<hbm>> -> memref<128xi32, #tpu.memory_space<hbm>>
        %dma_start3A_302 = tpu.memref_slice %arg3[%multiple_of3A_40] : memref<200192xi32, #tpu.memory_space<hbm>> -> memref<128xi32, #tpu.memory_space<hbm>>
        tpu.enqueue_dma source(%dma_start3A_302 : memref<128xi32, #tpu.memory_space<hbm>>) target(%arg8 : memref<128xi32, #tpu.memory_space<vmem>>) target_semaphore(%run_scoped3A : memref<!tpu.dma_semaphore, #tpu.memory_space<semaphore_mem>>)
        %dma_wait3A_303 = tpu.memref_slice %arg3[%multiple_of3A_40] : memref<200192xi32, #tpu.memory_space<hbm>> -> memref<128xi32, #tpu.memory_space<hbm>>
        %dma_wait3A_304 = tpu.memref_slice %arg3[%multiple_of3A_40] : memref<200192xi32, #tpu.memory_space<hbm>> -> memref<128xi32, #tpu.memory_space<hbm>>
        tpu.wait_dma2 semaphore(%run_scoped3A : memref<!tpu.dma_semaphore, #tpu.memory_space<semaphore_mem>>) src(%dma_wait3A_304 : memref<128xi32, #tpu.memory_space<hbm>>) dst(%arg8 : memref<128xi32, #tpu.memory_space<vmem>>)
        tpu.yield
      }) : () -> ()
      "tpu.region"() ({
        %run_scoped3A = tpu.sem_alloc : memref<!tpu.dma_semaphore, #tpu.memory_space<semaphore_mem>>
        %dma_start3A_301 = tpu.memref_slice %arg4[%multiple_of3A_40] : memref<200192xi32, #tpu.memory_space<hbm>> -> memref<128xi32, #tpu.memory_space<hbm>>
        %dma_start3A_302 = tpu.memref_slice %arg4[%multiple_of3A_40] : memref<200192xi32, #tpu.memory_space<hbm>> -> memref<128xi32, #tpu.memory_space<hbm>>
        tpu.enqueue_dma source(%dma_start3A_302 : memref<128xi32, #tpu.memory_space<hbm>>) target(%arg9 : memref<128xi32, #tpu.memory_space<vmem>>) target_semaphore(%run_scoped3A : memref<!tpu.dma_semaphore, #tpu.memory_space<semaphore_mem>>)
        %dma_wait3A_303 = tpu.memref_slice %arg4[%multiple_of3A_40] : memref<200192xi32, #tpu.memory_space<hbm>> -> memref<128xi32, #tpu.memory_space<hbm>>
        %dma_wait3A_304 = tpu.memref_slice %arg4[%multiple_of3A_40] : memref<200192xi32, #tpu.memory_space<hbm>> -> memref<128xi32, #tpu.memory_space<hbm>>
        tpu.wait_dma2 semaphore(%run_scoped3A : memref<!tpu.dma_semaphore, #tpu.memory_space<semaphore_mem>>) src(%dma_wait3A_304 : memref<128xi32, #tpu.memory_space<hbm>>) dst(%arg9 : memref<128xi32, #tpu.memory_space<vmem>>)
        tpu.yield
      }) : () -> ()
      "tpu.region"() ({
        %run_scoped3A = tpu.sem_alloc : memref<!tpu.dma_semaphore, #tpu.memory_space<semaphore_mem>>
        %dma_start3A_301 = tpu.memref_slice %arg5[%multiple_of3A_40] : memref<200192xf32, #tpu.memory_space<hbm>> -> memref<128xf32, #tpu.memory_space<hbm>>
        %dma_start3A_302 = tpu.memref_slice %arg5[%multiple_of3A_40] : memref<200192xf32, #tpu.memory_space<hbm>> -> memref<128xf32, #tpu.memory_space<hbm>>
        tpu.enqueue_dma source(%dma_start3A_302 : memref<128xf32, #tpu.memory_space<hbm>>) target(%arg10 : memref<128xf32, #tpu.memory_space<vmem>>) target_semaphore(%run_scoped3A : memref<!tpu.dma_semaphore, #tpu.memory_space<semaphore_mem>>)
        %dma_wait3A_303 = tpu.memref_slice %arg5[%multiple_of3A_40] : memref<200192xf32, #tpu.memory_space<hbm>> -> memref<128xf32, #tpu.memory_space<hbm>>
        %dma_wait3A_304 = tpu.memref_slice %arg5[%multiple_of3A_40] : memref<200192xf32, #tpu.memory_space<hbm>> -> memref<128xf32, #tpu.memory_space<hbm>>
        tpu.wait_dma2 semaphore(%run_scoped3A : memref<!tpu.dma_semaphore, #tpu.memory_space<semaphore_mem>>) src(%dma_wait3A_304 : memref<128xf32, #tpu.memory_space<hbm>>) dst(%arg10 : memref<128xf32, #tpu.memory_space<vmem>>)
        tpu.yield
      }) : () -> ()
      %dma_start3A = arith.constant 0 : i32
      %dma_start3A_41 = arith.constant 0 : i32
      %dma_start3A_42 = tpu.memref_slice %arg2[%dma_start3A, %dma_start3A_41] : memref<13160x512xf32, #tpu.memory_space<hbm>> -> memref<13160x512xf32, #tpu.memory_space<hbm>>
      tpu.enqueue_indirect_dma source(%dma_start3A_42 : memref<13160x512xf32, #tpu.memory_space<hbm>>) target(%arg13 : memref<128x512xf32, #tpu.memory_space<vmem>>) offsets(%arg8 : memref<128xi32, #tpu.memory_space<vmem>>) semaphore(%arg16 : memref<!tpu.dma_semaphore, #tpu.memory_space<semaphore_mem>>)
      %dma_wait3A = arith.constant 0 : i32
      %dma_wait3A_43 = arith.constant 0 : i32
      %dma_wait3A_44 = tpu.memref_slice %arg2[%dma_wait3A, %dma_wait3A_43] : memref<13160x512xf32, #tpu.memory_space<hbm>> -> memref<13160x512xf32, #tpu.memory_space<hbm>>
      tpu.wait_indirect_dma semaphore(%arg16 : memref<!tpu.dma_semaphore, #tpu.memory_space<semaphore_mem>>) src(%dma_wait3A_44 : memref<13160x512xf32, #tpu.memory_space<hbm>>) dst(%arg13 : memref<128x512xf32, #tpu.memory_space<vmem>>)
      %get3A_45 = arith.constant 0 : index
      %get3A_46 = tpu.vector_load %arg9[%get3A_45] {strides = array<i32>} : memref<128xi32, #tpu.memory_space<vmem>>, vector<16xi32>,
      %get3A_47 = vector.shape_cast %get3A_46 : vector<16xi32> to vector<16xi32>
      %get3A_48 = arith.constant 0 : index
      %get3A_49 = tpu.vector_load %arg10[%get3A_48] {strides = array<i32>} : memref<128xf32, #tpu.memory_space<vmem>>, vector<16xf32>,
      %get3A_50 = vector.shape_cast %get3A_49 : vector<16xf32> to vector<16xf32>
      %ge3A = vector.broadcast %multiple_of3A : i32 to vector<16xi32>
      %ge3A_51 = arith.cmpi sge, %get3A_47, %ge3A : vector<16xi32>
      %add3A_52 = arith.constant 88 : i32
      %add3A_53 = arith.addi %multiple_of3A, %add3A_52 : i32
      %lt3A = vector.broadcast %add3A_53 : i32 to vector<16xi32>
      %lt3A_54 = arith.cmpi slt, %get3A_47, %lt3A : vector<16xi32>
      %and3A = arith.andi %ge3A_51, %lt3A_54 : vector<16xi1>
      %jit3A = arith.constant 0.000000e+00 : f32
      %broadcast_in_dim3A_55 = vector.broadcast %jit3A : f32 to vector<16xf32>
      %select_n3A = arith.select %and3A, %get3A_50, %broadcast_in_dim3A_55 : vector<16xi1>, vector<16xf32>
      %swap3A = arith.constant 0 : index
      %swap3A_56 = tpu.vector_load %arg11[%swap3A] {strides = array<i32>} : memref<128xf32, #tpu.memory_space<vmem>>, vector<16xf32>,
      %swap3A_57 = vector.shape_cast %swap3A_56 : vector<16xf32> to vector<16xf32>
      %swap3A_58 = vector.shape_cast %select_n3A : vector<16xf32> to vector<16xf32>
      tpu.vector_store %arg11[%swap3A], %swap3A_58 {strides = array<i32>} : memref<128xf32, #tpu.memory_space<vmem>>, vector<16xf32>,
      %sub3A_59 = vector.broadcast %multiple_of3A : i32 to vector<16xi32>
      %sub3A_60 = arith.subi %get3A_47, %sub3A_59 : vector<16xi32>
      %jit3A_61 = arith.constant 0 : i32
      %jit3A_62 = arith.constant 87 : i32
      %max3A = vector.broadcast %jit3A_61 : i32 to vector<16xi32>
      %max3A_63 = arith.maxsi %max3A, %sub3A_60 : vector<16xi32>
      %min3A = vector.broadcast %jit3A_62 : i32 to vector<16xi32>
      %min3A_64 = arith.minsi %min3A, %max3A_63 : vector<16xi32>
      %swap3A_65 = arith.constant 0 : index
      %swap3A_66 = tpu.vector_load %arg12[%swap3A_65] {strides = array<i32>} : memref<128xi32, #tpu.memory_space<vmem>>, vector<16xi32>,
      %swap3A_67 = vector.shape_cast %swap3A_66 : vector<16xi32> to vector<16xi32>
      %swap3A_68 = vector.shape_cast %min3A_64 : vector<16xi32> to vector<16xi32>
      tpu.vector_store %arg12[%swap3A_65], %swap3A_68 {strides = array<i32>} : memref<128xi32, #tpu.memory_space<vmem>>, vector<16xi32>,
      %get3A_69 = arith.constant 16 : index
      %get3A_70 = tpu.vector_load %arg9[%get3A_69] {strides = array<i32>} : memref<128xi32, #tpu.memory_space<vmem>>, vector<16xi32>,
      %get3A_71 = vector.shape_cast %get3A_70 : vector<16xi32> to vector<16xi32>
      %get3A_72 = arith.constant 16 : index
      %get3A_73 = tpu.vector_load %arg10[%get3A_72] {strides = array<i32>} : memref<128xf32, #tpu.memory_space<vmem>>, vector<16xf32>,
      %get3A_74 = vector.shape_cast %get3A_73 : vector<16xf32> to vector<16xf32>
      %ge3A_75 = vector.broadcast %multiple_of3A : i32 to vector<16xi32>
      %ge3A_76 = arith.cmpi sge, %get3A_71, %ge3A_75 : vector<16xi32>
      %add3A_77 = arith.constant 88 : i32
      %add3A_78 = arith.addi %multiple_of3A, %add3A_77 : i32
      %lt3A_79 = vector.broadcast %add3A_78 : i32 to vector<16xi32>
      %lt3A_80 = arith.cmpi slt, %get3A_71, %lt3A_79 : vector<16xi32>
      %and3A_81 = arith.andi %ge3A_76, %lt3A_80 : vector<16xi1>
      %jit3A_82 = arith.constant 0.000000e+00 : f32
      %broadcast_in_dim3A_83 = vector.broadcast %jit3A_82 : f32 to vector<16xf32>
      %select_n3A_84 = arith.select %and3A_81, %get3A_74, %broadcast_in_dim3A_83 : vector<16xi1>, vector<16xf32>
      %swap3A_85 = arith.constant 16 : index
      %swap3A_86 = tpu.vector_load %arg11[%swap3A_85] {strides = array<i32>} : memref<128xf32, #tpu.memory_space<vmem>>, vector<16xf32>,
      %swap3A_87 = vector.shape_cast %swap3A_86 : vector<16xf32> to vector<16xf32>
      %swap3A_88 = vector.shape_cast %select_n3A_84 : vector<16xf32> to vector<16xf32>
      tpu.vector_store %arg11[%swap3A_85], %swap3A_88 {strides = array<i32>} : memref<128xf32, #tpu.memory_space<vmem>>, vector<16xf32>,
      %sub3A_89 = vector.broadcast %multiple_of3A : i32 to vector<16xi32>
      %sub3A_90 = arith.subi %get3A_71, %sub3A_89 : vector<16xi32>
      %jit3A_91 = arith.constant 0 : i32
      %jit3A_92 = arith.constant 87 : i32
      %max3A_93 = vector.broadcast %jit3A_91 : i32 to vector<16xi32>
      %max3A_94 = arith.maxsi %max3A_93, %sub3A_90 : vector<16xi32>
      %min3A_95 = vector.broadcast %jit3A_92 : i32 to vector<16xi32>
      %min3A_96 = arith.minsi %min3A_95, %max3A_94 : vector<16xi32>
      %swap3A_97 = arith.constant 16 : index
      %swap3A_98 = tpu.vector_load %arg12[%swap3A_97] {strides = array<i32>} : memref<128xi32, #tpu.memory_space<vmem>>, vector<16xi32>,
      %swap3A_99 = vector.shape_cast %swap3A_98 : vector<16xi32> to vector<16xi32>
      %swap3A_100 = vector.shape_cast %min3A_96 : vector<16xi32> to vector<16xi32>
      tpu.vector_store %arg12[%swap3A_97], %swap3A_100 {strides = array<i32>} : memref<128xi32, #tpu.memory_space<vmem>>, vector<16xi32>,
      %get3A_101 = arith.constant 32 : index
      %get3A_102 = tpu.vector_load %arg9[%get3A_101] {strides = array<i32>} : memref<128xi32, #tpu.memory_space<vmem>>, vector<16xi32>,
      %get3A_103 = vector.shape_cast %get3A_102 : vector<16xi32> to vector<16xi32>
      %get3A_104 = arith.constant 32 : index
      %get3A_105 = tpu.vector_load %arg10[%get3A_104] {strides = array<i32>} : memref<128xf32, #tpu.memory_space<vmem>>, vector<16xf32>,
      %get3A_106 = vector.shape_cast %get3A_105 : vector<16xf32> to vector<16xf32>
      %ge3A_107 = vector.broadcast %multiple_of3A : i32 to vector<16xi32>
      %ge3A_108 = arith.cmpi sge, %get3A_103, %ge3A_107 : vector<16xi32>
      %add3A_109 = arith.constant 88 : i32
      %add3A_110 = arith.addi %multiple_of3A, %add3A_109 : i32
      %lt3A_111 = vector.broadcast %add3A_110 : i32 to vector<16xi32>
      %lt3A_112 = arith.cmpi slt, %get3A_103, %lt3A_111 : vector<16xi32>
      %and3A_113 = arith.andi %ge3A_108, %lt3A_112 : vector<16xi1>
      %jit3A_114 = arith.constant 0.000000e+00 : f32
      %broadcast_in_dim3A_115 = vector.broadcast %jit3A_114 : f32 to vector<16xf32>
      %select_n3A_116 = arith.select %and3A_113, %get3A_106, %broadcast_in_dim3A_115 : vector<16xi1>, vector<16xf32>
      %swap3A_117 = arith.constant 32 : index
      %swap3A_118 = tpu.vector_load %arg11[%swap3A_117] {strides = array<i32>} : memref<128xf32, #tpu.memory_space<vmem>>, vector<16xf32>,
      %swap3A_119 = vector.shape_cast %swap3A_118 : vector<16xf32> to vector<16xf32>
      %swap3A_120 = vector.shape_cast %select_n3A_116 : vector<16xf32> to vector<16xf32>
      tpu.vector_store %arg11[%swap3A_117], %swap3A_120 {strides = array<i32>} : memref<128xf32, #tpu.memory_space<vmem>>, vector<16xf32>,
      %sub3A_121 = vector.broadcast %multiple_of3A : i32 to vector<16xi32>
      %sub3A_122 = arith.subi %get3A_103, %sub3A_121 : vector<16xi32>
      %jit3A_123 = arith.constant 0 : i32
      %jit3A_124 = arith.constant 87 : i32
      %max3A_125 = vector.broadcast %jit3A_123 : i32 to vector<16xi32>
      %max3A_126 = arith.maxsi %max3A_125, %sub3A_122 : vector<16xi32>
      %min3A_127 = vector.broadcast %jit3A_124 : i32 to vector<16xi32>
      %min3A_128 = arith.minsi %min3A_127, %max3A_126 : vector<16xi32>
      %swap3A_129 = arith.constant 32 : index
      %swap3A_130 = tpu.vector_load %arg12[%swap3A_129] {strides = array<i32>} : memref<128xi32, #tpu.memory_space<vmem>>, vector<16xi32>,
      %swap3A_131 = vector.shape_cast %swap3A_130 : vector<16xi32> to vector<16xi32>
      %swap3A_132 = vector.shape_cast %min3A_128 : vector<16xi32> to vector<16xi32>
      tpu.vector_store %arg12[%swap3A_129], %swap3A_132 {strides = array<i32>} : memref<128xi32, #tpu.memory_space<vmem>>, vector<16xi32>,
      %get3A_133 = arith.constant 48 : index
      %get3A_134 = tpu.vector_load %arg9[%get3A_133] {strides = array<i32>} : memref<128xi32, #tpu.memory_space<vmem>>, vector<16xi32>,
      %get3A_135 = vector.shape_cast %get3A_134 : vector<16xi32> to vector<16xi32>
      %get3A_136 = arith.constant 48 : index
      %get3A_137 = tpu.vector_load %arg10[%get3A_136] {strides = array<i32>} : memref<128xf32, #tpu.memory_space<vmem>>, vector<16xf32>,
      %get3A_138 = vector.shape_cast %get3A_137 : vector<16xf32> to vector<16xf32>
      %ge3A_139 = vector.broadcast %multiple_of3A : i32 to vector<16xi32>
      %ge3A_140 = arith.cmpi sge, %get3A_135, %ge3A_139 : vector<16xi32>
      %add3A_141 = arith.constant 88 : i32
      %add3A_142 = arith.addi %multiple_of3A, %add3A_141 : i32
      %lt3A_143 = vector.broadcast %add3A_142 : i32 to vector<16xi32>
      %lt3A_144 = arith.cmpi slt, %get3A_135, %lt3A_143 : vector<16xi32>
      %and3A_145 = arith.andi %ge3A_140, %lt3A_144 : vector<16xi1>
      %jit3A_146 = arith.constant 0.000000e+00 : f32
      %broadcast_in_dim3A_147 = vector.broadcast %jit3A_146 : f32 to vector<16xf32>
      %select_n3A_148 = arith.select %and3A_145, %get3A_138, %broadcast_in_dim3A_147 : vector<16xi1>, vector<16xf32>
      %swap3A_149 = arith.constant 48 : index
      %swap3A_150 = tpu.vector_load %arg11[%swap3A_149] {strides = array<i32>} : memref<128xf32, #tpu.memory_space<vmem>>, vector<16xf32>,
      %swap3A_151 = vector.shape_cast %swap3A_150 : vector<16xf32> to vector<16xf32>
      %swap3A_152 = vector.shape_cast %select_n3A_148 : vector<16xf32> to vector<16xf32>
      tpu.vector_store %arg11[%swap3A_149], %swap3A_152 {strides = array<i32>} : memref<128xf32, #tpu.memory_space<vmem>>, vector<16xf32>,
      %sub3A_153 = vector.broadcast %multiple_of3A : i32 to vector<16xi32>
      %sub3A_154 = arith.subi %get3A_135, %sub3A_153 : vector<16xi32>
      %jit3A_155 = arith.constant 0 : i32
      %jit3A_156 = arith.constant 87 : i32
      %max3A_157 = vector.broadcast %jit3A_155 : i32 to vector<16xi32>
      %max3A_158 = arith.maxsi %max3A_157, %sub3A_154 : vector<16xi32>
      %min3A_159 = vector.broadcast %jit3A_156 : i32 to vector<16xi32>
      %min3A_160 = arith.minsi %min3A_159, %max3A_158 : vector<16xi32>
      %swap3A_161 = arith.constant 48 : index
      %swap3A_162 = tpu.vector_load %arg12[%swap3A_161] {strides = array<i32>} : memref<128xi32, #tpu.memory_space<vmem>>, vector<16xi32>,
      %swap3A_163 = vector.shape_cast %swap3A_162 : vector<16xi32> to vector<16xi32>
      %swap3A_164 = vector.shape_cast %min3A_160 : vector<16xi32> to vector<16xi32>
      tpu.vector_store %arg12[%swap3A_161], %swap3A_164 {strides = array<i32>} : memref<128xi32, #tpu.memory_space<vmem>>, vector<16xi32>,
      %get3A_165 = arith.constant 64 : index
      %get3A_166 = tpu.vector_load %arg9[%get3A_165] {strides = array<i32>} : memref<128xi32, #tpu.memory_space<vmem>>, vector<16xi32>,
      %get3A_167 = vector.shape_cast %get3A_166 : vector<16xi32> to vector<16xi32>
      %get3A_168 = arith.constant 64 : index
      %get3A_169 = tpu.vector_load %arg10[%get3A_168] {strides = array<i32>} : memref<128xf32, #tpu.memory_space<vmem>>, vector<16xf32>,
      %get3A_170 = vector.shape_cast %get3A_169 : vector<16xf32> to vector<16xf32>
      %ge3A_171 = vector.broadcast %multiple_of3A : i32 to vector<16xi32>
      %ge3A_172 = arith.cmpi sge, %get3A_167, %ge3A_171 : vector<16xi32>
      %add3A_173 = arith.constant 88 : i32
      %add3A_174 = arith.addi %multiple_of3A, %add3A_173 : i32
      %lt3A_175 = vector.broadcast %add3A_174 : i32 to vector<16xi32>
      %lt3A_176 = arith.cmpi slt, %get3A_167, %lt3A_175 : vector<16xi32>
      %and3A_177 = arith.andi %ge3A_172, %lt3A_176 : vector<16xi1>
      %jit3A_178 = arith.constant 0.000000e+00 : f32
      %broadcast_in_dim3A_179 = vector.broadcast %jit3A_178 : f32 to vector<16xf32>
      %select_n3A_180 = arith.select %and3A_177, %get3A_170, %broadcast_in_dim3A_179 : vector<16xi1>, vector<16xf32>
      %swap3A_181 = arith.constant 64 : index
      %swap3A_182 = tpu.vector_load %arg11[%swap3A_181] {strides = array<i32>} : memref<128xf32, #tpu.memory_space<vmem>>, vector<16xf32>,
      %swap3A_183 = vector.shape_cast %swap3A_182 : vector<16xf32> to vector<16xf32>
      %swap3A_184 = vector.shape_cast %select_n3A_180 : vector<16xf32> to vector<16xf32>
      tpu.vector_store %arg11[%swap3A_181], %swap3A_184 {strides = array<i32>} : memref<128xf32, #tpu.memory_space<vmem>>, vector<16xf32>,
      %sub3A_185 = vector.broadcast %multiple_of3A : i32 to vector<16xi32>
      %sub3A_186 = arith.subi %get3A_167, %sub3A_185 : vector<16xi32>
      %jit3A_187 = arith.constant 0 : i32
      %jit3A_188 = arith.constant 87 : i32
      %max3A_189 = vector.broadcast %jit3A_187 : i32 to vector<16xi32>
      %max3A_190 = arith.maxsi %max3A_189, %sub3A_186 : vector<16xi32>
      %min3A_191 = vector.broadcast %jit3A_188 : i32 to vector<16xi32>
      %min3A_192 = arith.minsi %min3A_191, %max3A_190 : vector<16xi32>
      %swap3A_193 = arith.constant 64 : index
      %swap3A_194 = tpu.vector_load %arg12[%swap3A_193] {strides = array<i32>} : memref<128xi32, #tpu.memory_space<vmem>>, vector<16xi32>,
      %swap3A_195 = vector.shape_cast %swap3A_194 : vector<16xi32> to vector<16xi32>
      %swap3A_196 = vector.shape_cast %min3A_192 : vector<16xi32> to vector<16xi32>
      tpu.vector_store %arg12[%swap3A_193], %swap3A_196 {strides = array<i32>} : memref<128xi32, #tpu.memory_space<vmem>>, vector<16xi32>,
      %get3A_197 = arith.constant 80 : index
      %get3A_198 = tpu.vector_load %arg9[%get3A_197] {strides = array<i32>} : memref<128xi32, #tpu.memory_space<vmem>>, vector<16xi32>,
      %get3A_199 = vector.shape_cast %get3A_198 : vector<16xi32> to vector<16xi32>
      %get3A_200 = arith.constant 80 : index
      %get3A_201 = tpu.vector_load %arg10[%get3A_200] {strides = array<i32>} : memref<128xf32, #tpu.memory_space<vmem>>, vector<16xf32>,
      %get3A_202 = vector.shape_cast %get3A_201 : vector<16xf32> to vector<16xf32>
      %ge3A_203 = vector.broadcast %multiple_of3A : i32 to vector<16xi32>
      %ge3A_204 = arith.cmpi sge, %get3A_199, %ge3A_203 : vector<16xi32>
      %add3A_205 = arith.constant 88 : i32
      %add3A_206 = arith.addi %multiple_of3A, %add3A_205 : i32
      %lt3A_207 = vector.broadcast %add3A_206 : i32 to vector<16xi32>
      %lt3A_208 = arith.cmpi slt, %get3A_199, %lt3A_207 : vector<16xi32>
      %and3A_209 = arith.andi %ge3A_204, %lt3A_208 : vector<16xi1>
      %jit3A_210 = arith.constant 0.000000e+00 : f32
      %broadcast_in_dim3A_211 = vector.broadcast %jit3A_210 : f32 to vector<16xf32>
      %select_n3A_212 = arith.select %and3A_209, %get3A_202, %broadcast_in_dim3A_211 : vector<16xi1>, vector<16xf32>
      %swap3A_213 = arith.constant 80 : index
      %swap3A_214 = tpu.vector_load %arg11[%swap3A_213] {strides = array<i32>} : memref<128xf32, #tpu.memory_space<vmem>>, vector<16xf32>,
      %swap3A_215 = vector.shape_cast %swap3A_214 : vector<16xf32> to vector<16xf32>
      %swap3A_216 = vector.shape_cast %select_n3A_212 : vector<16xf32> to vector<16xf32>
      tpu.vector_store %arg11[%swap3A_213], %swap3A_216 {strides = array<i32>} : memref<128xf32, #tpu.memory_space<vmem>>, vector<16xf32>,
      %sub3A_217 = vector.broadcast %multiple_of3A : i32 to vector<16xi32>
      %sub3A_218 = arith.subi %get3A_199, %sub3A_217 : vector<16xi32>
      %jit3A_219 = arith.constant 0 : i32
      %jit3A_220 = arith.constant 87 : i32
      %max3A_221 = vector.broadcast %jit3A_219 : i32 to vector<16xi32>
      %max3A_222 = arith.maxsi %max3A_221, %sub3A_218 : vector<16xi32>
      %min3A_223 = vector.broadcast %jit3A_220 : i32 to vector<16xi32>
      %min3A_224 = arith.minsi %min3A_223, %max3A_222 : vector<16xi32>
      %swap3A_225 = arith.constant 80 : index
      %swap3A_226 = tpu.vector_load %arg12[%swap3A_225] {strides = array<i32>} : memref<128xi32, #tpu.memory_space<vmem>>, vector<16xi32>,
      %swap3A_227 = vector.shape_cast %swap3A_226 : vector<16xi32> to vector<16xi32>
      %swap3A_228 = vector.shape_cast %min3A_224 : vector<16xi32> to vector<16xi32>
      tpu.vector_store %arg12[%swap3A_225], %swap3A_228 {strides = array<i32>} : memref<128xi32, #tpu.memory_space<vmem>>, vector<16xi32>,
      %get3A_229 = arith.constant 96 : index
      %get3A_230 = tpu.vector_load %arg9[%get3A_229] {strides = array<i32>} : memref<128xi32, #tpu.memory_space<vmem>>, vector<16xi32>,
      %get3A_231 = vector.shape_cast %get3A_230 : vector<16xi32> to vector<16xi32>
      %get3A_232 = arith.constant 96 : index
      %get3A_233 = tpu.vector_load %arg10[%get3A_232] {strides = array<i32>} : memref<128xf32, #tpu.memory_space<vmem>>, vector<16xf32>,
      %get3A_234 = vector.shape_cast %get3A_233 : vector<16xf32> to vector<16xf32>
      %ge3A_235 = vector.broadcast %multiple_of3A : i32 to vector<16xi32>
      %ge3A_236 = arith.cmpi sge, %get3A_231, %ge3A_235 : vector<16xi32>
      %add3A_237 = arith.constant 88 : i32
      %add3A_238 = arith.addi %multiple_of3A, %add3A_237 : i32
      %lt3A_239 = vector.broadcast %add3A_238 : i32 to vector<16xi32>
      %lt3A_240 = arith.cmpi slt, %get3A_231, %lt3A_239 : vector<16xi32>
      %and3A_241 = arith.andi %ge3A_236, %lt3A_240 : vector<16xi1>
      %jit3A_242 = arith.constant 0.000000e+00 : f32
      %broadcast_in_dim3A_243 = vector.broadcast %jit3A_242 : f32 to vector<16xf32>
      %select_n3A_244 = arith.select %and3A_241, %get3A_234, %broadcast_in_dim3A_243 : vector<16xi1>, vector<16xf32>
      %swap3A_245 = arith.constant 96 : index
      %swap3A_246 = tpu.vector_load %arg11[%swap3A_245] {strides = array<i32>} : memref<128xf32, #tpu.memory_space<vmem>>, vector<16xf32>,
      %swap3A_247 = vector.shape_cast %swap3A_246 : vector<16xf32> to vector<16xf32>
      %swap3A_248 = vector.shape_cast %select_n3A_244 : vector<16xf32> to vector<16xf32>
      tpu.vector_store %arg11[%swap3A_245], %swap3A_248 {strides = array<i32>} : memref<128xf32, #tpu.memory_space<vmem>>, vector<16xf32>,
      %sub3A_249 = vector.broadcast %multiple_of3A : i32 to vector<16xi32>
      %sub3A_250 = arith.subi %get3A_231, %sub3A_249 : vector<16xi32>
      %jit3A_251 = arith.constant 0 : i32
      %jit3A_252 = arith.constant 87 : i32
      %max3A_253 = vector.broadcast %jit3A_251 : i32 to vector<16xi32>
      %max3A_254 = arith.maxsi %max3A_253, %sub3A_250 : vector<16xi32>
      %min3A_255 = vector.broadcast %jit3A_252 : i32 to vector<16xi32>
      %min3A_256 = arith.minsi %min3A_255, %max3A_254 : vector<16xi32>
      %swap3A_257 = arith.constant 96 : index
      %swap3A_258 = tpu.vector_load %arg12[%swap3A_257] {strides = array<i32>} : memref<128xi32, #tpu.memory_space<vmem>>, vector<16xi32>,
      %swap3A_259 = vector.shape_cast %swap3A_258 : vector<16xi32> to vector<16xi32>
      %swap3A_260 = vector.shape_cast %min3A_256 : vector<16xi32> to vector<16xi32>
      tpu.vector_store %arg12[%swap3A_257], %swap3A_260 {strides = array<i32>} : memref<128xi32, #tpu.memory_space<vmem>>, vector<16xi32>,
      %get3A_261 = arith.constant 112 : index
      %get3A_262 = tpu.vector_load %arg9[%get3A_261] {strides = array<i32>} : memref<128xi32, #tpu.memory_space<vmem>>, vector<16xi32>,
      %get3A_263 = vector.shape_cast %get3A_262 : vector<16xi32> to vector<16xi32>
      %get3A_264 = arith.constant 112 : index
      %get3A_265 = tpu.vector_load %arg10[%get3A_264] {strides = array<i32>} : memref<128xf32, #tpu.memory_space<vmem>>, vector<16xf32>,
      %get3A_266 = vector.shape_cast %get3A_265 : vector<16xf32> to vector<16xf32>
      %ge3A_267 = vector.broadcast %multiple_of3A : i32 to vector<16xi32>
      %ge3A_268 = arith.cmpi sge, %get3A_263, %ge3A_267 : vector<16xi32>
      %add3A_269 = arith.constant 88 : i32
      %add3A_270 = arith.addi %multiple_of3A, %add3A_269 : i32
      %lt3A_271 = vector.broadcast %add3A_270 : i32 to vector<16xi32>
      %lt3A_272 = arith.cmpi slt, %get3A_263, %lt3A_271 : vector<16xi32>
      %and3A_273 = arith.andi %ge3A_268, %lt3A_272 : vector<16xi1>
      %jit3A_274 = arith.constant 0.000000e+00 : f32
      %broadcast_in_dim3A_275 = vector.broadcast %jit3A_274 : f32 to vector<16xf32>
      %select_n3A_276 = arith.select %and3A_273, %get3A_266, %broadcast_in_dim3A_275 : vector<16xi1>, vector<16xf32>
      %swap3A_277 = arith.constant 112 : index
      %swap3A_278 = tpu.vector_load %arg11[%swap3A_277] {strides = array<i32>} : memref<128xf32, #tpu.memory_space<vmem>>, vector<16xf32>,
      %swap3A_279 = vector.shape_cast %swap3A_278 : vector<16xf32> to vector<16xf32>
      %swap3A_280 = vector.shape_cast %select_n3A_276 : vector<16xf32> to vector<16xf32>
      tpu.vector_store %arg11[%swap3A_277], %swap3A_280 {strides = array<i32>} : memref<128xf32, #tpu.memory_space<vmem>>, vector<16xf32>,
      %sub3A_281 = vector.broadcast %multiple_of3A : i32 to vector<16xi32>
      %sub3A_282 = arith.subi %get3A_263, %sub3A_281 : vector<16xi32>
      %jit3A_283 = arith.constant 0 : i32
      %jit3A_284 = arith.constant 87 : i32
      %max3A_285 = vector.broadcast %jit3A_283 : i32 to vector<16xi32>
      %max3A_286 = arith.maxsi %max3A_285, %sub3A_282 : vector<16xi32>
      %min3A_287 = vector.broadcast %jit3A_284 : i32 to vector<16xi32>
      %min3A_288 = arith.minsi %min3A_287, %max3A_286 : vector<16xi32>
      %swap3A_289 = arith.constant 112 : index
      %swap3A_290 = tpu.vector_load %arg12[%swap3A_289] {strides = array<i32>} : memref<128xi32, #tpu.memory_space<vmem>>, vector<16xi32>,
      %swap3A_291 = vector.shape_cast %swap3A_290 : vector<16xi32> to vector<16xi32>
      %swap3A_292 = vector.shape_cast %min3A_288 : vector<16xi32> to vector<16xi32>
      tpu.vector_store %arg12[%swap3A_289], %swap3A_292 {strides = array<i32>} : memref<128xi32, #tpu.memory_space<vmem>>, vector<16xi32>,
      %scan3A_293 = arith.constant 0 : i32
      %scan3A_294 = arith.constant 0 : i32
      %scan3A_295 = arith.constant 8 : i32
      %scan3A_296 = arith.addi %scan3A_294, %scan3A_295 : i32
      %scan3A_297 = arith.constant 1 : i32
      %scan3A_298 = scf.for %scan3A_301 = %scan3A_294 to %scan3A_296 step %scan3A_297 iter_args(%scan3A_302 = %scan3A_293) -> (i32)  : i32 {
        %mul3A_303 = arith.constant 16 : i32
        %mul3A_304 = arith.muli %scan3A_301, %mul3A_303 : i32
        %get3A_305 = arith.index_cast %mul3A_304 : i32 to index
        %get3A_306 = tpu.vector_load %arg12[%get3A_305] {strides = array<i32>} : memref<128xi32, #tpu.memory_space<vmem>>, vector<16xi32>,
        %get3A_307 = vector.shape_cast %get3A_306 : vector<16xi32> to vector<16xi32>
        %mul3A_308 = arith.constant 16 : i32
        %mul3A_309 = arith.muli %scan3A_301, %mul3A_308 : i32
        %get3A_310 = arith.index_cast %mul3A_309 : i32 to index
        %get3A_311 = tpu.vector_load %arg11[%get3A_310] {strides = array<i32>} : memref<128xf32, #tpu.memory_space<vmem>>, vector<16xf32>,
        %get3A_312 = vector.shape_cast %get3A_311 : vector<16xf32> to vector<16xf32>
        %slice3A_313 = vector.extract_strided_slice %get3A_307 {offsets = [0], sizes = [1], strides = [1]} : vector<16xi32> to vector<1xi32>
        %squeeze3A_314 = vector.extract %slice3A_313[0] : i32 from vector<1xi32>
        %broadcast_in_dim3A_315 = arith.constant 0 : i32
        %broadcast_in_dim3A_316 = vector.broadcast %broadcast_in_dim3A_315 : i32 to vector<16xi32>
        %broadcast_in_dim3A_317 = vector.shape_cast %broadcast_in_dim3A_316 : vector<16xi32> to vector<16x1xi32>
        %gather3A = vector.shape_cast %broadcast_in_dim3A_317 : vector<16x1xi32> to vector<16xi32>
        %gather3A_318 = tpu.dynamic_gather %get3A_312[%gather3A] in [0] : vector<16xf32>, vector<16xi32> -> vector<16xf32>
        %mul3A_319 = arith.constant 16 : i32
        %mul3A_320 = arith.muli %scan3A_301, %mul3A_319 : i32
        %add3A_321 = arith.constant 0 : i32
        %add3A_322 = arith.addi %mul3A_320, %add3A_321 : i32
        %parallel_loop3A = arith.constant 0 : i32
        %parallel_loop3A_323 = arith.constant 32 : i32
        %parallel_loop3A_324 = arith.constant 1 : i32
        scf.for %parallel_loop3A_536 = %parallel_loop3A to %parallel_loop3A_323 step %parallel_loop3A_324  : i32 {
          %parallel_loop3A_537 = arith.constant 16 : i32
          %parallel_loop3A_538 = arith.muli %parallel_loop3A_536, %parallel_loop3A_537 : i32
          %parallel_loop3A_539 = arith.index_cast %squeeze3A_314 : i32 to index
          %parallel_loop3A_540 = arith.index_cast %parallel_loop3A_538 : i32 to index
          %parallel_loop3A_541 = tpu.vector_load %arg14[%parallel_loop3A_539, %parallel_loop3A_540] {strides = array<i32>} : memref<88x512xf32, #tpu.memory_space<vmem>>, vector<1x16xf32>,
          %parallel_loop3A_542 = vector.shape_cast %parallel_loop3A_541 : vector<1x16xf32> to vector<16xf32>
          %parallel_loop3A_543 = arith.index_cast %add3A_322 : i32 to index
          %parallel_loop3A_544 = arith.index_cast %parallel_loop3A_538 : i32 to index
          %parallel_loop3A_545 = tpu.vector_load %arg13[%parallel_loop3A_543, %parallel_loop3A_544] {strides = array<i32>} : memref<128x512xf32, #tpu.memory_space<vmem>>, vector<1x16xf32>,
          %parallel_loop3A_546 = vector.shape_cast %parallel_loop3A_545 : vector<1x16xf32> to vector<16xf32>
          %parallel_loop3A_547 = arith.mulf %parallel_loop3A_546, %gather3A_318 : vector<16xf32>
          %parallel_loop3A_548 = arith.addf %parallel_loop3A_542, %parallel_loop3A_547 : vector<16xf32>
          %parallel_loop3A_549 = arith.index_cast %squeeze3A_314 : i32 to index
          %parallel_loop3A_550 = arith.index_cast %parallel_loop3A_538 : i32 to index
          %parallel_loop3A_551 = tpu.vector_load %arg14[%parallel_loop3A_549, %parallel_loop3A_550] {strides = array<i32>} : memref<88x512xf32, #tpu.memory_space<vmem>>, vector<1x16xf32>,
          %parallel_loop3A_552 = vector.shape_cast %parallel_loop3A_551 : vector<1x16xf32> to vector<16xf32>
          %parallel_loop3A_553 = vector.shape_cast %parallel_loop3A_548 : vector<16xf32> to vector<1x16xf32>
          tpu.vector_store %arg14[%parallel_loop3A_549, %parallel_loop3A_550], %parallel_loop3A_553 {strides = array<i32>} : memref<88x512xf32, #tpu.memory_space<vmem>>, vector<1x16xf32>,
        } {sc.loop_unroll_factor = 8 : i64, sc.parallel_access}
        %slice3A_325 = vector.extract_strided_slice %get3A_307 {offsets = [1], sizes = [1], strides = [1]} : vector<16xi32> to vector<1xi32>
        %squeeze3A_326 = vector.extract %slice3A_325[0] : i32 from vector<1xi32>
        %broadcast_in_dim3A_327 = arith.constant 1 : i32
        %broadcast_in_dim3A_328 = vector.broadcast %broadcast_in_dim3A_327 : i32 to vector<16xi32>
        %broadcast_in_dim3A_329 = vector.shape_cast %broadcast_in_dim3A_328 : vector<16xi32> to vector<16x1xi32>
        %gather3A_330 = vector.shape_cast %broadcast_in_dim3A_329 : vector<16x1xi32> to vector<16xi32>
        %gather3A_331 = tpu.dynamic_gather %get3A_312[%gather3A_330] in [0] : vector<16xf32>, vector<16xi32> -> vector<16xf32>
        %mul3A_332 = arith.constant 16 : i32
        %mul3A_333 = arith.muli %scan3A_301, %mul3A_332 : i32
        %add3A_334 = arith.constant 1 : i32
        %add3A_335 = arith.addi %mul3A_333, %add3A_334 : i32
        %parallel_loop3A_336 = arith.constant 0 : i32
        %parallel_loop3A_337 = arith.constant 32 : i32
        %parallel_loop3A_338 = arith.constant 1 : i32
        scf.for %parallel_loop3A_536 = %parallel_loop3A_336 to %parallel_loop3A_337 step %parallel_loop3A_338  : i32 {
          %parallel_loop3A_537 = arith.constant 16 : i32
          %parallel_loop3A_538 = arith.muli %parallel_loop3A_536, %parallel_loop3A_537 : i32
          %parallel_loop3A_539 = arith.index_cast %squeeze3A_326 : i32 to index
          %parallel_loop3A_540 = arith.index_cast %parallel_loop3A_538 : i32 to index
          %parallel_loop3A_541 = tpu.vector_load %arg14[%parallel_loop3A_539, %parallel_loop3A_540] {strides = array<i32>} : memref<88x512xf32, #tpu.memory_space<vmem>>, vector<1x16xf32>,
          %parallel_loop3A_542 = vector.shape_cast %parallel_loop3A_541 : vector<1x16xf32> to vector<16xf32>
          %parallel_loop3A_543 = arith.index_cast %add3A_335 : i32 to index
          %parallel_loop3A_544 = arith.index_cast %parallel_loop3A_538 : i32 to index
          %parallel_loop3A_545 = tpu.vector_load %arg13[%parallel_loop3A_543, %parallel_loop3A_544] {strides = array<i32>} : memref<128x512xf32, #tpu.memory_space<vmem>>, vector<1x16xf32>,
          %parallel_loop3A_546 = vector.shape_cast %parallel_loop3A_545 : vector<1x16xf32> to vector<16xf32>
          %parallel_loop3A_547 = arith.mulf %parallel_loop3A_546, %gather3A_331 : vector<16xf32>
          %parallel_loop3A_548 = arith.addf %parallel_loop3A_542, %parallel_loop3A_547 : vector<16xf32>
          %parallel_loop3A_549 = arith.index_cast %squeeze3A_326 : i32 to index
          %parallel_loop3A_550 = arith.index_cast %parallel_loop3A_538 : i32 to index
          %parallel_loop3A_551 = tpu.vector_load %arg14[%parallel_loop3A_549, %parallel_loop3A_550] {strides = array<i32>} : memref<88x512xf32, #tpu.memory_space<vmem>>, vector<1x16xf32>,
          %parallel_loop3A_552 = vector.shape_cast %parallel_loop3A_551 : vector<1x16xf32> to vector<16xf32>
          %parallel_loop3A_553 = vector.shape_cast %parallel_loop3A_548 : vector<16xf32> to vector<1x16xf32>
          tpu.vector_store %arg14[%parallel_loop3A_549, %parallel_loop3A_550], %parallel_loop3A_553 {strides = array<i32>} : memref<88x512xf32, #tpu.memory_space<vmem>>, vector<1x16xf32>,
        } {sc.loop_unroll_factor = 8 : i64, sc.parallel_access}
        %slice3A_339 = vector.extract_strided_slice %get3A_307 {offsets = [2], sizes = [1], strides = [1]} : vector<16xi32> to vector<1xi32>
        %squeeze3A_340 = vector.extract %slice3A_339[0] : i32 from vector<1xi32>
        %broadcast_in_dim3A_341 = arith.constant 2 : i32
        %broadcast_in_dim3A_342 = vector.broadcast %broadcast_in_dim3A_341 : i32 to vector<16xi32>
        %broadcast_in_dim3A_343 = vector.shape_cast %broadcast_in_dim3A_342 : vector<16xi32> to vector<16x1xi32>
        %gather3A_344 = vector.shape_cast %broadcast_in_dim3A_343 : vector<16x1xi32> to vector<16xi32>
        %gather3A_345 = tpu.dynamic_gather %get3A_312[%gather3A_344] in [0] : vector<16xf32>, vector<16xi32> -> vector<16xf32>
        %mul3A_346 = arith.constant 16 : i32
        %mul3A_347 = arith.muli %scan3A_301, %mul3A_346 : i32
        %add3A_348 = arith.constant 2 : i32
        %add3A_349 = arith.addi %mul3A_347, %add3A_348 : i32
        %parallel_loop3A_350 = arith.constant 0 : i32
        %parallel_loop3A_351 = arith.constant 32 : i32
        %parallel_loop3A_352 = arith.constant 1 : i32
        scf.for %parallel_loop3A_536 = %parallel_loop3A_350 to %parallel_loop3A_351 step %parallel_loop3A_352  : i32 {
          %parallel_loop3A_537 = arith.constant 16 : i32
          %parallel_loop3A_538 = arith.muli %parallel_loop3A_536, %parallel_loop3A_537 : i32
          %parallel_loop3A_539 = arith.index_cast %squeeze3A_340 : i32 to index
          %parallel_loop3A_540 = arith.index_cast %parallel_loop3A_538 : i32 to index
          %parallel_loop3A_541 = tpu.vector_load %arg14[%parallel_loop3A_539, %parallel_loop3A_540] {strides = array<i32>} : memref<88x512xf32, #tpu.memory_space<vmem>>, vector<1x16xf32>,
          %parallel_loop3A_542 = vector.shape_cast %parallel_loop3A_541 : vector<1x16xf32> to vector<16xf32>
          %parallel_loop3A_543 = arith.index_cast %add3A_349 : i32 to index
          %parallel_loop3A_544 = arith.index_cast %parallel_loop3A_538 : i32 to index
          %parallel_loop3A_545 = tpu.vector_load %arg13[%parallel_loop3A_543, %parallel_loop3A_544] {strides = array<i32>} : memref<128x512xf32, #tpu.memory_space<vmem>>, vector<1x16xf32>,
          %parallel_loop3A_546 = vector.shape_cast %parallel_loop3A_545 : vector<1x16xf32> to vector<16xf32>
          %parallel_loop3A_547 = arith.mulf %parallel_loop3A_546, %gather3A_345 : vector<16xf32>
          %parallel_loop3A_548 = arith.addf %parallel_loop3A_542, %parallel_loop3A_547 : vector<16xf32>
          %parallel_loop3A_549 = arith.index_cast %squeeze3A_340 : i32 to index
          %parallel_loop3A_550 = arith.index_cast %parallel_loop3A_538 : i32 to index
          %parallel_loop3A_551 = tpu.vector_load %arg14[%parallel_loop3A_549, %parallel_loop3A_550] {strides = array<i32>} : memref<88x512xf32, #tpu.memory_space<vmem>>, vector<1x16xf32>,
          %parallel_loop3A_552 = vector.shape_cast %parallel_loop3A_551 : vector<1x16xf32> to vector<16xf32>
          %parallel_loop3A_553 = vector.shape_cast %parallel_loop3A_548 : vector<16xf32> to vector<1x16xf32>
          tpu.vector_store %arg14[%parallel_loop3A_549, %parallel_loop3A_550], %parallel_loop3A_553 {strides = array<i32>} : memref<88x512xf32, #tpu.memory_space<vmem>>, vector<1x16xf32>,
        } {sc.loop_unroll_factor = 8 : i64, sc.parallel_access}
        %slice3A_353 = vector.extract_strided_slice %get3A_307 {offsets = [3], sizes = [1], strides = [1]} : vector<16xi32> to vector<1xi32>
        %squeeze3A_354 = vector.extract %slice3A_353[0] : i32 from vector<1xi32>
        %broadcast_in_dim3A_355 = arith.constant 3 : i32
        %broadcast_in_dim3A_356 = vector.broadcast %broadcast_in_dim3A_355 : i32 to vector<16xi32>
        %broadcast_in_dim3A_357 = vector.shape_cast %broadcast_in_dim3A_356 : vector<16xi32> to vector<16x1xi32>
        %gather3A_358 = vector.shape_cast %broadcast_in_dim3A_357 : vector<16x1xi32> to vector<16xi32>
        %gather3A_359 = tpu.dynamic_gather %get3A_312[%gather3A_358] in [0] : vector<16xf32>, vector<16xi32> -> vector<16xf32>
        %mul3A_360 = arith.constant 16 : i32
        %mul3A_361 = arith.muli %scan3A_301, %mul3A_360 : i32
        %add3A_362 = arith.constant 3 : i32
        %add3A_363 = arith.addi %mul3A_361, %add3A_362 : i32
        %parallel_loop3A_364 = arith.constant 0 : i32
        %parallel_loop3A_365 = arith.constant 32 : i32
        %parallel_loop3A_366 = arith.constant 1 : i32
        scf.for %parallel_loop3A_536 = %parallel_loop3A_364 to %parallel_loop3A_365 step %parallel_loop3A_366  : i32 {
          %parallel_loop3A_537 = arith.constant 16 : i32
          %parallel_loop3A_538 = arith.muli %parallel_loop3A_536, %parallel_loop3A_537 : i32
          %parallel_loop3A_539 = arith.index_cast %squeeze3A_354 : i32 to index
          %parallel_loop3A_540 = arith.index_cast %parallel_loop3A_538 : i32 to index
          %parallel_loop3A_541 = tpu.vector_load %arg14[%parallel_loop3A_539, %parallel_loop3A_540] {strides = array<i32>} : memref<88x512xf32, #tpu.memory_space<vmem>>, vector<1x16xf32>,
          %parallel_loop3A_542 = vector.shape_cast %parallel_loop3A_541 : vector<1x16xf32> to vector<16xf32>
          %parallel_loop3A_543 = arith.index_cast %add3A_363 : i32 to index
          %parallel_loop3A_544 = arith.index_cast %parallel_loop3A_538 : i32 to index
          %parallel_loop3A_545 = tpu.vector_load %arg13[%parallel_loop3A_543, %parallel_loop3A_544] {strides = array<i32>} : memref<128x512xf32, #tpu.memory_space<vmem>>, vector<1x16xf32>,
          %parallel_loop3A_546 = vector.shape_cast %parallel_loop3A_545 : vector<1x16xf32> to vector<16xf32>
          %parallel_loop3A_547 = arith.mulf %parallel_loop3A_546, %gather3A_359 : vector<16xf32>
          %parallel_loop3A_548 = arith.addf %parallel_loop3A_542, %parallel_loop3A_547 : vector<16xf32>
          %parallel_loop3A_549 = arith.index_cast %squeeze3A_354 : i32 to index
          %parallel_loop3A_550 = arith.index_cast %parallel_loop3A_538 : i32 to index
          %parallel_loop3A_551 = tpu.vector_load %arg14[%parallel_loop3A_549, %parallel_loop3A_550] {strides = array<i32>} : memref<88x512xf32, #tpu.memory_space<vmem>>, vector<1x16xf32>,
          %parallel_loop3A_552 = vector.shape_cast %parallel_loop3A_551 : vector<1x16xf32> to vector<16xf32>
          %parallel_loop3A_553 = vector.shape_cast %parallel_loop3A_548 : vector<16xf32> to vector<1x16xf32>
          tpu.vector_store %arg14[%parallel_loop3A_549, %parallel_loop3A_550], %parallel_loop3A_553 {strides = array<i32>} : memref<88x512xf32, #tpu.memory_space<vmem>>, vector<1x16xf32>,
        } {sc.loop_unroll_factor = 8 : i64, sc.parallel_access}
        %slice3A_367 = vector.extract_strided_slice %get3A_307 {offsets = [4], sizes = [1], strides = [1]} : vector<16xi32> to vector<1xi32>
        %squeeze3A_368 = vector.extract %slice3A_367[0] : i32 from vector<1xi32>
        %broadcast_in_dim3A_369 = arith.constant 4 : i32
        %broadcast_in_dim3A_370 = vector.broadcast %broadcast_in_dim3A_369 : i32 to vector<16xi32>
        %broadcast_in_dim3A_371 = vector.shape_cast %broadcast_in_dim3A_370 : vector<16xi32> to vector<16x1xi32>
        %gather3A_372 = vector.shape_cast %broadcast_in_dim3A_371 : vector<16x1xi32> to vector<16xi32>
        %gather3A_373 = tpu.dynamic_gather %get3A_312[%gather3A_372] in [0] : vector<16xf32>, vector<16xi32> -> vector<16xf32>
        %mul3A_374 = arith.constant 16 : i32
        %mul3A_375 = arith.muli %scan3A_301, %mul3A_374 : i32
        %add3A_376 = arith.constant 4 : i32
        %add3A_377 = arith.addi %mul3A_375, %add3A_376 : i32
        %parallel_loop3A_378 = arith.constant 0 : i32
        %parallel_loop3A_379 = arith.constant 32 : i32
        %parallel_loop3A_380 = arith.constant 1 : i32
        scf.for %parallel_loop3A_536 = %parallel_loop3A_378 to %parallel_loop3A_379 step %parallel_loop3A_380  : i32 {
          %parallel_loop3A_537 = arith.constant 16 : i32
          %parallel_loop3A_538 = arith.muli %parallel_loop3A_536, %parallel_loop3A_537 : i32
          %parallel_loop3A_539 = arith.index_cast %squeeze3A_368 : i32 to index
          %parallel_loop3A_540 = arith.index_cast %parallel_loop3A_538 : i32 to index
          %parallel_loop3A_541 = tpu.vector_load %arg14[%parallel_loop3A_539, %parallel_loop3A_540] {strides = array<i32>} : memref<88x512xf32, #tpu.memory_space<vmem>>, vector<1x16xf32>,
          %parallel_loop3A_542 = vector.shape_cast %parallel_loop3A_541 : vector<1x16xf32> to vector<16xf32>
          %parallel_loop3A_543 = arith.index_cast %add3A_377 : i32 to index
          %parallel_loop3A_544 = arith.index_cast %parallel_loop3A_538 : i32 to index
          %parallel_loop3A_545 = tpu.vector_load %arg13[%parallel_loop3A_543, %parallel_loop3A_544] {strides = array<i32>} : memref<128x512xf32, #tpu.memory_space<vmem>>, vector<1x16xf32>,
          %parallel_loop3A_546 = vector.shape_cast %parallel_loop3A_545 : vector<1x16xf32> to vector<16xf32>
          %parallel_loop3A_547 = arith.mulf %parallel_loop3A_546, %gather3A_373 : vector<16xf32>
          %parallel_loop3A_548 = arith.addf %parallel_loop3A_542, %parallel_loop3A_547 : vector<16xf32>
          %parallel_loop3A_549 = arith.index_cast %squeeze3A_368 : i32 to index
          %parallel_loop3A_550 = arith.index_cast %parallel_loop3A_538 : i32 to index
          %parallel_loop3A_551 = tpu.vector_load %arg14[%parallel_loop3A_549, %parallel_loop3A_550] {strides = array<i32>} : memref<88x512xf32, #tpu.memory_space<vmem>>, vector<1x16xf32>,
          %parallel_loop3A_552 = vector.shape_cast %parallel_loop3A_551 : vector<1x16xf32> to vector<16xf32>
          %parallel_loop3A_553 = vector.shape_cast %parallel_loop3A_548 : vector<16xf32> to vector<1x16xf32>
          tpu.vector_store %arg14[%parallel_loop3A_549, %parallel_loop3A_550], %parallel_loop3A_553 {strides = array<i32>} : memref<88x512xf32, #tpu.memory_space<vmem>>, vector<1x16xf32>,
        } {sc.loop_unroll_factor = 8 : i64, sc.parallel_access}
        %slice3A_381 = vector.extract_strided_slice %get3A_307 {offsets = [5], sizes = [1], strides = [1]} : vector<16xi32> to vector<1xi32>
        %squeeze3A_382 = vector.extract %slice3A_381[0] : i32 from vector<1xi32>
        %broadcast_in_dim3A_383 = arith.constant 5 : i32
        %broadcast_in_dim3A_384 = vector.broadcast %broadcast_in_dim3A_383 : i32 to vector<16xi32>
        %broadcast_in_dim3A_385 = vector.shape_cast %broadcast_in_dim3A_384 : vector<16xi32> to vector<16x1xi32>
        %gather3A_386 = vector.shape_cast %broadcast_in_dim3A_385 : vector<16x1xi32> to vector<16xi32>
        %gather3A_387 = tpu.dynamic_gather %get3A_312[%gather3A_386] in [0] : vector<16xf32>, vector<16xi32> -> vector<16xf32>
        %mul3A_388 = arith.constant 16 : i32
        %mul3A_389 = arith.muli %scan3A_301, %mul3A_388 : i32
        %add3A_390 = arith.constant 5 : i32
        %add3A_391 = arith.addi %mul3A_389, %add3A_390 : i32
        %parallel_loop3A_392 = arith.constant 0 : i32
        %parallel_loop3A_393 = arith.constant 32 : i32
        %parallel_loop3A_394 = arith.constant 1 : i32
        scf.for %parallel_loop3A_536 = %parallel_loop3A_392 to %parallel_loop3A_393 step %parallel_loop3A_394  : i32 {
          %parallel_loop3A_537 = arith.constant 16 : i32
          %parallel_loop3A_538 = arith.muli %parallel_loop3A_536, %parallel_loop3A_537 : i32
          %parallel_loop3A_539 = arith.index_cast %squeeze3A_382 : i32 to index
          %parallel_loop3A_540 = arith.index_cast %parallel_loop3A_538 : i32 to index
          %parallel_loop3A_541 = tpu.vector_load %arg14[%parallel_loop3A_539, %parallel_loop3A_540] {strides = array<i32>} : memref<88x512xf32, #tpu.memory_space<vmem>>, vector<1x16xf32>,
          %parallel_loop3A_542 = vector.shape_cast %parallel_loop3A_541 : vector<1x16xf32> to vector<16xf32>
          %parallel_loop3A_543 = arith.index_cast %add3A_391 : i32 to index
          %parallel_loop3A_544 = arith.index_cast %parallel_loop3A_538 : i32 to index
          %parallel_loop3A_545 = tpu.vector_load %arg13[%parallel_loop3A_543, %parallel_loop3A_544] {strides = array<i32>} : memref<128x512xf32, #tpu.memory_space<vmem>>, vector<1x16xf32>,
          %parallel_loop3A_546 = vector.shape_cast %parallel_loop3A_545 : vector<1x16xf32> to vector<16xf32>
          %parallel_loop3A_547 = arith.mulf %parallel_loop3A_546, %gather3A_387 : vector<16xf32>
          %parallel_loop3A_548 = arith.addf %parallel_loop3A_542, %parallel_loop3A_547 : vector<16xf32>
          %parallel_loop3A_549 = arith.index_cast %squeeze3A_382 : i32 to index
          %parallel_loop3A_550 = arith.index_cast %parallel_loop3A_538 : i32 to index
          %parallel_loop3A_551 = tpu.vector_load %arg14[%parallel_loop3A_549, %parallel_loop3A_550] {strides = array<i32>} : memref<88x512xf32, #tpu.memory_space<vmem>>, vector<1x16xf32>,
          %parallel_loop3A_552 = vector.shape_cast %parallel_loop3A_551 : vector<1x16xf32> to vector<16xf32>
          %parallel_loop3A_553 = vector.shape_cast %parallel_loop3A_548 : vector<16xf32> to vector<1x16xf32>
          tpu.vector_store %arg14[%parallel_loop3A_549, %parallel_loop3A_550], %parallel_loop3A_553 {strides = array<i32>} : memref<88x512xf32, #tpu.memory_space<vmem>>, vector<1x16xf32>,
        } {sc.loop_unroll_factor = 8 : i64, sc.parallel_access}
        %slice3A_395 = vector.extract_strided_slice %get3A_307 {offsets = [6], sizes = [1], strides = [1]} : vector<16xi32> to vector<1xi32>
        %squeeze3A_396 = vector.extract %slice3A_395[0] : i32 from vector<1xi32>
        %broadcast_in_dim3A_397 = arith.constant 6 : i32
        %broadcast_in_dim3A_398 = vector.broadcast %broadcast_in_dim3A_397 : i32 to vector<16xi32>
        %broadcast_in_dim3A_399 = vector.shape_cast %broadcast_in_dim3A_398 : vector<16xi32> to vector<16x1xi32>
        %gather3A_400 = vector.shape_cast %broadcast_in_dim3A_399 : vector<16x1xi32> to vector<16xi32>
        %gather3A_401 = tpu.dynamic_gather %get3A_312[%gather3A_400] in [0] : vector<16xf32>, vector<16xi32> -> vector<16xf32>
        %mul3A_402 = arith.constant 16 : i32
        %mul3A_403 = arith.muli %scan3A_301, %mul3A_402 : i32
        %add3A_404 = arith.constant 6 : i32
        %add3A_405 = arith.addi %mul3A_403, %add3A_404 : i32
        %parallel_loop3A_406 = arith.constant 0 : i32
        %parallel_loop3A_407 = arith.constant 32 : i32
        %parallel_loop3A_408 = arith.constant 1 : i32
        scf.for %parallel_loop3A_536 = %parallel_loop3A_406 to %parallel_loop3A_407 step %parallel_loop3A_408  : i32 {
          %parallel_loop3A_537 = arith.constant 16 : i32
          %parallel_loop3A_538 = arith.muli %parallel_loop3A_536, %parallel_loop3A_537 : i32
          %parallel_loop3A_539 = arith.index_cast %squeeze3A_396 : i32 to index
          %parallel_loop3A_540 = arith.index_cast %parallel_loop3A_538 : i32 to index
          %parallel_loop3A_541 = tpu.vector_load %arg14[%parallel_loop3A_539, %parallel_loop3A_540] {strides = array<i32>} : memref<88x512xf32, #tpu.memory_space<vmem>>, vector<1x16xf32>,
          %parallel_loop3A_542 = vector.shape_cast %parallel_loop3A_541 : vector<1x16xf32> to vector<16xf32>
          %parallel_loop3A_543 = arith.index_cast %add3A_405 : i32 to index
          %parallel_loop3A_544 = arith.index_cast %parallel_loop3A_538 : i32 to index
          %parallel_loop3A_545 = tpu.vector_load %arg13[%parallel_loop3A_543, %parallel_loop3A_544] {strides = array<i32>} : memref<128x512xf32, #tpu.memory_space<vmem>>, vector<1x16xf32>,
          %parallel_loop3A_546 = vector.shape_cast %parallel_loop3A_545 : vector<1x16xf32> to vector<16xf32>
          %parallel_loop3A_547 = arith.mulf %parallel_loop3A_546, %gather3A_401 : vector<16xf32>
          %parallel_loop3A_548 = arith.addf %parallel_loop3A_542, %parallel_loop3A_547 : vector<16xf32>
          %parallel_loop3A_549 = arith.index_cast %squeeze3A_396 : i32 to index
          %parallel_loop3A_550 = arith.index_cast %parallel_loop3A_538 : i32 to index
          %parallel_loop3A_551 = tpu.vector_load %arg14[%parallel_loop3A_549, %parallel_loop3A_550] {strides = array<i32>} : memref<88x512xf32, #tpu.memory_space<vmem>>, vector<1x16xf32>,
          %parallel_loop3A_552 = vector.shape_cast %parallel_loop3A_551 : vector<1x16xf32> to vector<16xf32>
          %parallel_loop3A_553 = vector.shape_cast %parallel_loop3A_548 : vector<16xf32> to vector<1x16xf32>
          tpu.vector_store %arg14[%parallel_loop3A_549, %parallel_loop3A_550], %parallel_loop3A_553 {strides = array<i32>} : memref<88x512xf32, #tpu.memory_space<vmem>>, vector<1x16xf32>,
        } {sc.loop_unroll_factor = 8 : i64, sc.parallel_access}
        %slice3A_409 = vector.extract_strided_slice %get3A_307 {offsets = [7], sizes = [1], strides = [1]} : vector<16xi32> to vector<1xi32>
        %squeeze3A_410 = vector.extract %slice3A_409[0] : i32 from vector<1xi32>
        %broadcast_in_dim3A_411 = arith.constant 7 : i32
        %broadcast_in_dim3A_412 = vector.broadcast %broadcast_in_dim3A_411 : i32 to vector<16xi32>
        %broadcast_in_dim3A_413 = vector.shape_cast %broadcast_in_dim3A_412 : vector<16xi32> to vector<16x1xi32>
        %gather3A_414 = vector.shape_cast %broadcast_in_dim3A_413 : vector<16x1xi32> to vector<16xi32>
        %gather3A_415 = tpu.dynamic_gather %get3A_312[%gather3A_414] in [0] : vector<16xf32>, vector<16xi32> -> vector<16xf32>
        %mul3A_416 = arith.constant 16 : i32
        %mul3A_417 = arith.muli %scan3A_301, %mul3A_416 : i32
        %add3A_418 = arith.constant 7 : i32
        %add3A_419 = arith.addi %mul3A_417, %add3A_418 : i32
        %parallel_loop3A_420 = arith.constant 0 : i32
        %parallel_loop3A_421 = arith.constant 32 : i32
        %parallel_loop3A_422 = arith.constant 1 : i32
        scf.for %parallel_loop3A_536 = %parallel_loop3A_420 to %parallel_loop3A_421 step %parallel_loop3A_422  : i32 {
          %parallel_loop3A_537 = arith.constant 16 : i32
          %parallel_loop3A_538 = arith.muli %parallel_loop3A_536, %parallel_loop3A_537 : i32
          %parallel_loop3A_539 = arith.index_cast %squeeze3A_410 : i32 to index
          %parallel_loop3A_540 = arith.index_cast %parallel_loop3A_538 : i32 to index
          %parallel_loop3A_541 = tpu.vector_load %arg14[%parallel_loop3A_539, %parallel_loop3A_540] {strides = array<i32>} : memref<88x512xf32, #tpu.memory_space<vmem>>, vector<1x16xf32>,
          %parallel_loop3A_542 = vector.shape_cast %parallel_loop3A_541 : vector<1x16xf32> to vector<16xf32>
          %parallel_loop3A_543 = arith.index_cast %add3A_419 : i32 to index
          %parallel_loop3A_544 = arith.index_cast %parallel_loop3A_538 : i32 to index
          %parallel_loop3A_545 = tpu.vector_load %arg13[%parallel_loop3A_543, %parallel_loop3A_544] {strides = array<i32>} : memref<128x512xf32, #tpu.memory_space<vmem>>, vector<1x16xf32>,
          %parallel_loop3A_546 = vector.shape_cast %parallel_loop3A_545 : vector<1x16xf32> to vector<16xf32>
          %parallel_loop3A_547 = arith.mulf %parallel_loop3A_546, %gather3A_415 : vector<16xf32>
          %parallel_loop3A_548 = arith.addf %parallel_loop3A_542, %parallel_loop3A_547 : vector<16xf32>
          %parallel_loop3A_549 = arith.index_cast %squeeze3A_410 : i32 to index
          %parallel_loop3A_550 = arith.index_cast %parallel_loop3A_538 : i32 to index
          %parallel_loop3A_551 = tpu.vector_load %arg14[%parallel_loop3A_549, %parallel_loop3A_550] {strides = array<i32>} : memref<88x512xf32, #tpu.memory_space<vmem>>, vector<1x16xf32>,
          %parallel_loop3A_552 = vector.shape_cast %parallel_loop3A_551 : vector<1x16xf32> to vector<16xf32>
          %parallel_loop3A_553 = vector.shape_cast %parallel_loop3A_548 : vector<16xf32> to vector<1x16xf32>
          tpu.vector_store %arg14[%parallel_loop3A_549, %parallel_loop3A_550], %parallel_loop3A_553 {strides = array<i32>} : memref<88x512xf32, #tpu.memory_space<vmem>>, vector<1x16xf32>,
        } {sc.loop_unroll_factor = 8 : i64, sc.parallel_access}
        %slice3A_423 = vector.extract_strided_slice %get3A_307 {offsets = [8], sizes = [1], strides = [1]} : vector<16xi32> to vector<1xi32>
        %squeeze3A_424 = vector.extract %slice3A_423[0] : i32 from vector<1xi32>
        %broadcast_in_dim3A_425 = arith.constant 8 : i32
        %broadcast_in_dim3A_426 = vector.broadcast %broadcast_in_dim3A_425 : i32 to vector<16xi32>
        %broadcast_in_dim3A_427 = vector.shape_cast %broadcast_in_dim3A_426 : vector<16xi32> to vector<16x1xi32>
        %gather3A_428 = vector.shape_cast %broadcast_in_dim3A_427 : vector<16x1xi32> to vector<16xi32>
        %gather3A_429 = tpu.dynamic_gather %get3A_312[%gather3A_428] in [0] : vector<16xf32>, vector<16xi32> -> vector<16xf32>
        %mul3A_430 = arith.constant 16 : i32
        %mul3A_431 = arith.muli %scan3A_301, %mul3A_430 : i32
        %add3A_432 = arith.constant 8 : i32
        %add3A_433 = arith.addi %mul3A_431, %add3A_432 : i32
        %parallel_loop3A_434 = arith.constant 0 : i32
        %parallel_loop3A_435 = arith.constant 32 : i32
        %parallel_loop3A_436 = arith.constant 1 : i32
        scf.for %parallel_loop3A_536 = %parallel_loop3A_434 to %parallel_loop3A_435 step %parallel_loop3A_436  : i32 {
          %parallel_loop3A_537 = arith.constant 16 : i32
          %parallel_loop3A_538 = arith.muli %parallel_loop3A_536, %parallel_loop3A_537 : i32
          %parallel_loop3A_539 = arith.index_cast %squeeze3A_424 : i32 to index
          %parallel_loop3A_540 = arith.index_cast %parallel_loop3A_538 : i32 to index
          %parallel_loop3A_541 = tpu.vector_load %arg14[%parallel_loop3A_539, %parallel_loop3A_540] {strides = array<i32>} : memref<88x512xf32, #tpu.memory_space<vmem>>, vector<1x16xf32>,
          %parallel_loop3A_542 = vector.shape_cast %parallel_loop3A_541 : vector<1x16xf32> to vector<16xf32>
          %parallel_loop3A_543 = arith.index_cast %add3A_433 : i32 to index
          %parallel_loop3A_544 = arith.index_cast %parallel_loop3A_538 : i32 to index
          %parallel_loop3A_545 = tpu.vector_load %arg13[%parallel_loop3A_543, %parallel_loop3A_544] {strides = array<i32>} : memref<128x512xf32, #tpu.memory_space<vmem>>, vector<1x16xf32>,
          %parallel_loop3A_546 = vector.shape_cast %parallel_loop3A_545 : vector<1x16xf32> to vector<16xf32>
          %parallel_loop3A_547 = arith.mulf %parallel_loop3A_546, %gather3A_429 : vector<16xf32>
          %parallel_loop3A_548 = arith.addf %parallel_loop3A_542, %parallel_loop3A_547 : vector<16xf32>
          %parallel_loop3A_549 = arith.index_cast %squeeze3A_424 : i32 to index
          %parallel_loop3A_550 = arith.index_cast %parallel_loop3A_538 : i32 to index
          %parallel_loop3A_551 = tpu.vector_load %arg14[%parallel_loop3A_549, %parallel_loop3A_550] {strides = array<i32>} : memref<88x512xf32, #tpu.memory_space<vmem>>, vector<1x16xf32>,
          %parallel_loop3A_552 = vector.shape_cast %parallel_loop3A_551 : vector<1x16xf32> to vector<16xf32>
          %parallel_loop3A_553 = vector.shape_cast %parallel_loop3A_548 : vector<16xf32> to vector<1x16xf32>
          tpu.vector_store %arg14[%parallel_loop3A_549, %parallel_loop3A_550], %parallel_loop3A_553 {strides = array<i32>} : memref<88x512xf32, #tpu.memory_space<vmem>>, vector<1x16xf32>,
        } {sc.loop_unroll_factor = 8 : i64, sc.parallel_access}
        %slice3A_437 = vector.extract_strided_slice %get3A_307 {offsets = [9], sizes = [1], strides = [1]} : vector<16xi32> to vector<1xi32>
        %squeeze3A_438 = vector.extract %slice3A_437[0] : i32 from vector<1xi32>
        %broadcast_in_dim3A_439 = arith.constant 9 : i32
        %broadcast_in_dim3A_440 = vector.broadcast %broadcast_in_dim3A_439 : i32 to vector<16xi32>
        %broadcast_in_dim3A_441 = vector.shape_cast %broadcast_in_dim3A_440 : vector<16xi32> to vector<16x1xi32>
        %gather3A_442 = vector.shape_cast %broadcast_in_dim3A_441 : vector<16x1xi32> to vector<16xi32>
        %gather3A_443 = tpu.dynamic_gather %get3A_312[%gather3A_442] in [0] : vector<16xf32>, vector<16xi32> -> vector<16xf32>
        %mul3A_444 = arith.constant 16 : i32
        %mul3A_445 = arith.muli %scan3A_301, %mul3A_444 : i32
        %add3A_446 = arith.constant 9 : i32
        %add3A_447 = arith.addi %mul3A_445, %add3A_446 : i32
        %parallel_loop3A_448 = arith.constant 0 : i32
        %parallel_loop3A_449 = arith.constant 32 : i32
        %parallel_loop3A_450 = arith.constant 1 : i32
        scf.for %parallel_loop3A_536 = %parallel_loop3A_448 to %parallel_loop3A_449 step %parallel_loop3A_450  : i32 {
          %parallel_loop3A_537 = arith.constant 16 : i32
          %parallel_loop3A_538 = arith.muli %parallel_loop3A_536, %parallel_loop3A_537 : i32
          %parallel_loop3A_539 = arith.index_cast %squeeze3A_438 : i32 to index
          %parallel_loop3A_540 = arith.index_cast %parallel_loop3A_538 : i32 to index
          %parallel_loop3A_541 = tpu.vector_load %arg14[%parallel_loop3A_539, %parallel_loop3A_540] {strides = array<i32>} : memref<88x512xf32, #tpu.memory_space<vmem>>, vector<1x16xf32>,
          %parallel_loop3A_542 = vector.shape_cast %parallel_loop3A_541 : vector<1x16xf32> to vector<16xf32>
          %parallel_loop3A_543 = arith.index_cast %add3A_447 : i32 to index
          %parallel_loop3A_544 = arith.index_cast %parallel_loop3A_538 : i32 to index
          %parallel_loop3A_545 = tpu.vector_load %arg13[%parallel_loop3A_543, %parallel_loop3A_544] {strides = array<i32>} : memref<128x512xf32, #tpu.memory_space<vmem>>, vector<1x16xf32>,
          %parallel_loop3A_546 = vector.shape_cast %parallel_loop3A_545 : vector<1x16xf32> to vector<16xf32>
          %parallel_loop3A_547 = arith.mulf %parallel_loop3A_546, %gather3A_443 : vector<16xf32>
          %parallel_loop3A_548 = arith.addf %parallel_loop3A_542, %parallel_loop3A_547 : vector<16xf32>
          %parallel_loop3A_549 = arith.index_cast %squeeze3A_438 : i32 to index
          %parallel_loop3A_550 = arith.index_cast %parallel_loop3A_538 : i32 to index
          %parallel_loop3A_551 = tpu.vector_load %arg14[%parallel_loop3A_549, %parallel_loop3A_550] {strides = array<i32>} : memref<88x512xf32, #tpu.memory_space<vmem>>, vector<1x16xf32>,
          %parallel_loop3A_552 = vector.shape_cast %parallel_loop3A_551 : vector<1x16xf32> to vector<16xf32>
          %parallel_loop3A_553 = vector.shape_cast %parallel_loop3A_548 : vector<16xf32> to vector<1x16xf32>
          tpu.vector_store %arg14[%parallel_loop3A_549, %parallel_loop3A_550], %parallel_loop3A_553 {strides = array<i32>} : memref<88x512xf32, #tpu.memory_space<vmem>>, vector<1x16xf32>,
        } {sc.loop_unroll_factor = 8 : i64, sc.parallel_access}
        %slice3A_451 = vector.extract_strided_slice %get3A_307 {offsets = [10], sizes = [1], strides = [1]} : vector<16xi32> to vector<1xi32>
        %squeeze3A_452 = vector.extract %slice3A_451[0] : i32 from vector<1xi32>
        %broadcast_in_dim3A_453 = arith.constant 10 : i32
        %broadcast_in_dim3A_454 = vector.broadcast %broadcast_in_dim3A_453 : i32 to vector<16xi32>
        %broadcast_in_dim3A_455 = vector.shape_cast %broadcast_in_dim3A_454 : vector<16xi32> to vector<16x1xi32>
        %gather3A_456 = vector.shape_cast %broadcast_in_dim3A_455 : vector<16x1xi32> to vector<16xi32>
        %gather3A_457 = tpu.dynamic_gather %get3A_312[%gather3A_456] in [0] : vector<16xf32>, vector<16xi32> -> vector<16xf32>
        %mul3A_458 = arith.constant 16 : i32
        %mul3A_459 = arith.muli %scan3A_301, %mul3A_458 : i32
        %add3A_460 = arith.constant 10 : i32
        %add3A_461 = arith.addi %mul3A_459, %add3A_460 : i32
        %parallel_loop3A_462 = arith.constant 0 : i32
        %parallel_loop3A_463 = arith.constant 32 : i32
        %parallel_loop3A_464 = arith.constant 1 : i32
        scf.for %parallel_loop3A_536 = %parallel_loop3A_462 to %parallel_loop3A_463 step %parallel_loop3A_464  : i32 {
          %parallel_loop3A_537 = arith.constant 16 : i32
          %parallel_loop3A_538 = arith.muli %parallel_loop3A_536, %parallel_loop3A_537 : i32
          %parallel_loop3A_539 = arith.index_cast %squeeze3A_452 : i32 to index
          %parallel_loop3A_540 = arith.index_cast %parallel_loop3A_538 : i32 to index
          %parallel_loop3A_541 = tpu.vector_load %arg14[%parallel_loop3A_539, %parallel_loop3A_540] {strides = array<i32>} : memref<88x512xf32, #tpu.memory_space<vmem>>, vector<1x16xf32>,
          %parallel_loop3A_542 = vector.shape_cast %parallel_loop3A_541 : vector<1x16xf32> to vector<16xf32>
          %parallel_loop3A_543 = arith.index_cast %add3A_461 : i32 to index
          %parallel_loop3A_544 = arith.index_cast %parallel_loop3A_538 : i32 to index
          %parallel_loop3A_545 = tpu.vector_load %arg13[%parallel_loop3A_543, %parallel_loop3A_544] {strides = array<i32>} : memref<128x512xf32, #tpu.memory_space<vmem>>, vector<1x16xf32>,
          %parallel_loop3A_546 = vector.shape_cast %parallel_loop3A_545 : vector<1x16xf32> to vector<16xf32>
          %parallel_loop3A_547 = arith.mulf %parallel_loop3A_546, %gather3A_457 : vector<16xf32>
          %parallel_loop3A_548 = arith.addf %parallel_loop3A_542, %parallel_loop3A_547 : vector<16xf32>
          %parallel_loop3A_549 = arith.index_cast %squeeze3A_452 : i32 to index
          %parallel_loop3A_550 = arith.index_cast %parallel_loop3A_538 : i32 to index
          %parallel_loop3A_551 = tpu.vector_load %arg14[%parallel_loop3A_549, %parallel_loop3A_550] {strides = array<i32>} : memref<88x512xf32, #tpu.memory_space<vmem>>, vector<1x16xf32>,
          %parallel_loop3A_552 = vector.shape_cast %parallel_loop3A_551 : vector<1x16xf32> to vector<16xf32>
          %parallel_loop3A_553 = vector.shape_cast %parallel_loop3A_548 : vector<16xf32> to vector<1x16xf32>
          tpu.vector_store %arg14[%parallel_loop3A_549, %parallel_loop3A_550], %parallel_loop3A_553 {strides = array<i32>} : memref<88x512xf32, #tpu.memory_space<vmem>>, vector<1x16xf32>,
        } {sc.loop_unroll_factor = 8 : i64, sc.parallel_access}
        %slice3A_465 = vector.extract_strided_slice %get3A_307 {offsets = [11], sizes = [1], strides = [1]} : vector<16xi32> to vector<1xi32>
        %squeeze3A_466 = vector.extract %slice3A_465[0] : i32 from vector<1xi32>
        %broadcast_in_dim3A_467 = arith.constant 11 : i32
        %broadcast_in_dim3A_468 = vector.broadcast %broadcast_in_dim3A_467 : i32 to vector<16xi32>
        %broadcast_in_dim3A_469 = vector.shape_cast %broadcast_in_dim3A_468 : vector<16xi32> to vector<16x1xi32>
        %gather3A_470 = vector.shape_cast %broadcast_in_dim3A_469 : vector<16x1xi32> to vector<16xi32>
        %gather3A_471 = tpu.dynamic_gather %get3A_312[%gather3A_470] in [0] : vector<16xf32>, vector<16xi32> -> vector<16xf32>
        %mul3A_472 = arith.constant 16 : i32
        %mul3A_473 = arith.muli %scan3A_301, %mul3A_472 : i32
        %add3A_474 = arith.constant 11 : i32
        %add3A_475 = arith.addi %mul3A_473, %add3A_474 : i32
        %parallel_loop3A_476 = arith.constant 0 : i32
        %parallel_loop3A_477 = arith.constant 32 : i32
        %parallel_loop3A_478 = arith.constant 1 : i32
        scf.for %parallel_loop3A_536 = %parallel_loop3A_476 to %parallel_loop3A_477 step %parallel_loop3A_478  : i32 {
          %parallel_loop3A_537 = arith.constant 16 : i32
          %parallel_loop3A_538 = arith.muli %parallel_loop3A_536, %parallel_loop3A_537 : i32
          %parallel_loop3A_539 = arith.index_cast %squeeze3A_466 : i32 to index
          %parallel_loop3A_540 = arith.index_cast %parallel_loop3A_538 : i32 to index
          %parallel_loop3A_541 = tpu.vector_load %arg14[%parallel_loop3A_539, %parallel_loop3A_540] {strides = array<i32>} : memref<88x512xf32, #tpu.memory_space<vmem>>, vector<1x16xf32>,
          %parallel_loop3A_542 = vector.shape_cast %parallel_loop3A_541 : vector<1x16xf32> to vector<16xf32>
          %parallel_loop3A_543 = arith.index_cast %add3A_475 : i32 to index
          %parallel_loop3A_544 = arith.index_cast %parallel_loop3A_538 : i32 to index
          %parallel_loop3A_545 = tpu.vector_load %arg13[%parallel_loop3A_543, %parallel_loop3A_544] {strides = array<i32>} : memref<128x512xf32, #tpu.memory_space<vmem>>, vector<1x16xf32>,
          %parallel_loop3A_546 = vector.shape_cast %parallel_loop3A_545 : vector<1x16xf32> to vector<16xf32>
          %parallel_loop3A_547 = arith.mulf %parallel_loop3A_546, %gather3A_471 : vector<16xf32>
          %parallel_loop3A_548 = arith.addf %parallel_loop3A_542, %parallel_loop3A_547 : vector<16xf32>
          %parallel_loop3A_549 = arith.index_cast %squeeze3A_466 : i32 to index
          %parallel_loop3A_550 = arith.index_cast %parallel_loop3A_538 : i32 to index
          %parallel_loop3A_551 = tpu.vector_load %arg14[%parallel_loop3A_549, %parallel_loop3A_550] {strides = array<i32>} : memref<88x512xf32, #tpu.memory_space<vmem>>, vector<1x16xf32>,
          %parallel_loop3A_552 = vector.shape_cast %parallel_loop3A_551 : vector<1x16xf32> to vector<16xf32>
          %parallel_loop3A_553 = vector.shape_cast %parallel_loop3A_548 : vector<16xf32> to vector<1x16xf32>
          tpu.vector_store %arg14[%parallel_loop3A_549, %parallel_loop3A_550], %parallel_loop3A_553 {strides = array<i32>} : memref<88x512xf32, #tpu.memory_space<vmem>>, vector<1x16xf32>,
        } {sc.loop_unroll_factor = 8 : i64, sc.parallel_access}
        %slice3A_479 = vector.extract_strided_slice %get3A_307 {offsets = [12], sizes = [1], strides = [1]} : vector<16xi32> to vector<1xi32>
        %squeeze3A_480 = vector.extract %slice3A_479[0] : i32 from vector<1xi32>
        %broadcast_in_dim3A_481 = arith.constant 12 : i32
        %broadcast_in_dim3A_482 = vector.broadcast %broadcast_in_dim3A_481 : i32 to vector<16xi32>
        %broadcast_in_dim3A_483 = vector.shape_cast %broadcast_in_dim3A_482 : vector<16xi32> to vector<16x1xi32>
        %gather3A_484 = vector.shape_cast %broadcast_in_dim3A_483 : vector<16x1xi32> to vector<16xi32>
        %gather3A_485 = tpu.dynamic_gather %get3A_312[%gather3A_484] in [0] : vector<16xf32>, vector<16xi32> -> vector<16xf32>
        %mul3A_486 = arith.constant 16 : i32
        %mul3A_487 = arith.muli %scan3A_301, %mul3A_486 : i32
        %add3A_488 = arith.constant 12 : i32
        %add3A_489 = arith.addi %mul3A_487, %add3A_488 : i32
        %parallel_loop3A_490 = arith.constant 0 : i32
        %parallel_loop3A_491 = arith.constant 32 : i32
        %parallel_loop3A_492 = arith.constant 1 : i32
        scf.for %parallel_loop3A_536 = %parallel_loop3A_490 to %parallel_loop3A_491 step %parallel_loop3A_492  : i32 {
          %parallel_loop3A_537 = arith.constant 16 : i32
          %parallel_loop3A_538 = arith.muli %parallel_loop3A_536, %parallel_loop3A_537 : i32
          %parallel_loop3A_539 = arith.index_cast %squeeze3A_480 : i32 to index
          %parallel_loop3A_540 = arith.index_cast %parallel_loop3A_538 : i32 to index
          %parallel_loop3A_541 = tpu.vector_load %arg14[%parallel_loop3A_539, %parallel_loop3A_540] {strides = array<i32>} : memref<88x512xf32, #tpu.memory_space<vmem>>, vector<1x16xf32>,
          %parallel_loop3A_542 = vector.shape_cast %parallel_loop3A_541 : vector<1x16xf32> to vector<16xf32>
          %parallel_loop3A_543 = arith.index_cast %add3A_489 : i32 to index
          %parallel_loop3A_544 = arith.index_cast %parallel_loop3A_538 : i32 to index
          %parallel_loop3A_545 = tpu.vector_load %arg13[%parallel_loop3A_543, %parallel_loop3A_544] {strides = array<i32>} : memref<128x512xf32, #tpu.memory_space<vmem>>, vector<1x16xf32>,
          %parallel_loop3A_546 = vector.shape_cast %parallel_loop3A_545 : vector<1x16xf32> to vector<16xf32>
          %parallel_loop3A_547 = arith.mulf %parallel_loop3A_546, %gather3A_485 : vector<16xf32>
          %parallel_loop3A_548 = arith.addf %parallel_loop3A_542, %parallel_loop3A_547 : vector<16xf32>
          %parallel_loop3A_549 = arith.index_cast %squeeze3A_480 : i32 to index
          %parallel_loop3A_550 = arith.index_cast %parallel_loop3A_538 : i32 to index
          %parallel_loop3A_551 = tpu.vector_load %arg14[%parallel_loop3A_549, %parallel_loop3A_550] {strides = array<i32>} : memref<88x512xf32, #tpu.memory_space<vmem>>, vector<1x16xf32>,
          %parallel_loop3A_552 = vector.shape_cast %parallel_loop3A_551 : vector<1x16xf32> to vector<16xf32>
          %parallel_loop3A_553 = vector.shape_cast %parallel_loop3A_548 : vector<16xf32> to vector<1x16xf32>
          tpu.vector_store %arg14[%parallel_loop3A_549, %parallel_loop3A_550], %parallel_loop3A_553 {strides = array<i32>} : memref<88x512xf32, #tpu.memory_space<vmem>>, vector<1x16xf32>,
        } {sc.loop_unroll_factor = 8 : i64, sc.parallel_access}
        %slice3A_493 = vector.extract_strided_slice %get3A_307 {offsets = [13], sizes = [1], strides = [1]} : vector<16xi32> to vector<1xi32>
        %squeeze3A_494 = vector.extract %slice3A_493[0] : i32 from vector<1xi32>
        %broadcast_in_dim3A_495 = arith.constant 13 : i32
        %broadcast_in_dim3A_496 = vector.broadcast %broadcast_in_dim3A_495 : i32 to vector<16xi32>
        %broadcast_in_dim3A_497 = vector.shape_cast %broadcast_in_dim3A_496 : vector<16xi32> to vector<16x1xi32>
        %gather3A_498 = vector.shape_cast %broadcast_in_dim3A_497 : vector<16x1xi32> to vector<16xi32>
        %gather3A_499 = tpu.dynamic_gather %get3A_312[%gather3A_498] in [0] : vector<16xf32>, vector<16xi32> -> vector<16xf32>
        %mul3A_500 = arith.constant 16 : i32
        %mul3A_501 = arith.muli %scan3A_301, %mul3A_500 : i32
        %add3A_502 = arith.constant 13 : i32
        %add3A_503 = arith.addi %mul3A_501, %add3A_502 : i32
        %parallel_loop3A_504 = arith.constant 0 : i32
        %parallel_loop3A_505 = arith.constant 32 : i32
        %parallel_loop3A_506 = arith.constant 1 : i32
        scf.for %parallel_loop3A_536 = %parallel_loop3A_504 to %parallel_loop3A_505 step %parallel_loop3A_506  : i32 {
          %parallel_loop3A_537 = arith.constant 16 : i32
          %parallel_loop3A_538 = arith.muli %parallel_loop3A_536, %parallel_loop3A_537 : i32
          %parallel_loop3A_539 = arith.index_cast %squeeze3A_494 : i32 to index
          %parallel_loop3A_540 = arith.index_cast %parallel_loop3A_538 : i32 to index
          %parallel_loop3A_541 = tpu.vector_load %arg14[%parallel_loop3A_539, %parallel_loop3A_540] {strides = array<i32>} : memref<88x512xf32, #tpu.memory_space<vmem>>, vector<1x16xf32>,
          %parallel_loop3A_542 = vector.shape_cast %parallel_loop3A_541 : vector<1x16xf32> to vector<16xf32>
          %parallel_loop3A_543 = arith.index_cast %add3A_503 : i32 to index
          %parallel_loop3A_544 = arith.index_cast %parallel_loop3A_538 : i32 to index
          %parallel_loop3A_545 = tpu.vector_load %arg13[%parallel_loop3A_543, %parallel_loop3A_544] {strides = array<i32>} : memref<128x512xf32, #tpu.memory_space<vmem>>, vector<1x16xf32>,
          %parallel_loop3A_546 = vector.shape_cast %parallel_loop3A_545 : vector<1x16xf32> to vector<16xf32>
          %parallel_loop3A_547 = arith.mulf %parallel_loop3A_546, %gather3A_499 : vector<16xf32>
          %parallel_loop3A_548 = arith.addf %parallel_loop3A_542, %parallel_loop3A_547 : vector<16xf32>
          %parallel_loop3A_549 = arith.index_cast %squeeze3A_494 : i32 to index
          %parallel_loop3A_550 = arith.index_cast %parallel_loop3A_538 : i32 to index
          %parallel_loop3A_551 = tpu.vector_load %arg14[%parallel_loop3A_549, %parallel_loop3A_550] {strides = array<i32>} : memref<88x512xf32, #tpu.memory_space<vmem>>, vector<1x16xf32>,
          %parallel_loop3A_552 = vector.shape_cast %parallel_loop3A_551 : vector<1x16xf32> to vector<16xf32>
          %parallel_loop3A_553 = vector.shape_cast %parallel_loop3A_548 : vector<16xf32> to vector<1x16xf32>
          tpu.vector_store %arg14[%parallel_loop3A_549, %parallel_loop3A_550], %parallel_loop3A_553 {strides = array<i32>} : memref<88x512xf32, #tpu.memory_space<vmem>>, vector<1x16xf32>,
        } {sc.loop_unroll_factor = 8 : i64, sc.parallel_access}
        %slice3A_507 = vector.extract_strided_slice %get3A_307 {offsets = [14], sizes = [1], strides = [1]} : vector<16xi32> to vector<1xi32>
        %squeeze3A_508 = vector.extract %slice3A_507[0] : i32 from vector<1xi32>
        %broadcast_in_dim3A_509 = arith.constant 14 : i32
        %broadcast_in_dim3A_510 = vector.broadcast %broadcast_in_dim3A_509 : i32 to vector<16xi32>
        %broadcast_in_dim3A_511 = vector.shape_cast %broadcast_in_dim3A_510 : vector<16xi32> to vector<16x1xi32>
        %gather3A_512 = vector.shape_cast %broadcast_in_dim3A_511 : vector<16x1xi32> to vector<16xi32>
        %gather3A_513 = tpu.dynamic_gather %get3A_312[%gather3A_512] in [0] : vector<16xf32>, vector<16xi32> -> vector<16xf32>
        %mul3A_514 = arith.constant 16 : i32
        %mul3A_515 = arith.muli %scan3A_301, %mul3A_514 : i32
        %add3A_516 = arith.constant 14 : i32
        %add3A_517 = arith.addi %mul3A_515, %add3A_516 : i32
        %parallel_loop3A_518 = arith.constant 0 : i32
        %parallel_loop3A_519 = arith.constant 32 : i32
        %parallel_loop3A_520 = arith.constant 1 : i32
        scf.for %parallel_loop3A_536 = %parallel_loop3A_518 to %parallel_loop3A_519 step %parallel_loop3A_520  : i32 {
          %parallel_loop3A_537 = arith.constant 16 : i32
          %parallel_loop3A_538 = arith.muli %parallel_loop3A_536, %parallel_loop3A_537 : i32
          %parallel_loop3A_539 = arith.index_cast %squeeze3A_508 : i32 to index
          %parallel_loop3A_540 = arith.index_cast %parallel_loop3A_538 : i32 to index
          %parallel_loop3A_541 = tpu.vector_load %arg14[%parallel_loop3A_539, %parallel_loop3A_540] {strides = array<i32>} : memref<88x512xf32, #tpu.memory_space<vmem>>, vector<1x16xf32>,
          %parallel_loop3A_542 = vector.shape_cast %parallel_loop3A_541 : vector<1x16xf32> to vector<16xf32>
          %parallel_loop3A_543 = arith.index_cast %add3A_517 : i32 to index
          %parallel_loop3A_544 = arith.index_cast %parallel_loop3A_538 : i32 to index
          %parallel_loop3A_545 = tpu.vector_load %arg13[%parallel_loop3A_543, %parallel_loop3A_544] {strides = array<i32>} : memref<128x512xf32, #tpu.memory_space<vmem>>, vector<1x16xf32>,
          %parallel_loop3A_546 = vector.shape_cast %parallel_loop3A_545 : vector<1x16xf32> to vector<16xf32>
          %parallel_loop3A_547 = arith.mulf %parallel_loop3A_546, %gather3A_513 : vector<16xf32>
          %parallel_loop3A_548 = arith.addf %parallel_loop3A_542, %parallel_loop3A_547 : vector<16xf32>
          %parallel_loop3A_549 = arith.index_cast %squeeze3A_508 : i32 to index
          %parallel_loop3A_550 = arith.index_cast %parallel_loop3A_538 : i32 to index
          %parallel_loop3A_551 = tpu.vector_load %arg14[%parallel_loop3A_549, %parallel_loop3A_550] {strides = array<i32>} : memref<88x512xf32, #tpu.memory_space<vmem>>, vector<1x16xf32>,
          %parallel_loop3A_552 = vector.shape_cast %parallel_loop3A_551 : vector<1x16xf32> to vector<16xf32>
          %parallel_loop3A_553 = vector.shape_cast %parallel_loop3A_548 : vector<16xf32> to vector<1x16xf32>
          tpu.vector_store %arg14[%parallel_loop3A_549, %parallel_loop3A_550], %parallel_loop3A_553 {strides = array<i32>} : memref<88x512xf32, #tpu.memory_space<vmem>>, vector<1x16xf32>,
        } {sc.loop_unroll_factor = 8 : i64, sc.parallel_access}
        %slice3A_521 = vector.extract_strided_slice %get3A_307 {offsets = [15], sizes = [1], strides = [1]} : vector<16xi32> to vector<1xi32>
        %squeeze3A_522 = vector.extract %slice3A_521[0] : i32 from vector<1xi32>
        %broadcast_in_dim3A_523 = arith.constant 15 : i32
        %broadcast_in_dim3A_524 = vector.broadcast %broadcast_in_dim3A_523 : i32 to vector<16xi32>
        %broadcast_in_dim3A_525 = vector.shape_cast %broadcast_in_dim3A_524 : vector<16xi32> to vector<16x1xi32>
        %gather3A_526 = vector.shape_cast %broadcast_in_dim3A_525 : vector<16x1xi32> to vector<16xi32>
        %gather3A_527 = tpu.dynamic_gather %get3A_312[%gather3A_526] in [0] : vector<16xf32>, vector<16xi32> -> vector<16xf32>
        %mul3A_528 = arith.constant 16 : i32
        %mul3A_529 = arith.muli %scan3A_301, %mul3A_528 : i32
        %add3A_530 = arith.constant 15 : i32
        %add3A_531 = arith.addi %mul3A_529, %add3A_530 : i32
        %parallel_loop3A_532 = arith.constant 0 : i32
        %parallel_loop3A_533 = arith.constant 32 : i32
        %parallel_loop3A_534 = arith.constant 1 : i32
        scf.for %parallel_loop3A_536 = %parallel_loop3A_532 to %parallel_loop3A_533 step %parallel_loop3A_534  : i32 {
          %parallel_loop3A_537 = arith.constant 16 : i32
          %parallel_loop3A_538 = arith.muli %parallel_loop3A_536, %parallel_loop3A_537 : i32
          %parallel_loop3A_539 = arith.index_cast %squeeze3A_522 : i32 to index
          %parallel_loop3A_540 = arith.index_cast %parallel_loop3A_538 : i32 to index
          %parallel_loop3A_541 = tpu.vector_load %arg14[%parallel_loop3A_539, %parallel_loop3A_540] {strides = array<i32>} : memref<88x512xf32, #tpu.memory_space<vmem>>, vector<1x16xf32>,
          %parallel_loop3A_542 = vector.shape_cast %parallel_loop3A_541 : vector<1x16xf32> to vector<16xf32>
          %parallel_loop3A_543 = arith.index_cast %add3A_531 : i32 to index
          %parallel_loop3A_544 = arith.index_cast %parallel_loop3A_538 : i32 to index
          %parallel_loop3A_545 = tpu.vector_load %arg13[%parallel_loop3A_543, %parallel_loop3A_544] {strides = array<i32>} : memref<128x512xf32, #tpu.memory_space<vmem>>, vector<1x16xf32>,
          %parallel_loop3A_546 = vector.shape_cast %parallel_loop3A_545 : vector<1x16xf32> to vector<16xf32>
          %parallel_loop3A_547 = arith.mulf %parallel_loop3A_546, %gather3A_527 : vector<16xf32>
          %parallel_loop3A_548 = arith.addf %parallel_loop3A_542, %parallel_loop3A_547 : vector<16xf32>
          %parallel_loop3A_549 = arith.index_cast %squeeze3A_522 : i32 to index
          %parallel_loop3A_550 = arith.index_cast %parallel_loop3A_538 : i32 to index
          %parallel_loop3A_551 = tpu.vector_load %arg14[%parallel_loop3A_549, %parallel_loop3A_550] {strides = array<i32>} : memref<88x512xf32, #tpu.memory_space<vmem>>, vector<1x16xf32>,
          %parallel_loop3A_552 = vector.shape_cast %parallel_loop3A_551 : vector<1x16xf32> to vector<16xf32>
          %parallel_loop3A_553 = vector.shape_cast %parallel_loop3A_548 : vector<16xf32> to vector<1x16xf32>
          tpu.vector_store %arg14[%parallel_loop3A_549, %parallel_loop3A_550], %parallel_loop3A_553 {strides = array<i32>} : memref<88x512xf32, #tpu.memory_space<vmem>>, vector<1x16xf32>,
        } {sc.loop_unroll_factor = 8 : i64, sc.parallel_access}
        %scan3A_535 = arith.constant 0 : i32
        scf.yield %scan3A_535 : i32
      }
      %scan3A_299 = arith.constant 8 : i32
      %while3A_300 = arith.constant 0 : i32
      scf.yield %while3A_300 : i32
    }
    %while3A_33 = arith.constant 1 : i32
    %while3A_34 = scf.for %while3A_35 = %while3A_30 to %while3A_26 step %while3A_33 iter_args(%while3A_36 = %while3A_32) -> (i32)  : i32 {
      %mul3A_37 = arith.constant 128 : i32
      %mul3A_38 = arith.muli %while3A_35, %mul3A_37 : i32
      %add3A_39 = arith.addi %multiple_of3A_19, %mul3A_38 : i32
      %multiple_of3A_40 = tpu.assume_multiple %add3A_39, 128 : i32
      "tpu.region"() ({
        %run_scoped3A = tpu.sem_alloc : memref<!tpu.dma_semaphore, #tpu.memory_space<semaphore_mem>>
        %dma_start3A_301 = tpu.memref_slice %arg3[%multiple_of3A_40] : memref<200192xi32, #tpu.memory_space<hbm>> -> memref<128xi32, #tpu.memory_space<hbm>>
        %dma_start3A_302 = tpu.memref_slice %arg3[%multiple_of3A_40] : memref<200192xi32, #tpu.memory_space<hbm>> -> memref<128xi32, #tpu.memory_space<hbm>>
        tpu.enqueue_dma source(%dma_start3A_302 : memref<128xi32, #tpu.memory_space<hbm>>) target(%arg8 : memref<128xi32, #tpu.memory_space<vmem>>) target_semaphore(%run_scoped3A : memref<!tpu.dma_semaphore, #tpu.memory_space<semaphore_mem>>)
        %dma_wait3A_303 = tpu.memref_slice %arg3[%multiple_of3A_40] : memref<200192xi32, #tpu.memory_space<hbm>> -> memref<128xi32, #tpu.memory_space<hbm>>
        %dma_wait3A_304 = tpu.memref_slice %arg3[%multiple_of3A_40] : memref<200192xi32, #tpu.memory_space<hbm>> -> memref<128xi32, #tpu.memory_space<hbm>>
        tpu.wait_dma2 semaphore(%run_scoped3A : memref<!tpu.dma_semaphore, #tpu.memory_space<semaphore_mem>>) src(%dma_wait3A_304 : memref<128xi32, #tpu.memory_space<hbm>>) dst(%arg8 : memref<128xi32, #tpu.memory_space<vmem>>)
        tpu.yield
      }) : () -> ()
      "tpu.region"() ({
        %run_scoped3A = tpu.sem_alloc : memref<!tpu.dma_semaphore, #tpu.memory_space<semaphore_mem>>
        %dma_start3A_301 = tpu.memref_slice %arg4[%multiple_of3A_40] : memref<200192xi32, #tpu.memory_space<hbm>> -> memref<128xi32, #tpu.memory_space<hbm>>
        %dma_start3A_302 = tpu.memref_slice %arg4[%multiple_of3A_40] : memref<200192xi32, #tpu.memory_space<hbm>> -> memref<128xi32, #tpu.memory_space<hbm>>
        tpu.enqueue_dma source(%dma_start3A_302 : memref<128xi32, #tpu.memory_space<hbm>>) target(%arg9 : memref<128xi32, #tpu.memory_space<vmem>>) target_semaphore(%run_scoped3A : memref<!tpu.dma_semaphore, #tpu.memory_space<semaphore_mem>>)
        %dma_wait3A_303 = tpu.memref_slice %arg4[%multiple_of3A_40] : memref<200192xi32, #tpu.memory_space<hbm>> -> memref<128xi32, #tpu.memory_space<hbm>>
        %dma_wait3A_304 = tpu.memref_slice %arg4[%multiple_of3A_40] : memref<200192xi32, #tpu.memory_space<hbm>> -> memref<128xi32, #tpu.memory_space<hbm>>
        tpu.wait_dma2 semaphore(%run_scoped3A : memref<!tpu.dma_semaphore, #tpu.memory_space<semaphore_mem>>) src(%dma_wait3A_304 : memref<128xi32, #tpu.memory_space<hbm>>) dst(%arg9 : memref<128xi32, #tpu.memory_space<vmem>>)
        tpu.yield
      }) : () -> ()
      "tpu.region"() ({
        %run_scoped3A = tpu.sem_alloc : memref<!tpu.dma_semaphore, #tpu.memory_space<semaphore_mem>>
        %dma_start3A_301 = tpu.memref_slice %arg5[%multiple_of3A_40] : memref<200192xf32, #tpu.memory_space<hbm>> -> memref<128xf32, #tpu.memory_space<hbm>>
        %dma_start3A_302 = tpu.memref_slice %arg5[%multiple_of3A_40] : memref<200192xf32, #tpu.memory_space<hbm>> -> memref<128xf32, #tpu.memory_space<hbm>>
        tpu.enqueue_dma source(%dma_start3A_302 : memref<128xf32, #tpu.memory_space<hbm>>) target(%arg10 : memref<128xf32, #tpu.memory_space<vmem>>) target_semaphore(%run_scoped3A : memref<!tpu.dma_semaphore, #tpu.memory_space<semaphore_mem>>)
        %dma_wait3A_303 = tpu.memref_slice %arg5[%multiple_of3A_40] : memref<200192xf32, #tpu.memory_space<hbm>> -> memref<128xf32, #tpu.memory_space<hbm>>
        %dma_wait3A_304 = tpu.memref_slice %arg5[%multiple_of3A_40] : memref<200192xf32, #tpu.memory_space<hbm>> -> memref<128xf32, #tpu.memory_space<hbm>>
        tpu.wait_dma2 semaphore(%run_scoped3A : memref<!tpu.dma_semaphore, #tpu.memory_space<semaphore_mem>>) src(%dma_wait3A_304 : memref<128xf32, #tpu.memory_space<hbm>>) dst(%arg10 : memref<128xf32, #tpu.memory_space<vmem>>)
        tpu.yield
      }) : () -> ()
      %dma_start3A = arith.constant 0 : i32
      %dma_start3A_41 = arith.constant 0 : i32
      %dma_start3A_42 = tpu.memref_slice %arg2[%dma_start3A, %dma_start3A_41] : memref<13160x512xf32, #tpu.memory_space<hbm>> -> memref<13160x512xf32, #tpu.memory_space<hbm>>
      tpu.enqueue_indirect_dma source(%dma_start3A_42 : memref<13160x512xf32, #tpu.memory_space<hbm>>) target(%arg13 : memref<128x512xf32, #tpu.memory_space<vmem>>) offsets(%arg8 : memref<128xi32, #tpu.memory_space<vmem>>) semaphore(%arg16 : memref<!tpu.dma_semaphore, #tpu.memory_space<semaphore_mem>>)
      %dma_wait3A = arith.constant 0 : i32
      %dma_wait3A_43 = arith.constant 0 : i32
      %dma_wait3A_44 = tpu.memref_slice %arg2[%dma_wait3A, %dma_wait3A_43] : memref<13160x512xf32, #tpu.memory_space<hbm>> -> memref<13160x512xf32, #tpu.memory_space<hbm>>
      tpu.wait_indirect_dma semaphore(%arg16 : memref<!tpu.dma_semaphore, #tpu.memory_space<semaphore_mem>>) src(%dma_wait3A_44 : memref<13160x512xf32, #tpu.memory_space<hbm>>) dst(%arg13 : memref<128x512xf32, #tpu.memory_space<vmem>>)
      %get3A_45 = arith.constant 0 : index
      %get3A_46 = tpu.vector_load %arg9[%get3A_45] {strides = array<i32>} : memref<128xi32, #tpu.memory_space<vmem>>, vector<16xi32>,
      %get3A_47 = vector.shape_cast %get3A_46 : vector<16xi32> to vector<16xi32>
      %get3A_48 = arith.constant 0 : index
      %get3A_49 = tpu.vector_load %arg10[%get3A_48] {strides = array<i32>} : memref<128xf32, #tpu.memory_space<vmem>>, vector<16xf32>,
      %get3A_50 = vector.shape_cast %get3A_49 : vector<16xf32> to vector<16xf32>
      %ge3A = vector.broadcast %multiple_of3A : i32 to vector<16xi32>
      %ge3A_51 = arith.cmpi sge, %get3A_47, %ge3A : vector<16xi32>
      %add3A_52 = arith.constant 88 : i32
      %add3A_53 = arith.addi %multiple_of3A, %add3A_52 : i32
      %lt3A = vector.broadcast %add3A_53 : i32 to vector<16xi32>
      %lt3A_54 = arith.cmpi slt, %get3A_47, %lt3A : vector<16xi32>
      %and3A = arith.andi %ge3A_51, %lt3A_54 : vector<16xi1>
      %jit3A = arith.constant 0.000000e+00 : f32
      %broadcast_in_dim3A_55 = vector.broadcast %jit3A : f32 to vector<16xf32>
      %select_n3A = arith.select %and3A, %get3A_50, %broadcast_in_dim3A_55 : vector<16xi1>, vector<16xf32>
      %swap3A = arith.constant 0 : index
      %swap3A_56 = tpu.vector_load %arg11[%swap3A] {strides = array<i32>} : memref<128xf32, #tpu.memory_space<vmem>>, vector<16xf32>,
      %swap3A_57 = vector.shape_cast %swap3A_56 : vector<16xf32> to vector<16xf32>
      %swap3A_58 = vector.shape_cast %select_n3A : vector<16xf32> to vector<16xf32>
      tpu.vector_store %arg11[%swap3A], %swap3A_58 {strides = array<i32>} : memref<128xf32, #tpu.memory_space<vmem>>, vector<16xf32>,
      %sub3A_59 = vector.broadcast %multiple_of3A : i32 to vector<16xi32>
      %sub3A_60 = arith.subi %get3A_47, %sub3A_59 : vector<16xi32>
      %jit3A_61 = arith.constant 0 : i32
      %jit3A_62 = arith.constant 87 : i32
      %max3A = vector.broadcast %jit3A_61 : i32 to vector<16xi32>
      %max3A_63 = arith.maxsi %max3A, %sub3A_60 : vector<16xi32>
      %min3A = vector.broadcast %jit3A_62 : i32 to vector<16xi32>
      %min3A_64 = arith.minsi %min3A, %max3A_63 : vector<16xi32>
      %swap3A_65 = arith.constant 0 : index
      %swap3A_66 = tpu.vector_load %arg12[%swap3A_65] {strides = array<i32>} : memref<128xi32, #tpu.memory_space<vmem>>, vector<16xi32>,
      %swap3A_67 = vector.shape_cast %swap3A_66 : vector<16xi32> to vector<16xi32>
      %swap3A_68 = vector.shape_cast %min3A_64 : vector<16xi32> to vector<16xi32>
      tpu.vector_store %arg12[%swap3A_65], %swap3A_68 {strides = array<i32>} : memref<128xi32, #tpu.memory_space<vmem>>, vector<16xi32>,
      %get3A_69 = arith.constant 16 : index
      %get3A_70 = tpu.vector_load %arg9[%get3A_69] {strides = array<i32>} : memref<128xi32, #tpu.memory_space<vmem>>, vector<16xi32>,
      %get3A_71 = vector.shape_cast %get3A_70 : vector<16xi32> to vector<16xi32>
      %get3A_72 = arith.constant 16 : index
      %get3A_73 = tpu.vector_load %arg10[%get3A_72] {strides = array<i32>} : memref<128xf32, #tpu.memory_space<vmem>>, vector<16xf32>,
      %get3A_74 = vector.shape_cast %get3A_73 : vector<16xf32> to vector<16xf32>
      %ge3A_75 = vector.broadcast %multiple_of3A : i32 to vector<16xi32>
      %ge3A_76 = arith.cmpi sge, %get3A_71, %ge3A_75 : vector<16xi32>
      %add3A_77 = arith.constant 88 : i32
      %add3A_78 = arith.addi %multiple_of3A, %add3A_77 : i32
      %lt3A_79 = vector.broadcast %add3A_78 : i32 to vector<16xi32>
      %lt3A_80 = arith.cmpi slt, %get3A_71, %lt3A_79 : vector<16xi32>
      %and3A_81 = arith.andi %ge3A_76, %lt3A_80 : vector<16xi1>
      %jit3A_82 = arith.constant 0.000000e+00 : f32
      %broadcast_in_dim3A_83 = vector.broadcast %jit3A_82 : f32 to vector<16xf32>
      %select_n3A_84 = arith.select %and3A_81, %get3A_74, %broadcast_in_dim3A_83 : vector<16xi1>, vector<16xf32>
      %swap3A_85 = arith.constant 16 : index
      %swap3A_86 = tpu.vector_load %arg11[%swap3A_85] {strides = array<i32>} : memref<128xf32, #tpu.memory_space<vmem>>, vector<16xf32>,
      %swap3A_87 = vector.shape_cast %swap3A_86 : vector<16xf32> to vector<16xf32>
      %swap3A_88 = vector.shape_cast %select_n3A_84 : vector<16xf32> to vector<16xf32>
      tpu.vector_store %arg11[%swap3A_85], %swap3A_88 {strides = array<i32>} : memref<128xf32, #tpu.memory_space<vmem>>, vector<16xf32>,
      %sub3A_89 = vector.broadcast %multiple_of3A : i32 to vector<16xi32>
      %sub3A_90 = arith.subi %get3A_71, %sub3A_89 : vector<16xi32>
      %jit3A_91 = arith.constant 0 : i32
      %jit3A_92 = arith.constant 87 : i32
      %max3A_93 = vector.broadcast %jit3A_91 : i32 to vector<16xi32>
      %max3A_94 = arith.maxsi %max3A_93, %sub3A_90 : vector<16xi32>
      %min3A_95 = vector.broadcast %jit3A_92 : i32 to vector<16xi32>
      %min3A_96 = arith.minsi %min3A_95, %max3A_94 : vector<16xi32>
      %swap3A_97 = arith.constant 16 : index
      %swap3A_98 = tpu.vector_load %arg12[%swap3A_97] {strides = array<i32>} : memref<128xi32, #tpu.memory_space<vmem>>, vector<16xi32>,
      %swap3A_99 = vector.shape_cast %swap3A_98 : vector<16xi32> to vector<16xi32>
      %swap3A_100 = vector.shape_cast %min3A_96 : vector<16xi32> to vector<16xi32>
      tpu.vector_store %arg12[%swap3A_97], %swap3A_100 {strides = array<i32>} : memref<128xi32, #tpu.memory_space<vmem>>, vector<16xi32>,
      %get3A_101 = arith.constant 32 : index
      %get3A_102 = tpu.vector_load %arg9[%get3A_101] {strides = array<i32>} : memref<128xi32, #tpu.memory_space<vmem>>, vector<16xi32>,
      %get3A_103 = vector.shape_cast %get3A_102 : vector<16xi32> to vector<16xi32>
      %get3A_104 = arith.constant 32 : index
      %get3A_105 = tpu.vector_load %arg10[%get3A_104] {strides = array<i32>} : memref<128xf32, #tpu.memory_space<vmem>>, vector<16xf32>,
      %get3A_106 = vector.shape_cast %get3A_105 : vector<16xf32> to vector<16xf32>
      %ge3A_107 = vector.broadcast %multiple_of3A : i32 to vector<16xi32>
      %ge3A_108 = arith.cmpi sge, %get3A_103, %ge3A_107 : vector<16xi32>
      %add3A_109 = arith.constant 88 : i32
      %add3A_110 = arith.addi %multiple_of3A, %add3A_109 : i32
      %lt3A_111 = vector.broadcast %add3A_110 : i32 to vector<16xi32>
      %lt3A_112 = arith.cmpi slt, %get3A_103, %lt3A_111 : vector<16xi32>
      %and3A_113 = arith.andi %ge3A_108, %lt3A_112 : vector<16xi1>
      %jit3A_114 = arith.constant 0.000000e+00 : f32
      %broadcast_in_dim3A_115 = vector.broadcast %jit3A_114 : f32 to vector<16xf32>
      %select_n3A_116 = arith.select %and3A_113, %get3A_106, %broadcast_in_dim3A_115 : vector<16xi1>, vector<16xf32>
      %swap3A_117 = arith.constant 32 : index
      %swap3A_118 = tpu.vector_load %arg11[%swap3A_117] {strides = array<i32>} : memref<128xf32, #tpu.memory_space<vmem>>, vector<16xf32>,
      %swap3A_119 = vector.shape_cast %swap3A_118 : vector<16xf32> to vector<16xf32>
      %swap3A_120 = vector.shape_cast %select_n3A_116 : vector<16xf32> to vector<16xf32>
      tpu.vector_store %arg11[%swap3A_117], %swap3A_120 {strides = array<i32>} : memref<128xf32, #tpu.memory_space<vmem>>, vector<16xf32>,
      %sub3A_121 = vector.broadcast %multiple_of3A : i32 to vector<16xi32>
      %sub3A_122 = arith.subi %get3A_103, %sub3A_121 : vector<16xi32>
      %jit3A_123 = arith.constant 0 : i32
      %jit3A_124 = arith.constant 87 : i32
      %max3A_125 = vector.broadcast %jit3A_123 : i32 to vector<16xi32>
      %max3A_126 = arith.maxsi %max3A_125, %sub3A_122 : vector<16xi32>
      %min3A_127 = vector.broadcast %jit3A_124 : i32 to vector<16xi32>
      %min3A_128 = arith.minsi %min3A_127, %max3A_126 : vector<16xi32>
      %swap3A_129 = arith.constant 32 : index
      %swap3A_130 = tpu.vector_load %arg12[%swap3A_129] {strides = array<i32>} : memref<128xi32, #tpu.memory_space<vmem>>, vector<16xi32>,
      %swap3A_131 = vector.shape_cast %swap3A_130 : vector<16xi32> to vector<16xi32>
      %swap3A_132 = vector.shape_cast %min3A_128 : vector<16xi32> to vector<16xi32>
      tpu.vector_store %arg12[%swap3A_129], %swap3A_132 {strides = array<i32>} : memref<128xi32, #tpu.memory_space<vmem>>, vector<16xi32>,
      %get3A_133 = arith.constant 48 : index
      %get3A_134 = tpu.vector_load %arg9[%get3A_133] {strides = array<i32>} : memref<128xi32, #tpu.memory_space<vmem>>, vector<16xi32>,
      %get3A_135 = vector.shape_cast %get3A_134 : vector<16xi32> to vector<16xi32>
      %get3A_136 = arith.constant 48 : index
      %get3A_137 = tpu.vector_load %arg10[%get3A_136] {strides = array<i32>} : memref<128xf32, #tpu.memory_space<vmem>>, vector<16xf32>,
      %get3A_138 = vector.shape_cast %get3A_137 : vector<16xf32> to vector<16xf32>
      %ge3A_139 = vector.broadcast %multiple_of3A : i32 to vector<16xi32>
      %ge3A_140 = arith.cmpi sge, %get3A_135, %ge3A_139 : vector<16xi32>
      %add3A_141 = arith.constant 88 : i32
      %add3A_142 = arith.addi %multiple_of3A, %add3A_141 : i32
      %lt3A_143 = vector.broadcast %add3A_142 : i32 to vector<16xi32>
      %lt3A_144 = arith.cmpi slt, %get3A_135, %lt3A_143 : vector<16xi32>
      %and3A_145 = arith.andi %ge3A_140, %lt3A_144 : vector<16xi1>
      %jit3A_146 = arith.constant 0.000000e+00 : f32
      %broadcast_in_dim3A_147 = vector.broadcast %jit3A_146 : f32 to vector<16xf32>
      %select_n3A_148 = arith.select %and3A_145, %get3A_138, %broadcast_in_dim3A_147 : vector<16xi1>, vector<16xf32>
      %swap3A_149 = arith.constant 48 : index
      %swap3A_150 = tpu.vector_load %arg11[%swap3A_149] {strides = array<i32>} : memref<128xf32, #tpu.memory_space<vmem>>, vector<16xf32>,
      %swap3A_151 = vector.shape_cast %swap3A_150 : vector<16xf32> to vector<16xf32>
      %swap3A_152 = vector.shape_cast %select_n3A_148 : vector<16xf32> to vector<16xf32>
      tpu.vector_store %arg11[%swap3A_149], %swap3A_152 {strides = array<i32>} : memref<128xf32, #tpu.memory_space<vmem>>, vector<16xf32>,
      %sub3A_153 = vector.broadcast %multiple_of3A : i32 to vector<16xi32>
      %sub3A_154 = arith.subi %get3A_135, %sub3A_153 : vector<16xi32>
      %jit3A_155 = arith.constant 0 : i32
      %jit3A_156 = arith.constant 87 : i32
      %max3A_157 = vector.broadcast %jit3A_155 : i32 to vector<16xi32>
      %max3A_158 = arith.maxsi %max3A_157, %sub3A_154 : vector<16xi32>
      %min3A_159 = vector.broadcast %jit3A_156 : i32 to vector<16xi32>
      %min3A_160 = arith.minsi %min3A_159, %max3A_158 : vector<16xi32>
      %swap3A_161 = arith.constant 48 : index
      %swap3A_162 = tpu.vector_load %arg12[%swap3A_161] {strides = array<i32>} : memref<128xi32, #tpu.memory_space<vmem>>, vector<16xi32>,
      %swap3A_163 = vector.shape_cast %swap3A_162 : vector<16xi32> to vector<16xi32>
      %swap3A_164 = vector.shape_cast %min3A_160 : vector<16xi32> to vector<16xi32>
      tpu.vector_store %arg12[%swap3A_161], %swap3A_164 {strides = array<i32>} : memref<128xi32, #tpu.memory_space<vmem>>, vector<16xi32>,
      %get3A_165 = arith.constant 64 : index
      %get3A_166 = tpu.vector_load %arg9[%get3A_165] {strides = array<i32>} : memref<128xi32, #tpu.memory_space<vmem>>, vector<16xi32>,
      %get3A_167 = vector.shape_cast %get3A_166 : vector<16xi32> to vector<16xi32>
      %get3A_168 = arith.constant 64 : index
      %get3A_169 = tpu.vector_load %arg10[%get3A_168] {strides = array<i32>} : memref<128xf32, #tpu.memory_space<vmem>>, vector<16xf32>,
      %get3A_170 = vector.shape_cast %get3A_169 : vector<16xf32> to vector<16xf32>
      %ge3A_171 = vector.broadcast %multiple_of3A : i32 to vector<16xi32>
      %ge3A_172 = arith.cmpi sge, %get3A_167, %ge3A_171 : vector<16xi32>
      %add3A_173 = arith.constant 88 : i32
      %add3A_174 = arith.addi %multiple_of3A, %add3A_173 : i32
      %lt3A_175 = vector.broadcast %add3A_174 : i32 to vector<16xi32>
      %lt3A_176 = arith.cmpi slt, %get3A_167, %lt3A_175 : vector<16xi32>
      %and3A_177 = arith.andi %ge3A_172, %lt3A_176 : vector<16xi1>
      %jit3A_178 = arith.constant 0.000000e+00 : f32
      %broadcast_in_dim3A_179 = vector.broadcast %jit3A_178 : f32 to vector<16xf32>
      %select_n3A_180 = arith.select %and3A_177, %get3A_170, %broadcast_in_dim3A_179 : vector<16xi1>, vector<16xf32>
      %swap3A_181 = arith.constant 64 : index
      %swap3A_182 = tpu.vector_load %arg11[%swap3A_181] {strides = array<i32>} : memref<128xf32, #tpu.memory_space<vmem>>, vector<16xf32>,
      %swap3A_183 = vector.shape_cast %swap3A_182 : vector<16xf32> to vector<16xf32>
      %swap3A_184 = vector.shape_cast %select_n3A_180 : vector<16xf32> to vector<16xf32>
      tpu.vector_store %arg11[%swap3A_181], %swap3A_184 {strides = array<i32>} : memref<128xf32, #tpu.memory_space<vmem>>, vector<16xf32>,
      %sub3A_185 = vector.broadcast %multiple_of3A : i32 to vector<16xi32>
      %sub3A_186 = arith.subi %get3A_167, %sub3A_185 : vector<16xi32>
      %jit3A_187 = arith.constant 0 : i32
      %jit3A_188 = arith.constant 87 : i32
      %max3A_189 = vector.broadcast %jit3A_187 : i32 to vector<16xi32>
      %max3A_190 = arith.maxsi %max3A_189, %sub3A_186 : vector<16xi32>
      %min3A_191 = vector.broadcast %jit3A_188 : i32 to vector<16xi32>
      %min3A_192 = arith.minsi %min3A_191, %max3A_190 : vector<16xi32>
      %swap3A_193 = arith.constant 64 : index
      %swap3A_194 = tpu.vector_load %arg12[%swap3A_193] {strides = array<i32>} : memref<128xi32, #tpu.memory_space<vmem>>, vector<16xi32>,
      %swap3A_195 = vector.shape_cast %swap3A_194 : vector<16xi32> to vector<16xi32>
      %swap3A_196 = vector.shape_cast %min3A_192 : vector<16xi32> to vector<16xi32>
      tpu.vector_store %arg12[%swap3A_193], %swap3A_196 {strides = array<i32>} : memref<128xi32, #tpu.memory_space<vmem>>, vector<16xi32>,
      %get3A_197 = arith.constant 80 : index
      %get3A_198 = tpu.vector_load %arg9[%get3A_197] {strides = array<i32>} : memref<128xi32, #tpu.memory_space<vmem>>, vector<16xi32>,
      %get3A_199 = vector.shape_cast %get3A_198 : vector<16xi32> to vector<16xi32>
      %get3A_200 = arith.constant 80 : index
      %get3A_201 = tpu.vector_load %arg10[%get3A_200] {strides = array<i32>} : memref<128xf32, #tpu.memory_space<vmem>>, vector<16xf32>,
      %get3A_202 = vector.shape_cast %get3A_201 : vector<16xf32> to vector<16xf32>
      %ge3A_203 = vector.broadcast %multiple_of3A : i32 to vector<16xi32>
      %ge3A_204 = arith.cmpi sge, %get3A_199, %ge3A_203 : vector<16xi32>
      %add3A_205 = arith.constant 88 : i32
      %add3A_206 = arith.addi %multiple_of3A, %add3A_205 : i32
      %lt3A_207 = vector.broadcast %add3A_206 : i32 to vector<16xi32>
      %lt3A_208 = arith.cmpi slt, %get3A_199, %lt3A_207 : vector<16xi32>
      %and3A_209 = arith.andi %ge3A_204, %lt3A_208 : vector<16xi1>
      %jit3A_210 = arith.constant 0.000000e+00 : f32
      %broadcast_in_dim3A_211 = vector.broadcast %jit3A_210 : f32 to vector<16xf32>
      %select_n3A_212 = arith.select %and3A_209, %get3A_202, %broadcast_in_dim3A_211 : vector<16xi1>, vector<16xf32>
      %swap3A_213 = arith.constant 80 : index
      %swap3A_214 = tpu.vector_load %arg11[%swap3A_213] {strides = array<i32>} : memref<128xf32, #tpu.memory_space<vmem>>, vector<16xf32>,
      %swap3A_215 = vector.shape_cast %swap3A_214 : vector<16xf32> to vector<16xf32>
      %swap3A_216 = vector.shape_cast %select_n3A_212 : vector<16xf32> to vector<16xf32>
      tpu.vector_store %arg11[%swap3A_213], %swap3A_216 {strides = array<i32>} : memref<128xf32, #tpu.memory_space<vmem>>, vector<16xf32>,
      %sub3A_217 = vector.broadcast %multiple_of3A : i32 to vector<16xi32>
      %sub3A_218 = arith.subi %get3A_199, %sub3A_217 : vector<16xi32>
      %jit3A_219 = arith.constant 0 : i32
      %jit3A_220 = arith.constant 87 : i32
      %max3A_221 = vector.broadcast %jit3A_219 : i32 to vector<16xi32>
      %max3A_222 = arith.maxsi %max3A_221, %sub3A_218 : vector<16xi32>
      %min3A_223 = vector.broadcast %jit3A_220 : i32 to vector<16xi32>
      %min3A_224 = arith.minsi %min3A_223, %max3A_222 : vector<16xi32>
      %swap3A_225 = arith.constant 80 : index
      %swap3A_226 = tpu.vector_load %arg12[%swap3A_225] {strides = array<i32>} : memref<128xi32, #tpu.memory_space<vmem>>, vector<16xi32>,
      %swap3A_227 = vector.shape_cast %swap3A_226 : vector<16xi32> to vector<16xi32>
      %swap3A_228 = vector.shape_cast %min3A_224 : vector<16xi32> to vector<16xi32>
      tpu.vector_store %arg12[%swap3A_225], %swap3A_228 {strides = array<i32>} : memref<128xi32, #tpu.memory_space<vmem>>, vector<16xi32>,
      %get3A_229 = arith.constant 96 : index
      %get3A_230 = tpu.vector_load %arg9[%get3A_229] {strides = array<i32>} : memref<128xi32, #tpu.memory_space<vmem>>, vector<16xi32>,
      %get3A_231 = vector.shape_cast %get3A_230 : vector<16xi32> to vector<16xi32>
      %get3A_232 = arith.constant 96 : index
      %get3A_233 = tpu.vector_load %arg10[%get3A_232] {strides = array<i32>} : memref<128xf32, #tpu.memory_space<vmem>>, vector<16xf32>,
      %get3A_234 = vector.shape_cast %get3A_233 : vector<16xf32> to vector<16xf32>
      %ge3A_235 = vector.broadcast %multiple_of3A : i32 to vector<16xi32>
      %ge3A_236 = arith.cmpi sge, %get3A_231, %ge3A_235 : vector<16xi32>
      %add3A_237 = arith.constant 88 : i32
      %add3A_238 = arith.addi %multiple_of3A, %add3A_237 : i32
      %lt3A_239 = vector.broadcast %add3A_238 : i32 to vector<16xi32>
      %lt3A_240 = arith.cmpi slt, %get3A_231, %lt3A_239 : vector<16xi32>
      %and3A_241 = arith.andi %ge3A_236, %lt3A_240 : vector<16xi1>
      %jit3A_242 = arith.constant 0.000000e+00 : f32
      %broadcast_in_dim3A_243 = vector.broadcast %jit3A_242 : f32 to vector<16xf32>
      %select_n3A_244 = arith.select %and3A_241, %get3A_234, %broadcast_in_dim3A_243 : vector<16xi1>, vector<16xf32>
      %swap3A_245 = arith.constant 96 : index
      %swap3A_246 = tpu.vector_load %arg11[%swap3A_245] {strides = array<i32>} : memref<128xf32, #tpu.memory_space<vmem>>, vector<16xf32>,
      %swap3A_247 = vector.shape_cast %swap3A_246 : vector<16xf32> to vector<16xf32>
      %swap3A_248 = vector.shape_cast %select_n3A_244 : vector<16xf32> to vector<16xf32>
      tpu.vector_store %arg11[%swap3A_245], %swap3A_248 {strides = array<i32>} : memref<128xf32, #tpu.memory_space<vmem>>, vector<16xf32>,
      %sub3A_249 = vector.broadcast %multiple_of3A : i32 to vector<16xi32>
      %sub3A_250 = arith.subi %get3A_231, %sub3A_249 : vector<16xi32>
      %jit3A_251 = arith.constant 0 : i32
      %jit3A_252 = arith.constant 87 : i32
      %max3A_253 = vector.broadcast %jit3A_251 : i32 to vector<16xi32>
      %max3A_254 = arith.maxsi %max3A_253, %sub3A_250 : vector<16xi32>
      %min3A_255 = vector.broadcast %jit3A_252 : i32 to vector<16xi32>
      %min3A_256 = arith.minsi %min3A_255, %max3A_254 : vector<16xi32>
      %swap3A_257 = arith.constant 96 : index
      %swap3A_258 = tpu.vector_load %arg12[%swap3A_257] {strides = array<i32>} : memref<128xi32, #tpu.memory_space<vmem>>, vector<16xi32>,
      %swap3A_259 = vector.shape_cast %swap3A_258 : vector<16xi32> to vector<16xi32>
      %swap3A_260 = vector.shape_cast %min3A_256 : vector<16xi32> to vector<16xi32>
      tpu.vector_store %arg12[%swap3A_257], %swap3A_260 {strides = array<i32>} : memref<128xi32, #tpu.memory_space<vmem>>, vector<16xi32>,
      %get3A_261 = arith.constant 112 : index
      %get3A_262 = tpu.vector_load %arg9[%get3A_261] {strides = array<i32>} : memref<128xi32, #tpu.memory_space<vmem>>, vector<16xi32>,
      %get3A_263 = vector.shape_cast %get3A_262 : vector<16xi32> to vector<16xi32>
      %get3A_264 = arith.constant 112 : index
      %get3A_265 = tpu.vector_load %arg10[%get3A_264] {strides = array<i32>} : memref<128xf32, #tpu.memory_space<vmem>>, vector<16xf32>,
      %get3A_266 = vector.shape_cast %get3A_265 : vector<16xf32> to vector<16xf32>
      %ge3A_267 = vector.broadcast %multiple_of3A : i32 to vector<16xi32>
      %ge3A_268 = arith.cmpi sge, %get3A_263, %ge3A_267 : vector<16xi32>
      %add3A_269 = arith.constant 88 : i32
      %add3A_270 = arith.addi %multiple_of3A, %add3A_269 : i32
      %lt3A_271 = vector.broadcast %add3A_270 : i32 to vector<16xi32>
      %lt3A_272 = arith.cmpi slt, %get3A_263, %lt3A_271 : vector<16xi32>
      %and3A_273 = arith.andi %ge3A_268, %lt3A_272 : vector<16xi1>
      %jit3A_274 = arith.constant 0.000000e+00 : f32
      %broadcast_in_dim3A_275 = vector.broadcast %jit3A_274 : f32 to vector<16xf32>
      %select_n3A_276 = arith.select %and3A_273, %get3A_266, %broadcast_in_dim3A_275 : vector<16xi1>, vector<16xf32>
      %swap3A_277 = arith.constant 112 : index
      %swap3A_278 = tpu.vector_load %arg11[%swap3A_277] {strides = array<i32>} : memref<128xf32, #tpu.memory_space<vmem>>, vector<16xf32>,
      %swap3A_279 = vector.shape_cast %swap3A_278 : vector<16xf32> to vector<16xf32>
      %swap3A_280 = vector.shape_cast %select_n3A_276 : vector<16xf32> to vector<16xf32>
      tpu.vector_store %arg11[%swap3A_277], %swap3A_280 {strides = array<i32>} : memref<128xf32, #tpu.memory_space<vmem>>, vector<16xf32>,
      %sub3A_281 = vector.broadcast %multiple_of3A : i32 to vector<16xi32>
      %sub3A_282 = arith.subi %get3A_263, %sub3A_281 : vector<16xi32>
      %jit3A_283 = arith.constant 0 : i32
      %jit3A_284 = arith.constant 87 : i32
      %max3A_285 = vector.broadcast %jit3A_283 : i32 to vector<16xi32>
      %max3A_286 = arith.maxsi %max3A_285, %sub3A_282 : vector<16xi32>
      %min3A_287 = vector.broadcast %jit3A_284 : i32 to vector<16xi32>
      %min3A_288 = arith.minsi %min3A_287, %max3A_286 : vector<16xi32>
      %swap3A_289 = arith.constant 112 : index
      %swap3A_290 = tpu.vector_load %arg12[%swap3A_289] {strides = array<i32>} : memref<128xi32, #tpu.memory_space<vmem>>, vector<16xi32>,
      %swap3A_291 = vector.shape_cast %swap3A_290 : vector<16xi32> to vector<16xi32>
      %swap3A_292 = vector.shape_cast %min3A_288 : vector<16xi32> to vector<16xi32>
      tpu.vector_store %arg12[%swap3A_289], %swap3A_292 {strides = array<i32>} : memref<128xi32, #tpu.memory_space<vmem>>, vector<16xi32>,
      %scan3A_293 = arith.constant 0 : i32
      %scan3A_294 = arith.constant 0 : i32
      %scan3A_295 = arith.constant 8 : i32
      %scan3A_296 = arith.addi %scan3A_294, %scan3A_295 : i32
      %scan3A_297 = arith.constant 1 : i32
      %scan3A_298 = scf.for %scan3A_301 = %scan3A_294 to %scan3A_296 step %scan3A_297 iter_args(%scan3A_302 = %scan3A_293) -> (i32)  : i32 {
        %mul3A_303 = arith.constant 16 : i32
        %mul3A_304 = arith.muli %scan3A_301, %mul3A_303 : i32
        %get3A_305 = arith.index_cast %mul3A_304 : i32 to index
        %get3A_306 = tpu.vector_load %arg12[%get3A_305] {strides = array<i32>} : memref<128xi32, #tpu.memory_space<vmem>>, vector<16xi32>,
        %get3A_307 = vector.shape_cast %get3A_306 : vector<16xi32> to vector<16xi32>
        %mul3A_308 = arith.constant 16 : i32
        %mul3A_309 = arith.muli %scan3A_301, %mul3A_308 : i32
        %get3A_310 = arith.index_cast %mul3A_309 : i32 to index
        %get3A_311 = tpu.vector_load %arg11[%get3A_310] {strides = array<i32>} : memref<128xf32, #tpu.memory_space<vmem>>, vector<16xf32>,
        %get3A_312 = vector.shape_cast %get3A_311 : vector<16xf32> to vector<16xf32>
        %slice3A_313 = vector.extract_strided_slice %get3A_307 {offsets = [0], sizes = [1], strides = [1]} : vector<16xi32> to vector<1xi32>
        %squeeze3A_314 = vector.extract %slice3A_313[0] : i32 from vector<1xi32>
        %broadcast_in_dim3A_315 = arith.constant 0 : i32
        %broadcast_in_dim3A_316 = vector.broadcast %broadcast_in_dim3A_315 : i32 to vector<16xi32>
        %broadcast_in_dim3A_317 = vector.shape_cast %broadcast_in_dim3A_316 : vector<16xi32> to vector<16x1xi32>
        %gather3A = vector.shape_cast %broadcast_in_dim3A_317 : vector<16x1xi32> to vector<16xi32>
        %gather3A_318 = tpu.dynamic_gather %get3A_312[%gather3A] in [0] : vector<16xf32>, vector<16xi32> -> vector<16xf32>
        %mul3A_319 = arith.constant 16 : i32
        %mul3A_320 = arith.muli %scan3A_301, %mul3A_319 : i32
        %add3A_321 = arith.constant 0 : i32
        %add3A_322 = arith.addi %mul3A_320, %add3A_321 : i32
        %parallel_loop3A = arith.constant 0 : i32
        %parallel_loop3A_323 = arith.constant 32 : i32
        %parallel_loop3A_324 = arith.constant 1 : i32
        scf.for %parallel_loop3A_536 = %parallel_loop3A to %parallel_loop3A_323 step %parallel_loop3A_324  : i32 {
          %parallel_loop3A_537 = arith.constant 16 : i32
          %parallel_loop3A_538 = arith.muli %parallel_loop3A_536, %parallel_loop3A_537 : i32
          %parallel_loop3A_539 = arith.index_cast %squeeze3A_314 : i32 to index
          %parallel_loop3A_540 = arith.index_cast %parallel_loop3A_538 : i32 to index
          %parallel_loop3A_541 = tpu.vector_load %arg14[%parallel_loop3A_539, %parallel_loop3A_540] {strides = array<i32>} : memref<88x512xf32, #tpu.memory_space<vmem>>, vector<1x16xf32>,
          %parallel_loop3A_542 = vector.shape_cast %parallel_loop3A_541 : vector<1x16xf32> to vector<16xf32>
          %parallel_loop3A_543 = arith.index_cast %add3A_322 : i32 to index
          %parallel_loop3A_544 = arith.index_cast %parallel_loop3A_538 : i32 to index
          %parallel_loop3A_545 = tpu.vector_load %arg13[%parallel_loop3A_543, %parallel_loop3A_544] {strides = array<i32>} : memref<128x512xf32, #tpu.memory_space<vmem>>, vector<1x16xf32>,
          %parallel_loop3A_546 = vector.shape_cast %parallel_loop3A_545 : vector<1x16xf32> to vector<16xf32>
          %parallel_loop3A_547 = arith.mulf %parallel_loop3A_546, %gather3A_318 : vector<16xf32>
          %parallel_loop3A_548 = arith.addf %parallel_loop3A_542, %parallel_loop3A_547 : vector<16xf32>
          %parallel_loop3A_549 = arith.index_cast %squeeze3A_314 : i32 to index
          %parallel_loop3A_550 = arith.index_cast %parallel_loop3A_538 : i32 to index
          %parallel_loop3A_551 = tpu.vector_load %arg14[%parallel_loop3A_549, %parallel_loop3A_550] {strides = array<i32>} : memref<88x512xf32, #tpu.memory_space<vmem>>, vector<1x16xf32>,
          %parallel_loop3A_552 = vector.shape_cast %parallel_loop3A_551 : vector<1x16xf32> to vector<16xf32>
          %parallel_loop3A_553 = vector.shape_cast %parallel_loop3A_548 : vector<16xf32> to vector<1x16xf32>
          tpu.vector_store %arg14[%parallel_loop3A_549, %parallel_loop3A_550], %parallel_loop3A_553 {strides = array<i32>} : memref<88x512xf32, #tpu.memory_space<vmem>>, vector<1x16xf32>,
        } {sc.loop_unroll_factor = 8 : i64, sc.parallel_access}
        %slice3A_325 = vector.extract_strided_slice %get3A_307 {offsets = [1], sizes = [1], strides = [1]} : vector<16xi32> to vector<1xi32>
        %squeeze3A_326 = vector.extract %slice3A_325[0] : i32 from vector<1xi32>
        %broadcast_in_dim3A_327 = arith.constant 1 : i32
        %broadcast_in_dim3A_328 = vector.broadcast %broadcast_in_dim3A_327 : i32 to vector<16xi32>
        %broadcast_in_dim3A_329 = vector.shape_cast %broadcast_in_dim3A_328 : vector<16xi32> to vector<16x1xi32>
        %gather3A_330 = vector.shape_cast %broadcast_in_dim3A_329 : vector<16x1xi32> to vector<16xi32>
        %gather3A_331 = tpu.dynamic_gather %get3A_312[%gather3A_330] in [0] : vector<16xf32>, vector<16xi32> -> vector<16xf32>
        %mul3A_332 = arith.constant 16 : i32
        %mul3A_333 = arith.muli %scan3A_301, %mul3A_332 : i32
        %add3A_334 = arith.constant 1 : i32
        %add3A_335 = arith.addi %mul3A_333, %add3A_334 : i32
        %parallel_loop3A_336 = arith.constant 0 : i32
        %parallel_loop3A_337 = arith.constant 32 : i32
        %parallel_loop3A_338 = arith.constant 1 : i32
        scf.for %parallel_loop3A_536 = %parallel_loop3A_336 to %parallel_loop3A_337 step %parallel_loop3A_338  : i32 {
          %parallel_loop3A_537 = arith.constant 16 : i32
          %parallel_loop3A_538 = arith.muli %parallel_loop3A_536, %parallel_loop3A_537 : i32
          %parallel_loop3A_539 = arith.index_cast %squeeze3A_326 : i32 to index
          %parallel_loop3A_540 = arith.index_cast %parallel_loop3A_538 : i32 to index
          %parallel_loop3A_541 = tpu.vector_load %arg14[%parallel_loop3A_539, %parallel_loop3A_540] {strides = array<i32>} : memref<88x512xf32, #tpu.memory_space<vmem>>, vector<1x16xf32>,
          %parallel_loop3A_542 = vector.shape_cast %parallel_loop3A_541 : vector<1x16xf32> to vector<16xf32>
          %parallel_loop3A_543 = arith.index_cast %add3A_335 : i32 to index
          %parallel_loop3A_544 = arith.index_cast %parallel_loop3A_538 : i32 to index
          %parallel_loop3A_545 = tpu.vector_load %arg13[%parallel_loop3A_543, %parallel_loop3A_544] {strides = array<i32>} : memref<128x512xf32, #tpu.memory_space<vmem>>, vector<1x16xf32>,
          %parallel_loop3A_546 = vector.shape_cast %parallel_loop3A_545 : vector<1x16xf32> to vector<16xf32>
          %parallel_loop3A_547 = arith.mulf %parallel_loop3A_546, %gather3A_331 : vector<16xf32>
          %parallel_loop3A_548 = arith.addf %parallel_loop3A_542, %parallel_loop3A_547 : vector<16xf32>
          %parallel_loop3A_549 = arith.index_cast %squeeze3A_326 : i32 to index
          %parallel_loop3A_550 = arith.index_cast %parallel_loop3A_538 : i32 to index
          %parallel_loop3A_551 = tpu.vector_load %arg14[%parallel_loop3A_549, %parallel_loop3A_550] {strides = array<i32>} : memref<88x512xf32, #tpu.memory_space<vmem>>, vector<1x16xf32>,
          %parallel_loop3A_552 = vector.shape_cast %parallel_loop3A_551 : vector<1x16xf32> to vector<16xf32>
          %parallel_loop3A_553 = vector.shape_cast %parallel_loop3A_548 : vector<16xf32> to vector<1x16xf32>
          tpu.vector_store %arg14[%parallel_loop3A_549, %parallel_loop3A_550], %parallel_loop3A_553 {strides = array<i32>} : memref<88x512xf32, #tpu.memory_space<vmem>>, vector<1x16xf32>,
        } {sc.loop_unroll_factor = 8 : i64, sc.parallel_access}
        %slice3A_339 = vector.extract_strided_slice %get3A_307 {offsets = [2], sizes = [1], strides = [1]} : vector<16xi32> to vector<1xi32>
        %squeeze3A_340 = vector.extract %slice3A_339[0] : i32 from vector<1xi32>
        %broadcast_in_dim3A_341 = arith.constant 2 : i32
        %broadcast_in_dim3A_342 = vector.broadcast %broadcast_in_dim3A_341 : i32 to vector<16xi32>
        %broadcast_in_dim3A_343 = vector.shape_cast %broadcast_in_dim3A_342 : vector<16xi32> to vector<16x1xi32>
        %gather3A_344 = vector.shape_cast %broadcast_in_dim3A_343 : vector<16x1xi32> to vector<16xi32>
        %gather3A_345 = tpu.dynamic_gather %get3A_312[%gather3A_344] in [0] : vector<16xf32>, vector<16xi32> -> vector<16xf32>
        %mul3A_346 = arith.constant 16 : i32
        %mul3A_347 = arith.muli %scan3A_301, %mul3A_346 : i32
        %add3A_348 = arith.constant 2 : i32
        %add3A_349 = arith.addi %mul3A_347, %add3A_348 : i32
        %parallel_loop3A_350 = arith.constant 0 : i32
        %parallel_loop3A_351 = arith.constant 32 : i32
        %parallel_loop3A_352 = arith.constant 1 : i32
        scf.for %parallel_loop3A_536 = %parallel_loop3A_350 to %parallel_loop3A_351 step %parallel_loop3A_352  : i32 {
          %parallel_loop3A_537 = arith.constant 16 : i32
          %parallel_loop3A_538 = arith.muli %parallel_loop3A_536, %parallel_loop3A_537 : i32
          %parallel_loop3A_539 = arith.index_cast %squeeze3A_340 : i32 to index
          %parallel_loop3A_540 = arith.index_cast %parallel_loop3A_538 : i32 to index
          %parallel_loop3A_541 = tpu.vector_load %arg14[%parallel_loop3A_539, %parallel_loop3A_540] {strides = array<i32>} : memref<88x512xf32, #tpu.memory_space<vmem>>, vector<1x16xf32>,
          %parallel_loop3A_542 = vector.shape_cast %parallel_loop3A_541 : vector<1x16xf32> to vector<16xf32>
          %parallel_loop3A_543 = arith.index_cast %add3A_349 : i32 to index
          %parallel_loop3A_544 = arith.index_cast %parallel_loop3A_538 : i32 to index
          %parallel_loop3A_545 = tpu.vector_load %arg13[%parallel_loop3A_543, %parallel_loop3A_544] {strides = array<i32>} : memref<128x512xf32, #tpu.memory_space<vmem>>, vector<1x16xf32>,
          %parallel_loop3A_546 = vector.shape_cast %parallel_loop3A_545 : vector<1x16xf32> to vector<16xf32>
          %parallel_loop3A_547 = arith.mulf %parallel_loop3A_546, %gather3A_345 : vector<16xf32>
          %parallel_loop3A_548 = arith.addf %parallel_loop3A_542, %parallel_loop3A_547 : vector<16xf32>
          %parallel_loop3A_549 = arith.index_cast %squeeze3A_340 : i32 to index
          %parallel_loop3A_550 = arith.index_cast %parallel_loop3A_538 : i32 to index
          %parallel_loop3A_551 = tpu.vector_load %arg14[%parallel_loop3A_549, %parallel_loop3A_550] {strides = array<i32>} : memref<88x512xf32, #tpu.memory_space<vmem>>, vector<1x16xf32>,
          %parallel_loop3A_552 = vector.shape_cast %parallel_loop3A_551 : vector<1x16xf32> to vector<16xf32>
          %parallel_loop3A_553 = vector.shape_cast %parallel_loop3A_548 : vector<16xf32> to vector<1x16xf32>
          tpu.vector_store %arg14[%parallel_loop3A_549, %parallel_loop3A_550], %parallel_loop3A_553 {strides = array<i32>} : memref<88x512xf32, #tpu.memory_space<vmem>>, vector<1x16xf32>,
        } {sc.loop_unroll_factor = 8 : i64, sc.parallel_access}
        %slice3A_353 = vector.extract_strided_slice %get3A_307 {offsets = [3], sizes = [1], strides = [1]} : vector<16xi32> to vector<1xi32>
        %squeeze3A_354 = vector.extract %slice3A_353[0] : i32 from vector<1xi32>
        %broadcast_in_dim3A_355 = arith.constant 3 : i32
        %broadcast_in_dim3A_356 = vector.broadcast %broadcast_in_dim3A_355 : i32 to vector<16xi32>
        %broadcast_in_dim3A_357 = vector.shape_cast %broadcast_in_dim3A_356 : vector<16xi32> to vector<16x1xi32>
        %gather3A_358 = vector.shape_cast %broadcast_in_dim3A_357 : vector<16x1xi32> to vector<16xi32>
        %gather3A_359 = tpu.dynamic_gather %get3A_312[%gather3A_358] in [0] : vector<16xf32>, vector<16xi32> -> vector<16xf32>
        %mul3A_360 = arith.constant 16 : i32
        %mul3A_361 = arith.muli %scan3A_301, %mul3A_360 : i32
        %add3A_362 = arith.constant 3 : i32
        %add3A_363 = arith.addi %mul3A_361, %add3A_362 : i32
        %parallel_loop3A_364 = arith.constant 0 : i32
        %parallel_loop3A_365 = arith.constant 32 : i32
        %parallel_loop3A_366 = arith.constant 1 : i32
        scf.for %parallel_loop3A_536 = %parallel_loop3A_364 to %parallel_loop3A_365 step %parallel_loop3A_366  : i32 {
          %parallel_loop3A_537 = arith.constant 16 : i32
          %parallel_loop3A_538 = arith.muli %parallel_loop3A_536, %parallel_loop3A_537 : i32
          %parallel_loop3A_539 = arith.index_cast %squeeze3A_354 : i32 to index
          %parallel_loop3A_540 = arith.index_cast %parallel_loop3A_538 : i32 to index
          %parallel_loop3A_541 = tpu.vector_load %arg14[%parallel_loop3A_539, %parallel_loop3A_540] {strides = array<i32>} : memref<88x512xf32, #tpu.memory_space<vmem>>, vector<1x16xf32>,
          %parallel_loop3A_542 = vector.shape_cast %parallel_loop3A_541 : vector<1x16xf32> to vector<16xf32>
          %parallel_loop3A_543 = arith.index_cast %add3A_363 : i32 to index
          %parallel_loop3A_544 = arith.index_cast %parallel_loop3A_538 : i32 to index
          %parallel_loop3A_545 = tpu.vector_load %arg13[%parallel_loop3A_543, %parallel_loop3A_544] {strides = array<i32>} : memref<128x512xf32, #tpu.memory_space<vmem>>, vector<1x16xf32>,
          %parallel_loop3A_546 = vector.shape_cast %parallel_loop3A_545 : vector<1x16xf32> to vector<16xf32>
          %parallel_loop3A_547 = arith.mulf %parallel_loop3A_546, %gather3A_359 : vector<16xf32>
          %parallel_loop3A_548 = arith.addf %parallel_loop3A_542, %parallel_loop3A_547 : vector<16xf32>
          %parallel_loop3A_549 = arith.index_cast %squeeze3A_354 : i32 to index
          %parallel_loop3A_550 = arith.index_cast %parallel_loop3A_538 : i32 to index
          %parallel_loop3A_551 = tpu.vector_load %arg14[%parallel_loop3A_549, %parallel_loop3A_550] {strides = array<i32>} : memref<88x512xf32, #tpu.memory_space<vmem>>, vector<1x16xf32>,
          %parallel_loop3A_552 = vector.shape_cast %parallel_loop3A_551 : vector<1x16xf32> to vector<16xf32>
          %parallel_loop3A_553 = vector.shape_cast %parallel_loop3A_548 : vector<16xf32> to vector<1x16xf32>
          tpu.vector_store %arg14[%parallel_loop3A_549, %parallel_loop3A_550], %parallel_loop3A_553 {strides = array<i32>} : memref<88x512xf32, #tpu.memory_space<vmem>>, vector<1x16xf32>,
        } {sc.loop_unroll_factor = 8 : i64, sc.parallel_access}
        %slice3A_367 = vector.extract_strided_slice %get3A_307 {offsets = [4], sizes = [1], strides = [1]} : vector<16xi32> to vector<1xi32>
        %squeeze3A_368 = vector.extract %slice3A_367[0] : i32 from vector<1xi32>
        %broadcast_in_dim3A_369 = arith.constant 4 : i32
        %broadcast_in_dim3A_370 = vector.broadcast %broadcast_in_dim3A_369 : i32 to vector<16xi32>
        %broadcast_in_dim3A_371 = vector.shape_cast %broadcast_in_dim3A_370 : vector<16xi32> to vector<16x1xi32>
        %gather3A_372 = vector.shape_cast %broadcast_in_dim3A_371 : vector<16x1xi32> to vector<16xi32>
        %gather3A_373 = tpu.dynamic_gather %get3A_312[%gather3A_372] in [0] : vector<16xf32>, vector<16xi32> -> vector<16xf32>
        %mul3A_374 = arith.constant 16 : i32
        %mul3A_375 = arith.muli %scan3A_301, %mul3A_374 : i32
        %add3A_376 = arith.constant 4 : i32
        %add3A_377 = arith.addi %mul3A_375, %add3A_376 : i32
        %parallel_loop3A_378 = arith.constant 0 : i32
        %parallel_loop3A_379 = arith.constant 32 : i32
        %parallel_loop3A_380 = arith.constant 1 : i32
        scf.for %parallel_loop3A_536 = %parallel_loop3A_378 to %parallel_loop3A_379 step %parallel_loop3A_380  : i32 {
          %parallel_loop3A_537 = arith.constant 16 : i32
          %parallel_loop3A_538 = arith.muli %parallel_loop3A_536, %parallel_loop3A_537 : i32
          %parallel_loop3A_539 = arith.index_cast %squeeze3A_368 : i32 to index
          %parallel_loop3A_540 = arith.index_cast %parallel_loop3A_538 : i32 to index
          %parallel_loop3A_541 = tpu.vector_load %arg14[%parallel_loop3A_539, %parallel_loop3A_540] {strides = array<i32>} : memref<88x512xf32, #tpu.memory_space<vmem>>, vector<1x16xf32>,
          %parallel_loop3A_542 = vector.shape_cast %parallel_loop3A_541 : vector<1x16xf32> to vector<16xf32>
          %parallel_loop3A_543 = arith.index_cast %add3A_377 : i32 to index
          %parallel_loop3A_544 = arith.index_cast %parallel_loop3A_538 : i32 to index
          %parallel_loop3A_545 = tpu.vector_load %arg13[%parallel_loop3A_543, %parallel_loop3A_544] {strides = array<i32>} : memref<128x512xf32, #tpu.memory_space<vmem>>, vector<1x16xf32>,
          %parallel_loop3A_546 = vector.shape_cast %parallel_loop3A_545 : vector<1x16xf32> to vector<16xf32>
          %parallel_loop3A_547 = arith.mulf %parallel_loop3A_546, %gather3A_373 : vector<16xf32>
          %parallel_loop3A_548 = arith.addf %parallel_loop3A_542, %parallel_loop3A_547 : vector<16xf32>
          %parallel_loop3A_549 = arith.index_cast %squeeze3A_368 : i32 to index
          %parallel_loop3A_550 = arith.index_cast %parallel_loop3A_538 : i32 to index
          %parallel_loop3A_551 = tpu.vector_load %arg14[%parallel_loop3A_549, %parallel_loop3A_550] {strides = array<i32>} : memref<88x512xf32, #tpu.memory_space<vmem>>, vector<1x16xf32>,
          %parallel_loop3A_552 = vector.shape_cast %parallel_loop3A_551 : vector<1x16xf32> to vector<16xf32>
          %parallel_loop3A_553 = vector.shape_cast %parallel_loop3A_548 : vector<16xf32> to vector<1x16xf32>
          tpu.vector_store %arg14[%parallel_loop3A_549, %parallel_loop3A_550], %parallel_loop3A_553 {strides = array<i32>} : memref<88x512xf32, #tpu.memory_space<vmem>>, vector<1x16xf32>,
        } {sc.loop_unroll_factor = 8 : i64, sc.parallel_access}
        %slice3A_381 = vector.extract_strided_slice %get3A_307 {offsets = [5], sizes = [1], strides = [1]} : vector<16xi32> to vector<1xi32>
        %squeeze3A_382 = vector.extract %slice3A_381[0] : i32 from vector<1xi32>
        %broadcast_in_dim3A_383 = arith.constant 5 : i32
        %broadcast_in_dim3A_384 = vector.broadcast %broadcast_in_dim3A_383 : i32 to vector<16xi32>
        %broadcast_in_dim3A_385 = vector.shape_cast %broadcast_in_dim3A_384 : vector<16xi32> to vector<16x1xi32>
        %gather3A_386 = vector.shape_cast %broadcast_in_dim3A_385 : vector<16x1xi32> to vector<16xi32>
        %gather3A_387 = tpu.dynamic_gather %get3A_312[%gather3A_386] in [0] : vector<16xf32>, vector<16xi32> -> vector<16xf32>
        %mul3A_388 = arith.constant 16 : i32
        %mul3A_389 = arith.muli %scan3A_301, %mul3A_388 : i32
        %add3A_390 = arith.constant 5 : i32
        %add3A_391 = arith.addi %mul3A_389, %add3A_390 : i32
        %parallel_loop3A_392 = arith.constant 0 : i32
        %parallel_loop3A_393 = arith.constant 32 : i32
        %parallel_loop3A_394 = arith.constant 1 : i32
        scf.for %parallel_loop3A_536 = %parallel_loop3A_392 to %parallel_loop3A_393 step %parallel_loop3A_394  : i32 {
          %parallel_loop3A_537 = arith.constant 16 : i32
          %parallel_loop3A_538 = arith.muli %parallel_loop3A_536, %parallel_loop3A_537 : i32
          %parallel_loop3A_539 = arith.index_cast %squeeze3A_382 : i32 to index
          %parallel_loop3A_540 = arith.index_cast %parallel_loop3A_538 : i32 to index
          %parallel_loop3A_541 = tpu.vector_load %arg14[%parallel_loop3A_539, %parallel_loop3A_540] {strides = array<i32>} : memref<88x512xf32, #tpu.memory_space<vmem>>, vector<1x16xf32>,
          %parallel_loop3A_542 = vector.shape_cast %parallel_loop3A_541 : vector<1x16xf32> to vector<16xf32>
          %parallel_loop3A_543 = arith.index_cast %add3A_391 : i32 to index
          %parallel_loop3A_544 = arith.index_cast %parallel_loop3A_538 : i32 to index
          %parallel_loop3A_545 = tpu.vector_load %arg13[%parallel_loop3A_543, %parallel_loop3A_544] {strides = array<i32>} : memref<128x512xf32, #tpu.memory_space<vmem>>, vector<1x16xf32>,
          %parallel_loop3A_546 = vector.shape_cast %parallel_loop3A_545 : vector<1x16xf32> to vector<16xf32>
          %parallel_loop3A_547 = arith.mulf %parallel_loop3A_546, %gather3A_387 : vector<16xf32>
          %parallel_loop3A_548 = arith.addf %parallel_loop3A_542, %parallel_loop3A_547 : vector<16xf32>
          %parallel_loop3A_549 = arith.index_cast %squeeze3A_382 : i32 to index
          %parallel_loop3A_550 = arith.index_cast %parallel_loop3A_538 : i32 to index
          %parallel_loop3A_551 = tpu.vector_load %arg14[%parallel_loop3A_549, %parallel_loop3A_550] {strides = array<i32>} : memref<88x512xf32, #tpu.memory_space<vmem>>, vector<1x16xf32>,
          %parallel_loop3A_552 = vector.shape_cast %parallel_loop3A_551 : vector<1x16xf32> to vector<16xf32>
          %parallel_loop3A_553 = vector.shape_cast %parallel_loop3A_548 : vector<16xf32> to vector<1x16xf32>
          tpu.vector_store %arg14[%parallel_loop3A_549, %parallel_loop3A_550], %parallel_loop3A_553 {strides = array<i32>} : memref<88x512xf32, #tpu.memory_space<vmem>>, vector<1x16xf32>,
        } {sc.loop_unroll_factor = 8 : i64, sc.parallel_access}
        %slice3A_395 = vector.extract_strided_slice %get3A_307 {offsets = [6], sizes = [1], strides = [1]} : vector<16xi32> to vector<1xi32>
        %squeeze3A_396 = vector.extract %slice3A_395[0] : i32 from vector<1xi32>
        %broadcast_in_dim3A_397 = arith.constant 6 : i32
        %broadcast_in_dim3A_398 = vector.broadcast %broadcast_in_dim3A_397 : i32 to vector<16xi32>
        %broadcast_in_dim3A_399 = vector.shape_cast %broadcast_in_dim3A_398 : vector<16xi32> to vector<16x1xi32>
        %gather3A_400 = vector.shape_cast %broadcast_in_dim3A_399 : vector<16x1xi32> to vector<16xi32>
        %gather3A_401 = tpu.dynamic_gather %get3A_312[%gather3A_400] in [0] : vector<16xf32>, vector<16xi32> -> vector<16xf32>
        %mul3A_402 = arith.constant 16 : i32
        %mul3A_403 = arith.muli %scan3A_301, %mul3A_402 : i32
        %add3A_404 = arith.constant 6 : i32
        %add3A_405 = arith.addi %mul3A_403, %add3A_404 : i32
        %parallel_loop3A_406 = arith.constant 0 : i32
        %parallel_loop3A_407 = arith.constant 32 : i32
        %parallel_loop3A_408 = arith.constant 1 : i32
        scf.for %parallel_loop3A_536 = %parallel_loop3A_406 to %parallel_loop3A_407 step %parallel_loop3A_408  : i32 {
          %parallel_loop3A_537 = arith.constant 16 : i32
          %parallel_loop3A_538 = arith.muli %parallel_loop3A_536, %parallel_loop3A_537 : i32
          %parallel_loop3A_539 = arith.index_cast %squeeze3A_396 : i32 to index
          %parallel_loop3A_540 = arith.index_cast %parallel_loop3A_538 : i32 to index
          %parallel_loop3A_541 = tpu.vector_load %arg14[%parallel_loop3A_539, %parallel_loop3A_540] {strides = array<i32>} : memref<88x512xf32, #tpu.memory_space<vmem>>, vector<1x16xf32>,
          %parallel_loop3A_542 = vector.shape_cast %parallel_loop3A_541 : vector<1x16xf32> to vector<16xf32>
          %parallel_loop3A_543 = arith.index_cast %add3A_405 : i32 to index
          %parallel_loop3A_544 = arith.index_cast %parallel_loop3A_538 : i32 to index
          %parallel_loop3A_545 = tpu.vector_load %arg13[%parallel_loop3A_543, %parallel_loop3A_544] {strides = array<i32>} : memref<128x512xf32, #tpu.memory_space<vmem>>, vector<1x16xf32>,
          %parallel_loop3A_546 = vector.shape_cast %parallel_loop3A_545 : vector<1x16xf32> to vector<16xf32>
          %parallel_loop3A_547 = arith.mulf %parallel_loop3A_546, %gather3A_401 : vector<16xf32>
          %parallel_loop3A_548 = arith.addf %parallel_loop3A_542, %parallel_loop3A_547 : vector<16xf32>
          %parallel_loop3A_549 = arith.index_cast %squeeze3A_396 : i32 to index
          %parallel_loop3A_550 = arith.index_cast %parallel_loop3A_538 : i32 to index
          %parallel_loop3A_551 = tpu.vector_load %arg14[%parallel_loop3A_549, %parallel_loop3A_550] {strides = array<i32>} : memref<88x512xf32, #tpu.memory_space<vmem>>, vector<1x16xf32>,
          %parallel_loop3A_552 = vector.shape_cast %parallel_loop3A_551 : vector<1x16xf32> to vector<16xf32>
          %parallel_loop3A_553 = vector.shape_cast %parallel_loop3A_548 : vector<16xf32> to vector<1x16xf32>
          tpu.vector_store %arg14[%parallel_loop3A_549, %parallel_loop3A_550], %parallel_loop3A_553 {strides = array<i32>} : memref<88x512xf32, #tpu.memory_space<vmem>>, vector<1x16xf32>,
        } {sc.loop_unroll_factor = 8 : i64, sc.parallel_access}
        %slice3A_409 = vector.extract_strided_slice %get3A_307 {offsets = [7], sizes = [1], strides = [1]} : vector<16xi32> to vector<1xi32>
        %squeeze3A_410 = vector.extract %slice3A_409[0] : i32 from vector<1xi32>
        %broadcast_in_dim3A_411 = arith.constant 7 : i32
        %broadcast_in_dim3A_412 = vector.broadcast %broadcast_in_dim3A_411 : i32 to vector<16xi32>
        %broadcast_in_dim3A_413 = vector.shape_cast %broadcast_in_dim3A_412 : vector<16xi32> to vector<16x1xi32>
        %gather3A_414 = vector.shape_cast %broadcast_in_dim3A_413 : vector<16x1xi32> to vector<16xi32>
        %gather3A_415 = tpu.dynamic_gather %get3A_312[%gather3A_414] in [0] : vector<16xf32>, vector<16xi32> -> vector<16xf32>
        %mul3A_416 = arith.constant 16 : i32
        %mul3A_417 = arith.muli %scan3A_301, %mul3A_416 : i32
        %add3A_418 = arith.constant 7 : i32
        %add3A_419 = arith.addi %mul3A_417, %add3A_418 : i32
        %parallel_loop3A_420 = arith.constant 0 : i32
        %parallel_loop3A_421 = arith.constant 32 : i32
        %parallel_loop3A_422 = arith.constant 1 : i32
        scf.for %parallel_loop3A_536 = %parallel_loop3A_420 to %parallel_loop3A_421 step %parallel_loop3A_422  : i32 {
          %parallel_loop3A_537 = arith.constant 16 : i32
          %parallel_loop3A_538 = arith.muli %parallel_loop3A_536, %parallel_loop3A_537 : i32
          %parallel_loop3A_539 = arith.index_cast %squeeze3A_410 : i32 to index
          %parallel_loop3A_540 = arith.index_cast %parallel_loop3A_538 : i32 to index
          %parallel_loop3A_541 = tpu.vector_load %arg14[%parallel_loop3A_539, %parallel_loop3A_540] {strides = array<i32>} : memref<88x512xf32, #tpu.memory_space<vmem>>, vector<1x16xf32>,
          %parallel_loop3A_542 = vector.shape_cast %parallel_loop3A_541 : vector<1x16xf32> to vector<16xf32>
          %parallel_loop3A_543 = arith.index_cast %add3A_419 : i32 to index
          %parallel_loop3A_544 = arith.index_cast %parallel_loop3A_538 : i32 to index
          %parallel_loop3A_545 = tpu.vector_load %arg13[%parallel_loop3A_543, %parallel_loop3A_544] {strides = array<i32>} : memref<128x512xf32, #tpu.memory_space<vmem>>, vector<1x16xf32>,
          %parallel_loop3A_546 = vector.shape_cast %parallel_loop3A_545 : vector<1x16xf32> to vector<16xf32>
          %parallel_loop3A_547 = arith.mulf %parallel_loop3A_546, %gather3A_415 : vector<16xf32>
          %parallel_loop3A_548 = arith.addf %parallel_loop3A_542, %parallel_loop3A_547 : vector<16xf32>
          %parallel_loop3A_549 = arith.index_cast %squeeze3A_410 : i32 to index
          %parallel_loop3A_550 = arith.index_cast %parallel_loop3A_538 : i32 to index
          %parallel_loop3A_551 = tpu.vector_load %arg14[%parallel_loop3A_549, %parallel_loop3A_550] {strides = array<i32>} : memref<88x512xf32, #tpu.memory_space<vmem>>, vector<1x16xf32>,
          %parallel_loop3A_552 = vector.shape_cast %parallel_loop3A_551 : vector<1x16xf32> to vector<16xf32>
          %parallel_loop3A_553 = vector.shape_cast %parallel_loop3A_548 : vector<16xf32> to vector<1x16xf32>
          tpu.vector_store %arg14[%parallel_loop3A_549, %parallel_loop3A_550], %parallel_loop3A_553 {strides = array<i32>} : memref<88x512xf32, #tpu.memory_space<vmem>>, vector<1x16xf32>,
        } {sc.loop_unroll_factor = 8 : i64, sc.parallel_access}
        %slice3A_423 = vector.extract_strided_slice %get3A_307 {offsets = [8], sizes = [1], strides = [1]} : vector<16xi32> to vector<1xi32>
        %squeeze3A_424 = vector.extract %slice3A_423[0] : i32 from vector<1xi32>
        %broadcast_in_dim3A_425 = arith.constant 8 : i32
        %broadcast_in_dim3A_426 = vector.broadcast %broadcast_in_dim3A_425 : i32 to vector<16xi32>
        %broadcast_in_dim3A_427 = vector.shape_cast %broadcast_in_dim3A_426 : vector<16xi32> to vector<16x1xi32>
        %gather3A_428 = vector.shape_cast %broadcast_in_dim3A_427 : vector<16x1xi32> to vector<16xi32>
        %gather3A_429 = tpu.dynamic_gather %get3A_312[%gather3A_428] in [0] : vector<16xf32>, vector<16xi32> -> vector<16xf32>
        %mul3A_430 = arith.constant 16 : i32
        %mul3A_431 = arith.muli %scan3A_301, %mul3A_430 : i32
        %add3A_432 = arith.constant 8 : i32
        %add3A_433 = arith.addi %mul3A_431, %add3A_432 : i32
        %parallel_loop3A_434 = arith.constant 0 : i32
        %parallel_loop3A_435 = arith.constant 32 : i32
        %parallel_loop3A_436 = arith.constant 1 : i32
        scf.for %parallel_loop3A_536 = %parallel_loop3A_434 to %parallel_loop3A_435 step %parallel_loop3A_436  : i32 {
          %parallel_loop3A_537 = arith.constant 16 : i32
          %parallel_loop3A_538 = arith.muli %parallel_loop3A_536, %parallel_loop3A_537 : i32
          %parallel_loop3A_539 = arith.index_cast %squeeze3A_424 : i32 to index
          %parallel_loop3A_540 = arith.index_cast %parallel_loop3A_538 : i32 to index
          %parallel_loop3A_541 = tpu.vector_load %arg14[%parallel_loop3A_539, %parallel_loop3A_540] {strides = array<i32>} : memref<88x512xf32, #tpu.memory_space<vmem>>, vector<1x16xf32>,
          %parallel_loop3A_542 = vector.shape_cast %parallel_loop3A_541 : vector<1x16xf32> to vector<16xf32>
          %parallel_loop3A_543 = arith.index_cast %add3A_433 : i32 to index
          %parallel_loop3A_544 = arith.index_cast %parallel_loop3A_538 : i32 to index
          %parallel_loop3A_545 = tpu.vector_load %arg13[%parallel_loop3A_543, %parallel_loop3A_544] {strides = array<i32>} : memref<128x512xf32, #tpu.memory_space<vmem>>, vector<1x16xf32>,
          %parallel_loop3A_546 = vector.shape_cast %parallel_loop3A_545 : vector<1x16xf32> to vector<16xf32>
          %parallel_loop3A_547 = arith.mulf %parallel_loop3A_546, %gather3A_429 : vector<16xf32>
          %parallel_loop3A_548 = arith.addf %parallel_loop3A_542, %parallel_loop3A_547 : vector<16xf32>
          %parallel_loop3A_549 = arith.index_cast %squeeze3A_424 : i32 to index
          %parallel_loop3A_550 = arith.index_cast %parallel_loop3A_538 : i32 to index
          %parallel_loop3A_551 = tpu.vector_load %arg14[%parallel_loop3A_549, %parallel_loop3A_550] {strides = array<i32>} : memref<88x512xf32, #tpu.memory_space<vmem>>, vector<1x16xf32>,
          %parallel_loop3A_552 = vector.shape_cast %parallel_loop3A_551 : vector<1x16xf32> to vector<16xf32>
          %parallel_loop3A_553 = vector.shape_cast %parallel_loop3A_548 : vector<16xf32> to vector<1x16xf32>
          tpu.vector_store %arg14[%parallel_loop3A_549, %parallel_loop3A_550], %parallel_loop3A_553 {strides = array<i32>} : memref<88x512xf32, #tpu.memory_space<vmem>>, vector<1x16xf32>,
        } {sc.loop_unroll_factor = 8 : i64, sc.parallel_access}
        %slice3A_437 = vector.extract_strided_slice %get3A_307 {offsets = [9], sizes = [1], strides = [1]} : vector<16xi32> to vector<1xi32>
        %squeeze3A_438 = vector.extract %slice3A_437[0] : i32 from vector<1xi32>
        %broadcast_in_dim3A_439 = arith.constant 9 : i32
        %broadcast_in_dim3A_440 = vector.broadcast %broadcast_in_dim3A_439 : i32 to vector<16xi32>
        %broadcast_in_dim3A_441 = vector.shape_cast %broadcast_in_dim3A_440 : vector<16xi32> to vector<16x1xi32>
        %gather3A_442 = vector.shape_cast %broadcast_in_dim3A_441 : vector<16x1xi32> to vector<16xi32>
        %gather3A_443 = tpu.dynamic_gather %get3A_312[%gather3A_442] in [0] : vector<16xf32>, vector<16xi32> -> vector<16xf32>
        %mul3A_444 = arith.constant 16 : i32
        %mul3A_445 = arith.muli %scan3A_301, %mul3A_444 : i32
        %add3A_446 = arith.constant 9 : i32
        %add3A_447 = arith.addi %mul3A_445, %add3A_446 : i32
        %parallel_loop3A_448 = arith.constant 0 : i32
        %parallel_loop3A_449 = arith.constant 32 : i32
        %parallel_loop3A_450 = arith.constant 1 : i32
        scf.for %parallel_loop3A_536 = %parallel_loop3A_448 to %parallel_loop3A_449 step %parallel_loop3A_450  : i32 {
          %parallel_loop3A_537 = arith.constant 16 : i32
          %parallel_loop3A_538 = arith.muli %parallel_loop3A_536, %parallel_loop3A_537 : i32
          %parallel_loop3A_539 = arith.index_cast %squeeze3A_438 : i32 to index
          %parallel_loop3A_540 = arith.index_cast %parallel_loop3A_538 : i32 to index
          %parallel_loop3A_541 = tpu.vector_load %arg14[%parallel_loop3A_539, %parallel_loop3A_540] {strides = array<i32>} : memref<88x512xf32, #tpu.memory_space<vmem>>, vector<1x16xf32>,
          %parallel_loop3A_542 = vector.shape_cast %parallel_loop3A_541 : vector<1x16xf32> to vector<16xf32>
          %parallel_loop3A_543 = arith.index_cast %add3A_447 : i32 to index
          %parallel_loop3A_544 = arith.index_cast %parallel_loop3A_538 : i32 to index
          %parallel_loop3A_545 = tpu.vector_load %arg13[%parallel_loop3A_543, %parallel_loop3A_544] {strides = array<i32>} : memref<128x512xf32, #tpu.memory_space<vmem>>, vector<1x16xf32>,
          %parallel_loop3A_546 = vector.shape_cast %parallel_loop3A_545 : vector<1x16xf32> to vector<16xf32>
          %parallel_loop3A_547 = arith.mulf %parallel_loop3A_546, %gather3A_443 : vector<16xf32>
          %parallel_loop3A_548 = arith.addf %parallel_loop3A_542, %parallel_loop3A_547 : vector<16xf32>
          %parallel_loop3A_549 = arith.index_cast %squeeze3A_438 : i32 to index
          %parallel_loop3A_550 = arith.index_cast %parallel_loop3A_538 : i32 to index
          %parallel_loop3A_551 = tpu.vector_load %arg14[%parallel_loop3A_549, %parallel_loop3A_550] {strides = array<i32>} : memref<88x512xf32, #tpu.memory_space<vmem>>, vector<1x16xf32>,
          %parallel_loop3A_552 = vector.shape_cast %parallel_loop3A_551 : vector<1x16xf32> to vector<16xf32>
          %parallel_loop3A_553 = vector.shape_cast %parallel_loop3A_548 : vector<16xf32> to vector<1x16xf32>
          tpu.vector_store %arg14[%parallel_loop3A_549, %parallel_loop3A_550], %parallel_loop3A_553 {strides = array<i32>} : memref<88x512xf32, #tpu.memory_space<vmem>>, vector<1x16xf32>,
        } {sc.loop_unroll_factor = 8 : i64, sc.parallel_access}
        %slice3A_451 = vector.extract_strided_slice %get3A_307 {offsets = [10], sizes = [1], strides = [1]} : vector<16xi32> to vector<1xi32>
        %squeeze3A_452 = vector.extract %slice3A_451[0] : i32 from vector<1xi32>
        %broadcast_in_dim3A_453 = arith.constant 10 : i32
        %broadcast_in_dim3A_454 = vector.broadcast %broadcast_in_dim3A_453 : i32 to vector<16xi32>
        %broadcast_in_dim3A_455 = vector.shape_cast %broadcast_in_dim3A_454 : vector<16xi32> to vector<16x1xi32>
        %gather3A_456 = vector.shape_cast %broadcast_in_dim3A_455 : vector<16x1xi32> to vector<16xi32>
        %gather3A_457 = tpu.dynamic_gather %get3A_312[%gather3A_456] in [0] : vector<16xf32>, vector<16xi32> -> vector<16xf32>
        %mul3A_458 = arith.constant 16 : i32
        %mul3A_459 = arith.muli %scan3A_301, %mul3A_458 : i32
        %add3A_460 = arith.constant 10 : i32
        %add3A_461 = arith.addi %mul3A_459, %add3A_460 : i32
        %parallel_loop3A_462 = arith.constant 0 : i32
        %parallel_loop3A_463 = arith.constant 32 : i32
        %parallel_loop3A_464 = arith.constant 1 : i32
        scf.for %parallel_loop3A_536 = %parallel_loop3A_462 to %parallel_loop3A_463 step %parallel_loop3A_464  : i32 {
          %parallel_loop3A_537 = arith.constant 16 : i32
          %parallel_loop3A_538 = arith.muli %parallel_loop3A_536, %parallel_loop3A_537 : i32
          %parallel_loop3A_539 = arith.index_cast %squeeze3A_452 : i32 to index
          %parallel_loop3A_540 = arith.index_cast %parallel_loop3A_538 : i32 to index
          %parallel_loop3A_541 = tpu.vector_load %arg14[%parallel_loop3A_539, %parallel_loop3A_540] {strides = array<i32>} : memref<88x512xf32, #tpu.memory_space<vmem>>, vector<1x16xf32>,
          %parallel_loop3A_542 = vector.shape_cast %parallel_loop3A_541 : vector<1x16xf32> to vector<16xf32>
          %parallel_loop3A_543 = arith.index_cast %add3A_461 : i32 to index
          %parallel_loop3A_544 = arith.index_cast %parallel_loop3A_538 : i32 to index
          %parallel_loop3A_545 = tpu.vector_load %arg13[%parallel_loop3A_543, %parallel_loop3A_544] {strides = array<i32>} : memref<128x512xf32, #tpu.memory_space<vmem>>, vector<1x16xf32>,
          %parallel_loop3A_546 = vector.shape_cast %parallel_loop3A_545 : vector<1x16xf32> to vector<16xf32>
          %parallel_loop3A_547 = arith.mulf %parallel_loop3A_546, %gather3A_457 : vector<16xf32>
          %parallel_loop3A_548 = arith.addf %parallel_loop3A_542, %parallel_loop3A_547 : vector<16xf32>
          %parallel_loop3A_549 = arith.index_cast %squeeze3A_452 : i32 to index
          %parallel_loop3A_550 = arith.index_cast %parallel_loop3A_538 : i32 to index
          %parallel_loop3A_551 = tpu.vector_load %arg14[%parallel_loop3A_549, %parallel_loop3A_550] {strides = array<i32>} : memref<88x512xf32, #tpu.memory_space<vmem>>, vector<1x16xf32>,
          %parallel_loop3A_552 = vector.shape_cast %parallel_loop3A_551 : vector<1x16xf32> to vector<16xf32>
          %parallel_loop3A_553 = vector.shape_cast %parallel_loop3A_548 : vector<16xf32> to vector<1x16xf32>
          tpu.vector_store %arg14[%parallel_loop3A_549, %parallel_loop3A_550], %parallel_loop3A_553 {strides = array<i32>} : memref<88x512xf32, #tpu.memory_space<vmem>>, vector<1x16xf32>,
        } {sc.loop_unroll_factor = 8 : i64, sc.parallel_access}
        %slice3A_465 = vector.extract_strided_slice %get3A_307 {offsets = [11], sizes = [1], strides = [1]} : vector<16xi32> to vector<1xi32>
        %squeeze3A_466 = vector.extract %slice3A_465[0] : i32 from vector<1xi32>
        %broadcast_in_dim3A_467 = arith.constant 11 : i32
        %broadcast_in_dim3A_468 = vector.broadcast %broadcast_in_dim3A_467 : i32 to vector<16xi32>
        %broadcast_in_dim3A_469 = vector.shape_cast %broadcast_in_dim3A_468 : vector<16xi32> to vector<16x1xi32>
        %gather3A_470 = vector.shape_cast %broadcast_in_dim3A_469 : vector<16x1xi32> to vector<16xi32>
        %gather3A_471 = tpu.dynamic_gather %get3A_312[%gather3A_470] in [0] : vector<16xf32>, vector<16xi32> -> vector<16xf32>
        %mul3A_472 = arith.constant 16 : i32
        %mul3A_473 = arith.muli %scan3A_301, %mul3A_472 : i32
        %add3A_474 = arith.constant 11 : i32
        %add3A_475 = arith.addi %mul3A_473, %add3A_474 : i32
        %parallel_loop3A_476 = arith.constant 0 : i32
        %parallel_loop3A_477 = arith.constant 32 : i32
        %parallel_loop3A_478 = arith.constant 1 : i32
        scf.for %parallel_loop3A_536 = %parallel_loop3A_476 to %parallel_loop3A_477 step %parallel_loop3A_478  : i32 {
          %parallel_loop3A_537 = arith.constant 16 : i32
          %parallel_loop3A_538 = arith.muli %parallel_loop3A_536, %parallel_loop3A_537 : i32
          %parallel_loop3A_539 = arith.index_cast %squeeze3A_466 : i32 to index
          %parallel_loop3A_540 = arith.index_cast %parallel_loop3A_538 : i32 to index
          %parallel_loop3A_541 = tpu.vector_load %arg14[%parallel_loop3A_539, %parallel_loop3A_540] {strides = array<i32>} : memref<88x512xf32, #tpu.memory_space<vmem>>, vector<1x16xf32>,
          %parallel_loop3A_542 = vector.shape_cast %parallel_loop3A_541 : vector<1x16xf32> to vector<16xf32>
          %parallel_loop3A_543 = arith.index_cast %add3A_475 : i32 to index
          %parallel_loop3A_544 = arith.index_cast %parallel_loop3A_538 : i32 to index
          %parallel_loop3A_545 = tpu.vector_load %arg13[%parallel_loop3A_543, %parallel_loop3A_544] {strides = array<i32>} : memref<128x512xf32, #tpu.memory_space<vmem>>, vector<1x16xf32>,
          %parallel_loop3A_546 = vector.shape_cast %parallel_loop3A_545 : vector<1x16xf32> to vector<16xf32>
          %parallel_loop3A_547 = arith.mulf %parallel_loop3A_546, %gather3A_471 : vector<16xf32>
          %parallel_loop3A_548 = arith.addf %parallel_loop3A_542, %parallel_loop3A_547 : vector<16xf32>
          %parallel_loop3A_549 = arith.index_cast %squeeze3A_466 : i32 to index
          %parallel_loop3A_550 = arith.index_cast %parallel_loop3A_538 : i32 to index
          %parallel_loop3A_551 = tpu.vector_load %arg14[%parallel_loop3A_549, %parallel_loop3A_550] {strides = array<i32>} : memref<88x512xf32, #tpu.memory_space<vmem>>, vector<1x16xf32>,
          %parallel_loop3A_552 = vector.shape_cast %parallel_loop3A_551 : vector<1x16xf32> to vector<16xf32>
          %parallel_loop3A_553 = vector.shape_cast %parallel_loop3A_548 : vector<16xf32> to vector<1x16xf32>
          tpu.vector_store %arg14[%parallel_loop3A_549, %parallel_loop3A_550], %parallel_loop3A_553 {strides = array<i32>} : memref<88x512xf32, #tpu.memory_space<vmem>>, vector<1x16xf32>,
        } {sc.loop_unroll_factor = 8 : i64, sc.parallel_access}
        %slice3A_479 = vector.extract_strided_slice %get3A_307 {offsets = [12], sizes = [1], strides = [1]} : vector<16xi32> to vector<1xi32>
        %squeeze3A_480 = vector.extract %slice3A_479[0] : i32 from vector<1xi32>
        %broadcast_in_dim3A_481 = arith.constant 12 : i32
        %broadcast_in_dim3A_482 = vector.broadcast %broadcast_in_dim3A_481 : i32 to vector<16xi32>
        %broadcast_in_dim3A_483 = vector.shape_cast %broadcast_in_dim3A_482 : vector<16xi32> to vector<16x1xi32>
        %gather3A_484 = vector.shape_cast %broadcast_in_dim3A_483 : vector<16x1xi32> to vector<16xi32>
        %gather3A_485 = tpu.dynamic_gather %get3A_312[%gather3A_484] in [0] : vector<16xf32>, vector<16xi32> -> vector<16xf32>
        %mul3A_486 = arith.constant 16 : i32
        %mul3A_487 = arith.muli %scan3A_301, %mul3A_486 : i32
        %add3A_488 = arith.constant 12 : i32
        %add3A_489 = arith.addi %mul3A_487, %add3A_488 : i32
        %parallel_loop3A_490 = arith.constant 0 : i32
        %parallel_loop3A_491 = arith.constant 32 : i32
        %parallel_loop3A_492 = arith.constant 1 : i32
        scf.for %parallel_loop3A_536 = %parallel_loop3A_490 to %parallel_loop3A_491 step %parallel_loop3A_492  : i32 {
          %parallel_loop3A_537 = arith.constant 16 : i32
          %parallel_loop3A_538 = arith.muli %parallel_loop3A_536, %parallel_loop3A_537 : i32
          %parallel_loop3A_539 = arith.index_cast %squeeze3A_480 : i32 to index
          %parallel_loop3A_540 = arith.index_cast %parallel_loop3A_538 : i32 to index
          %parallel_loop3A_541 = tpu.vector_load %arg14[%parallel_loop3A_539, %parallel_loop3A_540] {strides = array<i32>} : memref<88x512xf32, #tpu.memory_space<vmem>>, vector<1x16xf32>,
          %parallel_loop3A_542 = vector.shape_cast %parallel_loop3A_541 : vector<1x16xf32> to vector<16xf32>
          %parallel_loop3A_543 = arith.index_cast %add3A_489 : i32 to index
          %parallel_loop3A_544 = arith.index_cast %parallel_loop3A_538 : i32 to index
          %parallel_loop3A_545 = tpu.vector_load %arg13[%parallel_loop3A_543, %parallel_loop3A_544] {strides = array<i32>} : memref<128x512xf32, #tpu.memory_space<vmem>>, vector<1x16xf32>,
          %parallel_loop3A_546 = vector.shape_cast %parallel_loop3A_545 : vector<1x16xf32> to vector<16xf32>
          %parallel_loop3A_547 = arith.mulf %parallel_loop3A_546, %gather3A_485 : vector<16xf32>
          %parallel_loop3A_548 = arith.addf %parallel_loop3A_542, %parallel_loop3A_547 : vector<16xf32>
          %parallel_loop3A_549 = arith.index_cast %squeeze3A_480 : i32 to index
          %parallel_loop3A_550 = arith.index_cast %parallel_loop3A_538 : i32 to index
          %parallel_loop3A_551 = tpu.vector_load %arg14[%parallel_loop3A_549, %parallel_loop3A_550] {strides = array<i32>} : memref<88x512xf32, #tpu.memory_space<vmem>>, vector<1x16xf32>,
          %parallel_loop3A_552 = vector.shape_cast %parallel_loop3A_551 : vector<1x16xf32> to vector<16xf32>
          %parallel_loop3A_553 = vector.shape_cast %parallel_loop3A_548 : vector<16xf32> to vector<1x16xf32>
          tpu.vector_store %arg14[%parallel_loop3A_549, %parallel_loop3A_550], %parallel_loop3A_553 {strides = array<i32>} : memref<88x512xf32, #tpu.memory_space<vmem>>, vector<1x16xf32>,
        } {sc.loop_unroll_factor = 8 : i64, sc.parallel_access}
        %slice3A_493 = vector.extract_strided_slice %get3A_307 {offsets = [13], sizes = [1], strides = [1]} : vector<16xi32> to vector<1xi32>
        %squeeze3A_494 = vector.extract %slice3A_493[0] : i32 from vector<1xi32>
        %broadcast_in_dim3A_495 = arith.constant 13 : i32
        %broadcast_in_dim3A_496 = vector.broadcast %broadcast_in_dim3A_495 : i32 to vector<16xi32>
        %broadcast_in_dim3A_497 = vector.shape_cast %broadcast_in_dim3A_496 : vector<16xi32> to vector<16x1xi32>
        %gather3A_498 = vector.shape_cast %broadcast_in_dim3A_497 : vector<16x1xi32> to vector<16xi32>
        %gather3A_499 = tpu.dynamic_gather %get3A_312[%gather3A_498] in [0] : vector<16xf32>, vector<16xi32> -> vector<16xf32>
        %mul3A_500 = arith.constant 16 : i32
        %mul3A_501 = arith.muli %scan3A_301, %mul3A_500 : i32
        %add3A_502 = arith.constant 13 : i32
        %add3A_503 = arith.addi %mul3A_501, %add3A_502 : i32
        %parallel_loop3A_504 = arith.constant 0 : i32
        %parallel_loop3A_505 = arith.constant 32 : i32
        %parallel_loop3A_506 = arith.constant 1 : i32
        scf.for %parallel_loop3A_536 = %parallel_loop3A_504 to %parallel_loop3A_505 step %parallel_loop3A_506  : i32 {
          %parallel_loop3A_537 = arith.constant 16 : i32
          %parallel_loop3A_538 = arith.muli %parallel_loop3A_536, %parallel_loop3A_537 : i32
          %parallel_loop3A_539 = arith.index_cast %squeeze3A_494 : i32 to index
          %parallel_loop3A_540 = arith.index_cast %parallel_loop3A_538 : i32 to index
          %parallel_loop3A_541 = tpu.vector_load %arg14[%parallel_loop3A_539, %parallel_loop3A_540] {strides = array<i32>} : memref<88x512xf32, #tpu.memory_space<vmem>>, vector<1x16xf32>,
          %parallel_loop3A_542 = vector.shape_cast %parallel_loop3A_541 : vector<1x16xf32> to vector<16xf32>
          %parallel_loop3A_543 = arith.index_cast %add3A_503 : i32 to index
          %parallel_loop3A_544 = arith.index_cast %parallel_loop3A_538 : i32 to index
          %parallel_loop3A_545 = tpu.vector_load %arg13[%parallel_loop3A_543, %parallel_loop3A_544] {strides = array<i32>} : memref<128x512xf32, #tpu.memory_space<vmem>>, vector<1x16xf32>,
          %parallel_loop3A_546 = vector.shape_cast %parallel_loop3A_545 : vector<1x16xf32> to vector<16xf32>
          %parallel_loop3A_547 = arith.mulf %parallel_loop3A_546, %gather3A_499 : vector<16xf32>
          %parallel_loop3A_548 = arith.addf %parallel_loop3A_542, %parallel_loop3A_547 : vector<16xf32>
          %parallel_loop3A_549 = arith.index_cast %squeeze3A_494 : i32 to index
          %parallel_loop3A_550 = arith.index_cast %parallel_loop3A_538 : i32 to index
          %parallel_loop3A_551 = tpu.vector_load %arg14[%parallel_loop3A_549, %parallel_loop3A_550] {strides = array<i32>} : memref<88x512xf32, #tpu.memory_space<vmem>>, vector<1x16xf32>,
          %parallel_loop3A_552 = vector.shape_cast %parallel_loop3A_551 : vector<1x16xf32> to vector<16xf32>
          %parallel_loop3A_553 = vector.shape_cast %parallel_loop3A_548 : vector<16xf32> to vector<1x16xf32>
          tpu.vector_store %arg14[%parallel_loop3A_549, %parallel_loop3A_550], %parallel_loop3A_553 {strides = array<i32>} : memref<88x512xf32, #tpu.memory_space<vmem>>, vector<1x16xf32>,
        } {sc.loop_unroll_factor = 8 : i64, sc.parallel_access}
        %slice3A_507 = vector.extract_strided_slice %get3A_307 {offsets = [14], sizes = [1], strides = [1]} : vector<16xi32> to vector<1xi32>
        %squeeze3A_508 = vector.extract %slice3A_507[0] : i32 from vector<1xi32>
        %broadcast_in_dim3A_509 = arith.constant 14 : i32
        %broadcast_in_dim3A_510 = vector.broadcast %broadcast_in_dim3A_509 : i32 to vector<16xi32>
        %broadcast_in_dim3A_511 = vector.shape_cast %broadcast_in_dim3A_510 : vector<16xi32> to vector<16x1xi32>
        %gather3A_512 = vector.shape_cast %broadcast_in_dim3A_511 : vector<16x1xi32> to vector<16xi32>
        %gather3A_513 = tpu.dynamic_gather %get3A_312[%gather3A_512] in [0] : vector<16xf32>, vector<16xi32> -> vector<16xf32>
        %mul3A_514 = arith.constant 16 : i32
        %mul3A_515 = arith.muli %scan3A_301, %mul3A_514 : i32
        %add3A_516 = arith.constant 14 : i32
        %add3A_517 = arith.addi %mul3A_515, %add3A_516 : i32
        %parallel_loop3A_518 = arith.constant 0 : i32
        %parallel_loop3A_519 = arith.constant 32 : i32
        %parallel_loop3A_520 = arith.constant 1 : i32
        scf.for %parallel_loop3A_536 = %parallel_loop3A_518 to %parallel_loop3A_519 step %parallel_loop3A_520  : i32 {
          %parallel_loop3A_537 = arith.constant 16 : i32
          %parallel_loop3A_538 = arith.muli %parallel_loop3A_536, %parallel_loop3A_537 : i32
          %parallel_loop3A_539 = arith.index_cast %squeeze3A_508 : i32 to index
          %parallel_loop3A_540 = arith.index_cast %parallel_loop3A_538 : i32 to index
          %parallel_loop3A_541 = tpu.vector_load %arg14[%parallel_loop3A_539, %parallel_loop3A_540] {strides = array<i32>} : memref<88x512xf32, #tpu.memory_space<vmem>>, vector<1x16xf32>,
          %parallel_loop3A_542 = vector.shape_cast %parallel_loop3A_541 : vector<1x16xf32> to vector<16xf32>
          %parallel_loop3A_543 = arith.index_cast %add3A_517 : i32 to index
          %parallel_loop3A_544 = arith.index_cast %parallel_loop3A_538 : i32 to index
          %parallel_loop3A_545 = tpu.vector_load %arg13[%parallel_loop3A_543, %parallel_loop3A_544] {strides = array<i32>} : memref<128x512xf32, #tpu.memory_space<vmem>>, vector<1x16xf32>,
          %parallel_loop3A_546 = vector.shape_cast %parallel_loop3A_545 : vector<1x16xf32> to vector<16xf32>
          %parallel_loop3A_547 = arith.mulf %parallel_loop3A_546, %gather3A_513 : vector<16xf32>
          %parallel_loop3A_548 = arith.addf %parallel_loop3A_542, %parallel_loop3A_547 : vector<16xf32>
          %parallel_loop3A_549 = arith.index_cast %squeeze3A_508 : i32 to index
          %parallel_loop3A_550 = arith.index_cast %parallel_loop3A_538 : i32 to index
          %parallel_loop3A_551 = tpu.vector_load %arg14[%parallel_loop3A_549, %parallel_loop3A_550] {strides = array<i32>} : memref<88x512xf32, #tpu.memory_space<vmem>>, vector<1x16xf32>,
          %parallel_loop3A_552 = vector.shape_cast %parallel_loop3A_551 : vector<1x16xf32> to vector<16xf32>
          %parallel_loop3A_553 = vector.shape_cast %parallel_loop3A_548 : vector<16xf32> to vector<1x16xf32>
          tpu.vector_store %arg14[%parallel_loop3A_549, %parallel_loop3A_550], %parallel_loop3A_553 {strides = array<i32>} : memref<88x512xf32, #tpu.memory_space<vmem>>, vector<1x16xf32>,
        } {sc.loop_unroll_factor = 8 : i64, sc.parallel_access}
        %slice3A_521 = vector.extract_strided_slice %get3A_307 {offsets = [15], sizes = [1], strides = [1]} : vector<16xi32> to vector<1xi32>
        %squeeze3A_522 = vector.extract %slice3A_521[0] : i32 from vector<1xi32>
        %broadcast_in_dim3A_523 = arith.constant 15 : i32
        %broadcast_in_dim3A_524 = vector.broadcast %broadcast_in_dim3A_523 : i32 to vector<16xi32>
        %broadcast_in_dim3A_525 = vector.shape_cast %broadcast_in_dim3A_524 : vector<16xi32> to vector<16x1xi32>
        %gather3A_526 = vector.shape_cast %broadcast_in_dim3A_525 : vector<16x1xi32> to vector<16xi32>
        %gather3A_527 = tpu.dynamic_gather %get3A_312[%gather3A_526] in [0] : vector<16xf32>, vector<16xi32> -> vector<16xf32>
        %mul3A_528 = arith.constant 16 : i32
        %mul3A_529 = arith.muli %scan3A_301, %mul3A_528 : i32
        %add3A_530 = arith.constant 15 : i32
        %add3A_531 = arith.addi %mul3A_529, %add3A_530 : i32
        %parallel_loop3A_532 = arith.constant 0 : i32
        %parallel_loop3A_533 = arith.constant 32 : i32
        %parallel_loop3A_534 = arith.constant 1 : i32
        scf.for %parallel_loop3A_536 = %parallel_loop3A_532 to %parallel_loop3A_533 step %parallel_loop3A_534  : i32 {
          %parallel_loop3A_537 = arith.constant 16 : i32
          %parallel_loop3A_538 = arith.muli %parallel_loop3A_536, %parallel_loop3A_537 : i32
          %parallel_loop3A_539 = arith.index_cast %squeeze3A_522 : i32 to index
          %parallel_loop3A_540 = arith.index_cast %parallel_loop3A_538 : i32 to index
          %parallel_loop3A_541 = tpu.vector_load %arg14[%parallel_loop3A_539, %parallel_loop3A_540] {strides = array<i32>} : memref<88x512xf32, #tpu.memory_space<vmem>>, vector<1x16xf32>,
          %parallel_loop3A_542 = vector.shape_cast %parallel_loop3A_541 : vector<1x16xf32> to vector<16xf32>
          %parallel_loop3A_543 = arith.index_cast %add3A_531 : i32 to index
          %parallel_loop3A_544 = arith.index_cast %parallel_loop3A_538 : i32 to index
          %parallel_loop3A_545 = tpu.vector_load %arg13[%parallel_loop3A_543, %parallel_loop3A_544] {strides = array<i32>} : memref<128x512xf32, #tpu.memory_space<vmem>>, vector<1x16xf32>,
          %parallel_loop3A_546 = vector.shape_cast %parallel_loop3A_545 : vector<1x16xf32> to vector<16xf32>
          %parallel_loop3A_547 = arith.mulf %parallel_loop3A_546, %gather3A_527 : vector<16xf32>
          %parallel_loop3A_548 = arith.addf %parallel_loop3A_542, %parallel_loop3A_547 : vector<16xf32>
          %parallel_loop3A_549 = arith.index_cast %squeeze3A_522 : i32 to index
          %parallel_loop3A_550 = arith.index_cast %parallel_loop3A_538 : i32 to index
          %parallel_loop3A_551 = tpu.vector_load %arg14[%parallel_loop3A_549, %parallel_loop3A_550] {strides = array<i32>} : memref<88x512xf32, #tpu.memory_space<vmem>>, vector<1x16xf32>,
          %parallel_loop3A_552 = vector.shape_cast %parallel_loop3A_551 : vector<1x16xf32> to vector<16xf32>
          %parallel_loop3A_553 = vector.shape_cast %parallel_loop3A_548 : vector<16xf32> to vector<1x16xf32>
          tpu.vector_store %arg14[%parallel_loop3A_549, %parallel_loop3A_550], %parallel_loop3A_553 {strides = array<i32>} : memref<88x512xf32, #tpu.memory_space<vmem>>, vector<1x16xf32>,
        } {sc.loop_unroll_factor = 8 : i64, sc.parallel_access}
        %scan3A_535 = arith.constant 0 : i32
        scf.yield %scan3A_535 : i32
      }
      %scan3A_299 = arith.constant 8 : i32
      %while3A_300 = arith.constant 0 : i32
      scf.yield %while3A_300 : i32
    }
    "tpu.region"() ({
      %run_scoped3A = tpu.sem_alloc : memref<!tpu.dma_semaphore, #tpu.memory_space<semaphore_mem>>
      %dma_start3A = arith.constant 0 : i32
      %dma_start3A_35 = tpu.memref_slice %arg7[%multiple_of3A, %dma_start3A] : memref<2816x512xf32, #tpu.memory_space<hbm>> -> memref<88x512xf32, #tpu.memory_space<hbm>>
      %dma_start3A_36 = arith.constant 0 : i32
      %dma_start3A_37 = tpu.memref_slice %arg7[%multiple_of3A, %dma_start3A_36] : memref<2816x512xf32, #tpu.memory_space<hbm>> -> memref<88x512xf32, #tpu.memory_space<hbm>>
      tpu.enqueue_dma source(%arg14 : memref<88x512xf32, #tpu.memory_space<vmem>>) target(%dma_start3A_37 : memref<88x512xf32, #tpu.memory_space<hbm>>) target_semaphore(%run_scoped3A : memref<!tpu.dma_semaphore, #tpu.memory_space<semaphore_mem>>)
      %dma_wait3A = arith.constant 0 : i32
      %dma_wait3A_38 = tpu.memref_slice %arg7[%multiple_of3A, %dma_wait3A] : memref<2816x512xf32, #tpu.memory_space<hbm>> -> memref<88x512xf32, #tpu.memory_space<hbm>>
      %dma_wait3A_39 = arith.constant 0 : i32
      %dma_wait3A_40 = tpu.memref_slice %arg7[%multiple_of3A, %dma_wait3A_39] : memref<2816x512xf32, #tpu.memory_space<hbm>> -> memref<88x512xf32, #tpu.memory_space<hbm>>
      tpu.wait_dma2 semaphore(%run_scoped3A : memref<!tpu.dma_semaphore, #tpu.memory_space<semaphore_mem>>) src(%arg14 : memref<88x512xf32, #tpu.memory_space<vmem>>) dst(%dma_wait3A_40 : memref<88x512xf32, #tpu.memory_space<hbm>>)
      tpu.yield
    }) : () -> ()
    return
  }
}

module attributes {stable_mosaic.version = 14 : i64} {
  func.func @_cumsum_body(%arg0: i32, %arg1: memref<5x376x512xf32, #tpu.memory_space<vmem>>, %arg2: memref<5x376x512xf32, #tpu.memory_space<vmem>>) attributes {dimension_semantics = [#tpu.dimension_semantics<arbitrary>], iteration_bounds = array<i64: 7>, scalar_prefetch = 0 : i64, scratch_operands = 0 : i64, tpu.core_type = #tpu.core_type<tc>, window_params = [{transform_indices = @transform_0, window_bounds = array<i64: 5, 376, 512>}, {transform_indices = @transform_1, window_bounds = array<i64: 5, 376, 512>}]} {
    %get3A = arith.constant 0 : index
    %get3A_0 = arith.constant 0 : index
    %get3A_1 = arith.constant 0 : index
    %get3A_2 = vector.load %arg1[%get3A, %get3A_0, %get3A_1] : memref<5x376x512xf32, #tpu.memory_space<vmem>>, vector<1x376x512xf32>
    %get3A_3 = vector.shape_cast %get3A_2 : vector<1x376x512xf32> to vector<376x512xf32>
    %swap3A = arith.constant 0 : index
    %swap3A_4 = arith.constant 0 : index
    %swap3A_5 = arith.constant 0 : index
    %swap3A_6 = vector.load %arg2[%swap3A, %swap3A_4, %swap3A_5] : memref<5x376x512xf32, #tpu.memory_space<vmem>>, vector<1x376x512xf32>
    %swap3A_7 = vector.shape_cast %swap3A_6 : vector<1x376x512xf32> to vector<376x512xf32>
    %swap3A_8 = vector.shape_cast %get3A_3 : vector<376x512xf32> to vector<1x376x512xf32>
    tpu.vector_store %arg2[%swap3A, %swap3A_4, %swap3A_5], %swap3A_8 {strides = array<i32>} : memref<5x376x512xf32, #tpu.memory_space<vmem>>, vector<1x376x512xf32>,
    %get3A_9 = arith.constant 1 : index
    %get3A_10 = arith.constant 0 : index
    %get3A_11 = arith.constant 0 : index
    %get3A_12 = vector.load %arg1[%get3A_9, %get3A_10, %get3A_11] : memref<5x376x512xf32, #tpu.memory_space<vmem>>, vector<1x376x512xf32>
    %get3A_13 = vector.shape_cast %get3A_12 : vector<1x376x512xf32> to vector<376x512xf32>
    %add3A = arith.addf %get3A_3, %get3A_13 : vector<376x512xf32>
    %swap3A_14 = arith.constant 1 : index
    %swap3A_15 = arith.constant 0 : index
    %swap3A_16 = arith.constant 0 : index
    %swap3A_17 = vector.load %arg2[%swap3A_14, %swap3A_15, %swap3A_16] : memref<5x376x512xf32, #tpu.memory_space<vmem>>, vector<1x376x512xf32>
    %swap3A_18 = vector.shape_cast %swap3A_17 : vector<1x376x512xf32> to vector<376x512xf32>
    %swap3A_19 = vector.shape_cast %add3A : vector<376x512xf32> to vector<1x376x512xf32>
    tpu.vector_store %arg2[%swap3A_14, %swap3A_15, %swap3A_16], %swap3A_19 {strides = array<i32>} : memref<5x376x512xf32, #tpu.memory_space<vmem>>, vector<1x376x512xf32>,
    %get3A_20 = arith.constant 2 : index
    %get3A_21 = arith.constant 0 : index
    %get3A_22 = arith.constant 0 : index
    %get3A_23 = vector.load %arg1[%get3A_20, %get3A_21, %get3A_22] : memref<5x376x512xf32, #tpu.memory_space<vmem>>, vector<1x376x512xf32>
    %get3A_24 = vector.shape_cast %get3A_23 : vector<1x376x512xf32> to vector<376x512xf32>
    %add3A_25 = arith.addf %add3A, %get3A_24 : vector<376x512xf32>
    %swap3A_26 = arith.constant 2 : index
    %swap3A_27 = arith.constant 0 : index
    %swap3A_28 = arith.constant 0 : index
    %swap3A_29 = vector.load %arg2[%swap3A_26, %swap3A_27, %swap3A_28] : memref<5x376x512xf32, #tpu.memory_space<vmem>>, vector<1x376x512xf32>
    %swap3A_30 = vector.shape_cast %swap3A_29 : vector<1x376x512xf32> to vector<376x512xf32>
    %swap3A_31 = vector.shape_cast %add3A_25 : vector<376x512xf32> to vector<1x376x512xf32>
    tpu.vector_store %arg2[%swap3A_26, %swap3A_27, %swap3A_28], %swap3A_31 {strides = array<i32>} : memref<5x376x512xf32, #tpu.memory_space<vmem>>, vector<1x376x512xf32>,
    %get3A_32 = arith.constant 3 : index
    %get3A_33 = arith.constant 0 : index
    %get3A_34 = arith.constant 0 : index
    %get3A_35 = vector.load %arg1[%get3A_32, %get3A_33, %get3A_34] : memref<5x376x512xf32, #tpu.memory_space<vmem>>, vector<1x376x512xf32>
    %get3A_36 = vector.shape_cast %get3A_35 : vector<1x376x512xf32> to vector<376x512xf32>
    %add3A_37 = arith.addf %add3A_25, %get3A_36 : vector<376x512xf32>
    %swap3A_38 = arith.constant 3 : index
    %swap3A_39 = arith.constant 0 : index
    %swap3A_40 = arith.constant 0 : index
    %swap3A_41 = vector.load %arg2[%swap3A_38, %swap3A_39, %swap3A_40] : memref<5x376x512xf32, #tpu.memory_space<vmem>>, vector<1x376x512xf32>
    %swap3A_42 = vector.shape_cast %swap3A_41 : vector<1x376x512xf32> to vector<376x512xf32>
    %swap3A_43 = vector.shape_cast %add3A_37 : vector<376x512xf32> to vector<1x376x512xf32>
    tpu.vector_store %arg2[%swap3A_38, %swap3A_39, %swap3A_40], %swap3A_43 {strides = array<i32>} : memref<5x376x512xf32, #tpu.memory_space<vmem>>, vector<1x376x512xf32>,
    %get3A_44 = arith.constant 4 : index
    %get3A_45 = arith.constant 0 : index
    %get3A_46 = arith.constant 0 : index
    %get3A_47 = vector.load %arg1[%get3A_44, %get3A_45, %get3A_46] : memref<5x376x512xf32, #tpu.memory_space<vmem>>, vector<1x376x512xf32>
    %get3A_48 = vector.shape_cast %get3A_47 : vector<1x376x512xf32> to vector<376x512xf32>
    %add3A_49 = arith.addf %add3A_37, %get3A_48 : vector<376x512xf32>
    %swap3A_50 = arith.constant 4 : index
    %swap3A_51 = arith.constant 0 : index
    %swap3A_52 = arith.constant 0 : index
    %swap3A_53 = vector.load %arg2[%swap3A_50, %swap3A_51, %swap3A_52] : memref<5x376x512xf32, #tpu.memory_space<vmem>>, vector<1x376x512xf32>
    %swap3A_54 = vector.shape_cast %swap3A_53 : vector<1x376x512xf32> to vector<376x512xf32>
    %swap3A_55 = vector.shape_cast %add3A_49 : vector<376x512xf32> to vector<1x376x512xf32>
    tpu.vector_store %arg2[%swap3A_50, %swap3A_51, %swap3A_52], %swap3A_55 {strides = array<i32>} : memref<5x376x512xf32, #tpu.memory_space<vmem>>, vector<1x376x512xf32>,
    return
  }
  func.func @transform_0(%arg0: i32) -> (i32, i32, i32) {
    %c0_i32 = arith.constant 0 : i32
    %c0_i32_0 = arith.constant 0 : i32
    %c0_i32_1 = arith.constant 0 : i32
    return %c0_i32, %arg0, %c0_i32_0 : i32, i32, i32
  }
  func.func @transform_1(%arg0: i32) -> (i32, i32, i32) {
    %c0_i32 = arith.constant 0 : i32
    %c0_i32_0 = arith.constant 0 : i32
    %c0_i32_1 = arith.constant 0 : i32
    return %c0_i32, %arg0, %c0_i32_0 : i32, i32, i32
  }
}

module attributes {stable_mosaic.version = 14 : i64} {
  func.func @_dec_body(%arg0: i32, %arg1: memref<5x2xf32, #tpu.memory_space<smem>>, %arg2: memref<2816x512xf32, #tpu.memory_space<vmem>>, %arg3: memref<512x128xf32, #tpu.memory_space<vmem>>, %arg4: memref<2x128x128xf32, #tpu.memory_space<vmem>>, %arg5: memref<1x943x1682xf32, #tpu.memory_space<vmem>>, %arg6: memref<2632x128xf32, #tpu.memory_space<vmem>>) attributes {dimension_semantics = [#tpu.dimension_semantics<arbitrary>], iteration_bounds = array<i64: 5>, scalar_prefetch = 0 : i64, scratch_operands = 1 : i64, tpu.core_type = #tpu.core_type<tc>, window_params = [{transform_indices = @transform_0, window_bounds = array<i64: 5, 2>}, {pipeline_mode = #tpu.pipeline_mode<synchronous>, transform_indices = @transform_1, window_bounds = array<i64: 2816, 512>}, {pipeline_mode = #tpu.pipeline_mode<synchronous>, transform_indices = @transform_2, window_bounds = array<i64: 512, 128>}, {pipeline_mode = #tpu.pipeline_mode<synchronous>, transform_indices = @transform_3, window_bounds = array<i64: 2, 128, 128>}, {transform_indices = @transform_4, window_bounds = array<i64: 1, 943, 1682>}]} {
    %eq3A = arith.constant 0 : i32
    %eq3A_0 = arith.cmpi eq, %arg0, %eq3A : i32
    %convert_element_type3A = arith.extui %eq3A_0 : i1 to i32
    %cond3A = arith.constant 0 : i32
    %cond3A_1 = arith.cmpi ne, %convert_element_type3A, %cond3A : i32
    scf.if %cond3A_1 {
      %get3A_34 = arith.constant 0 : index
      %get3A_35 = arith.constant 0 : index
      %get3A_36 = vector.load %arg2[%get3A_34, %get3A_35] : memref<2816x512xf32, #tpu.memory_space<vmem>>, vector<2632x512xf32>
      %max3A = arith.constant 0.000000e+00 : f32
      %max3A_37 = vector.broadcast %max3A : f32 to vector<2632x512xf32>
      %max3A_38 = arith.maximumf %get3A_36, %max3A_37 : vector<2632x512xf32>
      %get3A_39 = arith.constant 0 : index
      %get3A_40 = arith.constant 0 : index
      %get3A_41 = vector.load %arg3[%get3A_39, %get3A_40] : memref<512x128xf32, #tpu.memory_space<vmem>>, vector<512x128xf32>
      %dot_general3A_42 = arith.constant dense<0.000000e+00> : vector<2632x128xf32>
      %dot_general3A_43 = tpu.matmul %max3A_38, %get3A_41, %dot_general3A_42 {dimension_numbers = #tpu.dot_dimension_numbers<[1], [0], [0], [1], [0, 0, 1, 1], [], []>, precision = #tpu.contract_precision<fp32>, transpose_lhs_hint = false} : vector<2632x512xf32>, vector<512x128xf32>, vector<2632x128xf32> -> vector<2632x128xf32>
      %max3A_44 = arith.constant 0.000000e+00 : f32
      %max3A_45 = vector.broadcast %max3A_44 : f32 to vector<2632x128xf32>
      %max3A_46 = arith.maximumf %dot_general3A_43, %max3A_45 : vector<2632x128xf32>
      %swap3A_47 = arith.constant 0 : index
      %swap3A_48 = arith.constant 0 : index
      %swap3A_49 = vector.load %arg6[%swap3A_47, %swap3A_48] : memref<2632x128xf32, #tpu.memory_space<vmem>>, vector<2632x128xf32>
      tpu.vector_store %arg6[%swap3A_47, %swap3A_48], %max3A_46 {strides = array<i32>} : memref<2632x128xf32, #tpu.memory_space<vmem>>, vector<2632x128xf32>,
    } else {
    }
    %get3A = arith.index_cast %arg0 : i32 to index
    %get3A_2 = arith.constant 0 : index
    %get3A_3 = memref.load %arg1[%get3A, %get3A_2] : memref<5x2xf32, #tpu.memory_space<smem>>
    %get3A_4 = arith.index_cast %arg0 : i32 to index
    %get3A_5 = arith.constant 1 : index
    %get3A_6 = memref.load %arg1[%get3A_4, %get3A_5] : memref<5x2xf32, #tpu.memory_space<smem>>
    %get3A_7 = arith.constant 0 : index
    %get3A_8 = arith.constant 0 : index
    %get3A_9 = arith.constant 0 : index
    %get3A_10 = vector.load %arg4[%get3A_7, %get3A_8, %get3A_9] : memref<2x128x128xf32, #tpu.memory_space<vmem>>, vector<1x128x128xf32>
    %get3A_11 = vector.shape_cast %get3A_10 : vector<1x128x128xf32> to vector<128x128xf32>
    %mul3A = vector.broadcast %get3A_3 : f32 to vector<128x128xf32>
    %mul3A_12 = arith.mulf %mul3A, %get3A_11 : vector<128x128xf32>
    %get3A_13 = arith.constant 1 : index
    %get3A_14 = arith.constant 0 : index
    %get3A_15 = arith.constant 0 : index
    %get3A_16 = vector.load %arg4[%get3A_13, %get3A_14, %get3A_15] : memref<2x128x128xf32, #tpu.memory_space<vmem>>, vector<1x128x128xf32>
    %get3A_17 = vector.shape_cast %get3A_16 : vector<1x128x128xf32> to vector<128x128xf32>
    %mul3A_18 = vector.broadcast %get3A_6 : f32 to vector<128x128xf32>
    %mul3A_19 = arith.mulf %mul3A_18, %get3A_17 : vector<128x128xf32>
    %add3A = arith.addf %mul3A_12, %mul3A_19 : vector<128x128xf32>
    %get3A_20 = arith.constant 0 : index
    %get3A_21 = arith.constant 0 : index
    %get3A_22 = vector.load %arg6[%get3A_20, %get3A_21] : memref<2632x128xf32, #tpu.memory_space<vmem>>, vector<944x128xf32>
    %get3A_23 = arith.constant 944 : index
    %get3A_24 = arith.constant 0 : index
    %get3A_25 = vector.load %arg6[%get3A_23, %get3A_24] : memref<2632x128xf32, #tpu.memory_space<vmem>>, vector<1688x128xf32>
    %dot_general3A = arith.constant dense<0.000000e+00> : vector<944x128xf32>
    %dot_general3A_26 = tpu.matmul %get3A_22, %add3A, %dot_general3A {dimension_numbers = #tpu.dot_dimension_numbers<[1], [0], [0], [1], [0, 0, 1, 1], [], []>, precision = #tpu.contract_precision<fp32>, transpose_lhs_hint = false} : vector<944x128xf32>, vector<128x128xf32>, vector<944x128xf32> -> vector<944x128xf32>
    %dot_general3A_27 = arith.constant dense<0.000000e+00> : vector<944x1688xf32>
    %dot_general3A_28 = tpu.matmul %dot_general3A_26, %get3A_25, %dot_general3A_27 {dimension_numbers = #tpu.dot_dimension_numbers<[1], [1], [0], [0], [0, 0, 1, 0], [], []>, precision = #tpu.contract_precision<fp32>, transpose_lhs_hint = false} : vector<944x128xf32>, vector<1688x128xf32>, vector<944x1688xf32> -> vector<944x1688xf32>
    %slice3A = vector.extract_strided_slice %dot_general3A_28 {offsets = [0, 0], sizes = [943, 1682], strides = [1, 1]} : vector<944x1688xf32> to vector<943x1682xf32>
    %swap3A = arith.constant 0 : index
    %swap3A_29 = arith.constant 0 : index
    %swap3A_30 = arith.constant 0 : index
    %swap3A_31 = vector.load %arg5[%swap3A, %swap3A_29, %swap3A_30] : memref<1x943x1682xf32, #tpu.memory_space<vmem>>, vector<1x943x1682xf32>
    %swap3A_32 = vector.shape_cast %swap3A_31 : vector<1x943x1682xf32> to vector<943x1682xf32>
    %swap3A_33 = vector.shape_cast %slice3A : vector<943x1682xf32> to vector<1x943x1682xf32>
    tpu.vector_store %arg5[%swap3A, %swap3A_29, %swap3A_30], %swap3A_33 {strides = array<i32>} : memref<1x943x1682xf32, #tpu.memory_space<vmem>>, vector<1x943x1682xf32>,
    return
  }
  func.func @transform_0(%arg0: i32) -> (i32, i32) {
    %c0_i32 = arith.constant 0 : i32
    %c0_i32_0 = arith.constant 0 : i32
    %c0_i32_1 = arith.constant 0 : i32
    return %c0_i32, %c0_i32_0 : i32, i32
  }
  func.func @transform_1(%arg0: i32) -> (i32, i32) {
    %c0_i32 = arith.constant 0 : i32
    %c0_i32_0 = arith.constant 0 : i32
    %c0_i32_1 = arith.constant 0 : i32
    return %c0_i32, %c0_i32_0 : i32, i32
  }
  func.func @transform_2(%arg0: i32) -> (i32, i32) {
    %c0_i32 = arith.constant 0 : i32
    %c0_i32_0 = arith.constant 0 : i32
    %c0_i32_1 = arith.constant 0 : i32
    return %c0_i32, %c0_i32_0 : i32, i32
  }
  func.func @transform_3(%arg0: i32) -> (i32, i32, i32) {
    %c0_i32 = arith.constant 0 : i32
    %c0_i32_0 = arith.constant 0 : i32
    %c0_i32_1 = arith.constant 0 : i32
    %c0_i32_2 = arith.constant 0 : i32
    return %c0_i32, %c0_i32_0, %c0_i32_1 : i32, i32, i32
  }
  func.func @transform_4(%arg0: i32) -> (i32, i32, i32) {
    %c0_i32 = arith.constant 0 : i32
    %c0_i32_0 = arith.constant 0 : i32
    %c0_i32_1 = arith.constant 0 : i32
    return %arg0, %c0_i32, %c0_i32_0 : i32, i32, i32
  }
}

</mosaic_0001>

<sc_bundles>
// kernel: gather_offload_async_start.1
scs
__scs_entry_jumppad:
0x0: {  	(pc) =	sbr.rel $0x88, $3  }
0x1: {  	(tag) =	ssettag $0x0;
	lr =	simm.s32 $0x1  }
0x2: {  	[smem:$0x3F99] =	sst lr;
	_ =	strace $0xD0000000  }
0x3: {  	_ = 	snop  }
0x4: {  	_ = 	snop  }
0x5: {  	_ = 	snop  }
0x6: {  	_ = 	snop  }
0x7: {  	_ = 	snop  }
__scs_overlays_trampoline_lowered:
0x8: {  	[smem:$0x3FA8] =	sst s0  }
0x9: {  	[smem:$0x3FA9] =	sst s1  }
0xa: {  	[smem:$0x3FAA] =	sst s2  }
0xb: {  	[smem:$0x3FAB] =	sst s3  }
0xc: {  	[smem:$0x3FAC] =	sst s4  }
0xd: {  	[smem:$0x3FAD] =	sst s5  }
0xe: {  	[smem:$0x3FAE] =	sst s6  }
0xf: {  	[smem:$0x3FAF] =	sst s7  }
0x10: {  	[smem:$0x3FB0] =	sst s8  }
0x11: {  	[smem:$0x3FB1] =	sst s9;
	s0 =	simm.s32 @!p0 $0x0  }
0x12: {  	s1 =	sld [smem:$0x3F97];
	s0 =	simm.s32 @p0 $0x1  }
0x13: {  	[smem:$0x3FB2] =	sst s0;
	s0 =	simm.s32 @!p1 $0x0  }
0x14: {  	s2 =	sld [smem:$0x3F96];
	s0 =	simm.s32 @p1 $0x1  }
0x15: {  	[smem:$0x3FB3] =	sst s0;
	s0 =	simm.s32 @!p2 $0x0  }
0x16: {  	s3 =	sld [smem:$0x3FDB];
	s0 =	simm.s32 @p2 $0x1  }
0x17: {  	s4 =	simm.s32 $0x1BF5;
	[smem:$0x3FB5] =	sst s0  }
0x18: {  	s0 =	sld [smem:$0x3F98];
	_ =	swait.ge [sflag:s4], $0x0  }
0x19: {  	s7 =	sld [smem:$0x3F99]  }
0x1a: {  	s8 =	sadd.s32 $0xFFFFE003, lr  }
0x1b: {  	s9 =	sadd.s32 $0xFFFFFEF7, lr;
	s5 =	simm.s32 $0xFFFFFFFF;
	p2 =	slt.u32 s8, $0xFFFFF086  }
0x1c: {  	p1 =	slt.u32 s9, $0xF7A;
	s5 =	simm.s32 @!p2 $0x0  }
0x1d: {  	s5 =	simm.s32 @p1 $0x1;
	p0 =	seq.s32 s7, s2  }
0x1e: {  	s7 =	smul.u32 @!p0 $0xF7A, s2;
	p2 =	seq.s32 @!p0 s5, $0x0  }
0x1f: {  	s9 =	smul.u32 $0xF7A, s1;
	s8 =	simm.s32 @!p0 $0x1BF5;
	p2 =	por !p2, p0  }
0x20: {  	[sflag:s8] =	ssyncset.s32 @!p0 $0xFFFFF086;
	s6 =	sadd.s32 @!p0 s3, s7;
	s7 =	simm.s32 @!p0 $0x108  }
0x21: {  	s3 =	sadd.s32 s3, s9;
	s6 =	sadd.s32 @!p0 $0x88, s6;
	s7 =	simm.s32 @p2 $0x1082  }
0x22: {  	[simem:s7], [sflag:s8] =	dma.local @!p0 [hbm:s6], $0xF7A  }
0x23: {  	s9 =	sor.u32 $0xD0000000, s2;
	s6 =	simm.s32 $0x108;
	_ =	swait.ge @!p0 [sflag:s8], $0x0  }
0x24: {  	s3 =	sadd.s32 $0x88, s3;
	s6 =	simm.s32 @!p1 $0x1082;
	[sflag:s4] =	ssyncset.s32 $0xFFFFF086  }
0x25: {  	[simem:s6], [sflag:s4] =	dma.local [hbm:s3], $0xF7A  }
0x26: {  	[smem:$0x3F99] =	sst s1;
	(tag) =	ssettag s2;
	_ =	strace s9  }
0x27: {  	s1 =	sld [smem:$0x3FA9]  }
0x28: {  	s2 =	sld [smem:$0x3FAA]  }
0x29: {  	s4 =	sld [smem:$0x3FAC]  }
0x2a: {  	p0 =	seq.s32 s5, $0x0;
	s5 =	sld [smem:$0x3FAD]  }
0x2b: {  	s6 =	sld [smem:$0x3FAE]  }
0x2c: {  	s7 =	sld [smem:$0x3FAF]  }
0x2d: {  	s3 =	simm.s32 $0x108;
	s8 =	sld [smem:$0x3FB0]  }
0x2e: {  	s3 =	simm.s32 @!p0 $0x1082;
	s9 =	sld [smem:$0x3FB1]  }
0x2f: {  	lr =	sadd.s32 s0, s3;
	s0 =	sld [smem:$0x3FA8]  }
0x30: {  	s3 =	sld [smem:$0x3FAB]  }
0x31: {  	[smem:$0x3FB4] =	sst s10  }
0x32: {  	s10 =	sld [smem:$0x3FB2];
	_ =	sdelay $0x3  }
0x33: {  	p0 =	seq.s32 s10, $0x1;
	s10 =	sld [smem:$0x3FB4];
	_ =	sdelay $0x3  }
0x34: {  	[smem:$0x3FB4] =	sst s10  }
0x35: {  	s10 =	sld [smem:$0x3FB3];
	_ =	sdelay $0x3  }
0x36: {  	p1 =	seq.s32 s10, $0x1;
	s10 =	sld [smem:$0x3FB4];
	_ =	sdelay $0x3  }
0x37: {  	[smem:$0x3FB4] =	sst s10  }
0x38: {  	s10 =	sld [smem:$0x3FB5]  }
0x39: {  	_ = 	snop;
	(pc) =	sbr.ind lr, $3  }
0x3a: {  	_ = 	snop  }
0x3b: {  	_ = 	snop  }
0x3c: {  	p2 =	seq.s32 s10, $0x1;
	s10 =	sld [smem:$0x3FB4]  }
0x3d: {  	_ =	shalt  }
0x3e: {  	_ =	shalt  }
0x3f: {  	_ =	shalt  }
0x40: {  	_ =	shalt  }
0x41: {  	_ =	shalt  }
0x42: {  	_ =	shalt  }
0x43: {  	_ =	shalt  }
0x44: {  	_ =	shalt  }
0x45: {  	_ =	shalt  }
0x46: {  	_ =	shalt  }
0x47: {  	_ =	shalt  }
0x48: {  	_ =	shalt  }
0x49: {  	_ =	shalt  }
0x4a: {  	_ =	shalt  }
0x4b: {  	_ =	shalt  }
0x4c: {  	_ =	shalt  }
0x4d: {  	_ =	shalt  }
0x4e: {  	_ =	shalt  }
0x4f: {  	_ =	shalt  }
0x50: {  	_ =	shalt  }
0x51: {  	_ =	shalt  }
0x52: {  	_ =	shalt  }
0x53: {  	_ =	shalt  }
0x54: {  	_ =	shalt  }
0x55: {  	_ =	shalt  }
0x56: {  	_ =	shalt  }
0x57: {  	_ =	shalt  }
0x58: {  	_ =	shalt  }
0x59: {  	_ =	shalt  }
0x5a: {  	_ =	shalt  }
0x5b: {  	_ =	shalt  }
0x5c: {  	_ =	shalt  }
0x5d: {  	_ =	shalt  }
0x5e: {  	_ =	shalt  }
0x5f: {  	_ =	shalt  }
0x60: {  	_ =	shalt  }
0x61: {  	_ =	shalt  }
0x62: {  	_ =	shalt  }
0x63: {  	_ =	shalt  }
0x64: {  	_ =	shalt  }
0x65: {  	_ =	shalt  }
0x66: {  	_ =	shalt  }
0x67: {  	_ =	shalt  }
0x68: {  	_ =	shalt  }
0x69: {  	_ =	shalt  }
0x6a: {  	_ =	shalt  }
0x6b: {  	_ =	shalt  }
0x6c: {  	_ =	shalt  }
0x6d: {  	_ =	shalt  }
0x6e: {  	_ =	shalt  }
0x6f: {  	_ =	shalt  }
0x70: {  	_ =	shalt  }
0x71: {  	_ =	shalt  }
0x72: {  	_ =	shalt  }
0x73: {  	_ =	shalt  }
0x74: {  	_ =	shalt  }
0x75: {  	_ =	shalt  }
0x76: {  	_ =	shalt  }
0x77: {  	_ =	shalt  }
0x78: {  	_ =	shalt  }
0x79: {  	_ =	shalt  }
0x7a: {  	_ =	shalt  }
0x7b: {  	_ =	shalt  }
0x7c: {  	_ =	shalt  }
0x7d: {  	_ =	shalt  }
0x7e: {  	_ =	shalt  }
0x7f: {  	_ =	shalt  }
0x80: {  	_ =	shalt  }
0x81: {  	_ =	shalt  }
0x82: {  	_ =	shalt  }
0x83: {  	_ =	shalt  }
0x84: {  	_ =	shalt  }
0x85: {  	_ =	shalt  }
0x86: {  	_ =	shalt  }
0x87: {  	_ =	shalt  }
.Lfunc_end0:
.L_simem_size_0:
called_computation.1_lowered:
.L_overlay_start_0:
0x88: {  	s2 =	sld [smem:$0x3FD9]  }
0x89: {  	s3 =	sld [smem:$0x3FFE];
	_ =	sdelay $0x1  }
0x8a: {  	s1 =	srdreg.scid  }
0x8b: {  	s0 =	sand.u32 $0x1, s1  }
0x8c: {  	s16 =	sshll.u32 s0, $0xA;
	s2 =	sadd.s32 s3, s2  }
0x8d: {  	s2 =	sadd.s32 s2, s16  }
0x8e: {  	[smem:$0x3FC0] =	sst s2  }
0x8f: {  	_ = 	snop  }
0x90: {  	(tm) =	ssettm $0x1  }
0x91: {  	s17 =	sld [smem:$0x3FFB];
	_ =	sdelay $0x3  }
0x92: {  	_ =	strace s17  }
0x93: {  	s2 =	sld [smem:$0x3FFC];
	_ =	sdelay $0x3  }
0x94: {  	_ =	strace s2  }
0x95: {  	s2 =	sld [smem:$0x3FFD];
	_ =	sdelay $0x3  }
0x96: {  	_ =	strace s2  }
0x97: {  	_ =	strace $0x8FFFFFFF  }
0x98: {  	s18 =	sld [smem:$0x3FDB];
	_ =	sdelay $0x1  }
0x99: {  	s19 =	simm.s32 $_scs_section_size  }
0x9a: {  	s4 =	simm.s32 $_size__tile_overlayer_lowered;
	s5 =	simm.s32 $_tile_overlayer_lowered  }
0x9b: {  	s22 =	simm.s32 $0x1BFF;
	s21 =	sshll.u32 s5, $0x1;
	s2 =	sadd.s32 s19, s18  }
0x9c: {  	s6 =	simm.s32 $0x0;
	s20 =	sshll.u32 s4, $0x1;
	s4 =	sadd.s32 s21, s2  }
0x9d: {  	[timem:s6], [sflag:s22] =	dma.local [hbm:s4], s20  }
0x9e: {  	_ =	swait.ge [sflag:s22], s20  }
0x9f: {  	s3 =	ssub.s32 $0x0, s20;
	[sflag:s22] =	ssyncset.done $0x0  }
0xa0: {  	[sflag:s22] =	ssyncadd.s32 s3;
	_ =	sdelay $0x1  }
0xa1: {  	s23 =	simm.s32 $0x1B8B  }
0xa2: {  	_ =	swait.ge [sflag:s23], $0x1  }
0xa3: {  	[sflag:s23] =	ssyncset.done $0x0  }
0xa4: {  	s25 =	simm.s32 $0x1B8E;
	s24 =	sld [smem:$0x3FFE];
	[sflag:s23] =	ssyncadd.s32 $0xFFFFFFFF  }
0xa5: {  	s26 =	simm.s32 $execute0_lowered;
	[smem:$0x3FD2] =	sst s25  }
0xa6: {  	s4 =	sshll.u32 s26, $0x1;
	_ =	strace $0x80000046;
	[dreg:$0x1] =	wrdreg $0xFFFFFFFF  }
0xa7: {  	s28 =	simm.s32 $_size_execute0_lowered;
	s2 =	sadd.s32 s2, s4;
	[dreg:$0x0] =	wrdreg $0x0  }
0xa8: {  	s4 =	sshll.u32 s28, $0x1;
	[dreg:$0x2] =	wrdreg s2  }
0xa9: {  	[dreg:$0x3] =	wrdreg s4  }
0xaa: {  	[dreg:$0x4] =	wrdreg $0xC0  }
0xab: {  	_ =	task [dreg:s6], $0x5FFFF  }
0xac: {  	[dreg:$0x1] =	wrdreg $0xFFFFFFFF  }
0xad: {  	[dreg:$0x0] =	wrdreg $0x60  }
0xae: {  	[dreg:$0x2] =	wrdreg s24  }
0xaf: {  	[dreg:$0x3] =	wrdreg $0xA  }
0xb0: {  	_ =	task.clear_ibuf [dreg:s6], $0x4FFFF;
	_ =	strace $0x90000046  }
0xb1: {  	s29 =	simm.s32 $0xA;
	_ =	strace $0x80000048  }
0xb2: {  	_ =	swait.ge [sflag:s29], $0x1  }
0xb3: {  	[sflag:s29] =	ssyncadd.s32 $0xFFFFFFFF  }
0xb4: {  	_ =	strace $0x90000048  }
0xb5: {  	_ =	sfence  }
0xb6: {  	s30 =	sld [smem:$0x0];
	_ =	sdelay $0x2  }
0xb7: {  	s31 =	sshll.u32 s1, $0xD;
	s1 =	sshrl.u32 s1, $0x2  }
0xb8: {  	s3 =	sand.u32 $0x4000, s31;
	s1 =	sadd.s32 s1, s30  }
0xb9: {  	s0 =	sor.u32 s3, s0;
	s1 =	sshll.u32 s1, $0x11  }
0xba: {  	s0 =	sor.u32 s1, s0  }
0xbb: {  	s0 =	sadd.s32 $0x8F2B, s0  }
0xbc: {  	[sflag:s0] =	ssyncadd.remote.s32 $0x1  }
0xbd: {  	_ =	sfence.sel $0xFFFF  }
0xbe: {  	[dreg:$0x0] =	wrdreg $0xFFFFFFFF;
	(pc) =	sbr.abs _section_cstart, $3  }
0xbf: {  	[dreg:$0x1] =	wrdreg $0xFFFFFFFF  }
0xc0: {  	_ =	task.clear_ibuf [dreg:s6], $0x2FFFF;
	_ =	strace $0x9FFFFFFF  }
0xc1: {  	(tm) =	ssettm $0x7FFFFFFF  }
tec
execute0_lowered:
.L_overlay_start_1:
0x0: {  	(tag) =	ssettag $0x1  }
0x1: {  	s8 =	rddreg [dreg:$0x0];
	s1 =	stileid.u32  }
0x2: {  	s2 =	srdreg.scid;
	s0 =	rddreg [dreg:$0x1]  }
0x3: {  	_ =	strace $0x80000047;
	s5 =	simm.s32 $0x1;
	s9 =	simm.s32 $0x1  }
0x4: {  	s10 =	simm.s32 $0x3;
	s2 =	sand.u32 $0x1, s2;
	s3 =	sshll.u32 s1, $0x1  }
0x5: {  	s13 =	simm.s32 $0x0;
	s12 =	simm.s32 $0x0;
	s6 =	sor.u32 s3, s2  }
0x6: {  	[sflag:s5] =	ssyncpa.u1 $0x0;
	s2 =	sadd.s32 $0xEE00, s8;
	s4 =	smul.u32 $0x1700, s6  }
0x7: {  	s3 =	sadd.s32 $0xD7600, s8;
	p0 =	slt.u32 s6, $0x3;
	s6 =	simm.s32 $0x2E000  }
.Ltmp0:
0x8: {  	s6 =	simm.s32 @!p0 $0x0;
	s7 =	ssub.s32 $0x30E00, s4;
	(pc) =	sbr.rel .LBB2_1-.Ltmp0, $4  }
0x9: {  	s9 =	simm.s32 @!p0 $0x0;
	p0 =	sne.s32 s7, s6;
	s7 =	simm.s32 $0x1  }
0xa: {  	s8 =	sadd.s32 $0x15000, s8;
	s6 =	simm.s32 $0x2;
	s7 =	simm.s32 @!p0 $0x0  }
0xb: {  	s11 =	smov.u32 s4;
	[sflag:s6] =	ssyncpa.u1 $0x0;
	s7 =	sadd.s32 s9, s7  }
0xc: {  	vm0 =	vmmov $0xffff;
	[sflag:s10] =	ssyncpa.u1 $0x0;
	s10 =	simm.s32 $0x0;
	s9 =	sadd.s32 $0x1, s7  }
.LBB2_4:
0xd: {  	v2 =	vnsel vm1, $0x0, v2  }
0xe: {  	vm1 =	vgt.s32 v0, $0x0;
	v2 =	vmin.u32 v2, $0x30DFF  }
0xf: {  	v0 =	vnsel vm1, $0x0, v0  }
0x10: {  	v0 =	vmin.u32 v0, $0x30DFF  }
0x11: {  	[tilespmem:s18], [sflag:$0x1] =	stream.indirect_vreg.gather [hbm4b:s2+s10], $0x1, v1, vm0, $0x4038;
	[tilespmem:$0x5C00] =	vst v63  }
0x12: {  	(ifvalue) =	ssetifvalue $0x7FFFFFFF  }
0x13: {  	[tilespmem:s15], [sflag:$0x1] =	stream.indirect_vreg.gather [hbm4b:s2+s10], $0x1, v2, vm0, $0x4038;
	[tilespmem:$0x5C00] =	vst v63  }
0x14: {  	s29 =	sadd.s32 $0x10, s15;
	(ifvalue) =	ssetifvalue $0x7FFFFFFF  }
0x15: {  	[tilespmem:s29], [sflag:$0x1] =	stream.indirect_vreg.gather [hbm4b:s2+s10], $0x1, v0, vm0, $0x4038;
	[tilespmem:$0x5C00] =	vst v63  }
0x16: {  	_ =	swait.ge [sflag:s5], $0x1700  }
0x17: {  	s30 =	sshrl.u32 s13, $0x3;
	[sflag:s5] =	ssyncset.done $0x0  }
0x18: {  	s31 =	sand.u32 $0x7, s13;
	s15 =	sadd.s32 s8, s30;
	[sflag:s5] =	ssyncadd.s32 $0xFFFFE900  }
0x19: {  	[hbm4b:s15+s31] =	stream.linear.scatter [tilespmem:s14], [sflag:$0x3], $0x1700, $0x38;
	[tilespmem:$0x5C00] =	vst v63  }
.LBB2_5:
0x1a: {  	s15 =	sadd.s32 $0x2E000, s11  }
0x1b: {  	p1 =	sgt.s32 s15, $0x30DFF  }
0x1c: {  	s15 =	smov.u32 @p1 s4;
	p1 =	sne.s32 s12, s9  }
.Ltmp1:
0x1d: {  	p0 =	slt.u32 s12, $0x2;
	(pc) =	sbr.rel @!p1 .LBB2_6-.Ltmp1, $4  }
0x1e: {  	s14 =	simm.s32 @!p0 $0x3  }
0x1f: {  	_ =	swait.ge @!p0 [sflag:s14], $0x1700  }
0x20: {  	s16 =	sadd.s32 $0x1, s12;
	s13 =	smov.u32 s11;
	[sflag:s14] =	ssyncset.done @!p0 $0x0  }
0x21: {  	s12 =	smov.u32 s16;
	s11 =	smov.u32 s15;
	[sflag:s14] =	ssyncadd.s32 @!p0 $0xFFFFE900  }
.LBB2_1:
0x22: {  	p0 =	sge.u32 s12, s7  }
0x23: {  	s14 =	sxor.u32 @!p0 $0x1, s12  }
0x24: {  	s14 =	smul.u32 @!p0 $0x5C00, s14  }
0x25: {  	s31 =	sadd.s32 $0xFFFFFFFF, s12;
	s15 =	sshrl.u32 @!p0 s11, $0x3  }
0x26: {  	s16 =	sand.u32 @!p0 $0x7, s11;
	s15 =	sadd.s32 @!p0 s3, s15;
	s14 =	sshra.s32 @!p0 s14, $0x2  }
0x27: {  	[tilespmem:s14], [sflag:$0x2] =	stream.linear.gather @!p0 [hbm4b:s15+s16], $0x1700, $0x38;
	[tilespmem:$0x5C00] =	vst v63  }
0x28: {  	p0 =	sge.u32 s31, s7  }
.Ltmp2:
0x29: {  	_ = 	snop;
	(pc) =	sbr.rel @p0 .LBB2_5-.Ltmp2, $1  }
0x2a: {  	_ =	sdelay $0x3  }
0x2b: {  	s14 =	sand.u32 $0x1, s12  }
0x2c: {  	_ =	swait.ge [sflag:s6], $0x1700;
	p0 =	seq.s32 s14, $0x1;
	s14 =	simm.s32 $0x1700  }
0x2d: {  	[sflag:s6] =	ssyncset.done $0x0;
	s14 =	simm.s32 @!p0 $0x0  }
0x2e: {  	[sflag:s6] =	ssyncadd.s32 $0xFFFFE900;
	(ifvalue) =	ssetifvalue $0x7FFFFFFF;
	v0 =	vld.msk [tilespmem:s14+$0x0 ss:$0x1], $0xffff;
	_ =	sdelay $0x4  }
0x2f: {  	s15 =	sadd.s32 $0x10, s14;
	vm1 =	vgt.s32 v0, $0x0  }
0x30: {  	v2 =	vld.msk [tilespmem:s15+$0x0 ss:$0x1], $0xffff;
	v1 =	vnsel vm1, $0x0, v0  }
0x31: {  	v1 =	vmin.u32 v1, $0x30DFF;
	_ =	sdelay $0x2  }
0x32: {  	s17 =	simm.s32 $0x20;
	s14 =	sadd.s32 $0x2E00, s14;
	s16 =	sadd.s32 $0x10, s15  }
0x33: {  	s15 =	sadd.s32 $0x10, s14;
	s18 =	smov.u32 s14;
	v0 =	vld.msk [tilespmem:s16+$0x0 ss:$0x1], $0xffff;
	vm1 =	vgt.s32 v2, $0x0;
	(ifvalue) =	ssetifvalue $0x7FFFFFFF  }
.LBB2_3:
0x34: {  	[tilespmem:s18], [sflag:$0x1] =	stream.indirect_vreg.gather [hbm4b:s2+s10], $0x1, v1, vm0, $0x4038;
	[tilespmem:$0x5C00] =	vst v63  }
0x35: {  	s17 =	sadd.s32 $0x10, s17  }
0x36: {  	v2 =	vnsel vm1, $0x0, v2;
	p0 =	slt.u32 s17, $0x16F0  }
.Ltmp3:
0x37: {  	s18 =	smov.u32 s15;
	v1 =	vmin.u32 v2, $0x30DFF;
	(pc) =	sbr.rel @p0 .LBB2_3-.Ltmp3, $3  }
0x38: {  	_ =	sdelay $0x1  }
0x39: {  	s16 =	sadd.s32 $0x10, s16  }
0x3a: {  	vm1 =	vgt.s32 v0, $0x0;
	s15 =	sadd.s32 $0x10, s15;
	v2 =	vmov v0;
	(ifvalue) =	ssetifvalue $0x7FFFFFFF;
	v0 =	vld.msk [tilespmem:s16+$0x0 ss:$0x1], $0xffff  }
.Ltmp4:
0x3b: {  	_ = 	snop;
	(pc) =	sbr.rel .LBB2_4-.Ltmp4, $1  }
0x3c: {  	_ =	sdelay $0x3  }
.LBB2_6:
0x3d: {  	_ =	sfence.sel $0x180000  }
0x3e: {  	s2 =	simm.s32 $0x2;
	[bflag:$0x0] =	sbarrier.arrive $0xFFFF  }
0x3f: {  	s30 =	simm.s32 $0x3;
	[sflag:s2] =	ssyncpa.u1 $0x1  }
0x40: {  	s31 =	simm.s32 $0x1;
	[sflag:s30] =	ssyncpa.u1 $0x1  }
0x41: {  	[sflag:s31] =	ssyncpa.u1 $0x1  }
0x42: {  	p0 =	sne.s32 s1, $0x0;
	_ =	strace $0x90000047  }
0x43: {  	s0 =	sadd.s32 @!p0 $0x100000, s0;
	[bflag:$0x2] =	sbarrier.arrive $0xFFFF  }
0x44: {  	[sflag:s0] =	ssyncadd.tile.s32 @!p0 $0x1;
	_ =	shalt  }
.Lfunc_end2:
_tile_overlayer_lowered:
.L_overlay_start_2:
0x45: {  	(tag) =	ssettag $0x2  }
0x46: {  	s0 =	rddreg [dreg:$0x0];
	s2 =	stileid.u32  }
0x47: {  	s1 =	rddreg [dreg:$0x1];
	p0 =	sne.s32 s2, $0x0  }
0x48: {  	s3 =	rddreg [dreg:$0x2];
	[bflag:$0x3] =	sbarrier.arrive $0xFFFF;
	s2 =	simm.s32 @!p0 $0x1C01  }
0x49: {  	[timem:s3], [sflag:s2] =	dma.local @!p0 [hbm:s0], s1  }
0x4a: {  	s0 =	simm.s32 @!p0 $0x1  }
0x4b: {  	_ =	swait.ge @!p0 [sflag:s0], s1  }
0x4c: {  	s1 =	ssub.s32 @!p0 $0x0, s1;
	[sflag:s0] =	ssyncset.done @!p0 $0x0  }
0x4d: {  	[sflag:s0] =	ssyncadd.s32 @!p0 s1  }
0x4e: {  	[bflag:$0x3] =	sbarrier.arrive $0xFFFF  }
0x4f: {  	_ =	shalt  }

// kernel: gather_offload_async_start
scs
__scs_entry_jumppad:
0x0: {  	(pc) =	sbr.rel $0x88, $3  }
0x1: {  	(tag) =	ssettag $0x0;
	lr =	simm.s32 $0x1  }
0x2: {  	[smem:$0x3F99] =	sst lr;
	_ =	strace $0xD0000000  }
0x3: {  	_ = 	snop  }
0x4: {  	_ = 	snop  }
0x5: {  	_ = 	snop  }
0x6: {  	_ = 	snop  }
0x7: {  	_ = 	snop  }
__scs_overlays_trampoline_lowered:
0x8: {  	[smem:$0x3FA8] =	sst s0  }
0x9: {  	[smem:$0x3FA9] =	sst s1  }
0xa: {  	[smem:$0x3FAA] =	sst s2  }
0xb: {  	[smem:$0x3FAB] =	sst s3  }
0xc: {  	[smem:$0x3FAC] =	sst s4  }
0xd: {  	[smem:$0x3FAD] =	sst s5  }
0xe: {  	[smem:$0x3FAE] =	sst s6  }
0xf: {  	[smem:$0x3FAF] =	sst s7  }
0x10: {  	[smem:$0x3FB0] =	sst s8  }
0x11: {  	[smem:$0x3FB1] =	sst s9;
	s0 =	simm.s32 @!p0 $0x0  }
0x12: {  	s1 =	sld [smem:$0x3F97];
	s0 =	simm.s32 @p0 $0x1  }
0x13: {  	[smem:$0x3FB2] =	sst s0;
	s0 =	simm.s32 @!p1 $0x0  }
0x14: {  	s2 =	sld [smem:$0x3F96];
	s0 =	simm.s32 @p1 $0x1  }
0x15: {  	[smem:$0x3FB3] =	sst s0;
	s0 =	simm.s32 @!p2 $0x0  }
0x16: {  	s3 =	sld [smem:$0x3FDB];
	s0 =	simm.s32 @p2 $0x1  }
0x17: {  	s4 =	simm.s32 $0x1BF5;
	[smem:$0x3FB5] =	sst s0  }
0x18: {  	s0 =	sld [smem:$0x3F98];
	_ =	swait.ge [sflag:s4], $0x0  }
0x19: {  	s7 =	sld [smem:$0x3F99]  }
0x1a: {  	s8 =	sadd.s32 $0xFFFFE003, lr  }
0x1b: {  	s9 =	sadd.s32 $0xFFFFFEF7, lr;
	s5 =	simm.s32 $0xFFFFFFFF;
	p2 =	slt.u32 s8, $0xFFFFF086  }
0x1c: {  	p1 =	slt.u32 s9, $0xF7A;
	s5 =	simm.s32 @!p2 $0x0  }
0x1d: {  	s5 =	simm.s32 @p1 $0x1;
	p0 =	seq.s32 s7, s2  }
0x1e: {  	s7 =	smul.u32 @!p0 $0xF7A, s2;
	p2 =	seq.s32 @!p0 s5, $0x0  }
0x1f: {  	s9 =	smul.u32 $0xF7A, s1;
	s8 =	simm.s32 @!p0 $0x1BF5;
	p2 =	por !p2, p0  }
0x20: {  	[sflag:s8] =	ssyncset.s32 @!p0 $0xFFFFF086;
	s6 =	sadd.s32 @!p0 s3, s7;
	s7 =	simm.s32 @!p0 $0x108  }
0x21: {  	s3 =	sadd.s32 s3, s9;
	s6 =	sadd.s32 @!p0 $0x88, s6;
	s7 =	simm.s32 @p2 $0x1082  }
0x22: {  	[simem:s7], [sflag:s8] =	dma.local @!p0 [hbm:s6], $0xF7A  }
0x23: {  	s9 =	sor.u32 $0xD0000000, s2;
	s6 =	simm.s32 $0x108;
	_ =	swait.ge @!p0 [sflag:s8], $0x0  }
0x24: {  	s3 =	sadd.s32 $0x88, s3;
	s6 =	simm.s32 @!p1 $0x1082;
	[sflag:s4] =	ssyncset.s32 $0xFFFFF086  }
0x25: {  	[simem:s6], [sflag:s4] =	dma.local [hbm:s3], $0xF7A  }
0x26: {  	[smem:$0x3F99] =	sst s1;
	(tag) =	ssettag s2;
	_ =	strace s9  }
0x27: {  	s1 =	sld [smem:$0x3FA9]  }
0x28: {  	s2 =	sld [smem:$0x3FAA]  }
0x29: {  	s4 =	sld [smem:$0x3FAC]  }
0x2a: {  	p0 =	seq.s32 s5, $0x0;
	s5 =	sld [smem:$0x3FAD]  }
0x2b: {  	s6 =	sld [smem:$0x3FAE]  }
0x2c: {  	s7 =	sld [smem:$0x3FAF]  }
0x2d: {  	s3 =	simm.s32 $0x108;
	s8 =	sld [smem:$0x3FB0]  }
0x2e: {  	s3 =	simm.s32 @!p0 $0x1082;
	s9 =	sld [smem:$0x3FB1]  }
0x2f: {  	lr =	sadd.s32 s0, s3;
	s0 =	sld [smem:$0x3FA8]  }
0x30: {  	s3 =	sld [smem:$0x3FAB]  }
0x31: {  	[smem:$0x3FB4] =	sst s10  }
0x32: {  	s10 =	sld [smem:$0x3FB2];
	_ =	sdelay $0x3  }
0x33: {  	p0 =	seq.s32 s10, $0x1;
	s10 =	sld [smem:$0x3FB4];
	_ =	sdelay $0x3  }
0x34: {  	[smem:$0x3FB4] =	sst s10  }
0x35: {  	s10 =	sld [smem:$0x3FB3];
	_ =	sdelay $0x3  }
0x36: {  	p1 =	seq.s32 s10, $0x1;
	s10 =	sld [smem:$0x3FB4];
	_ =	sdelay $0x3  }
0x37: {  	[smem:$0x3FB4] =	sst s10  }
0x38: {  	s10 =	sld [smem:$0x3FB5]  }
0x39: {  	_ = 	snop;
	(pc) =	sbr.ind lr, $3  }
0x3a: {  	_ = 	snop  }
0x3b: {  	_ = 	snop  }
0x3c: {  	p2 =	seq.s32 s10, $0x1;
	s10 =	sld [smem:$0x3FB4]  }
0x3d: {  	_ =	shalt  }
0x3e: {  	_ =	shalt  }
0x3f: {  	_ =	shalt  }
0x40: {  	_ =	shalt  }
0x41: {  	_ =	shalt  }
0x42: {  	_ =	shalt  }
0x43: {  	_ =	shalt  }
0x44: {  	_ =	shalt  }
0x45: {  	_ =	shalt  }
0x46: {  	_ =	shalt  }
0x47: {  	_ =	shalt  }
0x48: {  	_ =	shalt  }
0x49: {  	_ =	shalt  }
0x4a: {  	_ =	shalt  }
0x4b: {  	_ =	shalt  }
0x4c: {  	_ =	shalt  }
0x4d: {  	_ =	shalt  }
0x4e: {  	_ =	shalt  }
0x4f: {  	_ =	shalt  }
0x50: {  	_ =	shalt  }
0x51: {  	_ =	shalt  }
0x52: {  	_ =	shalt  }
0x53: {  	_ =	shalt  }
0x54: {  	_ =	shalt  }
0x55: {  	_ =	shalt  }
0x56: {  	_ =	shalt  }
0x57: {  	_ =	shalt  }
0x58: {  	_ =	shalt  }
0x59: {  	_ =	shalt  }
0x5a: {  	_ =	shalt  }
0x5b: {  	_ =	shalt  }
0x5c: {  	_ =	shalt  }
0x5d: {  	_ =	shalt  }
0x5e: {  	_ =	shalt  }
0x5f: {  	_ =	shalt  }
0x60: {  	_ =	shalt  }
0x61: {  	_ =	shalt  }
0x62: {  	_ =	shalt  }
0x63: {  	_ =	shalt  }
0x64: {  	_ =	shalt  }
0x65: {  	_ =	shalt  }
0x66: {  	_ =	shalt  }
0x67: {  	_ =	shalt  }
0x68: {  	_ =	shalt  }
0x69: {  	_ =	shalt  }
0x6a: {  	_ =	shalt  }
0x6b: {  	_ =	shalt  }
0x6c: {  	_ =	shalt  }
0x6d: {  	_ =	shalt  }
0x6e: {  	_ =	shalt  }
0x6f: {  	_ =	shalt  }
0x70: {  	_ =	shalt  }
0x71: {  	_ =	shalt  }
0x72: {  	_ =	shalt  }
0x73: {  	_ =	shalt  }
0x74: {  	_ =	shalt  }
0x75: {  	_ =	shalt  }
0x76: {  	_ =	shalt  }
0x77: {  	_ =	shalt  }
0x78: {  	_ =	shalt  }
0x79: {  	_ =	shalt  }
0x7a: {  	_ =	shalt  }
0x7b: {  	_ =	shalt  }
0x7c: {  	_ =	shalt  }
0x7d: {  	_ =	shalt  }
0x7e: {  	_ =	shalt  }
0x7f: {  	_ =	shalt  }
0x80: {  	_ =	shalt  }
0x81: {  	_ =	shalt  }
0x82: {  	_ =	shalt  }
0x83: {  	_ =	shalt  }
0x84: {  	_ =	shalt  }
0x85: {  	_ =	shalt  }
0x86: {  	_ =	shalt  }
0x87: {  	_ =	shalt  }
.Lfunc_end0:
.L_simem_size_0:
called_computation_lowered:
.L_overlay_start_0:
0x88: {  	s2 =	sld [smem:$0x3FD9]  }
0x89: {  	s3 =	sld [smem:$0x3FFE];
	_ =	sdelay $0x1  }
0x8a: {  	s1 =	srdreg.scid  }
0x8b: {  	s0 =	sand.u32 $0x1, s1  }
0x8c: {  	s17 =	sshll.u32 s0, $0xA;
	s2 =	sadd.s32 s3, s2  }
0x8d: {  	s2 =	sadd.s32 s2, s17  }
0x8e: {  	[smem:$0x3FC0] =	sst s2  }
0x8f: {  	_ = 	snop  }
0x90: {  	(tm) =	ssettm $0x1  }
0x91: {  	s18 =	sld [smem:$0x3FFB];
	_ =	sdelay $0x3  }
0x92: {  	_ =	strace s18  }
0x93: {  	s2 =	sld [smem:$0x3FFC];
	_ =	sdelay $0x3  }
0x94: {  	_ =	strace s2  }
0x95: {  	s2 =	sld [smem:$0x3FFD];
	_ =	sdelay $0x3  }
0x96: {  	_ =	strace s2  }
0x97: {  	_ =	strace $0x8FFFFFFF  }
0x98: {  	s19 =	sld [smem:$0x3FDB];
	_ =	sdelay $0x1  }
0x99: {  	s20 =	simm.s32 $_scs_section_size  }
0x9a: {  	s4 =	simm.s32 $_size__tile_overlayer_lowered;
	s5 =	simm.s32 $_tile_overlayer_lowered  }
0x9b: {  	s6 =	simm.s32 $0x1BFF;
	s21 =	sshll.u32 s5, $0x1;
	s3 =	sadd.s32 s20, s19  }
0x9c: {  	s22 =	simm.s32 $0x0;
	s4 =	sshll.u32 s4, $0x1;
	s5 =	sadd.s32 s21, s3  }
0x9d: {  	[timem:s22], [sflag:s6] =	dma.local [hbm:s5], s4  }
0x9e: {  	_ =	swait.ge [sflag:s6], s4  }
0x9f: {  	s4 =	ssub.s32 $0x0, s4;
	[sflag:s6] =	ssyncset.done $0x0  }
0xa0: {  	[sflag:s6] =	ssyncadd.s32 s4;
	_ =	sdelay $0x1  }
0xa1: {  	s23 =	simm.s32 $0x1B8B  }
0xa2: {  	_ =	swait.ge [sflag:s23], $0x1  }
0xa3: {  	[sflag:s23] =	ssyncset.done $0x0  }
0xa4: {  	[sflag:s23] =	ssyncadd.s32 $0xFFFFFFFF  }
0xa5: {  	s4 =	sld [smem:$0x0]  }
0xa6: {  	s5 =	sand.u32 $0xFFFFFFFE, s1  }
0xa7: {  	p0 =	sne.s32 s1, s5  }
0xa8: {  	s5 =	sshll.u32 @p0 s5, $0xE  }
0xa9: {  	s5 =	sadd.s32 @p0 $0x11B8D, s5;
	s6 =	sshll.u32 @p0 s4, $0x11  }
0xaa: {  	s5 =	sor.u32 @p0 s6, s5  }
0xab: {  	[sflag:s5] =	ssyncadd.remote.s32 @p0 $0x1;
	_ =	sdelay $0x1  }
0xac: {  	s5 =	simm.s32 @p0 $0x1B8D  }
0xad: {  	_ =	swait.eq @p0 [sflag:s5], $0x1  }
0xae: {  	[sflag:s5] =	ssyncadd.s32 @p0 $0xFFFFFFFF  }
0xaf: {  	s6 =	sshll.u32 @!p0 s1, $0xE  }
0xb0: {  	s6 =	sor.u32 @!p0 $0x4000, s6;
	s5 =	simm.s32 @!p0 $0x1B8D  }
0xb1: {  	s4 =	sshll.u32 @!p0 s4, $0x11;
	s6 =	sadd.s32 @!p0 $0x11B8D, s6;
	_ =	swait.eq @!p0 [sflag:s5], $0x1  }
0xb2: {  	s4 =	sor.u32 @!p0 s4, s6;
	[sflag:s5] =	ssyncadd.s32 @!p0 $0xFFFFFFFF  }
0xb3: {  	s25 =	simm.s32 $0x1B8E;
	s24 =	sld [smem:$0x3FFE];
	[sflag:s4] =	ssyncadd.remote.s32 @!p0 $0x1  }
0xb4: {  	s26 =	simm.s32 $execute0_lowered;
	[smem:$0x3FD2] =	sst s25  }
0xb5: {  	s5 =	sshll.u32 s26, $0x1;
	_ =	strace $0x80000049;
	[dreg:$0x1] =	wrdreg $0xFFFFFFFF  }
0xb6: {  	s28 =	simm.s32 $_size_execute0_lowered;
	s3 =	sadd.s32 s3, s5;
	[dreg:$0x0] =	wrdreg $0x0  }
0xb7: {  	s5 =	sshll.u32 s28, $0x1;
	[dreg:$0x2] =	wrdreg s3  }
0xb8: {  	[dreg:$0x3] =	wrdreg s5  }
0xb9: {  	[dreg:$0x4] =	wrdreg $0xC0  }
0xba: {  	_ =	task [dreg:s22], $0x5FFFF  }
0xbb: {  	[dreg:$0x1] =	wrdreg $0xFFFFFFFF  }
0xbc: {  	[dreg:$0x0] =	wrdreg $0x60  }
0xbd: {  	[dreg:$0x2] =	wrdreg s24  }
0xbe: {  	[dreg:$0x3] =	wrdreg $0x9  }
0xbf: {  	_ =	task.clear_ibuf [dreg:s22], $0x4FFFF;
	_ =	strace $0x90000049  }
0xc0: {  	s29 =	simm.s32 $0x9;
	_ =	strace $0x8000004B  }
0xc1: {  	_ =	swait.ge [sflag:s29], $0x1  }
0xc2: {  	[sflag:s29] =	ssyncadd.s32 $0xFFFFFFFF  }
0xc3: {  	_ =	strace $0x9000004B  }
0xc4: {  	_ =	sfence  }
0xc5: {  	s30 =	sld [smem:$0x0];
	_ =	sdelay $0x2  }
0xc6: {  	s31 =	sshll.u32 s1, $0xD;
	s1 =	sshrl.u32 s1, $0x2  }
0xc7: {  	s4 =	sand.u32 $0x4000, s31;
	s1 =	sadd.s32 s1, s30  }
0xc8: {  	s0 =	sor.u32 s4, s0;
	s1 =	sshll.u32 s1, $0x11  }
0xc9: {  	s0 =	sor.u32 s1, s0  }
0xca: {  	s0 =	sadd.s32 $0x8F2B, s0  }
0xcb: {  	[sflag:s0] =	ssyncadd.remote.s32 $0x1  }
0xcc: {  	_ =	sfence.sel $0xFFFF  }
0xcd: {  	[dreg:$0x0] =	wrdreg $0xFFFFFFFF;
	(pc) =	sbr.abs _section_cstart, $3  }
0xce: {  	[dreg:$0x1] =	wrdreg $0xFFFFFFFF  }
0xcf: {  	_ =	task.clear_ibuf [dreg:s22], $0x2FFFF;
	_ =	strace $0x9FFFFFFF  }
0xd0: {  	(tm) =	ssettm $0x7FFFFFFF  }
0xd1: {  	_ =	shalt  }
tec
execute0_lowered:
.L_overlay_start_1:
0x0: {  	(tag) =	ssettag $0x1  }
0x1: {  	s8 =	rddreg [dreg:$0x0];
	s1 =	stileid.u32  }
0x2: {  	s2 =	srdreg.scid;
	s0 =	rddreg [dreg:$0x1]  }
0x3: {  	_ =	strace $0x8000004A;
	s5 =	simm.s32 $0x1;
	s9 =	simm.s32 $0x1  }
0x4: {  	s10 =	simm.s32 $0x3;
	s2 =	sand.u32 $0x1, s2;
	s3 =	sshll.u32 s1, $0x1  }
0x5: {  	s13 =	simm.s32 $0x0;
	s12 =	simm.s32 $0x0;
	s6 =	sor.u32 s3, s2  }
0x6: {  	[sflag:s5] =	ssyncpa.u1 $0x0;
	s2 =	sadd.s32 $0x2A00, s8;
	s4 =	smul.u32 $0x1700, s6  }
0x7: {  	s3 =	sadd.s32 $0xD7600, s8;
	p0 =	slt.u32 s6, $0x3;
	s6 =	simm.s32 $0x2E000  }
.Ltmp0:
0x8: {  	s6 =	simm.s32 @!p0 $0x0;
	s7 =	ssub.s32 $0x30E00, s4;
	(pc) =	sbr.rel .LBB2_1-.Ltmp0, $4  }
0x9: {  	s9 =	simm.s32 @!p0 $0x0;
	p0 =	sne.s32 s7, s6;
	s7 =	simm.s32 $0x1  }
0xa: {  	s8 =	sadd.s32 $0x1B200, s8;
	s6 =	simm.s32 $0x2;
	s7 =	simm.s32 @!p0 $0x0  }
0xb: {  	s11 =	smov.u32 s4;
	[sflag:s6] =	ssyncpa.u1 $0x0;
	s7 =	sadd.s32 s9, s7  }
0xc: {  	vm0 =	vmmov $0xffff;
	[sflag:s10] =	ssyncpa.u1 $0x0;
	s10 =	simm.s32 $0x0;
	s9 =	sadd.s32 $0x1, s7  }
.LBB2_4:
0xd: {  	v2 =	vnsel vm1, $0x0, v2  }
0xe: {  	vm1 =	vgt.s32 v0, $0x0;
	v2 =	vmin.u32 v2, $0x30DFF  }
0xf: {  	v0 =	vnsel vm1, $0x0, v0  }
0x10: {  	v0 =	vmin.u32 v0, $0x30DFF  }
0x11: {  	[tilespmem:s18], [sflag:$0x1] =	stream.indirect_vreg.gather [hbm4b:s2+s10], $0x1, v1, vm0, $0x4038;
	[tilespmem:$0x5C00] =	vst v63  }
0x12: {  	(ifvalue) =	ssetifvalue $0x7FFFFFFF  }
0x13: {  	[tilespmem:s15], [sflag:$0x1] =	stream.indirect_vreg.gather [hbm4b:s2+s10], $0x1, v2, vm0, $0x4038;
	[tilespmem:$0x5C00] =	vst v63  }
0x14: {  	s29 =	sadd.s32 $0x10, s15;
	(ifvalue) =	ssetifvalue $0x7FFFFFFF  }
0x15: {  	[tilespmem:s29], [sflag:$0x1] =	stream.indirect_vreg.gather [hbm4b:s2+s10], $0x1, v0, vm0, $0x4038;
	[tilespmem:$0x5C00] =	vst v63  }
0x16: {  	_ =	swait.ge [sflag:s5], $0x1700  }
0x17: {  	s30 =	sshrl.u32 s13, $0x3;
	[sflag:s5] =	ssyncset.done $0x0  }
0x18: {  	s31 =	sand.u32 $0x7, s13;
	s15 =	sadd.s32 s8, s30;
	[sflag:s5] =	ssyncadd.s32 $0xFFFFE900  }
0x19: {  	[hbm4b:s15+s31] =	stream.linear.scatter [tilespmem:s14], [sflag:$0x3], $0x1700, $0x38;
	[tilespmem:$0x5C00] =	vst v63  }
.LBB2_5:
0x1a: {  	s15 =	sadd.s32 $0x2E000, s11  }
0x1b: {  	p1 =	sgt.s32 s15, $0x30DFF  }
0x1c: {  	s15 =	smov.u32 @p1 s4;
	p1 =	sne.s32 s12, s9  }
.Ltmp1:
0x1d: {  	p0 =	slt.u32 s12, $0x2;
	(pc) =	sbr.rel @!p1 .LBB2_6-.Ltmp1, $4  }
0x1e: {  	s14 =	simm.s32 @!p0 $0x3  }
0x1f: {  	_ =	swait.ge @!p0 [sflag:s14], $0x1700  }
0x20: {  	s16 =	sadd.s32 $0x1, s12;
	s13 =	smov.u32 s11;
	[sflag:s14] =	ssyncset.done @!p0 $0x0  }
0x21: {  	s12 =	smov.u32 s16;
	s11 =	smov.u32 s15;
	[sflag:s14] =	ssyncadd.s32 @!p0 $0xFFFFE900  }
.LBB2_1:
0x22: {  	p0 =	sge.u32 s12, s7  }
0x23: {  	s14 =	sxor.u32 @!p0 $0x1, s12  }
0x24: {  	s14 =	smul.u32 @!p0 $0x5C00, s14  }
0x25: {  	s31 =	sadd.s32 $0xFFFFFFFF, s12;
	s15 =	sshrl.u32 @!p0 s11, $0x3  }
0x26: {  	s16 =	sand.u32 @!p0 $0x7, s11;
	s15 =	sadd.s32 @!p0 s3, s15;
	s14 =	sshra.s32 @!p0 s14, $0x2  }
0x27: {  	[tilespmem:s14], [sflag:$0x2] =	stream.linear.gather @!p0 [hbm4b:s15+s16], $0x1700, $0x38;
	[tilespmem:$0x5C00] =	vst v63  }
0x28: {  	p0 =	sge.u32 s31, s7  }
.Ltmp2:
0x29: {  	_ = 	snop;
	(pc) =	sbr.rel @p0 .LBB2_5-.Ltmp2, $1  }
0x2a: {  	_ =	sdelay $0x3  }
0x2b: {  	s14 =	sand.u32 $0x1, s12  }
0x2c: {  	_ =	swait.ge [sflag:s6], $0x1700;
	p0 =	seq.s32 s14, $0x1;
	s14 =	simm.s32 $0x1700  }
0x2d: {  	[sflag:s6] =	ssyncset.done $0x0;
	s14 =	simm.s32 @!p0 $0x0  }
0x2e: {  	[sflag:s6] =	ssyncadd.s32 $0xFFFFE900;
	(ifvalue) =	ssetifvalue $0x7FFFFFFF;
	v0 =	vld.msk [tilespmem:s14+$0x0 ss:$0x1], $0xffff;
	_ =	sdelay $0x4  }
0x2f: {  	s15 =	sadd.s32 $0x10, s14;
	vm1 =	vgt.s32 v0, $0x0  }
0x30: {  	v2 =	vld.msk [tilespmem:s15+$0x0 ss:$0x1], $0xffff;
	v1 =	vnsel vm1, $0x0, v0  }
0x31: {  	v1 =	vmin.u32 v1, $0x30DFF;
	_ =	sdelay $0x2  }
0x32: {  	s17 =	simm.s32 $0x20;
	s14 =	sadd.s32 $0x2E00, s14;
	s16 =	sadd.s32 $0x10, s15  }
0x33: {  	s15 =	sadd.s32 $0x10, s14;
	s18 =	smov.u32 s14;
	v0 =	vld.msk [tilespmem:s16+$0x0 ss:$0x1], $0xffff;
	vm1 =	vgt.s32 v2, $0x0;
	(ifvalue) =	ssetifvalue $0x7FFFFFFF  }
.LBB2_3:
0x34: {  	[tilespmem:s18], [sflag:$0x1] =	stream.indirect_vreg.gather [hbm4b:s2+s10], $0x1, v1, vm0, $0x4038;
	[tilespmem:$0x5C00] =	vst v63  }
0x35: {  	s17 =	sadd.s32 $0x10, s17  }
0x36: {  	v2 =	vnsel vm1, $0x0, v2;
	p0 =	slt.u32 s17, $0x16F0  }
.Ltmp3:
0x37: {  	s18 =	smov.u32 s15;
	v1 =	vmin.u32 v2, $0x30DFF;
	(pc) =	sbr.rel @p0 .LBB2_3-.Ltmp3, $3  }
0x38: {  	_ =	sdelay $0x1  }
0x39: {  	s16 =	sadd.s32 $0x10, s16  }
0x3a: {  	vm1 =	vgt.s32 v0, $0x0;
	s15 =	sadd.s32 $0x10, s15;
	v2 =	vmov v0;
	(ifvalue) =	ssetifvalue $0x7FFFFFFF;
	v0 =	vld.msk [tilespmem:s16+$0x0 ss:$0x1], $0xffff  }
.Ltmp4:
0x3b: {  	_ = 	snop;
	(pc) =	sbr.rel .LBB2_4-.Ltmp4, $1  }
0x3c: {  	_ =	sdelay $0x3  }
.LBB2_6:
0x3d: {  	_ =	sfence.sel $0x180000  }
0x3e: {  	s2 =	simm.s32 $0x2;
	[bflag:$0x0] =	sbarrier.arrive $0xFFFF  }
0x3f: {  	s30 =	simm.s32 $0x3;
	[sflag:s2] =	ssyncpa.u1 $0x1  }
0x40: {  	s31 =	simm.s32 $0x1;
	[sflag:s30] =	ssyncpa.u1 $0x1  }
0x41: {  	[sflag:s31] =	ssyncpa.u1 $0x1  }
0x42: {  	p0 =	sne.s32 s1, $0x0;
	_ =	strace $0x9000004A  }
0x43: {  	s0 =	sadd.s32 @!p0 $0x100000, s0;
	[bflag:$0x2] =	sbarrier.arrive $0xFFFF  }
0x44: {  	[sflag:s0] =	ssyncadd.tile.s32 @!p0 $0x1;
	_ =	shalt  }
.Lfunc_end2:
_tile_overlayer_lowered:
.L_overlay_start_2:
0x45: {  	(tag) =	ssettag $0x2  }
0x46: {  	s0 =	rddreg [dreg:$0x0];
	s2 =	stileid.u32  }
0x47: {  	s1 =	rddreg [dreg:$0x1];
	p0 =	sne.s32 s2, $0x0  }
0x48: {  	s3 =	rddreg [dreg:$0x2];
	[bflag:$0x3] =	sbarrier.arrive $0xFFFF;
	s2 =	simm.s32 @!p0 $0x1C01  }
0x49: {  	[timem:s3], [sflag:s2] =	dma.local @!p0 [hbm:s0], s1  }
0x4a: {  	s0 =	simm.s32 @!p0 $0x1  }
0x4b: {  	_ =	swait.ge @!p0 [sflag:s0], s1  }
0x4c: {  	s1 =	ssub.s32 @!p0 $0x0, s1;
	[sflag:s0] =	ssyncset.done @!p0 $0x0  }
0x4d: {  	[sflag:s0] =	ssyncadd.s32 @!p0 s1  }
0x4e: {  	[bflag:$0x3] =	sbarrier.arrive $0xFFFF  }
0x4f: {  	_ =	shalt  }

// kernel: kernel.6.cloned.1.call-start
scs
__scs_entry_jumppad:
0x0: {  	(pc) =	sbr.rel $0x88, $3  }
0x1: {  	(tag) =	ssettag $0x0;
	lr =	simm.s32 $0x1  }
0x2: {  	[smem:$0x3F99] =	sst lr;
	_ =	strace $0xD0000000  }
0x3: {  	_ = 	snop  }
0x4: {  	_ = 	snop  }
0x5: {  	_ = 	snop  }
0x6: {  	_ = 	snop  }
0x7: {  	_ = 	snop  }
__scs_overlays_trampoline_lowered:
0x8: {  	[smem:$0x3FA8] =	sst s0  }
0x9: {  	[smem:$0x3FA9] =	sst s1  }
0xa: {  	[smem:$0x3FAA] =	sst s2  }
0xb: {  	[smem:$0x3FAB] =	sst s3  }
0xc: {  	[smem:$0x3FAC] =	sst s4  }
0xd: {  	[smem:$0x3FAD] =	sst s5  }
0xe: {  	[smem:$0x3FAE] =	sst s6  }
0xf: {  	[smem:$0x3FAF] =	sst s7  }
0x10: {  	[smem:$0x3FB0] =	sst s8  }
0x11: {  	[smem:$0x3FB1] =	sst s9;
	s0 =	simm.s32 @!p0 $0x0  }
0x12: {  	s1 =	sld [smem:$0x3F97];
	s0 =	simm.s32 @p0 $0x1  }
0x13: {  	[smem:$0x3FB2] =	sst s0;
	s0 =	simm.s32 @!p1 $0x0  }
0x14: {  	s2 =	sld [smem:$0x3F96];
	s0 =	simm.s32 @p1 $0x1  }
0x15: {  	[smem:$0x3FB3] =	sst s0;
	s0 =	simm.s32 @!p2 $0x0  }
0x16: {  	s3 =	sld [smem:$0x3FDB];
	s0 =	simm.s32 @p2 $0x1  }
0x17: {  	s4 =	simm.s32 $0x1BF5;
	[smem:$0x3FB5] =	sst s0  }
0x18: {  	s0 =	sld [smem:$0x3F98];
	_ =	swait.ge [sflag:s4], $0x0  }
0x19: {  	s7 =	sld [smem:$0x3F99]  }
0x1a: {  	s8 =	sadd.s32 $0xFFFFE003, lr  }
0x1b: {  	s9 =	sadd.s32 $0xFFFFFEF7, lr;
	s5 =	simm.s32 $0xFFFFFFFF;
	p2 =	slt.u32 s8, $0xFFFFF086  }
0x1c: {  	p1 =	slt.u32 s9, $0xF7A;
	s5 =	simm.s32 @!p2 $0x0  }
0x1d: {  	s5 =	simm.s32 @p1 $0x1;
	p0 =	seq.s32 s7, s2  }
0x1e: {  	s7 =	smul.u32 @!p0 $0xF7A, s2;
	p2 =	seq.s32 @!p0 s5, $0x0  }
0x1f: {  	s9 =	smul.u32 $0xF7A, s1;
	s8 =	simm.s32 @!p0 $0x1BF5;
	p2 =	por !p2, p0  }
0x20: {  	[sflag:s8] =	ssyncset.s32 @!p0 $0xFFFFF086;
	s6 =	sadd.s32 @!p0 s3, s7;
	s7 =	simm.s32 @!p0 $0x108  }
0x21: {  	s3 =	sadd.s32 s3, s9;
	s6 =	sadd.s32 @!p0 $0x88, s6;
	s7 =	simm.s32 @p2 $0x1082  }
0x22: {  	[simem:s7], [sflag:s8] =	dma.local @!p0 [hbm:s6], $0xF7A  }
0x23: {  	s9 =	sor.u32 $0xD0000000, s2;
	s6 =	simm.s32 $0x108;
	_ =	swait.ge @!p0 [sflag:s8], $0x0  }
0x24: {  	s3 =	sadd.s32 $0x88, s3;
	s6 =	simm.s32 @!p1 $0x1082;
	[sflag:s4] =	ssyncset.s32 $0xFFFFF086  }
0x25: {  	[simem:s6], [sflag:s4] =	dma.local [hbm:s3], $0xF7A  }
0x26: {  	[smem:$0x3F99] =	sst s1;
	(tag) =	ssettag s2;
	_ =	strace s9  }
0x27: {  	s1 =	sld [smem:$0x3FA9]  }
0x28: {  	s2 =	sld [smem:$0x3FAA]  }
0x29: {  	s4 =	sld [smem:$0x3FAC]  }
0x2a: {  	p0 =	seq.s32 s5, $0x0;
	s5 =	sld [smem:$0x3FAD]  }
0x2b: {  	s6 =	sld [smem:$0x3FAE]  }
0x2c: {  	s7 =	sld [smem:$0x3FAF]  }
0x2d: {  	s3 =	simm.s32 $0x108;
	s8 =	sld [smem:$0x3FB0]  }
0x2e: {  	s3 =	simm.s32 @!p0 $0x1082;
	s9 =	sld [smem:$0x3FB1]  }
0x2f: {  	lr =	sadd.s32 s0, s3;
	s0 =	sld [smem:$0x3FA8]  }
0x30: {  	s3 =	sld [smem:$0x3FAB]  }
0x31: {  	[smem:$0x3FB4] =	sst s10  }
0x32: {  	s10 =	sld [smem:$0x3FB2];
	_ =	sdelay $0x3  }
0x33: {  	p0 =	seq.s32 s10, $0x1;
	s10 =	sld [smem:$0x3FB4];
	_ =	sdelay $0x3  }
0x34: {  	[smem:$0x3FB4] =	sst s10  }
0x35: {  	s10 =	sld [smem:$0x3FB3];
	_ =	sdelay $0x3  }
0x36: {  	p1 =	seq.s32 s10, $0x1;
	s10 =	sld [smem:$0x3FB4];
	_ =	sdelay $0x3  }
0x37: {  	[smem:$0x3FB4] =	sst s10  }
0x38: {  	s10 =	sld [smem:$0x3FB5]  }
0x39: {  	_ = 	snop;
	(pc) =	sbr.ind lr, $3  }
0x3a: {  	_ = 	snop  }
0x3b: {  	_ = 	snop  }
0x3c: {  	p2 =	seq.s32 s10, $0x1;
	s10 =	sld [smem:$0x3FB4]  }
0x3d: {  	_ =	shalt  }
0x3e: {  	_ =	shalt  }
0x3f: {  	_ =	shalt  }
0x40: {  	_ =	shalt  }
0x41: {  	_ =	shalt  }
0x42: {  	_ =	shalt  }
0x43: {  	_ =	shalt  }
0x44: {  	_ =	shalt  }
0x45: {  	_ =	shalt  }
0x46: {  	_ =	shalt  }
0x47: {  	_ =	shalt  }
0x48: {  	_ =	shalt  }
0x49: {  	_ =	shalt  }
0x4a: {  	_ =	shalt  }
0x4b: {  	_ =	shalt  }
0x4c: {  	_ =	shalt  }
0x4d: {  	_ =	shalt  }
0x4e: {  	_ =	shalt  }
0x4f: {  	_ =	shalt  }
0x50: {  	_ =	shalt  }
0x51: {  	_ =	shalt  }
0x52: {  	_ =	shalt  }
0x53: {  	_ =	shalt  }
0x54: {  	_ =	shalt  }
0x55: {  	_ =	shalt  }
0x56: {  	_ =	shalt  }
0x57: {  	_ =	shalt  }
0x58: {  	_ =	shalt  }
0x59: {  	_ =	shalt  }
0x5a: {  	_ =	shalt  }
0x5b: {  	_ =	shalt  }
0x5c: {  	_ =	shalt  }
0x5d: {  	_ =	shalt  }
0x5e: {  	_ =	shalt  }
0x5f: {  	_ =	shalt  }
0x60: {  	_ =	shalt  }
0x61: {  	_ =	shalt  }
0x62: {  	_ =	shalt  }
0x63: {  	_ =	shalt  }
0x64: {  	_ =	shalt  }
0x65: {  	_ =	shalt  }
0x66: {  	_ =	shalt  }
0x67: {  	_ =	shalt  }
0x68: {  	_ =	shalt  }
0x69: {  	_ =	shalt  }
0x6a: {  	_ =	shalt  }
0x6b: {  	_ =	shalt  }
0x6c: {  	_ =	shalt  }
0x6d: {  	_ =	shalt  }
0x6e: {  	_ =	shalt  }
0x6f: {  	_ =	shalt  }
0x70: {  	_ =	shalt  }
0x71: {  	_ =	shalt  }
0x72: {  	_ =	shalt  }
0x73: {  	_ =	shalt  }
0x74: {  	_ =	shalt  }
0x75: {  	_ =	shalt  }
0x76: {  	_ =	shalt  }
0x77: {  	_ =	shalt  }
0x78: {  	_ =	shalt  }
0x79: {  	_ =	shalt  }
0x7a: {  	_ =	shalt  }
0x7b: {  	_ =	shalt  }
0x7c: {  	_ =	shalt  }
0x7d: {  	_ =	shalt  }
0x7e: {  	_ =	shalt  }
0x7f: {  	_ =	shalt  }
0x80: {  	_ =	shalt  }
0x81: {  	_ =	shalt  }
0x82: {  	_ =	shalt  }
0x83: {  	_ =	shalt  }
0x84: {  	_ =	shalt  }
0x85: {  	_ =	shalt  }
0x86: {  	_ =	shalt  }
0x87: {  	_ =	shalt  }
.Lfunc_end0:
.L_simem_size_0:
called_computation.2_lowered:
.L_overlay_start_0:
0x88: {  	s2 =	sld [smem:$0x3FD9]  }
0x89: {  	s3 =	sld [smem:$0x3FFE];
	_ =	sdelay $0x1  }
0x8a: {  	s1 =	srdreg.scid  }
0x8b: {  	s0 =	sand.u32 $0x1, s1  }
0x8c: {  	s17 =	sshll.u32 s0, $0xA;
	s2 =	sadd.s32 s3, s2  }
0x8d: {  	s2 =	sadd.s32 s2, s17  }
0x8e: {  	[smem:$0x3FC0] =	sst s2  }
0x8f: {  	_ = 	snop  }
0x90: {  	s2 =	sld [smem:$0x3FD0];
	(tm) =	ssettm $0x1  }
0x91: {  	s18 =	sld [smem:$0x3FFB];
	_ =	sdelay $0x3  }
0x92: {  	_ =	strace s18  }
0x93: {  	s3 =	sld [smem:$0x3FFC];
	_ =	sdelay $0x3  }
0x94: {  	_ =	strace s3  }
0x95: {  	s3 =	sld [smem:$0x3FFD];
	_ =	sdelay $0x3  }
0x96: {  	_ =	strace s3  }
0x97: {  	_ =	strace $0x8FFFFFFF  }
0x98: {  	s19 =	sld [smem:$0x3FDB];
	_ =	sdelay $0x1  }
0x99: {  	s4 =	simm.s32 $_scs_section_size  }
0x9a: {  	s5 =	simm.s32 $_size__tile_overlayer_lowered;
	s6 =	simm.s32 $_tile_overlayer_lowered  }
0x9b: {  	s22 =	simm.s32 $0x1BFF;
	s21 =	sshll.u32 s6, $0x1;
	s3 =	sadd.s32 s4, s19  }
0x9c: {  	s7 =	simm.s32 $0x0;
	s20 =	sshll.u32 s5, $0x1;
	s5 =	sadd.s32 s21, s3  }
0x9d: {  	[timem:s7], [sflag:s22] =	dma.local [hbm:s5], s20  }
0x9e: {  	_ =	swait.ge [sflag:s22], s20  }
0x9f: {  	s4 =	ssub.s32 $0x0, s20;
	[sflag:s22] =	ssyncset.done $0x0  }
0xa0: {  	[sflag:s22] =	ssyncadd.s32 s4;
	_ =	sdelay $0x1  }
0xa1: {  	s23 =	simm.s32 $0x1B8B  }
0xa2: {  	_ =	swait.ge [sflag:s23], $0x1  }
0xa3: {  	[sflag:s23] =	ssyncset.done $0x0  }
0xa4: {  	s25 =	simm.s32 $0x1B8E;
	s24 =	sld [smem:$0x3FFE];
	[sflag:s23] =	ssyncadd.s32 $0xFFFFFFFF  }
0xa5: {  	s26 =	simm.s32 $execute0_lowered;
	[smem:$0x3FD2] =	sst s25  }
0xa6: {  	s5 =	sshll.u32 s26, $0x1;
	_ =	strace $0x8000004C;
	[dreg:$0x1] =	wrdreg $0xFFFFFFFF  }
0xa7: {  	s28 =	simm.s32 $_size_execute0_lowered;
	s3 =	sadd.s32 s3, s5;
	[dreg:$0x0] =	wrdreg $0x0  }
0xa8: {  	s5 =	sshll.u32 s28, $0x1;
	[dreg:$0x2] =	wrdreg s3  }
0xa9: {  	[dreg:$0x3] =	wrdreg s5  }
0xaa: {  	[dreg:$0x4] =	wrdreg $0xC0  }
0xab: {  	_ =	task [dreg:s7], $0x5FFFF  }
0xac: {  	[dreg:$0x1] =	wrdreg $0xFFFFFFFF  }
0xad: {  	[dreg:$0x0] =	wrdreg $0x60  }
0xae: {  	[dreg:$0x2] =	wrdreg s2  }
0xaf: {  	[dreg:$0x3] =	wrdreg s24  }
0xb0: {  	[dreg:$0x4] =	wrdreg $0x9  }
0xb1: {  	_ =	task.clear_ibuf [dreg:s7], $0x5FFFF;
	_ =	strace $0x9000004C  }
0xb2: {  	s29 =	simm.s32 $0x9;
	_ =	strace $0x8000004E  }
0xb3: {  	_ =	swait.ge [sflag:s29], $0x1  }
0xb4: {  	[sflag:s29] =	ssyncadd.s32 $0xFFFFFFFF  }
0xb5: {  	_ =	strace $0x9000004E  }
0xb6: {  	_ =	sfence  }
0xb7: {  	s30 =	sld [smem:$0x0];
	_ =	sdelay $0x2  }
0xb8: {  	s31 =	sshll.u32 s1, $0xD;
	s1 =	sshrl.u32 s1, $0x2  }
0xb9: {  	s3 =	sand.u32 $0x4000, s31;
	s1 =	sadd.s32 s1, s30  }
0xba: {  	s0 =	sor.u32 s3, s0;
	s1 =	sshll.u32 s1, $0x11  }
0xbb: {  	s0 =	sor.u32 s1, s0  }
0xbc: {  	s0 =	sadd.s32 $0x8F2B, s0  }
0xbd: {  	[sflag:s0] =	ssyncadd.remote.s32 $0x1  }
0xbe: {  	_ =	sfence.sel $0xFFFF  }
0xbf: {  	[dreg:$0x0] =	wrdreg $0xFFFFFFFF;
	(pc) =	sbr.abs _section_cstart, $3  }
0xc0: {  	[dreg:$0x1] =	wrdreg $0xFFFFFFFF  }
0xc1: {  	_ =	task.clear_ibuf [dreg:s7], $0x2FFFF;
	_ =	strace $0x9FFFFFFF  }
0xc2: {  	(tm) =	ssettm $0x7FFFFFFF  }
0xc3: {  	_ =	shalt  }
tec
execute0_lowered:
.L_overlay_start_1:
0x0: {  	(tag) =	ssettag $0x1  }
0x1: {  	s1 =	rddreg [dreg:$0x0]  }
0x2: {  	s0 =	rddreg [dreg:$0x1];
	s2 =	srdreg.scid;
	s9 =	simm.s32 $0x0  }
0x3: {  	s4 =	stileid.u32;
	s12 =	simm.s32 $0x2;
	s22 =	simm.s32 $0x1  }
0x4: {  	v5 =	vlaneseq.u32;
	s23 =	simm.s32 $0x0;
	s2 =	sand.u32 $0x1, s2;
	[smem:$0x7FF] =	sst s9  }
0x5: {  	v2 =	vimm.f32 $0.0e+00;
	vm0 =	vmmov $0xffff;
	v6 =	vimm.s32 $0x0;
	s25 =	sadd.s32 $0x2800, s0;
	s5 =	sadd.s32 $0xDD800, s0;
	s3 =	sshll.u32 s2, $0x4  }
0x6: {  	v7 =	vimm.s32 $0x1;
	v8 =	vimm.s32 $0x2;
	v9 =	vimm.s32 $0x3;
	s6 =	sadd.s32 $0x8C00, s0;
	_ =	strace $0x8000004D;
	s3 =	sor.u32 s4, s3  }
0x7: {  	v10 =	vimm.s32 $0x4;
	v11 =	vimm.s32 $0x5;
	v12 =	vimm.s32 $0x6;
	[dreg:$0x3] =	wrdreg s25;
	s2 =	ssub.s32 $0x2, s2;
	s26 =	smul.u32 $0x1600, s3  }
.Ltmp0:
0x8: {  	v13 =	vimm.s32 $0x7;
	v14 =	vimm.s32 $0x8;
	v15 =	vimm.s32 $0x9;
	s28 =	sshrl.u32 s2, $0x1;
	s7 =	sadd.s32 s3, s0;
	(pc) =	sbr.rel .LBB2_1-.Ltmp0, $4  }
0x9: {  	v16 =	vimm.s32 $0xA;
	v17 =	vimm.s32 $0xB;
	v18 =	vimm.s32 $0xC;
	s3 =	smul.u32 $0x58, s3;
	s2 =	ssub.s32 s2, s28;
	s29 =	sadd.s32 $0x2600, s7  }
0xa: {  	v19 =	vimm.s32 $0xD;
	v20 =	vimm.s32 $0xE;
	v21 =	vimm.s32 $0xF;
	s31 =	smax.u32 s2, $0x1;
	s0 =	sadd.s32 s26, s0;
	[dreg:$0x4] =	wrdreg s29  }
0xb: {  	v4 =	vshrl.u32 v5, $0x3;
	v3 =	vand.u32 $0x7, v5;
	v5 =	vor.u32 $0x8, v5;
	s30 =	sadd.s32 $0x58, s3;
	[dreg:$0x6] =	wrdreg s31;
	s0 =	sadd.s32 $0xEE00, s0  }
0xc: {  	s8 =	sadd.s32 $0x100, s1;
	v4 =	vmul.u32 $0x8, v4;
	s2 =	simm.s32 $0x0;
	v0 =	vmov s3;
	v1 =	vmov s30;
	[dreg:$0x5] =	wrdreg s0  }
.LBB2_39:
0xd: {  	s9 =	simm.s32 $0x0;
	s0 =	rddreg [dreg:$0x5];
	s2 =	simm.s32 $0x10280  }
0xe: {  	[hbm4b:s0+s9] =	stream.linear.scatter [tilespmem:s2], [sflag:$0x2], $0xB000, $0x38;
	[tilespmem:$0x1B300] =	vst v63  }
0xf: {  	_ =	swait.ge [sflag:s12], $0xB000  }
0x10: {  	s30 =	rddreg [dreg:$0x7]  }
0x11: {  	s31 =	rddreg [dreg:$0x6];
	s2 =	sadd.s32 $0x1, s30  }
0x12: {  	p0 =	sne.s32 s2, s31  }
.Ltmp1:
0x13: {  	_ = 	snop;
	(pc) =	sbr.rel @!p0 .LBB2_40-.Ltmp1, $3  }
0x14: {  	_ =	sdelay $0x1  }
0x15: {  	[sflag:s12] =	ssyncset.done $0x0  }
0x16: {  	[sflag:s12] =	ssyncadd.s32 $0xFFFF5000  }
.LBB2_1:
0x17: {  	s0 =	sand.u32 $0xF000, s9;
	s31 =	sand.u32 $0x380, s9  }
0x18: {  	[dreg:$0x7] =	wrdreg s2;
	s2 =	sor.u32 s31, s0  }
0x19: {  	s0 =	sadd.s32 $0x10280, s2;
	[tilespmem:s2+$0x10280] =	vst v2  }
0x1a: {  	[tilespmem:s0+$0x10] =	vst v2  }
0x1b: {  	[tilespmem:s0+$0x20] =	vst v2  }
0x1c: {  	[tilespmem:s0+$0x30] =	vst v2  }
0x1d: {  	[tilespmem:s0+$0x40] =	vst v2  }
0x1e: {  	[tilespmem:s0+$0x50] =	vst v2  }
0x1f: {  	[tilespmem:s0+$0x60] =	vst v2  }
0x20: {  	[tilespmem:s0+$0x70] =	vst v2  }
0x21: {  	[tilespmem:s0+$0x400] =	vst v2  }
0x22: {  	[tilespmem:s0+$0x410] =	vst v2  }
0x23: {  	[tilespmem:s0+$0x420] =	vst v2  }
0x24: {  	[tilespmem:s0+$0x430] =	vst v2  }
0x25: {  	[tilespmem:s0+$0x440] =	vst v2  }
0x26: {  	[tilespmem:s0+$0x450] =	vst v2  }
0x27: {  	[tilespmem:s0+$0x460] =	vst v2  }
0x28: {  	[tilespmem:s0+$0x470] =	vst v2  }
0x29: {  	[tilespmem:s0+$0x800] =	vst v2  }
0x2a: {  	[tilespmem:s0+$0x810] =	vst v2  }
0x2b: {  	[tilespmem:s0+$0x820] =	vst v2  }
0x2c: {  	[tilespmem:s0+$0x830] =	vst v2  }
0x2d: {  	[tilespmem:s0+$0x840] =	vst v2  }
0x2e: {  	[tilespmem:s0+$0x850] =	vst v2  }
0x2f: {  	[tilespmem:s0+$0x860] =	vst v2  }
0x30: {  	[tilespmem:s0+$0x870] =	vst v2  }
0x31: {  	[tilespmem:s0+$0xC00] =	vst v2  }
0x32: {  	[tilespmem:s0+$0xC10] =	vst v2  }
0x33: {  	[tilespmem:s0+$0xC20] =	vst v2  }
0x34: {  	[tilespmem:s0+$0xC30] =	vst v2  }
0x35: {  	[tilespmem:s0+$0xC40] =	vst v2  }
0x36: {  	s3 =	simm.s32 $0x200;
	s2 =	simm.s32 $0x80;
	[tilespmem:s0+$0xC50] =	vst v2  }
0x37: {  	s4 =	sand.u32 $0xF000, s3;
	s3 =	simm.s32 $0x400;
	s7 =	sand.u32 $0x380, s2;
	[tilespmem:s0+$0xC60] =	vst v2  }
.LBB2_2:
0x38: {  	p0 =	sne.s32 s3, $0xAE00;
	s4 =	sor.u32 s7, s4;
	[tilespmem:s0+$0xC70] =	vst v2  }
0x39: {  	s0 =	sadd.s32 $0x10280, s4;
	[tilespmem:s4+$0x10280] =	vst v2  }
0x3a: {  	[tilespmem:s0+$0x10] =	vst v2  }
0x3b: {  	[tilespmem:s0+$0x20] =	vst v2  }
0x3c: {  	[tilespmem:s0+$0x30] =	vst v2  }
0x3d: {  	[tilespmem:s0+$0x40] =	vst v2  }
0x3e: {  	[tilespmem:s0+$0x50] =	vst v2  }
0x3f: {  	[tilespmem:s0+$0x60] =	vst v2  }
0x40: {  	[tilespmem:s0+$0x70] =	vst v2  }
0x41: {  	[tilespmem:s0+$0x400] =	vst v2  }
0x42: {  	[tilespmem:s0+$0x410] =	vst v2  }
0x43: {  	[tilespmem:s0+$0x420] =	vst v2  }
0x44: {  	[tilespmem:s0+$0x430] =	vst v2  }
0x45: {  	[tilespmem:s0+$0x440] =	vst v2  }
0x46: {  	[tilespmem:s0+$0x450] =	vst v2  }
0x47: {  	[tilespmem:s0+$0x460] =	vst v2  }
0x48: {  	[tilespmem:s0+$0x470] =	vst v2  }
0x49: {  	[tilespmem:s0+$0x800] =	vst v2  }
0x4a: {  	[tilespmem:s0+$0x810] =	vst v2  }
0x4b: {  	[tilespmem:s0+$0x820] =	vst v2  }
0x4c: {  	[tilespmem:s0+$0x830] =	vst v2  }
0x4d: {  	[tilespmem:s0+$0x840] =	vst v2  }
0x4e: {  	[tilespmem:s0+$0x850] =	vst v2  }
0x4f: {  	[tilespmem:s0+$0x860] =	vst v2  }
0x50: {  	[tilespmem:s0+$0x870] =	vst v2  }
0x51: {  	[tilespmem:s0+$0xC00] =	vst v2  }
0x52: {  	[tilespmem:s0+$0xC10] =	vst v2  }
.Ltmp2:
0x53: {  	[tilespmem:s0+$0xC20] =	vst v2;
	(pc) =	sbr.rel @p0 .LBB2_2-.Ltmp2, $4  }
0x54: {  	[tilespmem:s0+$0xC30] =	vst v2  }
0x55: {  	[tilespmem:s0+$0xC40] =	vst v2  }
0x56: {  	s2 =	sadd.s32 $0x80, s2;
	[tilespmem:s0+$0xC50] =	vst v2  }
0x57: {  	s4 =	sand.u32 $0xF000, s3;
	s7 =	sand.u32 $0x380, s2;
	s3 =	sadd.s32 $0x200, s3;
	[tilespmem:s0+$0xC60] =	vst v2  }
0x58: {  	s2 =	sor.u32 s7, s4;
	[tilespmem:s0+$0xC70] =	vst v2  }
0x59: {  	s26 =	sadd.s32 $0x10280, s2;
	[tilespmem:s2+$0x10280] =	vst v2  }
0x5a: {  	[tilespmem:s26+$0x10] =	vst v2  }
0x5b: {  	[tilespmem:s26+$0x20] =	vst v2  }
0x5c: {  	[tilespmem:s26+$0x30] =	vst v2  }
0x5d: {  	[tilespmem:s26+$0x40] =	vst v2  }
0x5e: {  	[tilespmem:s26+$0x50] =	vst v2  }
0x5f: {  	[tilespmem:s26+$0x60] =	vst v2  }
0x60: {  	[tilespmem:s26+$0x70] =	vst v2  }
0x61: {  	[tilespmem:s26+$0x400] =	vst v2  }
0x62: {  	[tilespmem:s26+$0x410] =	vst v2  }
0x63: {  	[tilespmem:s26+$0x420] =	vst v2  }
0x64: {  	[tilespmem:s26+$0x430] =	vst v2  }
0x65: {  	[tilespmem:s26+$0x440] =	vst v2  }
0x66: {  	[tilespmem:s26+$0x450] =	vst v2  }
0x67: {  	[tilespmem:s26+$0x460] =	vst v2  }
0x68: {  	[tilespmem:s26+$0x470] =	vst v2  }
0x69: {  	[tilespmem:s26+$0x800] =	vst v2  }
0x6a: {  	[tilespmem:s26+$0x810] =	vst v2  }
0x6b: {  	[tilespmem:s26+$0x820] =	vst v2  }
0x6c: {  	[tilespmem:s26+$0x830] =	vst v2  }
0x6d: {  	[tilespmem:s26+$0x840] =	vst v2  }
0x6e: {  	[tilespmem:s26+$0x850] =	vst v2  }
0x6f: {  	[tilespmem:s26+$0x860] =	vst v2  }
0x70: {  	[tilespmem:s26+$0x870] =	vst v2  }
0x71: {  	[tilespmem:s26+$0xC00] =	vst v2  }
0x72: {  	[tilespmem:s26+$0xC10] =	vst v2  }
0x73: {  	[tilespmem:s26+$0xC20] =	vst v2  }
0x74: {  	[tilespmem:s26+$0xC30] =	vst v2  }
0x75: {  	[tilespmem:s26+$0xC40] =	vst v2  }
0x76: {  	[tilespmem:s26+$0xC50] =	vst v2  }
0x77: {  	[tilespmem:s26+$0xC60] =	vst v2  }
0x78: {  	s28 =	rddreg [dreg:$0x4];
	s29 =	simm.s32 $0x1B280;
	[tilespmem:s26+$0xC70] =	vst v2  }
0x79: {  	[tilespmem:s29], [sflag:$0x2] =	stream.linear.gather [hbm4b:s28+s23], $0x10, $0x38;
	[tilespmem:$0x1B300] =	vst v63  }
0x7a: {  	_ =	swait.ge [sflag:s12], $0x10  }
0x7b: {  	[sflag:s12] =	ssyncset.done $0x0  }
0x7c: {  	[sflag:s12] =	ssyncadd.s32 $0xFFFFFFF0  }
0x7d: {  	v22 =	vld [tilespmem:$0x1B280];
	_ =	sdelay $0x4  }
0x7e: {  	(v2sf) =	vpush v22, $0x0  }
0x7f: {  	(v2sf) =	vpush v22, $0x1;
	_ =	sdelay $0xd  }
0x80: {  	s24 =	spop (v2sf)  }
0x81: {  	s30 =	spop (v2sf);
	s31 =	sand.u32 $0xFFFFFF80, s24  }
0x82: {  	s0 =	ssub.s32 s30, s31  }
0x83: {  	s0 =	sadd.s32 $0x7F, s0  }
0x84: {  	s25 =	sshra.s32 s0, $0x7  }
0x85: {  	p0 =	slt.s32 s25, $0x1  }
.Ltmp3:
0x86: {  	_ = 	snop;
	(pc) =	sbr.rel @p0 .LBB2_39-.Ltmp3, $2  }
0x87: {  	_ =	sdelay $0x2  }
0x88: {  	s26 =	simm.s32 $0x0  }
.LBB2_4:
0x89: {  	s0 =	sshll.u32 s26, $0x7  }
0x8a: {  	s0 =	sadd.s32 s24, s0  }
0x8b: {  	s0 =	sshrl.u32 s0, $0x3  }
0x8c: {  	s2 =	rddreg [dreg:$0x3];
	s0 =	sand.u32 $0x1FFFFFF0, s0  }
0x8d: {  	s2 =	sadd.s32 s2, s0  }
0x8e: {  	[tilespmem:s23], [sflag:$0x2] =	stream.linear.gather [hbm4b:s2+s23], $0x80, $0x38;
	[tilespmem:$0x1B300] =	vst v63  }
0x8f: {  	_ =	swait.ge [sflag:s12], $0x80  }
0x90: {  	[sflag:s12] =	ssyncset.done $0x0  }
0x91: {  	s3 =	simm.s32 $0x80;
	s20 =	sadd.s32 s5, s0;
	[sflag:s12] =	ssyncadd.s32 $0xFFFFFF80  }
0x92: {  	[tilespmem:s3], [sflag:$0x2] =	stream.linear.gather [hbm4b:s20+s23], $0x80, $0x38;
	[tilespmem:$0x1B300] =	vst v63  }
0x93: {  	_ =	swait.ge [sflag:s12], $0x80  }
0x94: {  	[sflag:s12] =	ssyncset.done $0x0  }
0x95: {  	s21 =	simm.s32 $0x100;
	s0 =	sadd.s32 s6, s0;
	[sflag:s12] =	ssyncadd.s32 $0xFFFFFF80  }
0x96: {  	[tilespmem:s21], [sflag:$0x2] =	stream.linear.gather [hbm4b:s0+s23], $0x80, $0x38;
	[tilespmem:$0x1B300] =	vst v63  }
0x97: {  	_ =	swait.ge [sflag:s12], $0x80  }
0x98: {  	[sflag:s12] =	ssyncset.done $0x0  }
0x99: {  	[sflag:s12] =	ssyncadd.s32 $0xFFFFFF80  }
0x9a: {  	v22 =	vld [tilespmem:$0x0];
	_ =	sdelay $0x4  }
0x9b: {  	v23 =	vshll.u32 v22, $0x2  }
0x9c: {  	v22 =	vand.u32 $0x7, v22;
	v23 =	vand.u32 $0xFFFFFFE0, v23  }
0x9d: {  	v22 =	vor.u32 v22, v23  }
0x9e: {  	v23 =	vperm.xlane v22, v3;
	_ =	sdelay $0x1  }
0x9f: {  	v23 =	vadd.s32 v4, v23;
	_ =	sdelay $0x1  }
0xa0: {  	v22 =	vperm.xlane v22, v5;
	_ =	sdelay $0x1  }
0xa1: {  	s2 =	simm.s32 $0x280;
	v22 =	vadd.s32 v4, v22  }
0xa2: {  	[tilespmem:s2], [sflag:$0x1] =	stream.indirect_vreg.gather [hbm4b:s1+s23], $0x80, v23, vm0, $0xb8;
	[tilespmem:$0x1B300] =	vst v63  }
0xa3: {  	s3 =	simm.s32 $0xA80  }
0xa4: {  	[tilespmem:s3], [sflag:$0x1] =	stream.indirect_vreg.gather [hbm4b:s8+s23], $0x80, v23, vm0, $0xb8;
	[tilespmem:$0x1B300] =	vst v63  }
0xa5: {  	s4 =	simm.s32 $0x1280  }
0xa6: {  	[tilespmem:s4], [sflag:$0x1] =	stream.indirect_vreg.gather [hbm4b:s1+s23], $0x80, v22, vm0, $0xb8;
	[tilespmem:$0x1B300] =	vst v63  }
0xa7: {  	s7 =	simm.s32 $0x1A80  }
0xa8: {  	[tilespmem:s7], [sflag:$0x1] =	stream.indirect_vreg.gather [hbm4b:s8+s23], $0x80, v22, vm0, $0xb8;
	[tilespmem:$0x1B300] =	vst v63  }
0xa9: {  	v22 =	vld [tilespmem:$0x10];
	_ =	sdelay $0x4  }
0xaa: {  	v23 =	vshll.u32 v22, $0x2  }
0xab: {  	v22 =	vand.u32 $0x7, v22;
	v23 =	vand.u32 $0xFFFFFFE0, v23  }
0xac: {  	v22 =	vor.u32 v22, v23  }
0xad: {  	v23 =	vperm.xlane v22, v3;
	_ =	sdelay $0x1  }
0xae: {  	v23 =	vadd.s32 v4, v23;
	_ =	sdelay $0x1  }
0xaf: {  	v22 =	vperm.xlane v22, v5;
	_ =	sdelay $0x1  }
0xb0: {  	s9 =	simm.s32 $0x2280;
	v22 =	vadd.s32 v4, v22  }
0xb1: {  	[tilespmem:s9], [sflag:$0x1] =	stream.indirect_vreg.gather [hbm4b:s1+s23], $0x80, v23, vm0, $0xb8;
	[tilespmem:$0x1B300] =	vst v63  }
0xb2: {  	s10 =	simm.s32 $0x2A80  }
0xb3: {  	[tilespmem:s10], [sflag:$0x1] =	stream.indirect_vreg.gather [hbm4b:s8+s23], $0x80, v23, vm0, $0xb8;
	[tilespmem:$0x1B300] =	vst v63  }
0xb4: {  	s11 =	simm.s32 $0x3280  }
0xb5: {  	[tilespmem:s11], [sflag:$0x1] =	stream.indirect_vreg.gather [hbm4b:s1+s23], $0x80, v22, vm0, $0xb8;
	[tilespmem:$0x1B300] =	vst v63  }
0xb6: {  	s13 =	simm.s32 $0x3A80  }
0xb7: {  	[tilespmem:s13], [sflag:$0x1] =	stream.indirect_vreg.gather [hbm4b:s8+s23], $0x80, v22, vm0, $0xb8;
	[tilespmem:$0x1B300] =	vst v63  }
0xb8: {  	v22 =	vld [tilespmem:$0x20];
	_ =	sdelay $0x4  }
0xb9: {  	v23 =	vshll.u32 v22, $0x2  }
0xba: {  	v22 =	vand.u32 $0x7, v22;
	v23 =	vand.u32 $0xFFFFFFE0, v23  }
0xbb: {  	v22 =	vor.u32 v22, v23  }
0xbc: {  	v23 =	vperm.xlane v22, v3;
	_ =	sdelay $0x1  }
0xbd: {  	v23 =	vadd.s32 v4, v23;
	_ =	sdelay $0x1  }
0xbe: {  	v22 =	vperm.xlane v22, v5;
	_ =	sdelay $0x1  }
0xbf: {  	s14 =	simm.s32 $0x4280;
	v22 =	vadd.s32 v4, v22  }
0xc0: {  	[tilespmem:s14], [sflag:$0x1] =	stream.indirect_vreg.gather [hbm4b:s1+s23], $0x80, v23, vm0, $0xb8;
	[tilespmem:$0x1B300] =	vst v63  }
0xc1: {  	s15 =	simm.s32 $0x4A80  }
0xc2: {  	[tilespmem:s15], [sflag:$0x1] =	stream.indirect_vreg.gather [hbm4b:s8+s23], $0x80, v23, vm0, $0xb8;
	[tilespmem:$0x1B300] =	vst v63  }
0xc3: {  	s16 =	simm.s32 $0x5280  }
0xc4: {  	[tilespmem:s16], [sflag:$0x1] =	stream.indirect_vreg.gather [hbm4b:s1+s23], $0x80, v22, vm0, $0xb8;
	[tilespmem:$0x1B300] =	vst v63  }
0xc5: {  	s17 =	simm.s32 $0x5A80  }
0xc6: {  	[tilespmem:s17], [sflag:$0x1] =	stream.indirect_vreg.gather [hbm4b:s8+s23], $0x80, v22, vm0, $0xb8;
	[tilespmem:$0x1B300] =	vst v63  }
0xc7: {  	v22 =	vld [tilespmem:$0x30];
	_ =	sdelay $0x4  }
0xc8: {  	v23 =	vshll.u32 v22, $0x2  }
0xc9: {  	v22 =	vand.u32 $0x7, v22;
	v23 =	vand.u32 $0xFFFFFFE0, v23  }
0xca: {  	v22 =	vor.u32 v22, v23  }
0xcb: {  	v23 =	vperm.xlane v22, v3;
	_ =	sdelay $0x1  }
0xcc: {  	v23 =	vadd.s32 v4, v23;
	_ =	sdelay $0x1  }
0xcd: {  	v22 =	vperm.xlane v22, v5;
	_ =	sdelay $0x1  }
0xce: {  	s18 =	simm.s32 $0x6280;
	v22 =	vadd.s32 v4, v22  }
0xcf: {  	[tilespmem:s18], [sflag:$0x1] =	stream.indirect_vreg.gather [hbm4b:s1+s23], $0x80, v23, vm0, $0xb8;
	[tilespmem:$0x1B300] =	vst v63  }
0xd0: {  	s19 =	simm.s32 $0x6A80  }
0xd1: {  	[tilespmem:s19], [sflag:$0x1] =	stream.indirect_vreg.gather [hbm4b:s8+s23], $0x80, v23, vm0, $0xb8;
	[tilespmem:$0x1B300] =	vst v63  }
0xd2: {  	s20 =	simm.s32 $0x7280  }
0xd3: {  	[tilespmem:s20], [sflag:$0x1] =	stream.indirect_vreg.gather [hbm4b:s1+s23], $0x80, v22, vm0, $0xb8;
	[tilespmem:$0x1B300] =	vst v63  }
0xd4: {  	s21 =	simm.s32 $0x7A80  }
0xd5: {  	[tilespmem:s21], [sflag:$0x1] =	stream.indirect_vreg.gather [hbm4b:s8+s23], $0x80, v22, vm0, $0xb8;
	[tilespmem:$0x1B300] =	vst v63  }
0xd6: {  	v22 =	vld [tilespmem:$0x40];
	_ =	sdelay $0x4  }
0xd7: {  	v23 =	vshll.u32 v22, $0x2  }
0xd8: {  	v22 =	vand.u32 $0x7, v22;
	v23 =	vand.u32 $0xFFFFFFE0, v23  }
0xd9: {  	v22 =	vor.u32 v22, v23  }
0xda: {  	v23 =	vperm.xlane v22, v3;
	_ =	sdelay $0x1  }
0xdb: {  	v23 =	vadd.s32 v4, v23;
	_ =	sdelay $0x1  }
0xdc: {  	v22 =	vperm.xlane v22, v5;
	_ =	sdelay $0x1  }
0xdd: {  	s2 =	simm.s32 $0x8280;
	v22 =	vadd.s32 v4, v22  }
0xde: {  	[tilespmem:s2], [sflag:$0x1] =	stream.indirect_vreg.gather [hbm4b:s1+s23], $0x80, v23, vm0, $0xb8;
	[tilespmem:$0x1B300] =	vst v63  }
0xdf: {  	s3 =	simm.s32 $0x8A80  }
0xe0: {  	[tilespmem:s3], [sflag:$0x1] =	stream.indirect_vreg.gather [hbm4b:s8+s23], $0x80, v23, vm0, $0xb8;
	[tilespmem:$0x1B300] =	vst v63  }
0xe1: {  	s4 =	simm.s32 $0x9280  }
0xe2: {  	[tilespmem:s4], [sflag:$0x1] =	stream.indirect_vreg.gather [hbm4b:s1+s23], $0x80, v22, vm0, $0xb8;
	[tilespmem:$0x1B300] =	vst v63  }
0xe3: {  	s7 =	simm.s32 $0x9A80  }
0xe4: {  	[tilespmem:s7], [sflag:$0x1] =	stream.indirect_vreg.gather [hbm4b:s8+s23], $0x80, v22, vm0, $0xb8;
	[tilespmem:$0x1B300] =	vst v63  }
0xe5: {  	v22 =	vld [tilespmem:$0x50];
	_ =	sdelay $0x4  }
0xe6: {  	v23 =	vshll.u32 v22, $0x2  }
0xe7: {  	v22 =	vand.u32 $0x7, v22;
	v23 =	vand.u32 $0xFFFFFFE0, v23  }
0xe8: {  	v22 =	vor.u32 v22, v23  }
0xe9: {  	v23 =	vperm.xlane v22, v3;
	_ =	sdelay $0x1  }
0xea: {  	v23 =	vadd.s32 v4, v23;
	_ =	sdelay $0x1  }
0xeb: {  	v22 =	vperm.xlane v22, v5;
	_ =	sdelay $0x1  }
0xec: {  	s9 =	simm.s32 $0xA280;
	v22 =	vadd.s32 v4, v22  }
0xed: {  	[tilespmem:s9], [sflag:$0x1] =	stream.indirect_vreg.gather [hbm4b:s1+s23], $0x80, v23, vm0, $0xb8;
	[tilespmem:$0x1B300] =	vst v63  }
0xee: {  	s10 =	simm.s32 $0xAA80  }
0xef: {  	[tilespmem:s10], [sflag:$0x1] =	stream.indirect_vreg.gather [hbm4b:s8+s23], $0x80, v23, vm0, $0xb8;
	[tilespmem:$0x1B300] =	vst v63  }
0xf0: {  	s11 =	simm.s32 $0xB280  }
0xf1: {  	[tilespmem:s11], [sflag:$0x1] =	stream.indirect_vreg.gather [hbm4b:s1+s23], $0x80, v22, vm0, $0xb8;
	[tilespmem:$0x1B300] =	vst v63  }
0xf2: {  	s13 =	simm.s32 $0xBA80  }
0xf3: {  	[tilespmem:s13], [sflag:$0x1] =	stream.indirect_vreg.gather [hbm4b:s8+s23], $0x80, v22, vm0, $0xb8;
	[tilespmem:$0x1B300] =	vst v63  }
0xf4: {  	v22 =	vld [tilespmem:$0x60];
	_ =	sdelay $0x4  }
0xf5: {  	v23 =	vshll.u32 v22, $0x2  }
0xf6: {  	v22 =	vand.u32 $0x7, v22;
	v23 =	vand.u32 $0xFFFFFFE0, v23  }
0xf7: {  	v22 =	vor.u32 v22, v23  }
0xf8: {  	v23 =	vperm.xlane v22, v3;
	_ =	sdelay $0x1  }
0xf9: {  	v23 =	vadd.s32 v4, v23;
	_ =	sdelay $0x1  }
0xfa: {  	v22 =	vperm.xlane v22, v5;
	_ =	sdelay $0x1  }
0xfb: {  	s14 =	simm.s32 $0xC280;
	v22 =	vadd.s32 v4, v22  }
0xfc: {  	[tilespmem:s14], [sflag:$0x1] =	stream.indirect_vreg.gather [hbm4b:s1+s23], $0x80, v23, vm0, $0xb8;
	[tilespmem:$0x1B300] =	vst v63  }
0xfd: {  	s15 =	simm.s32 $0xCA80  }
0xfe: {  	[tilespmem:s15], [sflag:$0x1] =	stream.indirect_vreg.gather [hbm4b:s8+s23], $0x80, v23, vm0, $0xb8;
	[tilespmem:$0x1B300] =	vst v63  }
0xff: {  	s16 =	simm.s32 $0xD280  }
0x100: {  	[tilespmem:s16], [sflag:$0x1] =	stream.indirect_vreg.gather [hbm4b:s1+s23], $0x80, v22, vm0, $0xb8;
	[tilespmem:$0x1B300] =	vst v63  }
0x101: {  	s17 =	simm.s32 $0xDA80  }
0x102: {  	[tilespmem:s17], [sflag:$0x1] =	stream.indirect_vreg.gather [hbm4b:s8+s23], $0x80, v22, vm0, $0xb8;
	[tilespmem:$0x1B300] =	vst v63  }
0x103: {  	v22 =	vld [tilespmem:$0x70];
	_ =	sdelay $0x4  }
0x104: {  	v23 =	vshll.u32 v22, $0x2  }
0x105: {  	v22 =	vand.u32 $0x7, v22;
	v23 =	vand.u32 $0xFFFFFFE0, v23  }
0x106: {  	v22 =	vor.u32 v22, v23  }
0x107: {  	v23 =	vperm.xlane v22, v3;
	_ =	sdelay $0x1  }
0x108: {  	v23 =	vadd.s32 v4, v23;
	_ =	sdelay $0x1  }
0x109: {  	v22 =	vperm.xlane v22, v5;
	_ =	sdelay $0x1  }
0x10a: {  	s18 =	simm.s32 $0xE280;
	v22 =	vadd.s32 v4, v22  }
0x10b: {  	[tilespmem:s18], [sflag:$0x1] =	stream.indirect_vreg.gather [hbm4b:s1+s23], $0x80, v23, vm0, $0xb8;
	[tilespmem:$0x1B300] =	vst v63  }
0x10c: {  	s19 =	simm.s32 $0xEA80  }
0x10d: {  	[tilespmem:s19], [sflag:$0x1] =	stream.indirect_vreg.gather [hbm4b:s8+s23], $0x80, v23, vm0, $0xb8;
	[tilespmem:$0x1B300] =	vst v63  }
0x10e: {  	s20 =	simm.s32 $0xF280  }
0x10f: {  	[tilespmem:s20], [sflag:$0x1] =	stream.indirect_vreg.gather [hbm4b:s1+s23], $0x80, v22, vm0, $0xb8;
	[tilespmem:$0x1B300] =	vst v63  }
0x110: {  	s21 =	simm.s32 $0xFA80  }
0x111: {  	[tilespmem:s21], [sflag:$0x1] =	stream.indirect_vreg.gather [hbm4b:s8+s23], $0x80, v22, vm0, $0xb8;
	[tilespmem:$0x1B300] =	vst v63  }
0x112: {  	_ =	swait.ge [sflag:s22], $0x10000  }
0x113: {  	[sflag:s22] =	ssyncset.done $0x0  }
0x114: {  	[sflag:s22] =	ssyncadd.s32 $0xFFFF0000  }
0x115: {  	v22 =	vld [tilespmem:$0x80]  }
0x116: {  	v23 =	vld [tilespmem:$0x100]  }
0x117: {  	v25 =	vld [tilespmem:$0xA0]  }
0x118: {  	v30 =	vld [tilespmem:$0xC0]  }
0x119: {  	v55 =	vld [tilespmem:$0xE0]  }
0x11a: {  	v24 =	vld [tilespmem:$0x90]  }
0x11b: {  	vm1 =	vge.s32 v22, v0  }
0x11c: {  	v26 =	vld [tilespmem:$0x110];
	vm2 =	vlt.s32 v22, v1;
	v22 =	vsub.s32 v22, v0;
	vm3 =	vlt.s32 v25, v1  }
0x11d: {  	v57 =	vsub.s32 v30, v0;
	vm1 =	vmand vm1, vm2;
	vm2 =	vgt.s32 v22, $0x0  }
0x11e: {  	v27 =	vld [tilespmem:$0xB0];
	v61 =	vsub.s32 v55, v0;
	v23 =	vnsel vm1, $0x0, v23;
	v22 =	vnsel vm2, $0x0, v22  }
0x11f: {  	v28 =	vld [tilespmem:$0x120];
	vm1 =	vge.s32 v24, v0;
	vm2 =	vlt.s32 v24, v1;
	v24 =	vsub.s32 v24, v0  }
0x120: {  	v51 =	vld [tilespmem:$0xD0];
	v22 =	vmin.u32 v22, $0x57;
	vm1 =	vmand vm1, vm2;
	vm2 =	vgt.s32 v24, $0x0  }
0x121: {  	v29 =	vld [tilespmem:$0x130];
	v24 =	vnsel vm2, $0x0, v24;
	vm2 =	vge.s32 v25, v0;
	v26 =	vnsel vm1, $0x0, v26  }
0x122: {  	v25 =	vsub.s32 v25, v0;
	v24 =	vmin.u32 v24, $0x57;
	vm1 =	vmand vm2, vm3  }
0x123: {  	v31 =	vld [tilespmem:$0x140];
	[tilespmem:$0x180] =	vst v23;
	vm2 =	vge.s32 v27, v0;
	vm3 =	vlt.s32 v27, v1;
	v27 =	vsub.s32 v27, v0  }
0x124: {  	[tilespmem:$0x200] =	vst v22;
	v23 =	vnsel vm1, $0x0, v28;
	vm1 =	vgt.s32 v25, $0x0;
	vm2 =	vmand vm2, vm3  }
0x125: {  	[tilespmem:$0x190] =	vst v26;
	vm3 =	vlt.s32 v30, v1;
	v28 =	vsub.s32 v51, v0;
	v22 =	vnsel vm1, $0x0, v25  }
0x126: {  	v53 =	vld [tilespmem:$0x150];
	[tilespmem:$0x210] =	vst v24;
	v52 =	vnsel vm2, $0x0, v29;
	vm1 =	vgt.s32 v27, $0x0;
	vm2 =	vge.s32 v30, v0  }
0x127: {  	[tilespmem:$0x1A0] =	vst v23;
	v22 =	vmin.u32 v22, $0x57;
	v54 =	vnsel vm1, $0x0, v27;
	vm1 =	vmand vm2, vm3  }
0x128: {  	v59 =	vld [tilespmem:$0xF0];
	vm2 =	vge.s32 v51, v0;
	[tilespmem:$0x1B0] =	vst v52;
	v56 =	vnsel vm1, $0x0, v31;
	vm1 =	vgt.s32 v57, $0x0  }
0x129: {  	vm3 =	vlt.s32 v51, v1;
	v23 =	vmin.u32 v54, $0x57;
	[tilespmem:$0x220] =	vst v22;
	v22 =	vld [tilespmem:$0x160];
	v58 =	vnsel vm1, $0x0, v57  }
0x12a: {  	vm1 =	vmand vm2, vm3;
	[tilespmem:$0x230] =	vst v23;
	vm2 =	vge.s32 v55, v0;
	vm3 =	vlt.s32 v55, v1  }
0x12b: {  	v62 =	vld [tilespmem:$0x170];
	[tilespmem:$0x1C0] =	vst v56;
	v23 =	vmin.u32 v58, $0x57;
	v60 =	vnsel vm1, $0x0, v53;
	vm1 =	vgt.s32 v28, $0x0  }
0x12c: {  	v63 =	vnsel vm1, $0x0, v28;
	[tilespmem:$0x240] =	vst v23;
	vm1 =	vmand vm2, vm3;
	vm2 =	vgt.s32 v61, $0x0  }
0x12d: {  	s28 =	simm.s32 $0x2C0;
	s29 =	simm.s32 $0x370;
	[tilespmem:$0x1D0] =	vst v60;
	v23 =	vmin.u32 v63, $0x57;
	v24 =	vnsel vm2, $0x0, v61;
	vm2 =	vlt.s32 v59, v1  }
0x12e: {  	s30 =	simm.s32 $0x3F0;
	s31 =	simm.s32 $0x470;
	s0 =	simm.s32 $0x4F0;
	v22 =	vnsel vm1, $0x0, v22;
	[tilespmem:$0x250] =	vst v23;
	vm1 =	vge.s32 v59, v0;
	v23 =	vsub.s32 v59, v0  }
0x12f: {  	s2 =	simm.s32 $0x570;
	s3 =	simm.s32 $0x13F0;
	s7 =	simm.s32 $0x670;
	[tilespmem:$0x1E0] =	vst v22;
	v22 =	vmin.u32 v24, $0x57;
	vm1 =	vmand vm1, vm2;
	vm2 =	vgt.s32 v23, $0x0  }
0x130: {  	s9 =	simm.s32 $0x12F0;
	s10 =	simm.s32 $0x1370;
	s11 =	simm.s32 $0x5F0;
	[tilespmem:$0x260] =	vst v22;
	v22 =	vnsel vm1, $0x0, v62;
	v23 =	vnsel vm2, $0x0, v23  }
0x131: {  	s13 =	simm.s32 $0x1470;
	s14 =	simm.s32 $0x14F0;
	s15 =	simm.s32 $0x1570;
	[tilespmem:$0x1F0] =	vst v22;
	v22 =	vmin.u32 v23, $0x57  }
0x132: {  	s16 =	simm.s32 $0x15F0;
	s17 =	simm.s32 $0x1670;
	s18 =	simm.s32 $0x0;
	[tilespmem:$0x270] =	vst v22  }
.LBB2_5:
0x133: {  	s4 =	sshll.u32 s18, $0x4  }
0x134: {  	v23 =	vld [tilespmem:s4+$0x200];
	_ =	sdelay $0x4  }
0x135: {  	(v2sf) =	vpush v23, $0x0;
	_ =	sdelay $0xb  }
0x136: {  	v25 =	vld [tilespmem:s28+$0x30]  }
0x137: {  	v26 =	vld [tilespmem:s28+$0xFFFFFFC0]  }
0x138: {  	v28 =	vld [tilespmem:s28+$0xFFFFFFD0]  }
0x139: {  	v30 =	vld [tilespmem:s28+$0xFFFFFFE0];
	s19 =	spop (v2sf)  }
0x13a: {  	v31 =	vld [tilespmem:s28+$0xFFFFFFF0];
	s20 =	sshll.u32 s19, $0xB;
	s19 =	sand.u32 $0x7, s19  }
0x13b: {  	v22 =	vld [tilespmem:s4+$0x180];
	s20 =	sand.u32 $0xFFFFC000, s20;
	s19 =	sshll.u32 s19, $0x9  }
0x13c: {  	v32 =	vld [tilespmem:s28+$0x0];
	s21 =	sor.u32 s19, s20  }
0x13d: {  	v33 =	vld [tilespmem:s28+$0x10];
	s4 =	sshra.s32 s21, $0x2  }
0x13e: {  	v35 =	vld [tilespmem:s28+$0x20];
	s19 =	sadd.s32 $0x102C0, s4  }
0x13f: {  	v27 =	vld [tilespmem:s19+$0x30]  }
0x140: {  	v24 =	vperm.xlane v22, v6;
	v36 =	vld [tilespmem:s19+$0xFFFFFFD0]  }
0x141: {  	v37 =	vld [tilespmem:s19+$0xFFFFFFE0]  }
0x142: {  	v34 =	vmul.f32 v25, v24;
	v29 =	vld [tilespmem:s19+$0xFFFFFFF0]  }
0x143: {  	v25 =	vmul.f32 v26, v24;
	v38 =	vmul.f32 v28, v24;
	v26 =	vld [tilespmem:s19+$0x0]  }
0x144: {  	v40 =	vmul.f32 v30, v24;
	v39 =	vadd.f32 v34, v27;
	v27 =	vld [tilespmem:s19+$0x10]  }
0x145: {  	v32 =	vmul.f32 v32, v24;
	v30 =	vld [tilespmem:s19+$0x20];
	v34 =	vmul.f32 v31, v24;
	v36 =	vadd.f32 v38, v36  }
0x146: {  	v28 =	vmul.f32 v33, v24;
	s21 =	simm.s32 $0x0;
	s4 =	sadd.s32 $0x400, s28;
	v33 =	vld [tilespmem:s19+$0xFFFFFFC0];
	s20 =	smov.u32 s19;
	v31 =	vmul.f32 v35, v24;
	v35 =	vadd.f32 v40, v37;
	[tilespmem:s19+$0x30] =	vst v39  }
.LBB2_6:
0x147: {  	v37 =	vld [tilespmem:s4+$0x30];
	s21 =	sadd.s32 $0x8, s21;
	[tilespmem:s19+$0xFFFFFFD0] =	vst v36;
	v29 =	vadd.f32 v34, v29  }
0x148: {  	s19 =	sadd.s32 $0x400, s19;
	v34 =	vld [tilespmem:s4+$0xFFFFFFC0];
	p0 =	slt.u32 s21, $0x18;
	[tilespmem:s20+$0xFFFFFFE0] =	vst v35;
	v26 =	vadd.f32 v32, v26  }
0x149: {  	v32 =	vld [tilespmem:s19+$0x30];
	[tilespmem:s20+$0xFFFFFFF0] =	vst v29;
	v27 =	vadd.f32 v28, v27  }
0x14a: {  	v28 =	vld [tilespmem:s4+$0xFFFFFFD0];
	[tilespmem:s20+$0x0] =	vst v26;
	v26 =	vadd.f32 v31, v30  }
0x14b: {  	v29 =	vld [tilespmem:s4+$0xFFFFFFE0];
	v30 =	vadd.f32 v25, v33;
	[tilespmem:s20+$0x10] =	vst v27  }
0x14c: {  	v27 =	vld [tilespmem:s4+$0xFFFFFFF0];
	v31 =	vmul.f32 v37, v24;
	[tilespmem:s20+$0x20] =	vst v26  }
0x14d: {  	v25 =	vmul.f32 v34, v24;
	v26 =	vld [tilespmem:s4+$0x0];
	[tilespmem:s20+$0xFFFFFFC0] =	vst v30;
	s20 =	smov.u32 s19  }
0x14e: {  	v30 =	vld [tilespmem:s4+$0x10];
	v31 =	vadd.f32 v31, v32  }
0x14f: {  	v33 =	vmul.f32 v28, v24;
	v35 =	vld [tilespmem:s4+$0x20]  }
0x150: {  	v36 =	vld [tilespmem:s19+$0xFFFFFFD0];
	v37 =	vmul.f32 v29, v24;
	[tilespmem:s19+$0x30] =	vst v31  }
0x151: {  	v38 =	vld [tilespmem:s19+$0xFFFFFFE0];
	v34 =	vmul.f32 v27, v24  }
.Ltmp4:
0x152: {  	v29 =	vld [tilespmem:s19+$0xFFFFFFF0];
	v32 =	vmul.f32 v26, v24;
	(pc) =	sbr.rel @p0 .LBB2_6-.Ltmp4, $4  }
0x153: {  	v26 =	vld [tilespmem:s19+$0x0];
	v28 =	vmul.f32 v30, v24  }
0x154: {  	v27 =	vld [tilespmem:s19+$0x10];
	v31 =	vmul.f32 v35, v24  }
0x155: {  	v36 =	vadd.f32 v33, v36;
	v30 =	vld [tilespmem:s19+$0x20]  }
0x156: {  	s4 =	sadd.s32 $0x400, s4;
	v33 =	vld [tilespmem:s19+$0xFFFFFFC0];
	v35 =	vadd.f32 v37, v38  }
0x157: {  	(v2sf) =	vpush v23, $0x1;
	_ =	sdelay $0x5  }
0x158: {  	[tilespmem:s19+$0xFFFFFFD0] =	vst v36;
	v24 =	vadd.f32 v34, v29  }
0x159: {  	[tilespmem:s20+$0xFFFFFFE0] =	vst v35;
	v26 =	vadd.f32 v32, v26  }
0x15a: {  	[tilespmem:s20+$0xFFFFFFF0] =	vst v24;
	v24 =	vadd.f32 v28, v27  }
0x15b: {  	[tilespmem:s20+$0x0] =	vst v26;
	v26 =	vadd.f32 v31, v30  }
0x15c: {  	v25 =	vadd.f32 v25, v33;
	[tilespmem:s20+$0x10] =	vst v24  }
0x15d: {  	[tilespmem:s20+$0x20] =	vst v26  }
0x15e: {  	[tilespmem:s20+$0xFFFFFFC0] =	vst v25  }
0x15f: {  	v25 =	vld [tilespmem:s29+$0x0]  }
0x160: {  	v26 =	vld [tilespmem:s29+$0xFFFFFF90]  }
0x161: {  	v28 =	vld [tilespmem:s29+$0xFFFFFFA0];
	s4 =	spop (v2sf)  }
0x162: {  	v30 =	vld [tilespmem:s29+$0xFFFFFFB0];
	s21 =	sshll.u32 s4, $0xB;
	s4 =	sand.u32 $0x7, s4  }
0x163: {  	v31 =	vld [tilespmem:s29+$0xFFFFFFC0];
	s19 =	sand.u32 $0xFFFFC000, s21;
	s4 =	sshll.u32 s4, $0x9  }
0x164: {  	v61 =	vld [tilespmem:s29+$0xFFFFFFD0];
	s4 =	sor.u32 s4, s19  }
0x165: {  	v62 =	vld [tilespmem:s29+$0xFFFFFFE0];
	s4 =	sshra.s32 s4, $0x2  }
0x166: {  	v35 =	vld [tilespmem:s29+$0xFFFFFFF0];
	s19 =	sadd.s32 $0x102C0, s4  }
0x167: {  	v27 =	vld [tilespmem:s19+$0x30]  }
0x168: {  	v24 =	vperm.xlane v22, v7;
	v36 =	vld [tilespmem:s19+$0xFFFFFFD0]  }
0x169: {  	v37 =	vld [tilespmem:s19+$0xFFFFFFE0]  }
0x16a: {  	v63 =	vmul.f32 v25, v24;
	v29 =	vld [tilespmem:s19+$0xFFFFFFF0]  }
0x16b: {  	v25 =	vmul.f32 v26, v24;
	v38 =	vmul.f32 v28, v24;
	v26 =	vld [tilespmem:s19+$0x0]  }
0x16c: {  	v40 =	vmul.f32 v30, v24;
	v39 =	vadd.f32 v63, v27;
	v27 =	vld [tilespmem:s19+$0x10]  }
0x16d: {  	v34 =	vmul.f32 v31, v24;
	v32 =	vmul.f32 v61, v24;
	v30 =	vld [tilespmem:s19+$0x20];
	v36 =	vadd.f32 v38, v36  }
0x16e: {  	v28 =	vmul.f32 v62, v24;
	v31 =	vmul.f32 v35, v24;
	s21 =	simm.s32 $0x0;
	s4 =	sadd.s32 $0x400, s29;
	v33 =	vld [tilespmem:s19+$0xFFFFFFC0];
	s20 =	smov.u32 s19;
	v35 =	vadd.f32 v40, v37;
	[tilespmem:s19+$0x30] =	vst v39  }
.LBB2_8:
0x16f: {  	v37 =	vld [tilespmem:s4+$0x0];
	s21 =	sadd.s32 $0x8, s21;
	[tilespmem:s19+$0xFFFFFFD0] =	vst v36;
	v29 =	vadd.f32 v34, v29  }
0x170: {  	s19 =	sadd.s32 $0x400, s19;
	v34 =	vld [tilespmem:s4+$0xFFFFFF90];
	p0 =	slt.u32 s21, $0x18;
	[tilespmem:s20+$0xFFFFFFE0] =	vst v35;
	v26 =	vadd.f32 v32, v26  }
0x171: {  	v32 =	vld [tilespmem:s19+$0x30];
	[tilespmem:s20+$0xFFFFFFF0] =	vst v29;
	v27 =	vadd.f32 v28, v27  }
0x172: {  	v28 =	vld [tilespmem:s4+$0xFFFFFFA0];
	[tilespmem:s20+$0x0] =	vst v26;
	v26 =	vadd.f32 v31, v30  }
0x173: {  	v29 =	vld [tilespmem:s4+$0xFFFFFFB0];
	v30 =	vadd.f32 v25, v33;
	[tilespmem:s20+$0x10] =	vst v27  }
0x174: {  	v27 =	vld [tilespmem:s4+$0xFFFFFFC0];
	v31 =	vmul.f32 v37, v24;
	[tilespmem:s20+$0x20] =	vst v26  }
0x175: {  	v25 =	vmul.f32 v34, v24;
	v26 =	vld [tilespmem:s4+$0xFFFFFFD0];
	[tilespmem:s20+$0xFFFFFFC0] =	vst v30;
	s20 =	smov.u32 s19  }
0x176: {  	v30 =	vld [tilespmem:s4+$0xFFFFFFE0];
	v31 =	vadd.f32 v31, v32  }
0x177: {  	v33 =	vmul.f32 v28, v24;
	v35 =	vld [tilespmem:s4+$0xFFFFFFF0]  }
0x178: {  	v36 =	vld [tilespmem:s19+$0xFFFFFFD0];
	v37 =	vmul.f32 v29, v24;
	[tilespmem:s19+$0x30] =	vst v31  }
0x179: {  	v38 =	vld [tilespmem:s19+$0xFFFFFFE0];
	v34 =	vmul.f32 v27, v24  }
.Ltmp5:
0x17a: {  	v29 =	vld [tilespmem:s19+$0xFFFFFFF0];
	v32 =	vmul.f32 v26, v24;
	(pc) =	sbr.rel @p0 .LBB2_8-.Ltmp5, $4  }
0x17b: {  	v26 =	vld [tilespmem:s19+$0x0];
	v28 =	vmul.f32 v30, v24  }
0x17c: {  	v27 =	vld [tilespmem:s19+$0x10];
	v31 =	vmul.f32 v35, v24  }
0x17d: {  	v36 =	vadd.f32 v33, v36;
	v30 =	vld [tilespmem:s19+$0x20]  }
0x17e: {  	s4 =	sadd.s32 $0x400, s4;
	v33 =	vld [tilespmem:s19+$0xFFFFFFC0];
	v35 =	vadd.f32 v37, v38  }
0x17f: {  	(v2sf) =	vpush v23, $0x2;
	_ =	sdelay $0x5  }
0x180: {  	[tilespmem:s19+$0xFFFFFFD0] =	vst v36;
	v24 =	vadd.f32 v34, v29  }
0x181: {  	[tilespmem:s20+$0xFFFFFFE0] =	vst v35;
	v26 =	vadd.f32 v32, v26  }
0x182: {  	[tilespmem:s20+$0xFFFFFFF0] =	vst v24;
	v24 =	vadd.f32 v28, v27  }
0x183: {  	[tilespmem:s20+$0x0] =	vst v26;
	v26 =	vadd.f32 v31, v30  }
0x184: {  	v25 =	vadd.f32 v25, v33;
	[tilespmem:s20+$0x10] =	vst v24  }
0x185: {  	[tilespmem:s20+$0x20] =	vst v26  }
0x186: {  	[tilespmem:s20+$0xFFFFFFC0] =	vst v25  }
0x187: {  	v25 =	vld [tilespmem:s30+$0x0]  }
0x188: {  	v26 =	vld [tilespmem:s30+$0xFFFFFF90]  }
0x189: {  	v28 =	vld [tilespmem:s30+$0xFFFFFFA0];
	s4 =	spop (v2sf)  }
0x18a: {  	v30 =	vld [tilespmem:s30+$0xFFFFFFB0];
	s21 =	sshll.u32 s4, $0xB;
	s4 =	sand.u32 $0x7, s4  }
0x18b: {  	v31 =	vld [tilespmem:s30+$0xFFFFFFC0];
	s19 =	sand.u32 $0xFFFFC000, s21;
	s4 =	sshll.u32 s4, $0x9  }
0x18c: {  	v61 =	vld [tilespmem:s30+$0xFFFFFFD0];
	s4 =	sor.u32 s4, s19  }
0x18d: {  	v62 =	vld [tilespmem:s30+$0xFFFFFFE0];
	s4 =	sshra.s32 s4, $0x2  }
0x18e: {  	v35 =	vld [tilespmem:s30+$0xFFFFFFF0];
	s19 =	sadd.s32 $0x102C0, s4  }
0x18f: {  	v27 =	vld [tilespmem:s19+$0x30]  }
0x190: {  	v24 =	vperm.xlane v22, v8;
	v36 =	vld [tilespmem:s19+$0xFFFFFFD0]  }
0x191: {  	v37 =	vld [tilespmem:s19+$0xFFFFFFE0]  }
0x192: {  	v63 =	vmul.f32 v25, v24;
	v29 =	vld [tilespmem:s19+$0xFFFFFFF0]  }
0x193: {  	v25 =	vmul.f32 v26, v24;
	v38 =	vmul.f32 v28, v24;
	v26 =	vld [tilespmem:s19+$0x0]  }
0x194: {  	v40 =	vmul.f32 v30, v24;
	v39 =	vadd.f32 v63, v27;
	v27 =	vld [tilespmem:s19+$0x10]  }
0x195: {  	v34 =	vmul.f32 v31, v24;
	v32 =	vmul.f32 v61, v24;
	v30 =	vld [tilespmem:s19+$0x20];
	v36 =	vadd.f32 v38, v36  }
0x196: {  	v28 =	vmul.f32 v62, v24;
	v31 =	vmul.f32 v35, v24;
	s21 =	simm.s32 $0x0;
	s4 =	sadd.s32 $0x400, s30;
	v33 =	vld [tilespmem:s19+$0xFFFFFFC0];
	s20 =	smov.u32 s19;
	v35 =	vadd.f32 v40, v37;
	[tilespmem:s19+$0x30] =	vst v39  }
.LBB2_10:
0x197: {  	v37 =	vld [tilespmem:s4+$0x0];
	s21 =	sadd.s32 $0x8, s21;
	[tilespmem:s19+$0xFFFFFFD0] =	vst v36;
	v29 =	vadd.f32 v34, v29  }
0x198: {  	s19 =	sadd.s32 $0x400, s19;
	v34 =	vld [tilespmem:s4+$0xFFFFFF90];
	p0 =	slt.u32 s21, $0x18;
	[tilespmem:s20+$0xFFFFFFE0] =	vst v35;
	v26 =	vadd.f32 v32, v26  }
0x199: {  	v32 =	vld [tilespmem:s19+$0x30];
	[tilespmem:s20+$0xFFFFFFF0] =	vst v29;
	v27 =	vadd.f32 v28, v27  }
0x19a: {  	v28 =	vld [tilespmem:s4+$0xFFFFFFA0];
	[tilespmem:s20+$0x0] =	vst v26;
	v26 =	vadd.f32 v31, v30  }
0x19b: {  	v29 =	vld [tilespmem:s4+$0xFFFFFFB0];
	v30 =	vadd.f32 v25, v33;
	[tilespmem:s20+$0x10] =	vst v27  }
0x19c: {  	v27 =	vld [tilespmem:s4+$0xFFFFFFC0];
	v31 =	vmul.f32 v37, v24;
	[tilespmem:s20+$0x20] =	vst v26  }
0x19d: {  	v25 =	vmul.f32 v34, v24;
	v26 =	vld [tilespmem:s4+$0xFFFFFFD0];
	[tilespmem:s20+$0xFFFFFFC0] =	vst v30;
	s20 =	smov.u32 s19  }
0x19e: {  	v30 =	vld [tilespmem:s4+$0xFFFFFFE0];
	v31 =	vadd.f32 v31, v32  }
0x19f: {  	v33 =	vmul.f32 v28, v24;
	v35 =	vld [tilespmem:s4+$0xFFFFFFF0]  }
0x1a0: {  	v36 =	vld [tilespmem:s19+$0xFFFFFFD0];
	v37 =	vmul.f32 v29, v24;
	[tilespmem:s19+$0x30] =	vst v31  }
0x1a1: {  	v38 =	vld [tilespmem:s19+$0xFFFFFFE0];
	v34 =	vmul.f32 v27, v24  }
.Ltmp6:
0x1a2: {  	v29 =	vld [tilespmem:s19+$0xFFFFFFF0];
	v32 =	vmul.f32 v26, v24;
	(pc) =	sbr.rel @p0 .LBB2_10-.Ltmp6, $4  }
0x1a3: {  	v26 =	vld [tilespmem:s19+$0x0];
	v28 =	vmul.f32 v30, v24  }
0x1a4: {  	v27 =	vld [tilespmem:s19+$0x10];
	v31 =	vmul.f32 v35, v24  }
0x1a5: {  	v36 =	vadd.f32 v33, v36;
	v30 =	vld [tilespmem:s19+$0x20]  }
0x1a6: {  	s4 =	sadd.s32 $0x400, s4;
	v33 =	vld [tilespmem:s19+$0xFFFFFFC0];
	v35 =	vadd.f32 v37, v38  }
0x1a7: {  	(v2sf) =	vpush v23, $0x3;
	_ =	sdelay $0x5  }
0x1a8: {  	[tilespmem:s19+$0xFFFFFFD0] =	vst v36;
	v24 =	vadd.f32 v34, v29  }
0x1a9: {  	[tilespmem:s20+$0xFFFFFFE0] =	vst v35;
	v26 =	vadd.f32 v32, v26  }
0x1aa: {  	[tilespmem:s20+$0xFFFFFFF0] =	vst v24;
	v24 =	vadd.f32 v28, v27  }
0x1ab: {  	[tilespmem:s20+$0x0] =	vst v26;
	v26 =	vadd.f32 v31, v30  }
0x1ac: {  	v25 =	vadd.f32 v25, v33;
	[tilespmem:s20+$0x10] =	vst v24  }
0x1ad: {  	[tilespmem:s20+$0x20] =	vst v26  }
0x1ae: {  	[tilespmem:s20+$0xFFFFFFC0] =	vst v25  }
0x1af: {  	v25 =	vld [tilespmem:s31+$0x0]  }
0x1b0: {  	v26 =	vld [tilespmem:s31+$0xFFFFFF90]  }
0x1b1: {  	v28 =	vld [tilespmem:s31+$0xFFFFFFA0];
	s4 =	spop (v2sf)  }
0x1b2: {  	v30 =	vld [tilespmem:s31+$0xFFFFFFB0];
	s21 =	sshll.u32 s4, $0xB;
	s4 =	sand.u32 $0x7, s4  }
0x1b3: {  	v31 =	vld [tilespmem:s31+$0xFFFFFFC0];
	s19 =	sand.u32 $0xFFFFC000, s21;
	s4 =	sshll.u32 s4, $0x9  }
0x1b4: {  	v61 =	vld [tilespmem:s31+$0xFFFFFFD0];
	s4 =	sor.u32 s4, s19  }
0x1b5: {  	v62 =	vld [tilespmem:s31+$0xFFFFFFE0];
	s4 =	sshra.s32 s4, $0x2  }
0x1b6: {  	v35 =	vld [tilespmem:s31+$0xFFFFFFF0];
	s19 =	sadd.s32 $0x102C0, s4  }
0x1b7: {  	v27 =	vld [tilespmem:s19+$0x30]  }
0x1b8: {  	v24 =	vperm.xlane v22, v9;
	v36 =	vld [tilespmem:s19+$0xFFFFFFD0]  }
0x1b9: {  	v37 =	vld [tilespmem:s19+$0xFFFFFFE0]  }
0x1ba: {  	v63 =	vmul.f32 v25, v24;
	v29 =	vld [tilespmem:s19+$0xFFFFFFF0]  }
0x1bb: {  	v25 =	vmul.f32 v26, v24;
	v38 =	vmul.f32 v28, v24;
	v26 =	vld [tilespmem:s19+$0x0]  }
0x1bc: {  	v40 =	vmul.f32 v30, v24;
	v39 =	vadd.f32 v63, v27;
	v27 =	vld [tilespmem:s19+$0x10]  }
0x1bd: {  	v34 =	vmul.f32 v31, v24;
	v32 =	vmul.f32 v61, v24;
	v30 =	vld [tilespmem:s19+$0x20];
	v36 =	vadd.f32 v38, v36  }
0x1be: {  	v28 =	vmul.f32 v62, v24;
	v31 =	vmul.f32 v35, v24;
	s21 =	simm.s32 $0x0;
	s4 =	sadd.s32 $0x400, s31;
	v33 =	vld [tilespmem:s19+$0xFFFFFFC0];
	s20 =	smov.u32 s19;
	v35 =	vadd.f32 v40, v37;
	[tilespmem:s19+$0x30] =	vst v39  }
.LBB2_12:
0x1bf: {  	v37 =	vld [tilespmem:s4+$0x0];
	s21 =	sadd.s32 $0x8, s21;
	[tilespmem:s19+$0xFFFFFFD0] =	vst v36;
	v29 =	vadd.f32 v34, v29  }
0x1c0: {  	s19 =	sadd.s32 $0x400, s19;
	v34 =	vld [tilespmem:s4+$0xFFFFFF90];
	p0 =	slt.u32 s21, $0x18;
	[tilespmem:s20+$0xFFFFFFE0] =	vst v35;
	v26 =	vadd.f32 v32, v26  }
0x1c1: {  	v32 =	vld [tilespmem:s19+$0x30];
	[tilespmem:s20+$0xFFFFFFF0] =	vst v29;
	v27 =	vadd.f32 v28, v27  }
0x1c2: {  	v28 =	vld [tilespmem:s4+$0xFFFFFFA0];
	[tilespmem:s20+$0x0] =	vst v26;
	v26 =	vadd.f32 v31, v30  }
0x1c3: {  	v29 =	vld [tilespmem:s4+$0xFFFFFFB0];
	v30 =	vadd.f32 v25, v33;
	[tilespmem:s20+$0x10] =	vst v27  }
0x1c4: {  	v27 =	vld [tilespmem:s4+$0xFFFFFFC0];
	v31 =	vmul.f32 v37, v24;
	[tilespmem:s20+$0x20] =	vst v26  }
0x1c5: {  	v25 =	vmul.f32 v34, v24;
	v26 =	vld [tilespmem:s4+$0xFFFFFFD0];
	[tilespmem:s20+$0xFFFFFFC0] =	vst v30;
	s20 =	smov.u32 s19  }
0x1c6: {  	v30 =	vld [tilespmem:s4+$0xFFFFFFE0];
	v31 =	vadd.f32 v31, v32  }
0x1c7: {  	v33 =	vmul.f32 v28, v24;
	v35 =	vld [tilespmem:s4+$0xFFFFFFF0]  }
0x1c8: {  	v36 =	vld [tilespmem:s19+$0xFFFFFFD0];
	v37 =	vmul.f32 v29, v24;
	[tilespmem:s19+$0x30] =	vst v31  }
0x1c9: {  	v38 =	vld [tilespmem:s19+$0xFFFFFFE0];
	v34 =	vmul.f32 v27, v24  }
.Ltmp7:
0x1ca: {  	v29 =	vld [tilespmem:s19+$0xFFFFFFF0];
	v32 =	vmul.f32 v26, v24;
	(pc) =	sbr.rel @p0 .LBB2_12-.Ltmp7, $4  }
0x1cb: {  	v26 =	vld [tilespmem:s19+$0x0];
	v28 =	vmul.f32 v30, v24  }
0x1cc: {  	v27 =	vld [tilespmem:s19+$0x10];
	v31 =	vmul.f32 v35, v24  }
0x1cd: {  	v36 =	vadd.f32 v33, v36;
	v30 =	vld [tilespmem:s19+$0x20]  }
0x1ce: {  	s4 =	sadd.s32 $0x400, s4;
	v33 =	vld [tilespmem:s19+$0xFFFFFFC0];
	v35 =	vadd.f32 v37, v38  }
0x1cf: {  	(v2sf) =	vpush v23, $0x4;
	_ =	sdelay $0x5  }
0x1d0: {  	[tilespmem:s19+$0xFFFFFFD0] =	vst v36;
	v24 =	vadd.f32 v34, v29  }
0x1d1: {  	[tilespmem:s20+$0xFFFFFFE0] =	vst v35;
	v26 =	vadd.f32 v32, v26  }
0x1d2: {  	[tilespmem:s20+$0xFFFFFFF0] =	vst v24;
	v24 =	vadd.f32 v28, v27  }
0x1d3: {  	[tilespmem:s20+$0x0] =	vst v26;
	v26 =	vadd.f32 v31, v30  }
0x1d4: {  	v25 =	vadd.f32 v25, v33;
	[tilespmem:s20+$0x10] =	vst v24  }
0x1d5: {  	[tilespmem:s20+$0x20] =	vst v26  }
0x1d6: {  	[tilespmem:s20+$0xFFFFFFC0] =	vst v25  }
0x1d7: {  	v25 =	vld [tilespmem:s0+$0x0]  }
0x1d8: {  	v26 =	vld [tilespmem:s0+$0xFFFFFF90]  }
0x1d9: {  	v28 =	vld [tilespmem:s0+$0xFFFFFFA0];
	s4 =	spop (v2sf)  }
0x1da: {  	v30 =	vld [tilespmem:s0+$0xFFFFFFB0];
	s21 =	sshll.u32 s4, $0xB;
	s4 =	sand.u32 $0x7, s4  }
0x1db: {  	v31 =	vld [tilespmem:s0+$0xFFFFFFC0];
	s19 =	sand.u32 $0xFFFFC000, s21;
	s4 =	sshll.u32 s4, $0x9  }
0x1dc: {  	v61 =	vld [tilespmem:s0+$0xFFFFFFD0];
	s4 =	sor.u32 s4, s19  }
0x1dd: {  	v62 =	vld [tilespmem:s0+$0xFFFFFFE0];
	s4 =	sshra.s32 s4, $0x2  }
0x1de: {  	v35 =	vld [tilespmem:s0+$0xFFFFFFF0];
	s19 =	sadd.s32 $0x102C0, s4  }
0x1df: {  	v27 =	vld [tilespmem:s19+$0x30]  }
0x1e0: {  	v24 =	vperm.xlane v22, v10;
	v36 =	vld [tilespmem:s19+$0xFFFFFFD0]  }
0x1e1: {  	v37 =	vld [tilespmem:s19+$0xFFFFFFE0]  }
0x1e2: {  	v63 =	vmul.f32 v25, v24;
	v29 =	vld [tilespmem:s19+$0xFFFFFFF0]  }
0x1e3: {  	v25 =	vmul.f32 v26, v24;
	v38 =	vmul.f32 v28, v24;
	v26 =	vld [tilespmem:s19+$0x0]  }
0x1e4: {  	v40 =	vmul.f32 v30, v24;
	v39 =	vadd.f32 v63, v27;
	v27 =	vld [tilespmem:s19+$0x10]  }
0x1e5: {  	v34 =	vmul.f32 v31, v24;
	v32 =	vmul.f32 v61, v24;
	v30 =	vld [tilespmem:s19+$0x20];
	v36 =	vadd.f32 v38, v36  }
0x1e6: {  	v28 =	vmul.f32 v62, v24;
	v31 =	vmul.f32 v35, v24;
	s21 =	simm.s32 $0x0;
	s4 =	sadd.s32 $0x400, s0;
	v33 =	vld [tilespmem:s19+$0xFFFFFFC0];
	s20 =	smov.u32 s19;
	v35 =	vadd.f32 v40, v37;
	[tilespmem:s19+$0x30] =	vst v39  }
.LBB2_14:
0x1e7: {  	v37 =	vld [tilespmem:s4+$0x0];
	s21 =	sadd.s32 $0x8, s21;
	[tilespmem:s19+$0xFFFFFFD0] =	vst v36;
	v29 =	vadd.f32 v34, v29  }
0x1e8: {  	s19 =	sadd.s32 $0x400, s19;
	v34 =	vld [tilespmem:s4+$0xFFFFFF90];
	p0 =	slt.u32 s21, $0x18;
	[tilespmem:s20+$0xFFFFFFE0] =	vst v35;
	v26 =	vadd.f32 v32, v26  }
0x1e9: {  	v32 =	vld [tilespmem:s19+$0x30];
	[tilespmem:s20+$0xFFFFFFF0] =	vst v29;
	v27 =	vadd.f32 v28, v27  }
0x1ea: {  	v28 =	vld [tilespmem:s4+$0xFFFFFFA0];
	[tilespmem:s20+$0x0] =	vst v26;
	v26 =	vadd.f32 v31, v30  }
0x1eb: {  	v29 =	vld [tilespmem:s4+$0xFFFFFFB0];
	v30 =	vadd.f32 v25, v33;
	[tilespmem:s20+$0x10] =	vst v27  }
0x1ec: {  	v27 =	vld [tilespmem:s4+$0xFFFFFFC0];
	v31 =	vmul.f32 v37, v24;
	[tilespmem:s20+$0x20] =	vst v26  }
0x1ed: {  	v25 =	vmul.f32 v34, v24;
	v26 =	vld [tilespmem:s4+$0xFFFFFFD0];
	[tilespmem:s20+$0xFFFFFFC0] =	vst v30;
	s20 =	smov.u32 s19  }
0x1ee: {  	v30 =	vld [tilespmem:s4+$0xFFFFFFE0];
	v31 =	vadd.f32 v31, v32  }
0x1ef: {  	v33 =	vmul.f32 v28, v24;
	v35 =	vld [tilespmem:s4+$0xFFFFFFF0]  }
0x1f0: {  	v36 =	vld [tilespmem:s19+$0xFFFFFFD0];
	v37 =	vmul.f32 v29, v24;
	[tilespmem:s19+$0x30] =	vst v31  }
0x1f1: {  	v38 =	vld [tilespmem:s19+$0xFFFFFFE0];
	v34 =	vmul.f32 v27, v24  }
.Ltmp8:
0x1f2: {  	v29 =	vld [tilespmem:s19+$0xFFFFFFF0];
	v32 =	vmul.f32 v26, v24;
	(pc) =	sbr.rel @p0 .LBB2_14-.Ltmp8, $4  }
0x1f3: {  	v26 =	vld [tilespmem:s19+$0x0];
	v28 =	vmul.f32 v30, v24  }
0x1f4: {  	v27 =	vld [tilespmem:s19+$0x10];
	v31 =	vmul.f32 v35, v24  }
0x1f5: {  	v36 =	vadd.f32 v33, v36;
	v30 =	vld [tilespmem:s19+$0x20]  }
0x1f6: {  	s4 =	sadd.s32 $0x400, s4;
	v33 =	vld [tilespmem:s19+$0xFFFFFFC0];
	v35 =	vadd.f32 v37, v38  }
0x1f7: {  	(v2sf) =	vpush v23, $0x5;
	_ =	sdelay $0x5  }
0x1f8: {  	[tilespmem:s19+$0xFFFFFFD0] =	vst v36;
	v24 =	vadd.f32 v34, v29  }
0x1f9: {  	[tilespmem:s20+$0xFFFFFFE0] =	vst v35;
	v26 =	vadd.f32 v32, v26  }
0x1fa: {  	[tilespmem:s20+$0xFFFFFFF0] =	vst v24;
	v24 =	vadd.f32 v28, v27  }
0x1fb: {  	[tilespmem:s20+$0x0] =	vst v26;
	v26 =	vadd.f32 v31, v30  }
0x1fc: {  	v25 =	vadd.f32 v25, v33;
	[tilespmem:s20+$0x10] =	vst v24  }
0x1fd: {  	[tilespmem:s20+$0x20] =	vst v26  }
0x1fe: {  	[tilespmem:s20+$0xFFFFFFC0] =	vst v25  }
0x1ff: {  	v25 =	vld [tilespmem:s2+$0x0]  }
0x200: {  	v26 =	vld [tilespmem:s2+$0xFFFFFF90]  }
0x201: {  	v28 =	vld [tilespmem:s2+$0xFFFFFFA0];
	s4 =	spop (v2sf)  }
0x202: {  	v30 =	vld [tilespmem:s2+$0xFFFFFFB0];
	s21 =	sshll.u32 s4, $0xB;
	s4 =	sand.u32 $0x7, s4  }
0x203: {  	v31 =	vld [tilespmem:s2+$0xFFFFFFC0];
	s19 =	sand.u32 $0xFFFFC000, s21;
	s4 =	sshll.u32 s4, $0x9  }
0x204: {  	v61 =	vld [tilespmem:s2+$0xFFFFFFD0];
	s4 =	sor.u32 s4, s19  }
0x205: {  	v62 =	vld [tilespmem:s2+$0xFFFFFFE0];
	s4 =	sshra.s32 s4, $0x2  }
0x206: {  	v35 =	vld [tilespmem:s2+$0xFFFFFFF0];
	s19 =	sadd.s32 $0x102C0, s4  }
0x207: {  	v27 =	vld [tilespmem:s19+$0x30]  }
0x208: {  	v24 =	vperm.xlane v22, v11;
	v36 =	vld [tilespmem:s19+$0xFFFFFFD0]  }
0x209: {  	v37 =	vld [tilespmem:s19+$0xFFFFFFE0]  }
0x20a: {  	v63 =	vmul.f32 v25, v24;
	v29 =	vld [tilespmem:s19+$0xFFFFFFF0]  }
0x20b: {  	v25 =	vmul.f32 v26, v24;
	v38 =	vmul.f32 v28, v24;
	v26 =	vld [tilespmem:s19+$0x0]  }
0x20c: {  	v40 =	vmul.f32 v30, v24;
	v39 =	vadd.f32 v63, v27;
	v27 =	vld [tilespmem:s19+$0x10]  }
0x20d: {  	v34 =	vmul.f32 v31, v24;
	v32 =	vmul.f32 v61, v24;
	v30 =	vld [tilespmem:s19+$0x20];
	v36 =	vadd.f32 v38, v36  }
0x20e: {  	v28 =	vmul.f32 v62, v24;
	v31 =	vmul.f32 v35, v24;
	s21 =	simm.s32 $0x0;
	s4 =	sadd.s32 $0x400, s2;
	v33 =	vld [tilespmem:s19+$0xFFFFFFC0];
	s20 =	smov.u32 s19;
	v35 =	vadd.f32 v40, v37;
	[tilespmem:s19+$0x30] =	vst v39  }
.LBB2_16:
0x20f: {  	v37 =	vld [tilespmem:s4+$0x0];
	s21 =	sadd.s32 $0x8, s21;
	[tilespmem:s19+$0xFFFFFFD0] =	vst v36;
	v29 =	vadd.f32 v34, v29  }
0x210: {  	s19 =	sadd.s32 $0x400, s19;
	v34 =	vld [tilespmem:s4+$0xFFFFFF90];
	p0 =	slt.u32 s21, $0x18;
	[tilespmem:s20+$0xFFFFFFE0] =	vst v35;
	v26 =	vadd.f32 v32, v26  }
0x211: {  	v32 =	vld [tilespmem:s19+$0x30];
	[tilespmem:s20+$0xFFFFFFF0] =	vst v29;
	v27 =	vadd.f32 v28, v27  }
0x212: {  	v28 =	vld [tilespmem:s4+$0xFFFFFFA0];
	[tilespmem:s20+$0x0] =	vst v26;
	v26 =	vadd.f32 v31, v30  }
0x213: {  	v29 =	vld [tilespmem:s4+$0xFFFFFFB0];
	v30 =	vadd.f32 v25, v33;
	[tilespmem:s20+$0x10] =	vst v27  }
0x214: {  	v27 =	vld [tilespmem:s4+$0xFFFFFFC0];
	v31 =	vmul.f32 v37, v24;
	[tilespmem:s20+$0x20] =	vst v26  }
0x215: {  	v25 =	vmul.f32 v34, v24;
	v26 =	vld [tilespmem:s4+$0xFFFFFFD0];
	[tilespmem:s20+$0xFFFFFFC0] =	vst v30;
	s20 =	smov.u32 s19  }
0x216: {  	v30 =	vld [tilespmem:s4+$0xFFFFFFE0];
	v31 =	vadd.f32 v31, v32  }
0x217: {  	v33 =	vmul.f32 v28, v24;
	v35 =	vld [tilespmem:s4+$0xFFFFFFF0]  }
0x218: {  	v36 =	vld [tilespmem:s19+$0xFFFFFFD0];
	v37 =	vmul.f32 v29, v24;
	[tilespmem:s19+$0x30] =	vst v31  }
0x219: {  	v38 =	vld [tilespmem:s19+$0xFFFFFFE0];
	v34 =	vmul.f32 v27, v24  }
.Ltmp9:
0x21a: {  	v29 =	vld [tilespmem:s19+$0xFFFFFFF0];
	v32 =	vmul.f32 v26, v24;
	(pc) =	sbr.rel @p0 .LBB2_16-.Ltmp9, $4  }
0x21b: {  	v26 =	vld [tilespmem:s19+$0x0];
	v28 =	vmul.f32 v30, v24  }
0x21c: {  	v27 =	vld [tilespmem:s19+$0x10];
	v31 =	vmul.f32 v35, v24  }
0x21d: {  	v36 =	vadd.f32 v33, v36;
	v30 =	vld [tilespmem:s19+$0x20]  }
0x21e: {  	s4 =	sadd.s32 $0x400, s4;
	v33 =	vld [tilespmem:s19+$0xFFFFFFC0];
	v35 =	vadd.f32 v37, v38  }
0x21f: {  	(v2sf) =	vpush v23, $0x6;
	_ =	sdelay $0x5  }
0x220: {  	[tilespmem:s19+$0xFFFFFFD0] =	vst v36;
	v24 =	vadd.f32 v34, v29  }
0x221: {  	[tilespmem:s20+$0xFFFFFFE0] =	vst v35;
	v26 =	vadd.f32 v32, v26  }
0x222: {  	[tilespmem:s20+$0xFFFFFFF0] =	vst v24;
	v24 =	vadd.f32 v28, v27  }
0x223: {  	[tilespmem:s20+$0x0] =	vst v26;
	v26 =	vadd.f32 v31, v30  }
0x224: {  	v25 =	vadd.f32 v25, v33;
	[tilespmem:s20+$0x10] =	vst v24  }
0x225: {  	[tilespmem:s20+$0x20] =	vst v26  }
0x226: {  	[tilespmem:s20+$0xFFFFFFC0] =	vst v25  }
0x227: {  	v25 =	vld [tilespmem:s11+$0x0]  }
0x228: {  	v26 =	vld [tilespmem:s11+$0xFFFFFF90]  }
0x229: {  	v28 =	vld [tilespmem:s11+$0xFFFFFFA0];
	s4 =	spop (v2sf)  }
0x22a: {  	v30 =	vld [tilespmem:s11+$0xFFFFFFB0];
	s21 =	sshll.u32 s4, $0xB;
	s4 =	sand.u32 $0x7, s4  }
0x22b: {  	v31 =	vld [tilespmem:s11+$0xFFFFFFC0];
	s19 =	sand.u32 $0xFFFFC000, s21;
	s4 =	sshll.u32 s4, $0x9  }
0x22c: {  	v61 =	vld [tilespmem:s11+$0xFFFFFFD0];
	s4 =	sor.u32 s4, s19  }
0x22d: {  	v62 =	vld [tilespmem:s11+$0xFFFFFFE0];
	s4 =	sshra.s32 s4, $0x2  }
0x22e: {  	v35 =	vld [tilespmem:s11+$0xFFFFFFF0];
	s19 =	sadd.s32 $0x102C0, s4  }
0x22f: {  	v27 =	vld [tilespmem:s19+$0x30]  }
0x230: {  	v24 =	vperm.xlane v22, v12;
	v36 =	vld [tilespmem:s19+$0xFFFFFFD0]  }
0x231: {  	v37 =	vld [tilespmem:s19+$0xFFFFFFE0]  }
0x232: {  	v63 =	vmul.f32 v25, v24;
	v29 =	vld [tilespmem:s19+$0xFFFFFFF0]  }
0x233: {  	v25 =	vmul.f32 v26, v24;
	v38 =	vmul.f32 v28, v24;
	v26 =	vld [tilespmem:s19+$0x0]  }
0x234: {  	v40 =	vmul.f32 v30, v24;
	v39 =	vadd.f32 v63, v27;
	v27 =	vld [tilespmem:s19+$0x10]  }
0x235: {  	v34 =	vmul.f32 v31, v24;
	v32 =	vmul.f32 v61, v24;
	v30 =	vld [tilespmem:s19+$0x20];
	v36 =	vadd.f32 v38, v36  }
0x236: {  	v28 =	vmul.f32 v62, v24;
	v31 =	vmul.f32 v35, v24;
	s21 =	simm.s32 $0x0;
	s4 =	sadd.s32 $0x400, s11;
	v33 =	vld [tilespmem:s19+$0xFFFFFFC0];
	s20 =	smov.u32 s19;
	v35 =	vadd.f32 v40, v37;
	[tilespmem:s19+$0x30] =	vst v39  }
.LBB2_18:
0x237: {  	v37 =	vld [tilespmem:s4+$0x0];
	s21 =	sadd.s32 $0x8, s21;
	[tilespmem:s19+$0xFFFFFFD0] =	vst v36;
	v29 =	vadd.f32 v34, v29  }
0x238: {  	s19 =	sadd.s32 $0x400, s19;
	v34 =	vld [tilespmem:s4+$0xFFFFFF90];
	p0 =	slt.u32 s21, $0x18;
	[tilespmem:s20+$0xFFFFFFE0] =	vst v35;
	v26 =	vadd.f32 v32, v26  }
0x239: {  	v32 =	vld [tilespmem:s19+$0x30];
	[tilespmem:s20+$0xFFFFFFF0] =	vst v29;
	v27 =	vadd.f32 v28, v27  }
0x23a: {  	v28 =	vld [tilespmem:s4+$0xFFFFFFA0];
	[tilespmem:s20+$0x0] =	vst v26;
	v26 =	vadd.f32 v31, v30  }
0x23b: {  	v29 =	vld [tilespmem:s4+$0xFFFFFFB0];
	v30 =	vadd.f32 v25, v33;
	[tilespmem:s20+$0x10] =	vst v27  }
0x23c: {  	v27 =	vld [tilespmem:s4+$0xFFFFFFC0];
	v31 =	vmul.f32 v37, v24;
	[tilespmem:s20+$0x20] =	vst v26  }
0x23d: {  	v25 =	vmul.f32 v34, v24;
	v26 =	vld [tilespmem:s4+$0xFFFFFFD0];
	[tilespmem:s20+$0xFFFFFFC0] =	vst v30;
	s20 =	smov.u32 s19  }
0x23e: {  	v30 =	vld [tilespmem:s4+$0xFFFFFFE0];
	v31 =	vadd.f32 v31, v32  }
0x23f: {  	v33 =	vmul.f32 v28, v24;
	v35 =	vld [tilespmem:s4+$0xFFFFFFF0]  }
0x240: {  	v36 =	vld [tilespmem:s19+$0xFFFFFFD0];
	v37 =	vmul.f32 v29, v24;
	[tilespmem:s19+$0x30] =	vst v31  }
0x241: {  	v38 =	vld [tilespmem:s19+$0xFFFFFFE0];
	v34 =	vmul.f32 v27, v24  }
.Ltmp10:
0x242: {  	v29 =	vld [tilespmem:s19+$0xFFFFFFF0];
	v32 =	vmul.f32 v26, v24;
	(pc) =	sbr.rel @p0 .LBB2_18-.Ltmp10, $4  }
0x243: {  	v26 =	vld [tilespmem:s19+$0x0];
	v28 =	vmul.f32 v30, v24  }
0x244: {  	v27 =	vld [tilespmem:s19+$0x10];
	v31 =	vmul.f32 v35, v24  }
0x245: {  	v36 =	vadd.f32 v33, v36;
	v30 =	vld [tilespmem:s19+$0x20]  }
0x246: {  	s4 =	sadd.s32 $0x400, s4;
	v33 =	vld [tilespmem:s19+$0xFFFFFFC0];
	v35 =	vadd.f32 v37, v38  }
0x247: {  	(v2sf) =	vpush v23, $0x7;
	_ =	sdelay $0x5  }
0x248: {  	[tilespmem:s19+$0xFFFFFFD0] =	vst v36;
	v24 =	vadd.f32 v34, v29  }
0x249: {  	[tilespmem:s20+$0xFFFFFFE0] =	vst v35;
	v26 =	vadd.f32 v32, v26  }
0x24a: {  	[tilespmem:s20+$0xFFFFFFF0] =	vst v24;
	v24 =	vadd.f32 v28, v27  }
0x24b: {  	[tilespmem:s20+$0x0] =	vst v26;
	v26 =	vadd.f32 v31, v30  }
0x24c: {  	v25 =	vadd.f32 v25, v33;
	[tilespmem:s20+$0x10] =	vst v24  }
0x24d: {  	[tilespmem:s20+$0x20] =	vst v26  }
0x24e: {  	[tilespmem:s20+$0xFFFFFFC0] =	vst v25  }
0x24f: {  	v25 =	vld [tilespmem:s7+$0x0]  }
0x250: {  	v26 =	vld [tilespmem:s7+$0xFFFFFF90]  }
0x251: {  	v28 =	vld [tilespmem:s7+$0xFFFFFFA0];
	s4 =	spop (v2sf)  }
0x252: {  	v30 =	vld [tilespmem:s7+$0xFFFFFFB0];
	s21 =	sshll.u32 s4, $0xB;
	s4 =	sand.u32 $0x7, s4  }
0x253: {  	v31 =	vld [tilespmem:s7+$0xFFFFFFC0];
	s19 =	sand.u32 $0xFFFFC000, s21;
	s4 =	sshll.u32 s4, $0x9  }
0x254: {  	v61 =	vld [tilespmem:s7+$0xFFFFFFD0];
	s4 =	sor.u32 s4, s19  }
0x255: {  	v62 =	vld [tilespmem:s7+$0xFFFFFFE0];
	s4 =	sshra.s32 s4, $0x2  }
0x256: {  	v35 =	vld [tilespmem:s7+$0xFFFFFFF0];
	s19 =	sadd.s32 $0x102C0, s4  }
0x257: {  	v27 =	vld [tilespmem:s19+$0x30]  }
0x258: {  	v24 =	vperm.xlane v22, v13;
	v36 =	vld [tilespmem:s19+$0xFFFFFFD0]  }
0x259: {  	v37 =	vld [tilespmem:s19+$0xFFFFFFE0]  }
0x25a: {  	v63 =	vmul.f32 v25, v24;
	v29 =	vld [tilespmem:s19+$0xFFFFFFF0]  }
0x25b: {  	v25 =	vmul.f32 v26, v24;
	v38 =	vmul.f32 v28, v24;
	v26 =	vld [tilespmem:s19+$0x0]  }
0x25c: {  	v40 =	vmul.f32 v30, v24;
	v39 =	vadd.f32 v63, v27;
	v27 =	vld [tilespmem:s19+$0x10]  }
0x25d: {  	v34 =	vmul.f32 v31, v24;
	v32 =	vmul.f32 v61, v24;
	v30 =	vld [tilespmem:s19+$0x20];
	v36 =	vadd.f32 v38, v36  }
0x25e: {  	v28 =	vmul.f32 v62, v24;
	v31 =	vmul.f32 v35, v24;
	s21 =	simm.s32 $0x0;
	s4 =	sadd.s32 $0x400, s7;
	v33 =	vld [tilespmem:s19+$0xFFFFFFC0];
	s20 =	smov.u32 s19;
	v35 =	vadd.f32 v40, v37;
	[tilespmem:s19+$0x30] =	vst v39  }
.LBB2_20:
0x25f: {  	v37 =	vld [tilespmem:s4+$0x0];
	s21 =	sadd.s32 $0x8, s21;
	[tilespmem:s19+$0xFFFFFFD0] =	vst v36;
	v29 =	vadd.f32 v34, v29  }
0x260: {  	s19 =	sadd.s32 $0x400, s19;
	v34 =	vld [tilespmem:s4+$0xFFFFFF90];
	p0 =	slt.u32 s21, $0x18;
	[tilespmem:s20+$0xFFFFFFE0] =	vst v35;
	v26 =	vadd.f32 v32, v26  }
0x261: {  	v32 =	vld [tilespmem:s19+$0x30];
	[tilespmem:s20+$0xFFFFFFF0] =	vst v29;
	v27 =	vadd.f32 v28, v27  }
0x262: {  	v28 =	vld [tilespmem:s4+$0xFFFFFFA0];
	[tilespmem:s20+$0x0] =	vst v26;
	v26 =	vadd.f32 v31, v30  }
0x263: {  	v29 =	vld [tilespmem:s4+$0xFFFFFFB0];
	v30 =	vadd.f32 v25, v33;
	[tilespmem:s20+$0x10] =	vst v27  }
0x264: {  	v27 =	vld [tilespmem:s4+$0xFFFFFFC0];
	v31 =	vmul.f32 v37, v24;
	[tilespmem:s20+$0x20] =	vst v26  }
0x265: {  	v25 =	vmul.f32 v34, v24;
	v26 =	vld [tilespmem:s4+$0xFFFFFFD0];
	[tilespmem:s20+$0xFFFFFFC0] =	vst v30;
	s20 =	smov.u32 s19  }
0x266: {  	v30 =	vld [tilespmem:s4+$0xFFFFFFE0];
	v31 =	vadd.f32 v31, v32  }
0x267: {  	v33 =	vmul.f32 v28, v24;
	v35 =	vld [tilespmem:s4+$0xFFFFFFF0]  }
0x268: {  	v36 =	vld [tilespmem:s19+$0xFFFFFFD0];
	v37 =	vmul.f32 v29, v24;
	[tilespmem:s19+$0x30] =	vst v31  }
0x269: {  	v38 =	vld [tilespmem:s19+$0xFFFFFFE0];
	v34 =	vmul.f32 v27, v24  }
.Ltmp11:
0x26a: {  	v29 =	vld [tilespmem:s19+$0xFFFFFFF0];
	v32 =	vmul.f32 v26, v24;
	(pc) =	sbr.rel @p0 .LBB2_20-.Ltmp11, $4  }
0x26b: {  	v26 =	vld [tilespmem:s19+$0x0];
	v28 =	vmul.f32 v30, v24  }
0x26c: {  	v27 =	vld [tilespmem:s19+$0x10];
	v31 =	vmul.f32 v35, v24  }
0x26d: {  	v36 =	vadd.f32 v33, v36;
	v30 =	vld [tilespmem:s19+$0x20]  }
0x26e: {  	s4 =	sadd.s32 $0x400, s4;
	v33 =	vld [tilespmem:s19+$0xFFFFFFC0];
	v35 =	vadd.f32 v37, v38  }
0x26f: {  	(v2sf) =	vpush v23, $0x8;
	_ =	sdelay $0x5  }
0x270: {  	[tilespmem:s19+$0xFFFFFFD0] =	vst v36;
	v24 =	vadd.f32 v34, v29  }
0x271: {  	[tilespmem:s20+$0xFFFFFFE0] =	vst v35;
	v26 =	vadd.f32 v32, v26  }
0x272: {  	[tilespmem:s20+$0xFFFFFFF0] =	vst v24;
	v24 =	vadd.f32 v28, v27  }
0x273: {  	[tilespmem:s20+$0x0] =	vst v26;
	v26 =	vadd.f32 v31, v30  }
0x274: {  	v25 =	vadd.f32 v25, v33;
	[tilespmem:s20+$0x10] =	vst v24  }
0x275: {  	[tilespmem:s20+$0x20] =	vst v26  }
0x276: {  	[tilespmem:s20+$0xFFFFFFC0] =	vst v25  }
0x277: {  	v25 =	vld [tilespmem:s9+$0x0]  }
0x278: {  	v26 =	vld [tilespmem:s9+$0xFFFFFF90]  }
0x279: {  	v28 =	vld [tilespmem:s9+$0xFFFFFFA0];
	s4 =	spop (v2sf)  }
0x27a: {  	v30 =	vld [tilespmem:s9+$0xFFFFFFB0];
	s21 =	sshll.u32 s4, $0xB;
	s4 =	sand.u32 $0x7, s4  }
0x27b: {  	v31 =	vld [tilespmem:s9+$0xFFFFFFC0];
	s19 =	sand.u32 $0xFFFFC000, s21;
	s4 =	sshll.u32 s4, $0x9  }
0x27c: {  	v61 =	vld [tilespmem:s9+$0xFFFFFFD0];
	s4 =	sor.u32 s4, s19  }
0x27d: {  	v62 =	vld [tilespmem:s9+$0xFFFFFFE0];
	s4 =	sshra.s32 s4, $0x2  }
0x27e: {  	v35 =	vld [tilespmem:s9+$0xFFFFFFF0];
	s19 =	sadd.s32 $0x102C0, s4  }
0x27f: {  	v27 =	vld [tilespmem:s19+$0x30]  }
0x280: {  	v24 =	vperm.xlane v22, v14;
	v36 =	vld [tilespmem:s19+$0xFFFFFFD0]  }
0x281: {  	v37 =	vld [tilespmem:s19+$0xFFFFFFE0]  }
0x282: {  	v63 =	vmul.f32 v25, v24;
	v29 =	vld [tilespmem:s19+$0xFFFFFFF0]  }
0x283: {  	v25 =	vmul.f32 v26, v24;
	v38 =	vmul.f32 v28, v24;
	v26 =	vld [tilespmem:s19+$0x0]  }
0x284: {  	v40 =	vmul.f32 v30, v24;
	v39 =	vadd.f32 v63, v27;
	v27 =	vld [tilespmem:s19+$0x10]  }
0x285: {  	v34 =	vmul.f32 v31, v24;
	v32 =	vmul.f32 v61, v24;
	v30 =	vld [tilespmem:s19+$0x20];
	v36 =	vadd.f32 v38, v36  }
0x286: {  	v28 =	vmul.f32 v62, v24;
	v31 =	vmul.f32 v35, v24;
	s21 =	simm.s32 $0x0;
	s4 =	sadd.s32 $0x400, s9;
	v33 =	vld [tilespmem:s19+$0xFFFFFFC0];
	s20 =	smov.u32 s19;
	v35 =	vadd.f32 v40, v37;
	[tilespmem:s19+$0x30] =	vst v39  }
.LBB2_22:
0x287: {  	v37 =	vld [tilespmem:s4+$0x0];
	s21 =	sadd.s32 $0x8, s21;
	[tilespmem:s19+$0xFFFFFFD0] =	vst v36;
	v29 =	vadd.f32 v34, v29  }
0x288: {  	s19 =	sadd.s32 $0x400, s19;
	v34 =	vld [tilespmem:s4+$0xFFFFFF90];
	p0 =	slt.u32 s21, $0x18;
	[tilespmem:s20+$0xFFFFFFE0] =	vst v35;
	v26 =	vadd.f32 v32, v26  }
0x289: {  	v32 =	vld [tilespmem:s19+$0x30];
	[tilespmem:s20+$0xFFFFFFF0] =	vst v29;
	v27 =	vadd.f32 v28, v27  }
0x28a: {  	v28 =	vld [tilespmem:s4+$0xFFFFFFA0];
	[tilespmem:s20+$0x0] =	vst v26;
	v26 =	vadd.f32 v31, v30  }
0x28b: {  	v29 =	vld [tilespmem:s4+$0xFFFFFFB0];
	v30 =	vadd.f32 v25, v33;
	[tilespmem:s20+$0x10] =	vst v27  }
0x28c: {  	v27 =	vld [tilespmem:s4+$0xFFFFFFC0];
	v31 =	vmul.f32 v37, v24;
	[tilespmem:s20+$0x20] =	vst v26  }
0x28d: {  	v25 =	vmul.f32 v34, v24;
	v26 =	vld [tilespmem:s4+$0xFFFFFFD0];
	[tilespmem:s20+$0xFFFFFFC0] =	vst v30;
	s20 =	smov.u32 s19  }
0x28e: {  	v30 =	vld [tilespmem:s4+$0xFFFFFFE0];
	v31 =	vadd.f32 v31, v32  }
0x28f: {  	v33 =	vmul.f32 v28, v24;
	v35 =	vld [tilespmem:s4+$0xFFFFFFF0]  }
0x290: {  	v36 =	vld [tilespmem:s19+$0xFFFFFFD0];
	v37 =	vmul.f32 v29, v24;
	[tilespmem:s19+$0x30] =	vst v31  }
0x291: {  	v38 =	vld [tilespmem:s19+$0xFFFFFFE0];
	v34 =	vmul.f32 v27, v24  }
.Ltmp12:
0x292: {  	v29 =	vld [tilespmem:s19+$0xFFFFFFF0];
	v32 =	vmul.f32 v26, v24;
	(pc) =	sbr.rel @p0 .LBB2_22-.Ltmp12, $4  }
0x293: {  	v26 =	vld [tilespmem:s19+$0x0];
	v28 =	vmul.f32 v30, v24  }
0x294: {  	v27 =	vld [tilespmem:s19+$0x10];
	v31 =	vmul.f32 v35, v24  }
0x295: {  	v36 =	vadd.f32 v33, v36;
	v30 =	vld [tilespmem:s19+$0x20]  }
0x296: {  	s4 =	sadd.s32 $0x400, s4;
	v33 =	vld [tilespmem:s19+$0xFFFFFFC0];
	v35 =	vadd.f32 v37, v38  }
0x297: {  	(v2sf) =	vpush v23, $0x9;
	_ =	sdelay $0x5  }
0x298: {  	[tilespmem:s19+$0xFFFFFFD0] =	vst v36;
	v24 =	vadd.f32 v34, v29  }
0x299: {  	[tilespmem:s20+$0xFFFFFFE0] =	vst v35;
	v26 =	vadd.f32 v32, v26  }
0x29a: {  	[tilespmem:s20+$0xFFFFFFF0] =	vst v24;
	v24 =	vadd.f32 v28, v27  }
0x29b: {  	[tilespmem:s20+$0x0] =	vst v26;
	v26 =	vadd.f32 v31, v30  }
0x29c: {  	v25 =	vadd.f32 v25, v33;
	[tilespmem:s20+$0x10] =	vst v24  }
0x29d: {  	[tilespmem:s20+$0x20] =	vst v26  }
0x29e: {  	[tilespmem:s20+$0xFFFFFFC0] =	vst v25  }
0x29f: {  	v25 =	vld [tilespmem:s10+$0x0]  }
0x2a0: {  	v26 =	vld [tilespmem:s10+$0xFFFFFF90]  }
0x2a1: {  	v28 =	vld [tilespmem:s10+$0xFFFFFFA0];
	s4 =	spop (v2sf)  }
0x2a2: {  	v30 =	vld [tilespmem:s10+$0xFFFFFFB0];
	s21 =	sshll.u32 s4, $0xB;
	s4 =	sand.u32 $0x7, s4  }
0x2a3: {  	v31 =	vld [tilespmem:s10+$0xFFFFFFC0];
	s19 =	sand.u32 $0xFFFFC000, s21;
	s4 =	sshll.u32 s4, $0x9  }
0x2a4: {  	v61 =	vld [tilespmem:s10+$0xFFFFFFD0];
	s4 =	sor.u32 s4, s19  }
0x2a5: {  	v62 =	vld [tilespmem:s10+$0xFFFFFFE0];
	s4 =	sshra.s32 s4, $0x2  }
0x2a6: {  	v35 =	vld [tilespmem:s10+$0xFFFFFFF0];
	s19 =	sadd.s32 $0x102C0, s4  }
0x2a7: {  	v27 =	vld [tilespmem:s19+$0x30]  }
0x2a8: {  	v24 =	vperm.xlane v22, v15;
	v36 =	vld [tilespmem:s19+$0xFFFFFFD0]  }
0x2a9: {  	v37 =	vld [tilespmem:s19+$0xFFFFFFE0]  }
0x2aa: {  	v63 =	vmul.f32 v25, v24;
	v29 =	vld [tilespmem:s19+$0xFFFFFFF0]  }
0x2ab: {  	v25 =	vmul.f32 v26, v24;
	v38 =	vmul.f32 v28, v24;
	v26 =	vld [tilespmem:s19+$0x0]  }
0x2ac: {  	v40 =	vmul.f32 v30, v24;
	v39 =	vadd.f32 v63, v27;
	v27 =	vld [tilespmem:s19+$0x10]  }
0x2ad: {  	v34 =	vmul.f32 v31, v24;
	v32 =	vmul.f32 v61, v24;
	v30 =	vld [tilespmem:s19+$0x20];
	v36 =	vadd.f32 v38, v36  }
0x2ae: {  	v28 =	vmul.f32 v62, v24;
	v31 =	vmul.f32 v35, v24;
	s21 =	simm.s32 $0x0;
	s4 =	sadd.s32 $0x400, s10;
	v33 =	vld [tilespmem:s19+$0xFFFFFFC0];
	s20 =	smov.u32 s19;
	v35 =	vadd.f32 v40, v37;
	[tilespmem:s19+$0x30] =	vst v39  }
.LBB2_24:
0x2af: {  	v37 =	vld [tilespmem:s4+$0x0];
	s21 =	sadd.s32 $0x8, s21;
	[tilespmem:s19+$0xFFFFFFD0] =	vst v36;
	v29 =	vadd.f32 v34, v29  }
0x2b0: {  	s19 =	sadd.s32 $0x400, s19;
	v34 =	vld [tilespmem:s4+$0xFFFFFF90];
	p0 =	slt.u32 s21, $0x18;
	[tilespmem:s20+$0xFFFFFFE0] =	vst v35;
	v26 =	vadd.f32 v32, v26  }
0x2b1: {  	v32 =	vld [tilespmem:s19+$0x30];
	[tilespmem:s20+$0xFFFFFFF0] =	vst v29;
	v27 =	vadd.f32 v28, v27  }
0x2b2: {  	v28 =	vld [tilespmem:s4+$0xFFFFFFA0];
	[tilespmem:s20+$0x0] =	vst v26;
	v26 =	vadd.f32 v31, v30  }
0x2b3: {  	v29 =	vld [tilespmem:s4+$0xFFFFFFB0];
	v30 =	vadd.f32 v25, v33;
	[tilespmem:s20+$0x10] =	vst v27  }
0x2b4: {  	v27 =	vld [tilespmem:s4+$0xFFFFFFC0];
	v31 =	vmul.f32 v37, v24;
	[tilespmem:s20+$0x20] =	vst v26  }
0x2b5: {  	v25 =	vmul.f32 v34, v24;
	v26 =	vld [tilespmem:s4+$0xFFFFFFD0];
	[tilespmem:s20+$0xFFFFFFC0] =	vst v30;
	s20 =	smov.u32 s19  }
0x2b6: {  	v30 =	vld [tilespmem:s4+$0xFFFFFFE0];
	v31 =	vadd.f32 v31, v32  }
0x2b7: {  	v33 =	vmul.f32 v28, v24;
	v35 =	vld [tilespmem:s4+$0xFFFFFFF0]  }
0x2b8: {  	v36 =	vld [tilespmem:s19+$0xFFFFFFD0];
	v37 =	vmul.f32 v29, v24;
	[tilespmem:s19+$0x30] =	vst v31  }
0x2b9: {  	v38 =	vld [tilespmem:s19+$0xFFFFFFE0];
	v34 =	vmul.f32 v27, v24  }
.Ltmp13:
0x2ba: {  	v29 =	vld [tilespmem:s19+$0xFFFFFFF0];
	v32 =	vmul.f32 v26, v24;
	(pc) =	sbr.rel @p0 .LBB2_24-.Ltmp13, $4  }
0x2bb: {  	v26 =	vld [tilespmem:s19+$0x0];
	v28 =	vmul.f32 v30, v24  }
0x2bc: {  	v27 =	vld [tilespmem:s19+$0x10];
	v31 =	vmul.f32 v35, v24  }
0x2bd: {  	v36 =	vadd.f32 v33, v36;
	v30 =	vld [tilespmem:s19+$0x20]  }
0x2be: {  	s4 =	sadd.s32 $0x400, s4;
	v33 =	vld [tilespmem:s19+$0xFFFFFFC0];
	v35 =	vadd.f32 v37, v38  }
0x2bf: {  	(v2sf) =	vpush v23, $0xA;
	_ =	sdelay $0x5  }
0x2c0: {  	[tilespmem:s19+$0xFFFFFFD0] =	vst v36;
	v24 =	vadd.f32 v34, v29  }
0x2c1: {  	[tilespmem:s20+$0xFFFFFFE0] =	vst v35;
	v26 =	vadd.f32 v32, v26  }
0x2c2: {  	[tilespmem:s20+$0xFFFFFFF0] =	vst v24;
	v24 =	vadd.f32 v28, v27  }
0x2c3: {  	[tilespmem:s20+$0x0] =	vst v26;
	v26 =	vadd.f32 v31, v30  }
0x2c4: {  	v25 =	vadd.f32 v25, v33;
	[tilespmem:s20+$0x10] =	vst v24  }
0x2c5: {  	[tilespmem:s20+$0x20] =	vst v26  }
0x2c6: {  	[tilespmem:s20+$0xFFFFFFC0] =	vst v25  }
0x2c7: {  	v25 =	vld [tilespmem:s3+$0x0]  }
0x2c8: {  	v26 =	vld [tilespmem:s3+$0xFFFFFF90]  }
0x2c9: {  	v28 =	vld [tilespmem:s3+$0xFFFFFFA0];
	s4 =	spop (v2sf)  }
0x2ca: {  	v30 =	vld [tilespmem:s3+$0xFFFFFFB0];
	s21 =	sshll.u32 s4, $0xB;
	s4 =	sand.u32 $0x7, s4  }
0x2cb: {  	v31 =	vld [tilespmem:s3+$0xFFFFFFC0];
	s19 =	sand.u32 $0xFFFFC000, s21;
	s4 =	sshll.u32 s4, $0x9  }
0x2cc: {  	v61 =	vld [tilespmem:s3+$0xFFFFFFD0];
	s4 =	sor.u32 s4, s19  }
0x2cd: {  	v62 =	vld [tilespmem:s3+$0xFFFFFFE0];
	s4 =	sshra.s32 s4, $0x2  }
0x2ce: {  	v35 =	vld [tilespmem:s3+$0xFFFFFFF0];
	s19 =	sadd.s32 $0x102C0, s4  }
0x2cf: {  	v27 =	vld [tilespmem:s19+$0x30]  }
0x2d0: {  	v24 =	vperm.xlane v22, v16;
	v36 =	vld [tilespmem:s19+$0xFFFFFFD0]  }
0x2d1: {  	v37 =	vld [tilespmem:s19+$0xFFFFFFE0]  }
0x2d2: {  	v63 =	vmul.f32 v25, v24;
	v29 =	vld [tilespmem:s19+$0xFFFFFFF0]  }
0x2d3: {  	v25 =	vmul.f32 v26, v24;
	v38 =	vmul.f32 v28, v24;
	v26 =	vld [tilespmem:s19+$0x0]  }
0x2d4: {  	v40 =	vmul.f32 v30, v24;
	v39 =	vadd.f32 v63, v27;
	v27 =	vld [tilespmem:s19+$0x10]  }
0x2d5: {  	v34 =	vmul.f32 v31, v24;
	v32 =	vmul.f32 v61, v24;
	v30 =	vld [tilespmem:s19+$0x20];
	v36 =	vadd.f32 v38, v36  }
0x2d6: {  	v28 =	vmul.f32 v62, v24;
	v31 =	vmul.f32 v35, v24;
	s21 =	simm.s32 $0x0;
	s4 =	sadd.s32 $0x400, s3;
	v33 =	vld [tilespmem:s19+$0xFFFFFFC0];
	s20 =	smov.u32 s19;
	v35 =	vadd.f32 v40, v37;
	[tilespmem:s19+$0x30] =	vst v39  }
.LBB2_26:
0x2d7: {  	v37 =	vld [tilespmem:s4+$0x0];
	s21 =	sadd.s32 $0x8, s21;
	[tilespmem:s19+$0xFFFFFFD0] =	vst v36;
	v29 =	vadd.f32 v34, v29  }
0x2d8: {  	s19 =	sadd.s32 $0x400, s19;
	v34 =	vld [tilespmem:s4+$0xFFFFFF90];
	p0 =	slt.u32 s21, $0x18;
	[tilespmem:s20+$0xFFFFFFE0] =	vst v35;
	v26 =	vadd.f32 v32, v26  }
0x2d9: {  	v32 =	vld [tilespmem:s19+$0x30];
	[tilespmem:s20+$0xFFFFFFF0] =	vst v29;
	v27 =	vadd.f32 v28, v27  }
0x2da: {  	v28 =	vld [tilespmem:s4+$0xFFFFFFA0];
	[tilespmem:s20+$0x0] =	vst v26;
	v26 =	vadd.f32 v31, v30  }
0x2db: {  	v29 =	vld [tilespmem:s4+$0xFFFFFFB0];
	v30 =	vadd.f32 v25, v33;
	[tilespmem:s20+$0x10] =	vst v27  }
0x2dc: {  	v27 =	vld [tilespmem:s4+$0xFFFFFFC0];
	v31 =	vmul.f32 v37, v24;
	[tilespmem:s20+$0x20] =	vst v26  }
0x2dd: {  	v25 =	vmul.f32 v34, v24;
	v26 =	vld [tilespmem:s4+$0xFFFFFFD0];
	[tilespmem:s20+$0xFFFFFFC0] =	vst v30;
	s20 =	smov.u32 s19  }
0x2de: {  	v30 =	vld [tilespmem:s4+$0xFFFFFFE0];
	v31 =	vadd.f32 v31, v32  }
0x2df: {  	v33 =	vmul.f32 v28, v24;
	v35 =	vld [tilespmem:s4+$0xFFFFFFF0]  }
0x2e0: {  	v36 =	vld [tilespmem:s19+$0xFFFFFFD0];
	v37 =	vmul.f32 v29, v24;
	[tilespmem:s19+$0x30] =	vst v31  }
0x2e1: {  	v38 =	vld [tilespmem:s19+$0xFFFFFFE0];
	v34 =	vmul.f32 v27, v24  }
.Ltmp14:
0x2e2: {  	v29 =	vld [tilespmem:s19+$0xFFFFFFF0];
	v32 =	vmul.f32 v26, v24;
	(pc) =	sbr.rel @p0 .LBB2_26-.Ltmp14, $4  }
0x2e3: {  	v26 =	vld [tilespmem:s19+$0x0];
	v28 =	vmul.f32 v30, v24  }
0x2e4: {  	v27 =	vld [tilespmem:s19+$0x10];
	v31 =	vmul.f32 v35, v24  }
0x2e5: {  	v36 =	vadd.f32 v33, v36;
	v30 =	vld [tilespmem:s19+$0x20]  }
0x2e6: {  	s4 =	sadd.s32 $0x400, s4;
	v33 =	vld [tilespmem:s19+$0xFFFFFFC0];
	v35 =	vadd.f32 v37, v38  }
0x2e7: {  	(v2sf) =	vpush v23, $0xB;
	_ =	sdelay $0x5  }
0x2e8: {  	[tilespmem:s19+$0xFFFFFFD0] =	vst v36;
	v24 =	vadd.f32 v34, v29  }
0x2e9: {  	[tilespmem:s20+$0xFFFFFFE0] =	vst v35;
	v26 =	vadd.f32 v32, v26  }
0x2ea: {  	[tilespmem:s20+$0xFFFFFFF0] =	vst v24;
	v24 =	vadd.f32 v28, v27  }
0x2eb: {  	[tilespmem:s20+$0x0] =	vst v26;
	v26 =	vadd.f32 v31, v30  }
0x2ec: {  	v25 =	vadd.f32 v25, v33;
	[tilespmem:s20+$0x10] =	vst v24  }
0x2ed: {  	[tilespmem:s20+$0x20] =	vst v26  }
0x2ee: {  	[tilespmem:s20+$0xFFFFFFC0] =	vst v25  }
0x2ef: {  	v25 =	vld [tilespmem:s13+$0x0]  }
0x2f0: {  	v26 =	vld [tilespmem:s13+$0xFFFFFF90]  }
0x2f1: {  	v28 =	vld [tilespmem:s13+$0xFFFFFFA0];
	s4 =	spop (v2sf)  }
0x2f2: {  	v30 =	vld [tilespmem:s13+$0xFFFFFFB0];
	s21 =	sshll.u32 s4, $0xB;
	s4 =	sand.u32 $0x7, s4  }
0x2f3: {  	v31 =	vld [tilespmem:s13+$0xFFFFFFC0];
	s19 =	sand.u32 $0xFFFFC000, s21;
	s4 =	sshll.u32 s4, $0x9  }
0x2f4: {  	v61 =	vld [tilespmem:s13+$0xFFFFFFD0];
	s4 =	sor.u32 s4, s19  }
0x2f5: {  	v62 =	vld [tilespmem:s13+$0xFFFFFFE0];
	s4 =	sshra.s32 s4, $0x2  }
0x2f6: {  	v35 =	vld [tilespmem:s13+$0xFFFFFFF0];
	s19 =	sadd.s32 $0x102C0, s4  }
0x2f7: {  	v27 =	vld [tilespmem:s19+$0x30]  }
0x2f8: {  	v24 =	vperm.xlane v22, v17;
	v36 =	vld [tilespmem:s19+$0xFFFFFFD0]  }
0x2f9: {  	v37 =	vld [tilespmem:s19+$0xFFFFFFE0]  }
0x2fa: {  	v63 =	vmul.f32 v25, v24;
	v29 =	vld [tilespmem:s19+$0xFFFFFFF0]  }
0x2fb: {  	v25 =	vmul.f32 v26, v24;
	v38 =	vmul.f32 v28, v24;
	v26 =	vld [tilespmem:s19+$0x0]  }
0x2fc: {  	v40 =	vmul.f32 v30, v24;
	v39 =	vadd.f32 v63, v27;
	v27 =	vld [tilespmem:s19+$0x10]  }
0x2fd: {  	v34 =	vmul.f32 v31, v24;
	v32 =	vmul.f32 v61, v24;
	v30 =	vld [tilespmem:s19+$0x20];
	v36 =	vadd.f32 v38, v36  }
0x2fe: {  	v28 =	vmul.f32 v62, v24;
	v31 =	vmul.f32 v35, v24;
	s21 =	simm.s32 $0x0;
	s4 =	sadd.s32 $0x400, s13;
	v33 =	vld [tilespmem:s19+$0xFFFFFFC0];
	s20 =	smov.u32 s19;
	v35 =	vadd.f32 v40, v37;
	[tilespmem:s19+$0x30] =	vst v39  }
.LBB2_28:
0x2ff: {  	v37 =	vld [tilespmem:s4+$0x0];
	s21 =	sadd.s32 $0x8, s21;
	[tilespmem:s19+$0xFFFFFFD0] =	vst v36;
	v29 =	vadd.f32 v34, v29  }
0x300: {  	s19 =	sadd.s32 $0x400, s19;
	v34 =	vld [tilespmem:s4+$0xFFFFFF90];
	p0 =	slt.u32 s21, $0x18;
	[tilespmem:s20+$0xFFFFFFE0] =	vst v35;
	v26 =	vadd.f32 v32, v26  }
0x301: {  	v32 =	vld [tilespmem:s19+$0x30];
	[tilespmem:s20+$0xFFFFFFF0] =	vst v29;
	v27 =	vadd.f32 v28, v27  }
0x302: {  	v28 =	vld [tilespmem:s4+$0xFFFFFFA0];
	[tilespmem:s20+$0x0] =	vst v26;
	v26 =	vadd.f32 v31, v30  }
0x303: {  	v29 =	vld [tilespmem:s4+$0xFFFFFFB0];
	v30 =	vadd.f32 v25, v33;
	[tilespmem:s20+$0x10] =	vst v27  }
0x304: {  	v27 =	vld [tilespmem:s4+$0xFFFFFFC0];
	v31 =	vmul.f32 v37, v24;
	[tilespmem:s20+$0x20] =	vst v26  }
0x305: {  	v25 =	vmul.f32 v34, v24;
	v26 =	vld [tilespmem:s4+$0xFFFFFFD0];
	[tilespmem:s20+$0xFFFFFFC0] =	vst v30;
	s20 =	smov.u32 s19  }
0x306: {  	v30 =	vld [tilespmem:s4+$0xFFFFFFE0];
	v31 =	vadd.f32 v31, v32  }
0x307: {  	v33 =	vmul.f32 v28, v24;
	v35 =	vld [tilespmem:s4+$0xFFFFFFF0]  }
0x308: {  	v36 =	vld [tilespmem:s19+$0xFFFFFFD0];
	v37 =	vmul.f32 v29, v24;
	[tilespmem:s19+$0x30] =	vst v31  }
0x309: {  	v38 =	vld [tilespmem:s19+$0xFFFFFFE0];
	v34 =	vmul.f32 v27, v24  }
.Ltmp15:
0x30a: {  	v29 =	vld [tilespmem:s19+$0xFFFFFFF0];
	v32 =	vmul.f32 v26, v24;
	(pc) =	sbr.rel @p0 .LBB2_28-.Ltmp15, $4  }
0x30b: {  	v26 =	vld [tilespmem:s19+$0x0];
	v28 =	vmul.f32 v30, v24  }
0x30c: {  	v27 =	vld [tilespmem:s19+$0x10];
	v31 =	vmul.f32 v35, v24  }
0x30d: {  	v36 =	vadd.f32 v33, v36;
	v30 =	vld [tilespmem:s19+$0x20]  }
0x30e: {  	s4 =	sadd.s32 $0x400, s4;
	v33 =	vld [tilespmem:s19+$0xFFFFFFC0];
	v35 =	vadd.f32 v37, v38  }
0x30f: {  	(v2sf) =	vpush v23, $0xC;
	_ =	sdelay $0x5  }
0x310: {  	[tilespmem:s19+$0xFFFFFFD0] =	vst v36;
	v24 =	vadd.f32 v34, v29  }
0x311: {  	[tilespmem:s20+$0xFFFFFFE0] =	vst v35;
	v26 =	vadd.f32 v32, v26  }
0x312: {  	[tilespmem:s20+$0xFFFFFFF0] =	vst v24;
	v24 =	vadd.f32 v28, v27  }
0x313: {  	[tilespmem:s20+$0x0] =	vst v26;
	v26 =	vadd.f32 v31, v30  }
0x314: {  	v25 =	vadd.f32 v25, v33;
	[tilespmem:s20+$0x10] =	vst v24  }
0x315: {  	[tilespmem:s20+$0x20] =	vst v26  }
0x316: {  	[tilespmem:s20+$0xFFFFFFC0] =	vst v25  }
0x317: {  	v25 =	vld [tilespmem:s14+$0x0]  }
0x318: {  	v26 =	vld [tilespmem:s14+$0xFFFFFF90]  }
0x319: {  	v28 =	vld [tilespmem:s14+$0xFFFFFFA0];
	s4 =	spop (v2sf)  }
0x31a: {  	v30 =	vld [tilespmem:s14+$0xFFFFFFB0];
	s21 =	sshll.u32 s4, $0xB;
	s4 =	sand.u32 $0x7, s4  }
0x31b: {  	v31 =	vld [tilespmem:s14+$0xFFFFFFC0];
	s19 =	sand.u32 $0xFFFFC000, s21;
	s4 =	sshll.u32 s4, $0x9  }
0x31c: {  	v61 =	vld [tilespmem:s14+$0xFFFFFFD0];
	s4 =	sor.u32 s4, s19  }
0x31d: {  	v62 =	vld [tilespmem:s14+$0xFFFFFFE0];
	s4 =	sshra.s32 s4, $0x2  }
0x31e: {  	v35 =	vld [tilespmem:s14+$0xFFFFFFF0];
	s19 =	sadd.s32 $0x102C0, s4  }
0x31f: {  	v27 =	vld [tilespmem:s19+$0x30]  }
0x320: {  	v24 =	vperm.xlane v22, v18;
	v36 =	vld [tilespmem:s19+$0xFFFFFFD0]  }
0x321: {  	v37 =	vld [tilespmem:s19+$0xFFFFFFE0]  }
0x322: {  	v63 =	vmul.f32 v25, v24;
	v29 =	vld [tilespmem:s19+$0xFFFFFFF0]  }
0x323: {  	v25 =	vmul.f32 v26, v24;
	v38 =	vmul.f32 v28, v24;
	v26 =	vld [tilespmem:s19+$0x0]  }
0x324: {  	v40 =	vmul.f32 v30, v24;
	v39 =	vadd.f32 v63, v27;
	v27 =	vld [tilespmem:s19+$0x10]  }
0x325: {  	v34 =	vmul.f32 v31, v24;
	v32 =	vmul.f32 v61, v24;
	v30 =	vld [tilespmem:s19+$0x20];
	v36 =	vadd.f32 v38, v36  }
0x326: {  	v28 =	vmul.f32 v62, v24;
	v31 =	vmul.f32 v35, v24;
	s21 =	simm.s32 $0x0;
	s4 =	sadd.s32 $0x400, s14;
	v33 =	vld [tilespmem:s19+$0xFFFFFFC0];
	s20 =	smov.u32 s19;
	v35 =	vadd.f32 v40, v37;
	[tilespmem:s19+$0x30] =	vst v39  }
.LBB2_30:
0x327: {  	v37 =	vld [tilespmem:s4+$0x0];
	s21 =	sadd.s32 $0x8, s21;
	[tilespmem:s19+$0xFFFFFFD0] =	vst v36;
	v29 =	vadd.f32 v34, v29  }
0x328: {  	s19 =	sadd.s32 $0x400, s19;
	v34 =	vld [tilespmem:s4+$0xFFFFFF90];
	p0 =	slt.u32 s21, $0x18;
	[tilespmem:s20+$0xFFFFFFE0] =	vst v35;
	v26 =	vadd.f32 v32, v26  }
0x329: {  	v32 =	vld [tilespmem:s19+$0x30];
	[tilespmem:s20+$0xFFFFFFF0] =	vst v29;
	v27 =	vadd.f32 v28, v27  }
0x32a: {  	v28 =	vld [tilespmem:s4+$0xFFFFFFA0];
	[tilespmem:s20+$0x0] =	vst v26;
	v26 =	vadd.f32 v31, v30  }
0x32b: {  	v29 =	vld [tilespmem:s4+$0xFFFFFFB0];
	v30 =	vadd.f32 v25, v33;
	[tilespmem:s20+$0x10] =	vst v27  }
0x32c: {  	v27 =	vld [tilespmem:s4+$0xFFFFFFC0];
	v31 =	vmul.f32 v37, v24;
	[tilespmem:s20+$0x20] =	vst v26  }
0x32d: {  	v25 =	vmul.f32 v34, v24;
	v26 =	vld [tilespmem:s4+$0xFFFFFFD0];
	[tilespmem:s20+$0xFFFFFFC0] =	vst v30;
	s20 =	smov.u32 s19  }
0x32e: {  	v30 =	vld [tilespmem:s4+$0xFFFFFFE0];
	v31 =	vadd.f32 v31, v32  }
0x32f: {  	v33 =	vmul.f32 v28, v24;
	v35 =	vld [tilespmem:s4+$0xFFFFFFF0]  }
0x330: {  	v36 =	vld [tilespmem:s19+$0xFFFFFFD0];
	v37 =	vmul.f32 v29, v24;
	[tilespmem:s19+$0x30] =	vst v31  }
0x331: {  	v38 =	vld [tilespmem:s19+$0xFFFFFFE0];
	v34 =	vmul.f32 v27, v24  }
.Ltmp16:
0x332: {  	v29 =	vld [tilespmem:s19+$0xFFFFFFF0];
	v32 =	vmul.f32 v26, v24;
	(pc) =	sbr.rel @p0 .LBB2_30-.Ltmp16, $4  }
0x333: {  	v26 =	vld [tilespmem:s19+$0x0];
	v28 =	vmul.f32 v30, v24  }
0x334: {  	v27 =	vld [tilespmem:s19+$0x10];
	v31 =	vmul.f32 v35, v24  }
0x335: {  	v36 =	vadd.f32 v33, v36;
	v30 =	vld [tilespmem:s19+$0x20]  }
0x336: {  	s4 =	sadd.s32 $0x400, s4;
	v33 =	vld [tilespmem:s19+$0xFFFFFFC0];
	v35 =	vadd.f32 v37, v38  }
0x337: {  	(v2sf) =	vpush v23, $0xD;
	_ =	sdelay $0x5  }
0x338: {  	[tilespmem:s19+$0xFFFFFFD0] =	vst v36;
	v24 =	vadd.f32 v34, v29  }
0x339: {  	[tilespmem:s20+$0xFFFFFFE0] =	vst v35;
	v26 =	vadd.f32 v32, v26  }
0x33a: {  	[tilespmem:s20+$0xFFFFFFF0] =	vst v24;
	v24 =	vadd.f32 v28, v27  }
0x33b: {  	[tilespmem:s20+$0x0] =	vst v26;
	v26 =	vadd.f32 v31, v30  }
0x33c: {  	v25 =	vadd.f32 v25, v33;
	[tilespmem:s20+$0x10] =	vst v24  }
0x33d: {  	[tilespmem:s20+$0x20] =	vst v26  }
0x33e: {  	[tilespmem:s20+$0xFFFFFFC0] =	vst v25  }
0x33f: {  	v25 =	vld [tilespmem:s15+$0x0]  }
0x340: {  	v26 =	vld [tilespmem:s15+$0xFFFFFF90]  }
0x341: {  	v28 =	vld [tilespmem:s15+$0xFFFFFFA0];
	s4 =	spop (v2sf)  }
0x342: {  	v30 =	vld [tilespmem:s15+$0xFFFFFFB0];
	s21 =	sshll.u32 s4, $0xB;
	s4 =	sand.u32 $0x7, s4  }
0x343: {  	v31 =	vld [tilespmem:s15+$0xFFFFFFC0];
	s19 =	sand.u32 $0xFFFFC000, s21;
	s4 =	sshll.u32 s4, $0x9  }
0x344: {  	v61 =	vld [tilespmem:s15+$0xFFFFFFD0];
	s4 =	sor.u32 s4, s19  }
0x345: {  	v62 =	vld [tilespmem:s15+$0xFFFFFFE0];
	s4 =	sshra.s32 s4, $0x2  }
0x346: {  	v35 =	vld [tilespmem:s15+$0xFFFFFFF0];
	s19 =	sadd.s32 $0x102C0, s4  }
0x347: {  	v27 =	vld [tilespmem:s19+$0x30]  }
0x348: {  	v24 =	vperm.xlane v22, v19;
	v36 =	vld [tilespmem:s19+$0xFFFFFFD0]  }
0x349: {  	v37 =	vld [tilespmem:s19+$0xFFFFFFE0]  }
0x34a: {  	v63 =	vmul.f32 v25, v24;
	v29 =	vld [tilespmem:s19+$0xFFFFFFF0]  }
0x34b: {  	v25 =	vmul.f32 v26, v24;
	v38 =	vmul.f32 v28, v24;
	v26 =	vld [tilespmem:s19+$0x0]  }
0x34c: {  	v40 =	vmul.f32 v30, v24;
	v39 =	vadd.f32 v63, v27;
	v27 =	vld [tilespmem:s19+$0x10]  }
0x34d: {  	v34 =	vmul.f32 v31, v24;
	v32 =	vmul.f32 v61, v24;
	v30 =	vld [tilespmem:s19+$0x20];
	v36 =	vadd.f32 v38, v36  }
0x34e: {  	v28 =	vmul.f32 v62, v24;
	v31 =	vmul.f32 v35, v24;
	s21 =	simm.s32 $0x0;
	s4 =	sadd.s32 $0x400, s15;
	v33 =	vld [tilespmem:s19+$0xFFFFFFC0];
	s20 =	smov.u32 s19;
	v35 =	vadd.f32 v40, v37;
	[tilespmem:s19+$0x30] =	vst v39  }
.LBB2_32:
0x34f: {  	v37 =	vld [tilespmem:s4+$0x0];
	s21 =	sadd.s32 $0x8, s21;
	[tilespmem:s19+$0xFFFFFFD0] =	vst v36;
	v29 =	vadd.f32 v34, v29  }
0x350: {  	s19 =	sadd.s32 $0x400, s19;
	v34 =	vld [tilespmem:s4+$0xFFFFFF90];
	p0 =	slt.u32 s21, $0x18;
	[tilespmem:s20+$0xFFFFFFE0] =	vst v35;
	v26 =	vadd.f32 v32, v26  }
0x351: {  	v32 =	vld [tilespmem:s19+$0x30];
	[tilespmem:s20+$0xFFFFFFF0] =	vst v29;
	v27 =	vadd.f32 v28, v27  }
0x352: {  	v28 =	vld [tilespmem:s4+$0xFFFFFFA0];
	[tilespmem:s20+$0x0] =	vst v26;
	v26 =	vadd.f32 v31, v30  }
0x353: {  	v29 =	vld [tilespmem:s4+$0xFFFFFFB0];
	v30 =	vadd.f32 v25, v33;
	[tilespmem:s20+$0x10] =	vst v27  }
0x354: {  	v27 =	vld [tilespmem:s4+$0xFFFFFFC0];
	v31 =	vmul.f32 v37, v24;
	[tilespmem:s20+$0x20] =	vst v26  }
0x355: {  	v25 =	vmul.f32 v34, v24;
	v26 =	vld [tilespmem:s4+$0xFFFFFFD0];
	[tilespmem:s20+$0xFFFFFFC0] =	vst v30;
	s20 =	smov.u32 s19  }
0x356: {  	v30 =	vld [tilespmem:s4+$0xFFFFFFE0];
	v31 =	vadd.f32 v31, v32  }
0x357: {  	v33 =	vmul.f32 v28, v24;
	v35 =	vld [tilespmem:s4+$0xFFFFFFF0]  }
0x358: {  	v36 =	vld [tilespmem:s19+$0xFFFFFFD0];
	v37 =	vmul.f32 v29, v24;
	[tilespmem:s19+$0x30] =	vst v31  }
0x359: {  	v38 =	vld [tilespmem:s19+$0xFFFFFFE0];
	v34 =	vmul.f32 v27, v24  }
.Ltmp17:
0x35a: {  	v29 =	vld [tilespmem:s19+$0xFFFFFFF0];
	v32 =	vmul.f32 v26, v24;
	(pc) =	sbr.rel @p0 .LBB2_32-.Ltmp17, $4  }
0x35b: {  	v26 =	vld [tilespmem:s19+$0x0];
	v28 =	vmul.f32 v30, v24  }
0x35c: {  	v27 =	vld [tilespmem:s19+$0x10];
	v31 =	vmul.f32 v35, v24  }
0x35d: {  	v36 =	vadd.f32 v33, v36;
	v30 =	vld [tilespmem:s19+$0x20]  }
0x35e: {  	s4 =	sadd.s32 $0x400, s4;
	v33 =	vld [tilespmem:s19+$0xFFFFFFC0];
	v35 =	vadd.f32 v37, v38  }
0x35f: {  	(v2sf) =	vpush v23, $0xE;
	_ =	sdelay $0x5  }
0x360: {  	[tilespmem:s19+$0xFFFFFFD0] =	vst v36;
	v24 =	vadd.f32 v34, v29  }
0x361: {  	[tilespmem:s20+$0xFFFFFFE0] =	vst v35;
	v26 =	vadd.f32 v32, v26  }
0x362: {  	[tilespmem:s20+$0xFFFFFFF0] =	vst v24;
	v24 =	vadd.f32 v28, v27  }
0x363: {  	[tilespmem:s20+$0x0] =	vst v26;
	v26 =	vadd.f32 v31, v30  }
0x364: {  	v25 =	vadd.f32 v25, v33;
	[tilespmem:s20+$0x10] =	vst v24  }
0x365: {  	[tilespmem:s20+$0x20] =	vst v26  }
0x366: {  	[tilespmem:s20+$0xFFFFFFC0] =	vst v25  }
0x367: {  	v25 =	vld [tilespmem:s16+$0x0]  }
0x368: {  	v26 =	vld [tilespmem:s16+$0xFFFFFF90]  }
0x369: {  	v28 =	vld [tilespmem:s16+$0xFFFFFFA0];
	s4 =	spop (v2sf)  }
0x36a: {  	v30 =	vld [tilespmem:s16+$0xFFFFFFB0];
	s21 =	sshll.u32 s4, $0xB;
	s4 =	sand.u32 $0x7, s4  }
0x36b: {  	v31 =	vld [tilespmem:s16+$0xFFFFFFC0];
	s19 =	sand.u32 $0xFFFFC000, s21;
	s4 =	sshll.u32 s4, $0x9  }
0x36c: {  	v61 =	vld [tilespmem:s16+$0xFFFFFFD0];
	s4 =	sor.u32 s4, s19  }
0x36d: {  	v62 =	vld [tilespmem:s16+$0xFFFFFFE0];
	s4 =	sshra.s32 s4, $0x2  }
0x36e: {  	v35 =	vld [tilespmem:s16+$0xFFFFFFF0];
	s19 =	sadd.s32 $0x102C0, s4  }
0x36f: {  	v27 =	vld [tilespmem:s19+$0x30]  }
0x370: {  	v24 =	vperm.xlane v22, v20;
	v36 =	vld [tilespmem:s19+$0xFFFFFFD0]  }
0x371: {  	v37 =	vld [tilespmem:s19+$0xFFFFFFE0]  }
0x372: {  	v63 =	vmul.f32 v25, v24;
	v29 =	vld [tilespmem:s19+$0xFFFFFFF0]  }
0x373: {  	v25 =	vmul.f32 v26, v24;
	v38 =	vmul.f32 v28, v24;
	v26 =	vld [tilespmem:s19+$0x0]  }
0x374: {  	v40 =	vmul.f32 v30, v24;
	v39 =	vadd.f32 v63, v27;
	v27 =	vld [tilespmem:s19+$0x10]  }
0x375: {  	v34 =	vmul.f32 v31, v24;
	v32 =	vmul.f32 v61, v24;
	v30 =	vld [tilespmem:s19+$0x20];
	v36 =	vadd.f32 v38, v36  }
0x376: {  	v28 =	vmul.f32 v62, v24;
	v31 =	vmul.f32 v35, v24;
	s21 =	simm.s32 $0x0;
	s4 =	sadd.s32 $0x400, s16;
	v33 =	vld [tilespmem:s19+$0xFFFFFFC0];
	s20 =	smov.u32 s19;
	v35 =	vadd.f32 v40, v37;
	[tilespmem:s19+$0x30] =	vst v39  }
.LBB2_34:
0x377: {  	v37 =	vld [tilespmem:s4+$0x0];
	s21 =	sadd.s32 $0x8, s21;
	[tilespmem:s19+$0xFFFFFFD0] =	vst v36;
	v29 =	vadd.f32 v34, v29  }
0x378: {  	s19 =	sadd.s32 $0x400, s19;
	v34 =	vld [tilespmem:s4+$0xFFFFFF90];
	p0 =	slt.u32 s21, $0x18;
	[tilespmem:s20+$0xFFFFFFE0] =	vst v35;
	v26 =	vadd.f32 v32, v26  }
0x379: {  	v32 =	vld [tilespmem:s19+$0x30];
	[tilespmem:s20+$0xFFFFFFF0] =	vst v29;
	v27 =	vadd.f32 v28, v27  }
0x37a: {  	v28 =	vld [tilespmem:s4+$0xFFFFFFA0];
	[tilespmem:s20+$0x0] =	vst v26;
	v26 =	vadd.f32 v31, v30  }
0x37b: {  	v29 =	vld [tilespmem:s4+$0xFFFFFFB0];
	v30 =	vadd.f32 v25, v33;
	[tilespmem:s20+$0x10] =	vst v27  }
0x37c: {  	v27 =	vld [tilespmem:s4+$0xFFFFFFC0];
	v31 =	vmul.f32 v37, v24;
	[tilespmem:s20+$0x20] =	vst v26  }
0x37d: {  	v25 =	vmul.f32 v34, v24;
	v26 =	vld [tilespmem:s4+$0xFFFFFFD0];
	[tilespmem:s20+$0xFFFFFFC0] =	vst v30;
	s20 =	smov.u32 s19  }
0x37e: {  	v30 =	vld [tilespmem:s4+$0xFFFFFFE0];
	v31 =	vadd.f32 v31, v32  }
0x37f: {  	v33 =	vmul.f32 v28, v24;
	v35 =	vld [tilespmem:s4+$0xFFFFFFF0]  }
0x380: {  	v36 =	vld [tilespmem:s19+$0xFFFFFFD0];
	v37 =	vmul.f32 v29, v24;
	[tilespmem:s19+$0x30] =	vst v31  }
0x381: {  	v38 =	vld [tilespmem:s19+$0xFFFFFFE0];
	v34 =	vmul.f32 v27, v24  }
.Ltmp18:
0x382: {  	v29 =	vld [tilespmem:s19+$0xFFFFFFF0];
	v32 =	vmul.f32 v26, v24;
	(pc) =	sbr.rel @p0 .LBB2_34-.Ltmp18, $4  }
0x383: {  	v26 =	vld [tilespmem:s19+$0x0];
	v28 =	vmul.f32 v30, v24  }
0x384: {  	v27 =	vld [tilespmem:s19+$0x10];
	v31 =	vmul.f32 v35, v24  }
0x385: {  	v36 =	vadd.f32 v33, v36;
	v30 =	vld [tilespmem:s19+$0x20]  }
0x386: {  	s4 =	sadd.s32 $0x400, s4;
	v33 =	vld [tilespmem:s19+$0xFFFFFFC0];
	v35 =	vadd.f32 v37, v38  }
0x387: {  	(v2sf) =	vpush v23, $0xF;
	_ =	sdelay $0x5  }
0x388: {  	[tilespmem:s19+$0xFFFFFFD0] =	vst v36;
	v23 =	vadd.f32 v34, v29  }
0x389: {  	[tilespmem:s20+$0xFFFFFFE0] =	vst v35;
	v24 =	vadd.f32 v32, v26  }
0x38a: {  	[tilespmem:s20+$0xFFFFFFF0] =	vst v23;
	v23 =	vadd.f32 v28, v27  }
0x38b: {  	[tilespmem:s20+$0x0] =	vst v24;
	v24 =	vadd.f32 v31, v30  }
0x38c: {  	v25 =	vadd.f32 v25, v33;
	[tilespmem:s20+$0x10] =	vst v23  }
0x38d: {  	[tilespmem:s20+$0x20] =	vst v24  }
0x38e: {  	[tilespmem:s20+$0xFFFFFFC0] =	vst v25  }
0x38f: {  	v24 =	vld [tilespmem:s17+$0x0]  }
0x390: {  	v25 =	vld [tilespmem:s17+$0xFFFFFF90]  }
0x391: {  	v27 =	vld [tilespmem:s17+$0xFFFFFFA0];
	s4 =	spop (v2sf)  }
0x392: {  	v28 =	vld [tilespmem:s17+$0xFFFFFFB0];
	s21 =	sshll.u32 s4, $0xB;
	s4 =	sand.u32 $0x7, s4  }
0x393: {  	v31 =	vld [tilespmem:s17+$0xFFFFFFC0];
	s19 =	sand.u32 $0xFFFFC000, s21;
	s4 =	sshll.u32 s4, $0x9  }
0x394: {  	v62 =	vld [tilespmem:s17+$0xFFFFFFD0];
	s4 =	sor.u32 s4, s19  }
0x395: {  	v63 =	vld [tilespmem:s17+$0xFFFFFFE0];
	s4 =	sshra.s32 s4, $0x2  }
0x396: {  	v35 =	vld [tilespmem:s17+$0xFFFFFFF0];
	s19 =	sadd.s32 $0x102C0, s4  }
0x397: {  	v26 =	vld [tilespmem:s19+$0x30]  }
0x398: {  	v23 =	vperm.xlane v22, v21;
	v36 =	vld [tilespmem:s19+$0xFFFFFFD0]  }
0x399: {  	v37 =	vld [tilespmem:s19+$0xFFFFFFE0]  }
0x39a: {  	v24 =	vmul.f32 v24, v23;
	v30 =	vld [tilespmem:s19+$0xFFFFFFF0]  }
0x39b: {  	v38 =	vmul.f32 v27, v23;
	v29 =	vld [tilespmem:s19+$0x0]  }
0x39c: {  	v22 =	vmul.f32 v25, v23;
	v39 =	vmul.f32 v28, v23;
	v27 =	vld [tilespmem:s19+$0x10];
	v25 =	vadd.f32 v24, v26  }
0x39d: {  	v32 =	vmul.f32 v31, v23;
	v31 =	vmul.f32 v62, v23;
	v24 =	vld [tilespmem:s19+$0x20];
	v34 =	vadd.f32 v38, v36  }
0x39e: {  	v28 =	vmul.f32 v63, v23;
	s21 =	simm.s32 $0x0;
	s4 =	sadd.s32 $0x400, s17;
	s20 =	smov.u32 s19;
	v26 =	vld [tilespmem:s19+$0xFFFFFFC0];
	v33 =	vadd.f32 v39, v37;
	[tilespmem:s19+$0x30] =	vst v25;
	v25 =	vmul.f32 v35, v23  }
.LBB2_36:
0x39f: {  	v35 =	vld [tilespmem:s4+$0x0];
	s21 =	sadd.s32 $0x8, s21;
	[tilespmem:s19+$0xFFFFFFD0] =	vst v34;
	v30 =	vadd.f32 v32, v30  }
0x3a0: {  	s19 =	sadd.s32 $0x400, s19;
	v32 =	vld [tilespmem:s4+$0xFFFFFF90];
	p0 =	slt.u32 s21, $0x18;
	[tilespmem:s20+$0xFFFFFFE0] =	vst v33;
	v29 =	vadd.f32 v31, v29  }
0x3a1: {  	v31 =	vld [tilespmem:s19+$0x30];
	[tilespmem:s20+$0xFFFFFFF0] =	vst v30;
	v27 =	vadd.f32 v28, v27  }
0x3a2: {  	v28 =	vld [tilespmem:s4+$0xFFFFFFA0];
	[tilespmem:s20+$0x0] =	vst v29;
	v24 =	vadd.f32 v25, v24  }
0x3a3: {  	v25 =	vld [tilespmem:s4+$0xFFFFFFB0];
	v26 =	vadd.f32 v22, v26;
	[tilespmem:s20+$0x10] =	vst v27  }
0x3a4: {  	v27 =	vld [tilespmem:s4+$0xFFFFFFC0];
	v29 =	vmul.f32 v35, v23;
	[tilespmem:s20+$0x20] =	vst v24  }
0x3a5: {  	v22 =	vmul.f32 v32, v23;
	v24 =	vld [tilespmem:s4+$0xFFFFFFD0];
	[tilespmem:s20+$0xFFFFFFC0] =	vst v26;
	s20 =	smov.u32 s19  }
0x3a6: {  	v26 =	vld [tilespmem:s4+$0xFFFFFFE0];
	v29 =	vadd.f32 v29, v31  }
0x3a7: {  	v33 =	vmul.f32 v28, v23;
	v34 =	vld [tilespmem:s4+$0xFFFFFFF0]  }
0x3a8: {  	v35 =	vld [tilespmem:s19+$0xFFFFFFD0];
	v36 =	vmul.f32 v25, v23;
	[tilespmem:s19+$0x30] =	vst v29  }
0x3a9: {  	v37 =	vld [tilespmem:s19+$0xFFFFFFE0];
	v32 =	vmul.f32 v27, v23  }
.Ltmp19:
0x3aa: {  	v30 =	vld [tilespmem:s19+$0xFFFFFFF0];
	v31 =	vmul.f32 v24, v23;
	(pc) =	sbr.rel @p0 .LBB2_36-.Ltmp19, $4  }
0x3ab: {  	v29 =	vld [tilespmem:s19+$0x0];
	v28 =	vmul.f32 v26, v23  }
0x3ac: {  	v27 =	vld [tilespmem:s19+$0x10];
	v25 =	vmul.f32 v34, v23  }
0x3ad: {  	v34 =	vadd.f32 v33, v35;
	v24 =	vld [tilespmem:s19+$0x20]  }
0x3ae: {  	s4 =	sadd.s32 $0x400, s4;
	v26 =	vld [tilespmem:s19+$0xFFFFFFC0];
	v33 =	vadd.f32 v36, v37  }
0x3af: {  	[tilespmem:s19+$0xFFFFFFD0] =	vst v34;
	v23 =	vadd.f32 v32, v30;
	s18 =	sadd.s32 $0x1, s18  }
0x3b0: {  	s28 =	sadd.s32 $0x2000, s28;
	s29 =	sadd.s32 $0x2000, s29;
	[tilespmem:s20+$0xFFFFFFE0] =	vst v33;
	v29 =	vadd.f32 v31, v29;
	p0 =	sne.s32 s18, $0x8  }
.Ltmp20:
0x3b1: {  	s30 =	sadd.s32 $0x2000, s30;
	s31 =	sadd.s32 $0x2000, s31;
	[tilespmem:s20+$0xFFFFFFF0] =	vst v23;
	v23 =	vadd.f32 v28, v27;
	(pc) =	sbr.rel @p0 .LBB2_5-.Ltmp20, $4  }
0x3b2: {  	s0 =	sadd.s32 $0x2000, s0;
	s2 =	sadd.s32 $0x2000, s2;
	s11 =	sadd.s32 $0x2000, s11;
	[tilespmem:s20+$0x0] =	vst v29;
	v24 =	vadd.f32 v25, v24  }
0x3b3: {  	s7 =	sadd.s32 $0x2000, s7;
	s9 =	sadd.s32 $0x2000, s9;
	s10 =	sadd.s32 $0x2000, s10;
	v22 =	vadd.f32 v22, v26;
	[tilespmem:s20+$0x10] =	vst v23  }
0x3b4: {  	s3 =	sadd.s32 $0x2000, s3;
	s13 =	sadd.s32 $0x2000, s13;
	s14 =	sadd.s32 $0x2000, s14;
	[tilespmem:s20+$0x20] =	vst v24  }
0x3b5: {  	s15 =	sadd.s32 $0x2000, s15;
	s16 =	sadd.s32 $0x2000, s16;
	s17 =	sadd.s32 $0x2000, s17;
	[tilespmem:s20+$0xFFFFFFC0] =	vst v22  }
0x3b6: {  	s26 =	sadd.s32 $0x1, s26  }
0x3b7: {  	p0 =	sne.s32 s26, s25  }
.Ltmp21:
0x3b8: {  	_ = 	snop;
	(pc) =	sbr.rel @p0 .LBB2_4-.Ltmp21, $4  }
.Ltmp22:
0x3b9: {  	_ = 	snop;
	(pc) =	sbr.rel @!p0 .LBB2_39-.Ltmp22, $4  }
0x3ba: {  	_ = 	snop  }
0x3bb: {  	_ = 	snop  }
0x3bc: {  	_ = 	snop  }
0x3bd: {  	_ = 	snop  }
.LBB2_40:
0x3be: {  	_ =	sfence.sel $0x180000  }
0x3bf: {  	[bflag:$0x0] =	sbarrier.arrive $0xFFFF  }
0x3c0: {  	_ =	strace $0x9000004D  }
0x3c1: {  	s0 =	stileid.u32;
	[bflag:$0x2] =	sbarrier.arrive $0xFFFF  }
0x3c2: {  	p0 =	sne.s32 s0, $0x0;
	s0 =	rddreg [dreg:$0x2]  }
0x3c3: {  	s0 =	sadd.s32 @!p0 $0x100000, s0  }
0x3c4: {  	[sflag:s0] =	ssyncadd.tile.s32 @!p0 $0x1;
	_ =	shalt  }
.Lfunc_end2:
_tile_overlayer_lowered:
.L_overlay_start_2:
0x3c5: {  	(tag) =	ssettag $0x2  }
0x3c6: {  	s0 =	rddreg [dreg:$0x0];
	s2 =	stileid.u32  }
0x3c7: {  	s1 =	rddreg [dreg:$0x1];
	p0 =	sne.s32 s2, $0x0  }
0x3c8: {  	s3 =	rddreg [dreg:$0x2];
	[bflag:$0x3] =	sbarrier.arrive $0xFFFF;
	s2 =	simm.s32 @!p0 $0x1C02  }
0x3c9: {  	[timem:s3], [sflag:s2] =	dma.local @!p0 [hbm:s0], s1  }
0x3ca: {  	s0 =	simm.s32 @!p0 $0x2  }
0x3cb: {  	_ =	swait.ge @!p0 [sflag:s0], s1  }
0x3cc: {  	s1 =	ssub.s32 @!p0 $0x0, s1;
	[sflag:s0] =	ssyncset.done @!p0 $0x0  }
0x3cd: {  	[sflag:s0] =	ssyncadd.s32 @!p0 s1  }
0x3ce: {  	[bflag:$0x3] =	sbarrier.arrive $0xFFFF  }
0x3cf: {  	_ =	shalt  }

// kernel: kernel.9.cloned.1.call-start
scs
__scs_entry_jumppad:
0x0: {  	(pc) =	sbr.rel $0x88, $3  }
0x1: {  	(tag) =	ssettag $0x0;
	lr =	simm.s32 $0x1  }
0x2: {  	[smem:$0x3F99] =	sst lr;
	_ =	strace $0xD0000000  }
0x3: {  	_ = 	snop  }
0x4: {  	_ = 	snop  }
0x5: {  	_ = 	snop  }
0x6: {  	_ = 	snop  }
0x7: {  	_ = 	snop  }
__scs_overlays_trampoline_lowered:
0x8: {  	[smem:$0x3FA8] =	sst s0  }
0x9: {  	[smem:$0x3FA9] =	sst s1  }
0xa: {  	[smem:$0x3FAA] =	sst s2  }
0xb: {  	[smem:$0x3FAB] =	sst s3  }
0xc: {  	[smem:$0x3FAC] =	sst s4  }
0xd: {  	[smem:$0x3FAD] =	sst s5  }
0xe: {  	[smem:$0x3FAE] =	sst s6  }
0xf: {  	[smem:$0x3FAF] =	sst s7  }
0x10: {  	[smem:$0x3FB0] =	sst s8  }
0x11: {  	[smem:$0x3FB1] =	sst s9;
	s0 =	simm.s32 @!p0 $0x0  }
0x12: {  	s1 =	sld [smem:$0x3F97];
	s0 =	simm.s32 @p0 $0x1  }
0x13: {  	[smem:$0x3FB2] =	sst s0;
	s0 =	simm.s32 @!p1 $0x0  }
0x14: {  	s2 =	sld [smem:$0x3F96];
	s0 =	simm.s32 @p1 $0x1  }
0x15: {  	[smem:$0x3FB3] =	sst s0;
	s0 =	simm.s32 @!p2 $0x0  }
0x16: {  	s3 =	sld [smem:$0x3FDB];
	s0 =	simm.s32 @p2 $0x1  }
0x17: {  	s4 =	simm.s32 $0x1BF5;
	[smem:$0x3FB5] =	sst s0  }
0x18: {  	s0 =	sld [smem:$0x3F98];
	_ =	swait.ge [sflag:s4], $0x0  }
0x19: {  	s7 =	sld [smem:$0x3F99]  }
0x1a: {  	s8 =	sadd.s32 $0xFFFFE003, lr  }
0x1b: {  	s9 =	sadd.s32 $0xFFFFFEF7, lr;
	s5 =	simm.s32 $0xFFFFFFFF;
	p2 =	slt.u32 s8, $0xFFFFF086  }
0x1c: {  	p1 =	slt.u32 s9, $0xF7A;
	s5 =	simm.s32 @!p2 $0x0  }
0x1d: {  	s5 =	simm.s32 @p1 $0x1;
	p0 =	seq.s32 s7, s2  }
0x1e: {  	s7 =	smul.u32 @!p0 $0xF7A, s2;
	p2 =	seq.s32 @!p0 s5, $0x0  }
0x1f: {  	s9 =	smul.u32 $0xF7A, s1;
	s8 =	simm.s32 @!p0 $0x1BF5;
	p2 =	por !p2, p0  }
0x20: {  	[sflag:s8] =	ssyncset.s32 @!p0 $0xFFFFF086;
	s6 =	sadd.s32 @!p0 s3, s7;
	s7 =	simm.s32 @!p0 $0x108  }
0x21: {  	s3 =	sadd.s32 s3, s9;
	s6 =	sadd.s32 @!p0 $0x88, s6;
	s7 =	simm.s32 @p2 $0x1082  }
0x22: {  	[simem:s7], [sflag:s8] =	dma.local @!p0 [hbm:s6], $0xF7A  }
0x23: {  	s9 =	sor.u32 $0xD0000000, s2;
	s6 =	simm.s32 $0x108;
	_ =	swait.ge @!p0 [sflag:s8], $0x0  }
0x24: {  	s3 =	sadd.s32 $0x88, s3;
	s6 =	simm.s32 @!p1 $0x1082;
	[sflag:s4] =	ssyncset.s32 $0xFFFFF086  }
0x25: {  	[simem:s6], [sflag:s4] =	dma.local [hbm:s3], $0xF7A  }
0x26: {  	[smem:$0x3F99] =	sst s1;
	(tag) =	ssettag s2;
	_ =	strace s9  }
0x27: {  	s1 =	sld [smem:$0x3FA9]  }
0x28: {  	s2 =	sld [smem:$0x3FAA]  }
0x29: {  	s4 =	sld [smem:$0x3FAC]  }
0x2a: {  	p0 =	seq.s32 s5, $0x0;
	s5 =	sld [smem:$0x3FAD]  }
0x2b: {  	s6 =	sld [smem:$0x3FAE]  }
0x2c: {  	s7 =	sld [smem:$0x3FAF]  }
0x2d: {  	s3 =	simm.s32 $0x108;
	s8 =	sld [smem:$0x3FB0]  }
0x2e: {  	s3 =	simm.s32 @!p0 $0x1082;
	s9 =	sld [smem:$0x3FB1]  }
0x2f: {  	lr =	sadd.s32 s0, s3;
	s0 =	sld [smem:$0x3FA8]  }
0x30: {  	s3 =	sld [smem:$0x3FAB]  }
0x31: {  	[smem:$0x3FB4] =	sst s10  }
0x32: {  	s10 =	sld [smem:$0x3FB2];
	_ =	sdelay $0x3  }
0x33: {  	p0 =	seq.s32 s10, $0x1;
	s10 =	sld [smem:$0x3FB4];
	_ =	sdelay $0x3  }
0x34: {  	[smem:$0x3FB4] =	sst s10  }
0x35: {  	s10 =	sld [smem:$0x3FB3];
	_ =	sdelay $0x3  }
0x36: {  	p1 =	seq.s32 s10, $0x1;
	s10 =	sld [smem:$0x3FB4];
	_ =	sdelay $0x3  }
0x37: {  	[smem:$0x3FB4] =	sst s10  }
0x38: {  	s10 =	sld [smem:$0x3FB5]  }
0x39: {  	_ = 	snop;
	(pc) =	sbr.ind lr, $3  }
0x3a: {  	_ = 	snop  }
0x3b: {  	_ = 	snop  }
0x3c: {  	p2 =	seq.s32 s10, $0x1;
	s10 =	sld [smem:$0x3FB4]  }
0x3d: {  	_ =	shalt  }
0x3e: {  	_ =	shalt  }
0x3f: {  	_ =	shalt  }
0x40: {  	_ =	shalt  }
0x41: {  	_ =	shalt  }
0x42: {  	_ =	shalt  }
0x43: {  	_ =	shalt  }
0x44: {  	_ =	shalt  }
0x45: {  	_ =	shalt  }
0x46: {  	_ =	shalt  }
0x47: {  	_ =	shalt  }
0x48: {  	_ =	shalt  }
0x49: {  	_ =	shalt  }
0x4a: {  	_ =	shalt  }
0x4b: {  	_ =	shalt  }
0x4c: {  	_ =	shalt  }
0x4d: {  	_ =	shalt  }
0x4e: {  	_ =	shalt  }
0x4f: {  	_ =	shalt  }
0x50: {  	_ =	shalt  }
0x51: {  	_ =	shalt  }
0x52: {  	_ =	shalt  }
0x53: {  	_ =	shalt  }
0x54: {  	_ =	shalt  }
0x55: {  	_ =	shalt  }
0x56: {  	_ =	shalt  }
0x57: {  	_ =	shalt  }
0x58: {  	_ =	shalt  }
0x59: {  	_ =	shalt  }
0x5a: {  	_ =	shalt  }
0x5b: {  	_ =	shalt  }
0x5c: {  	_ =	shalt  }
0x5d: {  	_ =	shalt  }
0x5e: {  	_ =	shalt  }
0x5f: {  	_ =	shalt  }
0x60: {  	_ =	shalt  }
0x61: {  	_ =	shalt  }
0x62: {  	_ =	shalt  }
0x63: {  	_ =	shalt  }
0x64: {  	_ =	shalt  }
0x65: {  	_ =	shalt  }
0x66: {  	_ =	shalt  }
0x67: {  	_ =	shalt  }
0x68: {  	_ =	shalt  }
0x69: {  	_ =	shalt  }
0x6a: {  	_ =	shalt  }
0x6b: {  	_ =	shalt  }
0x6c: {  	_ =	shalt  }
0x6d: {  	_ =	shalt  }
0x6e: {  	_ =	shalt  }
0x6f: {  	_ =	shalt  }
0x70: {  	_ =	shalt  }
0x71: {  	_ =	shalt  }
0x72: {  	_ =	shalt  }
0x73: {  	_ =	shalt  }
0x74: {  	_ =	shalt  }
0x75: {  	_ =	shalt  }
0x76: {  	_ =	shalt  }
0x77: {  	_ =	shalt  }
0x78: {  	_ =	shalt  }
0x79: {  	_ =	shalt  }
0x7a: {  	_ =	shalt  }
0x7b: {  	_ =	shalt  }
0x7c: {  	_ =	shalt  }
0x7d: {  	_ =	shalt  }
0x7e: {  	_ =	shalt  }
0x7f: {  	_ =	shalt  }
0x80: {  	_ =	shalt  }
0x81: {  	_ =	shalt  }
0x82: {  	_ =	shalt  }
0x83: {  	_ =	shalt  }
0x84: {  	_ =	shalt  }
0x85: {  	_ =	shalt  }
0x86: {  	_ =	shalt  }
0x87: {  	_ =	shalt  }
.Lfunc_end0:
.L_simem_size_0:
called_computation.3_lowered:
.L_overlay_start_0:
0x88: {  	s2 =	sld [smem:$0x3FD9]  }
0x89: {  	s3 =	sld [smem:$0x3FFE];
	_ =	sdelay $0x1  }
0x8a: {  	s1 =	srdreg.scid  }
0x8b: {  	s0 =	sand.u32 $0x1, s1  }
0x8c: {  	s17 =	sshll.u32 s0, $0xA;
	s2 =	sadd.s32 s3, s2  }
0x8d: {  	s2 =	sadd.s32 s2, s17  }
0x8e: {  	[smem:$0x3FC0] =	sst s2  }
0x8f: {  	_ = 	snop  }
0x90: {  	s2 =	sld [smem:$0x3FD0];
	(tm) =	ssettm $0x1  }
0x91: {  	s18 =	sld [smem:$0x3FFB];
	_ =	sdelay $0x3  }
0x92: {  	_ =	strace s18  }
0x93: {  	s3 =	sld [smem:$0x3FFC];
	_ =	sdelay $0x3  }
0x94: {  	_ =	strace s3  }
0x95: {  	s3 =	sld [smem:$0x3FFD];
	_ =	sdelay $0x3  }
0x96: {  	_ =	strace s3  }
0x97: {  	_ =	strace $0x8FFFFFFF  }
0x98: {  	s19 =	sld [smem:$0x3FDB];
	_ =	sdelay $0x1  }
0x99: {  	s4 =	simm.s32 $_scs_section_size  }
0x9a: {  	s5 =	simm.s32 $_size__tile_overlayer_lowered;
	s6 =	simm.s32 $_tile_overlayer_lowered  }
0x9b: {  	s22 =	simm.s32 $0x1BFF;
	s21 =	sshll.u32 s6, $0x1;
	s3 =	sadd.s32 s4, s19  }
0x9c: {  	s7 =	simm.s32 $0x0;
	s20 =	sshll.u32 s5, $0x1;
	s5 =	sadd.s32 s21, s3  }
0x9d: {  	[timem:s7], [sflag:s22] =	dma.local [hbm:s5], s20  }
0x9e: {  	_ =	swait.ge [sflag:s22], s20  }
0x9f: {  	s4 =	ssub.s32 $0x0, s20;
	[sflag:s22] =	ssyncset.done $0x0  }
0xa0: {  	[sflag:s22] =	ssyncadd.s32 s4;
	_ =	sdelay $0x1  }
0xa1: {  	s23 =	simm.s32 $0x1B8B  }
0xa2: {  	_ =	swait.ge [sflag:s23], $0x1  }
0xa3: {  	[sflag:s23] =	ssyncset.done $0x0  }
0xa4: {  	s25 =	simm.s32 $0x1B8E;
	s24 =	sld [smem:$0x3FFE];
	[sflag:s23] =	ssyncadd.s32 $0xFFFFFFFF  }
0xa5: {  	s26 =	simm.s32 $execute0_lowered;
	[smem:$0x3FD2] =	sst s25  }
0xa6: {  	s5 =	sshll.u32 s26, $0x1;
	_ =	strace $0x8000004F;
	[dreg:$0x1] =	wrdreg $0xFFFFFFFF  }
0xa7: {  	s28 =	simm.s32 $_size_execute0_lowered;
	s3 =	sadd.s32 s3, s5;
	[dreg:$0x0] =	wrdreg $0x0  }
0xa8: {  	s5 =	sshll.u32 s28, $0x1;
	[dreg:$0x2] =	wrdreg s3  }
0xa9: {  	[dreg:$0x3] =	wrdreg s5  }
0xaa: {  	[dreg:$0x4] =	wrdreg $0xC0  }
0xab: {  	_ =	task [dreg:s7], $0x5FFFF  }
0xac: {  	[dreg:$0x1] =	wrdreg $0xFFFFFFFF  }
0xad: {  	[dreg:$0x0] =	wrdreg $0x60  }
0xae: {  	[dreg:$0x2] =	wrdreg s24  }
0xaf: {  	[dreg:$0x3] =	wrdreg s2  }
0xb0: {  	[dreg:$0x4] =	wrdreg $0x9  }
0xb1: {  	_ =	task.clear_ibuf [dreg:s7], $0x5FFFF;
	_ =	strace $0x9000004F  }
0xb2: {  	s29 =	simm.s32 $0x9;
	_ =	strace $0x80000051  }
0xb3: {  	_ =	swait.ge [sflag:s29], $0x1  }
0xb4: {  	[sflag:s29] =	ssyncadd.s32 $0xFFFFFFFF  }
0xb5: {  	_ =	strace $0x90000051  }
0xb6: {  	_ =	sfence  }
0xb7: {  	s30 =	sld [smem:$0x0];
	_ =	sdelay $0x2  }
0xb8: {  	s31 =	sshll.u32 s1, $0xD;
	s1 =	sshrl.u32 s1, $0x2  }
0xb9: {  	s3 =	sand.u32 $0x4000, s31;
	s1 =	sadd.s32 s1, s30  }
0xba: {  	s0 =	sor.u32 s3, s0;
	s1 =	sshll.u32 s1, $0x11  }
0xbb: {  	s0 =	sor.u32 s1, s0  }
0xbc: {  	s0 =	sadd.s32 $0x8F2B, s0  }
0xbd: {  	[sflag:s0] =	ssyncadd.remote.s32 $0x1  }
0xbe: {  	_ =	sfence.sel $0xFFFF  }
0xbf: {  	[dreg:$0x0] =	wrdreg $0xFFFFFFFF;
	(pc) =	sbr.abs _section_cstart, $3  }
0xc0: {  	[dreg:$0x1] =	wrdreg $0xFFFFFFFF  }
0xc1: {  	_ =	task.clear_ibuf [dreg:s7], $0x2FFFF;
	_ =	strace $0x9FFFFFFF  }
0xc2: {  	(tm) =	ssettm $0x7FFFFFFF  }
0xc3: {  	_ =	shalt  }
tec
execute0_lowered:
.L_overlay_start_1:
0x0: {  	(tag) =	ssettag $0x1  }
0x1: {  	v0 =	vimm.s32 $0xEAA55400;
	vm0 =	vcmask $0x1714  }
0x2: {  	vm1 =	vcmask $0x33C;
	vm2 =	vcmask $0x1B14;
	vm3 =	vcmask $0x73C  }
0x3: {  	vm4 =	vcmask $0xB3C;
	vm6 =	vcmask $0xF00;
	vm5 =	vcmask $0x2310  }
0x4: {  	vm7 =	vcmask $0x338;
	vm8 =	vcmask $0x3724;
	v1 =	vimm.s32 $0x7060606  }
0x5: {  	vm9 =	vcmask $0x3324;
	v2 =	vimm.s32 $0xBAAAAA99;
	vm10 =	vcmask $0x734  }
0x6: {  	vm11 =	vcmask $0x334;
	vm13 =	vcmask $0x1F00;
	vm12 =	vcmask $0xB08  }
0x7: {  	vm14 =	vcmask $0x231C;
	vm15 =	vcmask $0xF08;
	v3 =	vimm.s32 $0xEEDDDDDC  }
0x8: {  	v0 =	vunpack.c.l.s2.s4 v0;
	vm0 =	vmor vm1, vm0;
	vm1 =	vcmask $0x2B28  }
0x9: {  	v1 =	vunpack.c.0.s8.s32 v1;
	v2 =	vunpack.c.l.s4.s8 v2;
	vm14 =	vmor vm15, vm14  }
0xa: {  	vm15 =	vcmask $0x3730;
	v3 =	vunpack.c.l.s4.s8 v3;
	vm0 =	vmor vm0, vm1  }
0xb: {  	vm1 =	vmor vm3, vm2;
	vm2 =	vcmask $0x2F28;
	vm3 =	vcmask $0x1F14  }
0xc: {  	v0 =	vunpack.c.l.s4.s8 v0;
	vm1 =	vmor vm1, vm2;
	vm2 =	vmor vm4, vm3  }
0xd: {  	vm3 =	vcmask $0x3328;
	vm4 =	vcmask $0xF3C;
	v1 =	vnsel vm6, $0x9, v1  }
0xe: {  	v2 =	vunpack.c.0.s8.s32 v2;
	v3 =	vunpack.c.0.s8.s32 v3;
	vm2 =	vmor vm2, vm3  }
0xf: {  	vm3 =	vcmask $0x2314;
	v4 =	vunpack.c.0.s8.s32 v0;
	v0 =	vimm.s32 $0x0  }
0x10: {  	vm3 =	vmor vm4, vm3;
	vm4 =	vcmask $0x3728;
	v0 =	vsel vm1, $0xFFFFFFFF, v0  }
0x11: {  	v2 =	vand.u32 $0xF, v2;
	v3 =	vand.u32 $0xF, v3;
	[tilespmem:$0x1FFF0] =	vst v0;
	v0 =	vimm.s32 $0x6  }
0x12: {  	vm3 =	vmor vm3, vm4;
	v2 =	vnsel vm13, $0xC, v2;
	v0 =	vsel vm6, $0x3, v0  }
0x13: {  	v3 =	vnsel vm13, $0xF, v3;
	v0 =	vsel vm5, $0x4, v0;
	vm5 =	vcmask $0x1710  }
0x14: {  	vm13 =	vcmask $0x1B18;
	vm5 =	vmor vm7, vm5;
	vm7 =	vcmask $0x2B24  }
0x15: {  	vm4 =	vmor vm5, vm7;
	vm5 =	vcmask $0x1B10;
	vm7 =	vcmask $0x738  }
0x16: {  	v0 =	vsel vm8, $0x5, v0;
	vm5 =	vmor vm7, vm5;
	vm7 =	vcmask $0x2F24  }
0x17: {  	vm8 =	vcmask $0xB38;
	vm5 =	vmor vm5, vm7;
	vm7 =	vcmask $0x1F10  }
0x18: {  	vm8 =	vmor vm8, vm7;
	v1 =	vsel vm7, $0x7, v1;
	vm7 =	vcmask $0x3320  }
0x19: {  	vm6 =	vmor vm8, vm9;
	vm8 =	vcmask $0x2320;
	vm9 =	vcmask $0xF0C  }
0x1a: {  	v1 =	vsel vm7, $0x8, v1;
	vm8 =	vmor vm9, vm8;
	vm9 =	vcmask $0x3734  }
0x1b: {  	vm7 =	vmor vm8, vm9;
	vm8 =	vcmask $0x170C;
	vm9 =	vcmask $0x1B0C  }
0x1c: {  	vm9 =	vmor vm10, vm9;
	vm10 =	vcmask $0x2F20;
	vm11 =	vmor vm11, vm8  }
0x1d: {  	vm8 =	vmor vm9, vm10;
	vm9 =	vcmask $0x1F1C;
	v2 =	vsel vm10, $0xB, v2  }
0x1e: {  	vm10 =	vmor vm14, vm15;
	vm9 =	vmor vm12, vm9;
	vm12 =	vcmask $0x3330  }
0x1f: {  	vm14 =	vcmask $0x330;
	vm9 =	vmor vm9, vm12;
	vm12 =	vcmask $0x1708  }
0x20: {  	vm15 =	vcmask $0x2B20;
	vm12 =	vmor vm14, vm12;
	vm14 =	vcmask $0x2B1C  }
0x21: {  	s0 =	srdreg.scid;
	vm11 =	vmor vm11, vm15;
	vm12 =	vmor vm12, vm14;
	vm14 =	vcmask $0x704  }
0x22: {  	s4 =	sand.u32 $0x1, s0;
	v3 =	vsel vm15, $0xE, v3;
	vm13 =	vmor vm14, vm13;
	vm14 =	vcmask $0x2F2C  }
0x23: {  	s3 =	stileid.u32;
	s0 =	sshll.u32 s4, $0x4;
	vm15 =	vcmask $0xB04;
	vm13 =	vmor vm13, vm14;
	vm14 =	vcmask $0x1F18  }
0x24: {  	s1 =	rddreg [dreg:$0x0];
	v5 =	vimm.s32 $0x0;
	s0 =	sor.u32 s3, s0;
	s3 =	simm.s32 $0x0;
	vm14 =	vmor vm15, vm14  }
0x25: {  	[smem:$0x7FF] =	sst s3;
	vm15 =	vcmask $0xF04;
	v5 =	vsel vm14, $0xFFFFFFFF, v5;
	vm14 =	vcmask $0x2318  }
0x26: {  	s2 =	rddreg [dreg:$0x1];
	_ =	strace $0x80000050;
	[tilespmem:$0x1FFD0] =	vst v5;
	vm14 =	vmor vm15, vm14;
	v5 =	vimm.s32 $0x0  }
0x27: {  	v5 =	vsel vm14, $0xFFFFFFFF, v5  }
0x28: {  	[tilespmem:$0x1FFE0] =	vst v5;
	v5 =	vld [tilespmem:$0x1FFD0];
	_ =	sdelay $0x1  }
0x29: {  	s19 =	simm.s32 $0x1;
	s20 =	simm.s32 $0x1080  }
0x2a: {  	s21 =	simm.s32 $0x2100;
	s22 =	simm.s32 $0x3180;
	s23 =	simm.s32 $0x4200  }
0x2b: {  	s24 =	simm.s32 $0x5280;
	s25 =	simm.s32 $0x0;
	s31 =	sadd.s32 $0x114077, s1  }
0x2c: {  	s12 =	sadd.s32 $0x1446F0, s1;
	s6 =	ssub.s32 $0x2, s4;
	s5 =	smul.u32 $0xC1A0, s0;
	vm15 =	vnez.u8 v5;
	v5 =	vld [tilespmem:$0x1FFE0]  }
0x2d: {  	s14 =	sadd.s32 $0x1A53E4, s1;
	s16 =	sadd.s32 $0x1D5A5E, s1;
	s7 =	sshrl.u32 s6, $0x1  }
0x2e: {  	s17 =	sadd.s32 $0xF2053, s2;
	s18 =	ssub.s32 s6, s7;
	s4 =	smin.u32 s5, $0x177218  }
0x2f: {  	p0 =	sne.s32 s0, $0x0;
	s5 =	sadd.s32 $0xE3A00, s1;
	s9 =	sadd.s32 $0xC000, s4  }
0x30: {  	s18 =	smax.u32 s18, $0x1;
	s30 =	sadd.s32 $0x18F3C8, s4;
	s8 =	sadd.s32 $0x312798, s4;
	vm14 =	vcmask $0x332C  }
0x31: {  	s10 =	sadd.s32 $0x495B68, s4;
	s11 =	sadd.s32 $0x618F38, s4;
	s29 =	sshrl.u32 s9, $0x3;
	vm14 =	vmor vm15, vm14;
	vm15 =	vnez.u8 v5;
	v5 =	vld [tilespmem:$0x1FFF0]  }
.Ltmp0:
0x32: {  	s7 =	sshrl.u32 s30, $0x3;
	s8 =	sshrl.u32 s8, $0x3;
	(pc) =	sbr.rel .LBB2_1-.Ltmp0, $4  }
0x33: {  	s10 =	sshrl.u32 s10, $0x3;
	s11 =	sshrl.u32 s11, $0x3;
	s13 =	smul.u32 $0x5, s9  }
0x34: {  	[dreg:$0x3] =	wrdreg s31;
	s6 =	sadd.s32 s5, s29;
	s7 =	sadd.s32 s5, s7  }
0x35: {  	vm1 =	vcmask $0x372C;
	s8 =	sadd.s32 s5, s8;
	s10 =	sadd.s32 s5, s10;
	s15 =	sshrl.u32 s13, $0x3  }
0x36: {  	v4 =	vand.u32 $0x3, v4;
	s11 =	sadd.s32 s5, s11;
	s13 =	sadd.s32 $0x174D6A, s1;
	s15 =	sadd.s32 s2, s15;
	vm15 =	vmor vm15, vm1;
	vm1 =	vnez.u8 v5  }
.LBB2_9:
0x37: {  	s25 =	sadd.s32 $0x1, s25  }
0x38: {  	p1 =	sne.s32 s25, s18  }
.Ltmp1:
0x39: {  	_ = 	snop;
	(pc) =	sbr.rel @!p1 .LBB2_10-.Ltmp1, $1  }
0x3a: {  	_ =	sdelay $0x3  }
.LBB2_1:
0x3b: {  	s26 =	simm.s32 $0x0  }
.LBB2_2:
0x3c: {  	s0 =	sshll.u32 s26, $0xC  }
0x3d: {  	s28 =	sadd.s32 s4, s0  }
0x3e: {  	s0 =	sshrl.u32 s28, $0x3  }
0x3f: {  	s1 =	simm.s32 $0x0;
	s0 =	sadd.s32 s5, s0  }
0x40: {  	[tilespmem:s1], [sflag:$0x1] =	stream.linear.gather [hbm4b:s0+s1], $0x1010, $0x38;
	[tilespmem:$0xA280] =	vst v63  }
0x41: {  	s9 =	sadd.s32 $0x1833C8, s28;
	_ =	swait.ge [sflag:s19], $0x1010  }
0x42: {  	s0 =	sshrl.u32 s9, $0x3;
	[sflag:s19] =	ssyncset.done $0x0  }
0x43: {  	s0 =	sadd.s32 s5, s0;
	[sflag:s19] =	ssyncadd.s32 $0xFFFFEFF0  }
0x44: {  	[tilespmem:s20], [sflag:$0x1] =	stream.linear.gather [hbm4b:s0+s1], $0x1010, $0x38;
	[tilespmem:$0xA280] =	vst v63  }
0x45: {  	s9 =	sadd.s32 $0x306798, s28;
	_ =	swait.ge [sflag:s19], $0x1010  }
0x46: {  	s0 =	sshrl.u32 s9, $0x3;
	[sflag:s19] =	ssyncset.done $0x0  }
0x47: {  	s0 =	sadd.s32 s5, s0;
	[sflag:s19] =	ssyncadd.s32 $0xFFFFEFF0  }
0x48: {  	[tilespmem:s21], [sflag:$0x1] =	stream.linear.gather [hbm4b:s0+s1], $0x1010, $0x38;
	[tilespmem:$0xA280] =	vst v63  }
0x49: {  	s9 =	sadd.s32 $0x489B68, s28;
	_ =	swait.ge [sflag:s19], $0x1010  }
0x4a: {  	s0 =	sshrl.u32 s9, $0x3;
	[sflag:s19] =	ssyncset.done $0x0  }
0x4b: {  	s0 =	sadd.s32 s5, s0;
	[sflag:s19] =	ssyncadd.s32 $0xFFFFEFF0  }
0x4c: {  	[tilespmem:s22], [sflag:$0x1] =	stream.linear.gather [hbm4b:s0+s1], $0x1010, $0x38;
	[tilespmem:$0xA280] =	vst v63  }
0x4d: {  	s9 =	sadd.s32 $0x60CF38, s28;
	_ =	swait.ge [sflag:s19], $0x1010  }
0x4e: {  	s0 =	sshrl.u32 s9, $0x3;
	[sflag:s19] =	ssyncset.done $0x0  }
0x4f: {  	s0 =	sadd.s32 s5, s0;
	[sflag:s19] =	ssyncadd.s32 $0xFFFFEFF0  }
0x50: {  	[tilespmem:s23], [sflag:$0x1] =	stream.linear.gather [hbm4b:s0+s1], $0x1010, $0x38;
	[tilespmem:$0xA280] =	vst v63  }
0x51: {  	_ =	swait.ge [sflag:s19], $0x1010  }
0x52: {  	[sflag:s19] =	ssyncset.done $0x0  }
0x53: {  	s9 =	simm.s32 $0x0;
	[sflag:s19] =	ssyncadd.s32 $0xFFFFEFF0  }
0x54: {  	v5 =	vld [tilespmem:s9+$0x1086];
	_ =	sdelay $0x1  }
0x55: {  	v6 =	vld [tilespmem:s9+$0x0];
	_ =	sdelay $0x1  }
0x56: {  	v7 =	vld [tilespmem:s9+$0x3182]  }
0x57: {  	v8 =	vld [tilespmem:s9+$0x2104];
	v9 =	vperm.xlane v5, v4;
	v10 =	vperm.xlane v5, v1  }
0x58: {  	v11 =	vperm.xlane v5, v0;
	v12 =	vperm.xlane v5, v2  }
0x59: {  	v13 =	vperm.xlane v6, v0;
	v14 =	vperm.xlane v6, v3  }
0x5a: {  	v15 =	vperm.xlane v6, v4;
	v5 =	vperm.xlane v5, v3  }
0x5b: {  	v16 =	vld [tilespmem:s9+$0x4200];
	v57 =	vperm.xlane v7, v1;
	v17 =	vperm.xlane v6, v2  }
0x5c: {  	v58 =	vperm.xlane v7, v4;
	v18 =	vperm.xlane v8, v0  }
0x5d: {  	v6 =	vperm.xlane v6, v1;
	v59 =	vperm.xlane v7, v2  }
0x5e: {  	v19 =	vperm.xlane v8, v4;
	v20 =	vperm.xlane v7, v0  }
0x5f: {  	v60 =	vperm.xlane v8, v3;
	v7 =	vperm.xlane v7, v3  }
0x60: {  	v61 =	vperm.xlane v16, v0;
	v62 =	vperm.xlane v16, v1  }
0x61: {  	v63 =	vperm.xlane v16, v4;
	v11 =	vsel vm0, v11, v13;
	v9 =	vsel vm0, v15, v9  }
0x62: {  	v12 =	vsel vm9, v17, v12;
	v5 =	vsel vm13, v14, v5;
	v6 =	vsel vm7, v6, v10  }
0x63: {  	v10 =	vperm.xlane v8, v2;
	v8 =	vperm.xlane v8, v1;
	v11 =	vsel vm4, v11, v18  }
0x64: {  	v14 =	vsel vm14, v5, v60;
	v9 =	vsel vm1, v9, v19;
	v11 =	vsel vm5, v11, v20  }
0x65: {  	v10 =	vsel vm10, v12, v10;
	v9 =	vsel vm2, v9, v58;
	v6 =	vsel vm0, v8, v6  }
0x66: {  	s31 =	simm.s32 $0x52A0;
	v7 =	vsel vm15, v14, v7;
	v5 =	vsel vm6, v11, v61;
	v11 =	vperm.xlane v16, v2  }
0x67: {  	s30 =	simm.s32 $0x10;
	v8 =	vsel vm0, v59, v10;
	v9 =	vsel vm3, v9, v63;
	v6 =	vsel vm11, v6, v57;
	[tilespmem:s31+$0xFFFFFFF0] =	vst v5  }
0x68: {  	s29 =	simm.s32 $0x52F0;
	s1 =	simm.s32 $0x80;
	s0 =	simm.s32 $0x52F0;
	v5 =	vperm.xlane v16, v3;
	[tilespmem:s31+$0xFFFFFFE0] =	vst v9;
	v6 =	vsel vm8, v6, v62;
	v8 =	vsel vm12, v8, v11  }
.LBB2_3:
0x69: {  	p1 =	sne.s32 s1, $0x3FC0  }
0x6a: {  	s0 =	sadd.s32 $0x50, s0;
	[tilespmem:s31+$0x10] =	vst v8;
	s9 =	smov.u32 s1;
	s1 =	sadd.s32 $0x40, s1  }
0x6b: {  	v5 =	vsel vm0, v5, v7;
	[tilespmem:s31+$0x0] =	vst v6  }
0x6c: {  	[tilespmem:s31+$0x20] =	vst v5;
	s31 =	smov.u32 s29;
	s29 =	smov.u32 s0  }
0x6d: {  	v5 =	vld [tilespmem:s30+$0x1086]  }
0x6e: {  	v6 =	vld [tilespmem:s30+$0x0]  }
0x6f: {  	v7 =	vld [tilespmem:s30+$0x3182];
	_ =	sdelay $0x2  }
0x70: {  	v8 =	vld [tilespmem:s30+$0x2104];
	v9 =	vperm.xlane v5, v4;
	v10 =	vperm.xlane v5, v1  }
0x71: {  	v11 =	vperm.xlane v5, v0;
	v12 =	vperm.xlane v5, v2  }
0x72: {  	v13 =	vperm.xlane v6, v0;
	v14 =	vperm.xlane v6, v3  }
0x73: {  	v5 =	vperm.xlane v5, v3;
	v15 =	vperm.xlane v6, v4  }
0x74: {  	v17 =	vperm.xlane v6, v2;
	v11 =	vsel vm0, v11, v13;
	v13 =	vperm.xlane v7, v1;
	v16 =	vld [tilespmem:s30+$0x4200];
	s30 =	sshra.s32 s9, $0x2  }
0x75: {  	v9 =	vsel vm0, v15, v9;
	v15 =	vperm.xlane v7, v4;
	v18 =	vperm.xlane v8, v0  }
0x76: {  	v6 =	vperm.xlane v6, v1;
	v12 =	vsel vm9, v17, v12;
	v17 =	vperm.xlane v7, v2  }
0x77: {  	v20 =	vperm.xlane v7, v0;
	v5 =	vsel vm13, v14, v5;
	v19 =	vperm.xlane v8, v4  }
0x78: {  	v7 =	vperm.xlane v7, v3;
	v14 =	vperm.xlane v8, v3;
	v11 =	vsel vm4, v11, v18  }
0x79: {  	v11 =	vsel vm5, v11, v20;
	v18 =	vperm.xlane v16, v0;
	v20 =	vperm.xlane v16, v1  }
0x7a: {  	v6 =	vsel vm7, v6, v10;
	v10 =	vperm.xlane v8, v2;
	v14 =	vsel vm14, v5, v14  }
.Ltmp2:
0x7b: {  	v8 =	vperm.xlane v8, v1;
	v5 =	vsel vm6, v11, v18;
	v11 =	vperm.xlane v16, v2;
	(pc) =	sbr.rel @p1 .LBB2_3-.Ltmp2, $4  }
0x7c: {  	v9 =	vsel vm1, v9, v19;
	v18 =	vperm.xlane v16, v4;
	[tilespmem:s31+$0xFFFFFFF0] =	vst v5;
	v5 =	vsel vm10, v12, v10  }
0x7d: {  	v6 =	vsel vm0, v8, v6;
	v9 =	vsel vm2, v9, v15;
	v8 =	vsel vm0, v17, v5  }
0x7e: {  	v6 =	vsel vm11, v6, v13;
	v9 =	vsel vm3, v9, v18;
	v5 =	vperm.xlane v16, v3  }
0x7f: {  	v7 =	vsel vm15, v14, v7;
	v6 =	vsel vm8, v6, v20;
	v8 =	vsel vm12, v8, v11;
	[tilespmem:s31+$0xFFFFFFE0] =	vst v9  }
0x80: {  	[tilespmem:s31+$0x10] =	vst v8  }
0x81: {  	[tilespmem:s31+$0x0] =	vst v6;
	v5 =	vsel vm0, v5, v7  }
0x82: {  	[tilespmem:s31+$0x20] =	vst v5  }
0x83: {  	v5 =	vld [tilespmem:s30+$0x1086];
	_ =	sdelay $0x1  }
0x84: {  	v6 =	vld [tilespmem:s30+$0x0];
	_ =	sdelay $0x1  }
0x85: {  	v7 =	vld [tilespmem:s30+$0x3182]  }
0x86: {  	v9 =	vld [tilespmem:s30+$0x2104];
	v51 =	vperm.xlane v5, v4;
	v10 =	vperm.xlane v5, v1  }
0x87: {  	v11 =	vperm.xlane v5, v0;
	v12 =	vperm.xlane v5, v2  }
0x88: {  	v13 =	vperm.xlane v6, v0;
	v14 =	vperm.xlane v6, v3  }
0x89: {  	v15 =	vperm.xlane v6, v4;
	v5 =	vperm.xlane v5, v3  }
0x8a: {  	v16 =	vld [tilespmem:s30+$0x4200];
	v17 =	vperm.xlane v7, v1;
	v52 =	vperm.xlane v6, v2  }
0x8b: {  	v18 =	vperm.xlane v7, v4;
	v53 =	vperm.xlane v9, v0  }
0x8c: {  	v6 =	vperm.xlane v6, v1;
	v54 =	vperm.xlane v7, v2  }
0x8d: {  	v19 =	vperm.xlane v9, v4;
	v20 =	vperm.xlane v7, v0  }
0x8e: {  	v55 =	vperm.xlane v9, v3;
	v7 =	vperm.xlane v7, v3  }
0x8f: {  	v56 =	vperm.xlane v16, v0;
	v57 =	vperm.xlane v16, v1  }
0x90: {  	v58 =	vperm.xlane v9, v2;
	v9 =	vperm.xlane v9, v1  }
0x91: {  	v59 =	vperm.xlane v16, v4;
	v60 =	vperm.xlane v16, v2  }
0x92: {  	v62 =	vperm.xlane v16, v3;
	v11 =	vsel vm0, v11, v13;
	v8 =	vsel vm0, v15, v51  }
0x93: {  	v12 =	vsel vm9, v52, v12;
	v5 =	vsel vm13, v14, v5;
	v11 =	vsel vm4, v11, v53  }
0x94: {  	v6 =	vsel vm7, v6, v10;
	v8 =	vsel vm1, v8, v19;
	v11 =	vsel vm5, v11, v20  }
0x95: {  	v10 =	vsel vm10, v12, v58;
	v8 =	vsel vm2, v8, v18;
	v11 =	vsel vm6, v11, v56  }
0x96: {  	v6 =	vsel vm0, v9, v6;
	v61 =	vsel vm0, v54, v10;
	v8 =	vsel vm3, v8, v59;
	[tilespmem:s29+$0xFFFFFFF0] =	vst v11  }
0x97: {  	s0 =	smul.u32 $0x5, s28;
	v5 =	vsel vm14, v5, v55;
	v6 =	vsel vm11, v6, v17;
	v63 =	vsel vm12, v61, v60;
	[tilespmem:s29+$0xFFFFFFE0] =	vst v8  }
0x98: {  	s26 =	sadd.s32 $0x1, s26;
	v5 =	vsel vm15, v5, v7;
	v6 =	vsel vm8, v6, v57;
	[tilespmem:s29+$0x10] =	vst v63  }
0x99: {  	p1 =	sne.s32 s26, $0xC;
	s0 =	sshrl.u32 s0, $0x3;
	v5 =	vsel vm0, v62, v5;
	[tilespmem:s29+$0x0] =	vst v6  }
.Ltmp3:
0x9a: {  	s0 =	sadd.s32 s2, s0;
	[tilespmem:s29+$0x20] =	vst v5;
	(pc) =	sbr.rel @p1 .LBB2_2-.Ltmp3, $4  }
0x9b: {  	[hbm4b:s0+s3] =	stream.linear.scatter [tilespmem:s24], [sflag:$0x1], $0x5000, $0x38;
	[tilespmem:$0xA280] =	vst v63  }
0x9c: {  	_ =	swait.ge [sflag:s19], $0x5000  }
0x9d: {  	[sflag:s19] =	ssyncset.done $0x0  }
0x9e: {  	[sflag:s19] =	ssyncadd.s32 $0xFFFFB000  }
0x9f: {  	s0 =	simm.s32 $0x0  }
0xa0: {  	[tilespmem:s0], [sflag:$0x1] =	stream.linear.gather [hbm4b:s6+s0], $0x1B0, $0x38;
	[tilespmem:$0xA280] =	vst v63  }
0xa1: {  	_ =	swait.ge [sflag:s19], $0x1B0  }
0xa2: {  	[sflag:s19] =	ssyncset.done $0x0  }
0xa3: {  	[sflag:s19] =	ssyncadd.s32 $0xFFFFFE50  }
0xa4: {  	[tilespmem:s20], [sflag:$0x1] =	stream.linear.gather [hbm4b:s7+s0], $0x1B0, $0x38;
	[tilespmem:$0xA280] =	vst v63  }
0xa5: {  	_ =	swait.ge [sflag:s19], $0x1B0  }
0xa6: {  	[sflag:s19] =	ssyncset.done $0x0  }
0xa7: {  	[sflag:s19] =	ssyncadd.s32 $0xFFFFFE50  }
0xa8: {  	[tilespmem:s21], [sflag:$0x1] =	stream.linear.gather [hbm4b:s8+s0], $0x1B0, $0x38;
	[tilespmem:$0xA280] =	vst v63  }
0xa9: {  	_ =	swait.ge [sflag:s19], $0x1B0  }
0xaa: {  	[sflag:s19] =	ssyncset.done $0x0  }
0xab: {  	[sflag:s19] =	ssyncadd.s32 $0xFFFFFE50  }
0xac: {  	[tilespmem:s22], [sflag:$0x1] =	stream.linear.gather [hbm4b:s10+s0], $0x1B0, $0x38;
	[tilespmem:$0xA280] =	vst v63  }
0xad: {  	_ =	swait.ge [sflag:s19], $0x1B0  }
0xae: {  	[sflag:s19] =	ssyncset.done $0x0  }
0xaf: {  	[sflag:s19] =	ssyncadd.s32 $0xFFFFFE50  }
0xb0: {  	[tilespmem:s23], [sflag:$0x1] =	stream.linear.gather [hbm4b:s11+s0], $0x1B0, $0x38;
	[tilespmem:$0xA280] =	vst v63  }
0xb1: {  	_ =	swait.ge [sflag:s19], $0x1B0  }
0xb2: {  	[sflag:s19] =	ssyncset.done $0x0  }
0xb3: {  	s31 =	simm.s32 $0x0;
	[sflag:s19] =	ssyncadd.s32 $0xFFFFFE50  }
0xb4: {  	v5 =	vld [tilespmem:s31+$0x1086];
	_ =	sdelay $0x1  }
0xb5: {  	v6 =	vld [tilespmem:s31+$0x0];
	_ =	sdelay $0x1  }
0xb6: {  	v7 =	vld [tilespmem:s31+$0x3182]  }
0xb7: {  	v8 =	vld [tilespmem:s31+$0x2104];
	v9 =	vperm.xlane v5, v4;
	v10 =	vperm.xlane v5, v1  }
0xb8: {  	v11 =	vperm.xlane v5, v0;
	v12 =	vperm.xlane v5, v2  }
0xb9: {  	v13 =	vperm.xlane v6, v0;
	v14 =	vperm.xlane v6, v3  }
0xba: {  	v15 =	vperm.xlane v6, v4;
	v5 =	vperm.xlane v5, v3  }
0xbb: {  	v16 =	vld [tilespmem:s31+$0x4200];
	v57 =	vperm.xlane v7, v1;
	v17 =	vperm.xlane v6, v2  }
0xbc: {  	v58 =	vperm.xlane v7, v4;
	v18 =	vperm.xlane v8, v0  }
0xbd: {  	v6 =	vperm.xlane v6, v1;
	v59 =	vperm.xlane v7, v2  }
0xbe: {  	v19 =	vperm.xlane v8, v4;
	v20 =	vperm.xlane v7, v0  }
0xbf: {  	v60 =	vperm.xlane v8, v3;
	v7 =	vperm.xlane v7, v3  }
0xc0: {  	v61 =	vperm.xlane v16, v0;
	v62 =	vperm.xlane v16, v1  }
0xc1: {  	v63 =	vperm.xlane v16, v4;
	v11 =	vsel vm0, v11, v13;
	v9 =	vsel vm0, v15, v9  }
0xc2: {  	v12 =	vsel vm9, v17, v12;
	v5 =	vsel vm13, v14, v5;
	v6 =	vsel vm7, v6, v10  }
0xc3: {  	v10 =	vperm.xlane v8, v2;
	v8 =	vperm.xlane v8, v1;
	v11 =	vsel vm4, v11, v18  }
0xc4: {  	v14 =	vsel vm14, v5, v60;
	v9 =	vsel vm1, v9, v19;
	v11 =	vsel vm5, v11, v20  }
0xc5: {  	v10 =	vsel vm10, v12, v10;
	v9 =	vsel vm2, v9, v58;
	v6 =	vsel vm0, v8, v6  }
0xc6: {  	s29 =	simm.s32 $0x52A0;
	v7 =	vsel vm15, v14, v7;
	v5 =	vsel vm6, v11, v61;
	v11 =	vperm.xlane v16, v2  }
0xc7: {  	s1 =	simm.s32 $0x80;
	v8 =	vsel vm0, v59, v10;
	v9 =	vsel vm3, v9, v63;
	v6 =	vsel vm11, v6, v57;
	[tilespmem:s29+$0xFFFFFFF0] =	vst v5  }
0xc8: {  	s28 =	simm.s32 $0x10;
	s26 =	simm.s32 $0x52F0;
	s0 =	simm.s32 $0x52F0;
	v5 =	vperm.xlane v16, v3;
	[tilespmem:s29+$0xFFFFFFE0] =	vst v9;
	v6 =	vsel vm8, v6, v62;
	v8 =	vsel vm12, v8, v11  }
.LBB2_6:
0xc9: {  	p1 =	sne.s32 s1, $0x640  }
0xca: {  	s0 =	sadd.s32 $0x50, s0;
	[tilespmem:s29+$0x10] =	vst v8;
	s9 =	smov.u32 s1;
	s1 =	sadd.s32 $0x40, s1  }
0xcb: {  	v5 =	vsel vm0, v5, v7;
	[tilespmem:s29+$0x0] =	vst v6  }
0xcc: {  	[tilespmem:s29+$0x20] =	vst v5;
	s29 =	smov.u32 s26;
	s26 =	smov.u32 s0  }
0xcd: {  	v5 =	vld [tilespmem:s28+$0x1086]  }
0xce: {  	v6 =	vld [tilespmem:s28+$0x0]  }
0xcf: {  	v7 =	vld [tilespmem:s28+$0x3182];
	_ =	sdelay $0x2  }
0xd0: {  	v8 =	vld [tilespmem:s28+$0x2104];
	v9 =	vperm.xlane v5, v4;
	v10 =	vperm.xlane v5, v1  }
0xd1: {  	v11 =	vperm.xlane v5, v0;
	v12 =	vperm.xlane v5, v2  }
0xd2: {  	v13 =	vperm.xlane v6, v0;
	v14 =	vperm.xlane v6, v3  }
0xd3: {  	v5 =	vperm.xlane v5, v3;
	v15 =	vperm.xlane v6, v4  }
0xd4: {  	v17 =	vperm.xlane v6, v2;
	v11 =	vsel vm0, v11, v13;
	v13 =	vperm.xlane v7, v1;
	v16 =	vld [tilespmem:s28+$0x4200];
	s28 =	sshra.s32 s9, $0x2  }
0xd5: {  	v9 =	vsel vm0, v15, v9;
	v15 =	vperm.xlane v7, v4;
	v18 =	vperm.xlane v8, v0  }
0xd6: {  	v6 =	vperm.xlane v6, v1;
	v12 =	vsel vm9, v17, v12;
	v17 =	vperm.xlane v7, v2  }
0xd7: {  	v20 =	vperm.xlane v7, v0;
	v5 =	vsel vm13, v14, v5;
	v19 =	vperm.xlane v8, v4  }
0xd8: {  	v7 =	vperm.xlane v7, v3;
	v14 =	vperm.xlane v8, v3;
	v11 =	vsel vm4, v11, v18  }
0xd9: {  	v11 =	vsel vm5, v11, v20;
	v18 =	vperm.xlane v16, v0;
	v20 =	vperm.xlane v16, v1  }
0xda: {  	v6 =	vsel vm7, v6, v10;
	v10 =	vperm.xlane v8, v2;
	v14 =	vsel vm14, v5, v14  }
.Ltmp4:
0xdb: {  	v8 =	vperm.xlane v8, v1;
	v5 =	vsel vm6, v11, v18;
	v11 =	vperm.xlane v16, v2;
	(pc) =	sbr.rel @p1 .LBB2_6-.Ltmp4, $4  }
0xdc: {  	v9 =	vsel vm1, v9, v19;
	v18 =	vperm.xlane v16, v4;
	[tilespmem:s29+$0xFFFFFFF0] =	vst v5;
	v5 =	vsel vm10, v12, v10  }
0xdd: {  	v6 =	vsel vm0, v8, v6;
	v9 =	vsel vm2, v9, v15;
	v8 =	vsel vm0, v17, v5  }
0xde: {  	v6 =	vsel vm11, v6, v13;
	v9 =	vsel vm3, v9, v18;
	v5 =	vperm.xlane v16, v3  }
0xdf: {  	v7 =	vsel vm15, v14, v7;
	v6 =	vsel vm8, v6, v20;
	v8 =	vsel vm12, v8, v11;
	[tilespmem:s29+$0xFFFFFFE0] =	vst v9  }
0xe0: {  	[tilespmem:s29+$0x10] =	vst v8  }
0xe1: {  	[tilespmem:s29+$0x0] =	vst v6;
	v5 =	vsel vm0, v5, v7  }
0xe2: {  	[tilespmem:s29+$0x20] =	vst v5  }
0xe3: {  	v5 =	vld [tilespmem:s28+$0x1086];
	_ =	sdelay $0x1  }
0xe4: {  	v6 =	vld [tilespmem:s28+$0x0];
	_ =	sdelay $0x1  }
0xe5: {  	v7 =	vld [tilespmem:s28+$0x3182]  }
0xe6: {  	v9 =	vld [tilespmem:s28+$0x2104];
	v51 =	vperm.xlane v5, v4;
	v10 =	vperm.xlane v5, v1  }
0xe7: {  	v11 =	vperm.xlane v5, v0;
	v12 =	vperm.xlane v5, v2  }
0xe8: {  	v13 =	vperm.xlane v6, v0;
	v14 =	vperm.xlane v6, v3  }
0xe9: {  	v15 =	vperm.xlane v6, v4;
	v5 =	vperm.xlane v5, v3  }
0xea: {  	v16 =	vld [tilespmem:s28+$0x4200];
	v17 =	vperm.xlane v7, v1;
	v52 =	vperm.xlane v6, v2  }
0xeb: {  	v18 =	vperm.xlane v7, v4;
	v53 =	vperm.xlane v9, v0  }
0xec: {  	v6 =	vperm.xlane v6, v1;
	v54 =	vperm.xlane v7, v2  }
0xed: {  	v19 =	vperm.xlane v9, v4;
	v20 =	vperm.xlane v7, v0  }
0xee: {  	v55 =	vperm.xlane v9, v3;
	v7 =	vperm.xlane v7, v3  }
0xef: {  	v56 =	vperm.xlane v16, v0;
	v57 =	vperm.xlane v16, v1  }
0xf0: {  	v58 =	vperm.xlane v9, v2;
	v9 =	vperm.xlane v9, v1  }
0xf1: {  	v59 =	vperm.xlane v16, v4;
	v60 =	vperm.xlane v16, v2  }
0xf2: {  	v62 =	vperm.xlane v16, v3;
	v11 =	vsel vm0, v11, v13;
	v8 =	vsel vm0, v15, v51  }
0xf3: {  	v12 =	vsel vm9, v52, v12;
	v5 =	vsel vm13, v14, v5;
	v11 =	vsel vm4, v11, v53  }
0xf4: {  	v6 =	vsel vm7, v6, v10;
	v8 =	vsel vm1, v8, v19;
	v11 =	vsel vm5, v11, v20  }
0xf5: {  	v10 =	vsel vm10, v12, v58;
	v8 =	vsel vm2, v8, v18;
	v11 =	vsel vm6, v11, v56  }
0xf6: {  	v6 =	vsel vm0, v9, v6;
	v61 =	vsel vm0, v54, v10;
	v8 =	vsel vm3, v8, v59;
	[tilespmem:s26+$0xFFFFFFF0] =	vst v11  }
0xf7: {  	v5 =	vsel vm14, v5, v55;
	v6 =	vsel vm11, v6, v17;
	v63 =	vsel vm12, v61, v60;
	[tilespmem:s26+$0xFFFFFFE0] =	vst v8  }
0xf8: {  	v5 =	vsel vm15, v5, v7;
	v6 =	vsel vm8, v6, v57;
	[tilespmem:s26+$0x10] =	vst v63  }
0xf9: {  	v5 =	vsel vm0, v62, v5;
	[tilespmem:s26+$0x0] =	vst v6  }
.Ltmp5:
0xfa: {  	[tilespmem:s26+$0x20] =	vst v5;
	(pc) =	sbr.rel @p0 .LBB2_9-.Ltmp5, $4  }
0xfb: {  	[hbm4b:s15+s3] =	stream.linear.scatter [tilespmem:s24], [sflag:$0x1], $0x820, $0x38;
	[tilespmem:$0xA280] =	vst v63  }
0xfc: {  	_ =	swait.ge [sflag:s19], $0x820  }
0xfd: {  	[sflag:s19] =	ssyncset.done $0x0  }
0xfe: {  	[sflag:s19] =	ssyncadd.s32 $0xFFFFF7E0  }
0xff: {  	s0 =	rddreg [dreg:$0x3]  }
0x100: {  	[tilespmem:s3], [sflag:$0x1] =	stream.linear.gather [hbm4b:s0+s3], $0x16, $0x38;
	[tilespmem:$0xA280] =	vst v63  }
0x101: {  	_ =	swait.ge [sflag:s19], $0x16  }
0x102: {  	[sflag:s19] =	ssyncset.done $0x0  }
0x103: {  	[sflag:s19] =	ssyncadd.s32 $0xFFFFFFEA  }
0x104: {  	[tilespmem:s20], [sflag:$0x1] =	stream.linear.gather [hbm4b:s12+s3], $0x1C, $0x38;
	[tilespmem:$0xA280] =	vst v63  }
0x105: {  	_ =	swait.ge [sflag:s19], $0x1C  }
0x106: {  	[sflag:s19] =	ssyncset.done $0x0  }
0x107: {  	[sflag:s19] =	ssyncadd.s32 $0xFFFFFFE4  }
0x108: {  	[tilespmem:s21], [sflag:$0x1] =	stream.linear.gather [hbm4b:s13+s3], $0x1A, $0x38;
	[tilespmem:$0xA280] =	vst v63  }
0x109: {  	_ =	swait.ge [sflag:s19], $0x1A  }
0x10a: {  	[sflag:s19] =	ssyncset.done $0x0  }
0x10b: {  	[sflag:s19] =	ssyncadd.s32 $0xFFFFFFE6  }
0x10c: {  	[tilespmem:s22], [sflag:$0x1] =	stream.linear.gather [hbm4b:s14+s3], $0x18, $0x38;
	[tilespmem:$0xA280] =	vst v63  }
0x10d: {  	_ =	swait.ge [sflag:s19], $0x18  }
0x10e: {  	[sflag:s19] =	ssyncset.done $0x0  }
0x10f: {  	[sflag:s19] =	ssyncadd.s32 $0xFFFFFFE8  }
0x110: {  	[tilespmem:s23], [sflag:$0x1] =	stream.linear.gather [hbm4b:s16+s3], $0x16, $0x38;
	[tilespmem:$0xA280] =	vst v63  }
0x111: {  	_ =	swait.ge [sflag:s19], $0x16  }
0x112: {  	[sflag:s19] =	ssyncset.done $0x0  }
0x113: {  	[sflag:s19] =	ssyncadd.s32 $0xFFFFFFEA  }
0x114: {  	v5 =	vld [tilespmem:$0x0]  }
0x115: {  	v6 =	vld [tilespmem:$0x1086]  }
0x116: {  	v7 =	vld [tilespmem:$0x2104]  }
0x117: {  	v8 =	vld [tilespmem:$0x3182];
	_ =	sdelay $0x1  }
0x118: {  	v9 =	vld [tilespmem:$0x4200]  }
0x119: {  	v10 =	vperm.xlane v5, v4  }
0x11a: {  	v11 =	vperm.xlane v6, v4;
	v12 =	vperm.xlane v7, v4  }
0x11b: {  	v13 =	vperm.xlane v8, v4;
	v44 =	vperm.xlane v5, v0  }
0x11c: {  	v14 =	vperm.xlane v6, v0;
	v45 =	vperm.xlane v7, v0  }
0x11d: {  	v46 =	vperm.xlane v8, v0;
	v47 =	vperm.xlane v9, v4  }
0x11e: {  	v48 =	vperm.xlane v9, v0;
	v49 =	vperm.xlane v5, v1  }
0x11f: {  	v17 =	vld [tilespmem:$0x10];
	v15 =	vperm.xlane v6, v1;
	v50 =	vperm.xlane v7, v1  }
0x120: {  	v19 =	vld [tilespmem:$0x1096];
	v51 =	vperm.xlane v8, v1;
	v52 =	vperm.xlane v9, v1  }
0x121: {  	v55 =	vld [tilespmem:$0x2114];
	v53 =	vperm.xlane v5, v2;
	v16 =	vperm.xlane v6, v2  }
0x122: {  	v58 =	vld [tilespmem:$0x4210];
	v54 =	vperm.xlane v7, v2;
	v18 =	vperm.xlane v8, v2  }
0x123: {  	v56 =	vld [tilespmem:$0x3192];
	v5 =	vperm.xlane v5, v3;
	v6 =	vperm.xlane v6, v3  }
0x124: {  	v7 =	vperm.xlane v7, v3;
	v57 =	vperm.xlane v9, v2  }
0x125: {  	v59 =	vperm.xlane v19, v4;
	v60 =	vperm.xlane v17, v0  }
0x126: {  	v61 =	vperm.xlane v19, v0;
	v62 =	vperm.xlane v55, v0  }
0x127: {  	v63 =	vperm.xlane v58, v4;
	v10 =	vsel vm0, v10, v11;
	v11 =	vsel vm0, v14, v44  }
0x128: {  	v5 =	vsel vm13, v5, v6;
	v6 =	vperm.xlane v8, v3;
	v8 =	vperm.xlane v56, v0  }
0x129: {  	v10 =	vsel vm1, v10, v12;
	v11 =	vsel vm4, v11, v45;
	v5 =	vsel vm14, v5, v7  }
0x12a: {  	v7 =	vperm.xlane v9, v3;
	v9 =	vperm.xlane v58, v0;
	v10 =	vsel vm2, v10, v13  }
0x12b: {  	v11 =	vsel vm5, v11, v46;
	v13 =	vsel vm7, v49, v15;
	v5 =	vsel vm15, v5, v6  }
0x12c: {  	v6 =	vperm.xlane v17, v4;
	v10 =	vsel vm3, v10, v47;
	v11 =	vsel vm6, v11, v48  }
0x12d: {  	v12 =	vsel vm0, v50, v13;
	v5 =	vsel vm0, v7, v5;
	v7 =	vperm.xlane v55, v4  }
0x12e: {  	v13 =	vsel vm9, v53, v16;
	v12 =	vsel vm11, v12, v51;
	[tilespmem:$0x5280] =	vst v10;
	v6 =	vsel vm0, v6, v59  }
0x12f: {  	v13 =	vsel vm10, v13, v54;
	[tilespmem:$0x5290] =	vst v11;
	v6 =	vsel vm1, v6, v7;
	v7 =	vperm.xlane v56, v4  }
0x130: {  	v10 =	vsel vm0, v61, v60;
	[tilespmem:$0x52C0] =	vst v5;
	v12 =	vsel vm8, v12, v52;
	v13 =	vsel vm0, v18, v13  }
0x131: {  	v13 =	vsel vm12, v13, v57;
	[tilespmem:$0x52A0] =	vst v12;
	v6 =	vsel vm2, v6, v7;
	v7 =	vsel vm4, v10, v62  }
0x132: {  	[tilespmem:$0x52B0] =	vst v13;
	v5 =	vsel vm3, v6, v63;
	v6 =	vsel vm5, v7, v8  }
0x133: {  	[tilespmem:$0x52D0] =	vst v5;
	v5 =	vsel vm6, v6, v9  }
.Ltmp6:
0x134: {  	[tilespmem:$0x52E0] =	vst v5;
	(pc) =	sbr.rel .LBB2_9-.Ltmp6, $4  }
0x135: {  	[hbm4b:s17+s3] =	stream.linear.scatter [tilespmem:s24], [sflag:$0x1], $0x6E, $0x38;
	[tilespmem:$0xA280] =	vst v63  }
0x136: {  	_ =	swait.ge [sflag:s19], $0x6E  }
0x137: {  	[sflag:s19] =	ssyncset.done $0x0  }
0x138: {  	[sflag:s19] =	ssyncadd.s32 $0xFFFFFF92  }
.LBB2_10:
0x139: {  	_ =	sfence.sel $0x180000  }
0x13a: {  	[bflag:$0x0] =	sbarrier.arrive $0xFFFF  }
0x13b: {  	_ =	strace $0x90000050  }
0x13c: {  	s0 =	stileid.u32;
	[bflag:$0x2] =	sbarrier.arrive $0xFFFF  }
0x13d: {  	p0 =	sne.s32 s0, $0x0;
	s0 =	rddreg [dreg:$0x2]  }
0x13e: {  	s0 =	sadd.s32 @!p0 $0x100000, s0  }
0x13f: {  	[sflag:s0] =	ssyncadd.tile.s32 @!p0 $0x1;
	_ =	shalt  }
.Lfunc_end2:
_tile_overlayer_lowered:
.L_overlay_start_2:
0x140: {  	(tag) =	ssettag $0x2  }
0x141: {  	s0 =	rddreg [dreg:$0x0];
	s2 =	stileid.u32  }
0x142: {  	s1 =	rddreg [dreg:$0x1];
	p0 =	sne.s32 s2, $0x0  }
0x143: {  	s3 =	rddreg [dreg:$0x2];
	[bflag:$0x3] =	sbarrier.arrive $0xFFFF;
	s2 =	simm.s32 @!p0 $0x1C01  }
0x144: {  	[timem:s3], [sflag:s2] =	dma.local @!p0 [hbm:s0], s1  }
0x145: {  	s0 =	simm.s32 @!p0 $0x1  }
0x146: {  	_ =	swait.ge @!p0 [sflag:s0], s1  }
0x147: {  	s1 =	ssub.s32 @!p0 $0x0, s1;
	[sflag:s0] =	ssyncset.done @!p0 $0x0  }
0x148: {  	[sflag:s0] =	ssyncadd.s32 @!p0 s1  }
0x149: {  	[bflag:$0x3] =	sbarrier.arrive $0xFFFF  }
0x14a: {  	_ =	shalt  }

</sc_bundles>
